<compile_context>
chip_gen: v7x
topology: tpu7x:2x2x1
jax: 0.10.2.dev20260603
libtpu: 0.0.44.dev20260713+nightly
codegen_flags: <defaults>
</compile_context>

<pallas_src>
import functools

import jax
import jax.numpy as jnp
from jax import lax
from jax.experimental import pallas as pl
from jax.experimental.pallas import tpu as pltpu
from jax.experimental.pallas import tpu_sc as plsc

N_DST = 10000
E = 320000
FEATS = 128

NP = 10240
N_TILES = 32
ROWS_PER_TILE = NP // N_TILES
ROWS_PER_SUB = NP // 16
EDGE_CHUNK = 128
GROUP = 16
NBUF = 6
CHUNKS_PER_TILE = 80
EP = N_TILES * CHUNKS_PER_TILE * EDGE_CHUNK

_SC_MESH = plsc.VectorSubcoreMesh(core_axis_name="c", subcore_axis_name="s")
_SC_PARAMS = pltpu.CompilerParams(needs_layout_passes=False,
                                  use_tc_tiling_on_sc=False)

_GCH = 64


def _gather_body(emb, idxA, h10_o, idx_v, rowbuf, gsem, ssem):
    c = lax.axis_index("c")
    s = lax.axis_index("s")
    w = s * 2 + c
    base = w * ROWS_PER_TILE
    pltpu.sync_copy(idxA.at[w], idx_v)

    nch = ROWS_PER_TILE // _GCH

    def buf(j):
        return rowbuf.at[pl.ds((j % 2) * _GCH, _GCH)]

    gd = [None] * nch
    st = [None] * nch
    gd[0] = pltpu.async_copy(emb.at[idx_v.at[0]], buf(0), gsem)
    for j in range(nch):
        if j >= 1:
            st[j - 1].wait()
        if j + 1 < nch:
            gd[j + 1] = pltpu.async_copy(emb.at[idx_v.at[j + 1]],
                                         buf(j + 1), gsem)
        gd[j].wait()
        st[j] = pltpu.async_copy(
            buf(j), h10_o.at[pl.ds(base + j * _GCH, _GCH)], ssem)
    st[nch - 1].wait()


_sc_gather = functools.partial(
    pl.kernel,
    out_type=jax.ShapeDtypeStruct((NP, FEATS), jnp.float32),
    mesh=_SC_MESH,
    compiler_params=_SC_PARAMS,
    scratch_types=[
        pltpu.VMEM((ROWS_PER_TILE // _GCH, _GCH), jnp.int32),
        pltpu.VMEM((2 * _GCH, FEATS), jnp.float32),
        pltpu.SemaphoreType.DMA,
        pltpu.SemaphoreType.DMA,
    ],
)(_gather_body)


def _agg_body(h10b, srcT, dstT, zagg, zdeg,
              aggp_o, degp_o,
              src_v, dst_v, rowbuf, deg_v, agg_sh,
              gs0, gs1, gs2, gs3, gs4, gs5, ss0, ss1, ss2, ss3, ss4, ss5,
              stsem):
    c = lax.axis_index("c")
    s = lax.axis_index("s")
    w = s * 2 + c
    gsem = (gs0, gs1, gs2, gs3, gs4, gs5)
    ssem = (ss0, ss1, ss2, ss3, ss4, ss5)

    zbase = s * ROWS_PER_SUB
    pltpu.sync_copy(zagg, rowbuf.at[pl.ds(0, EDGE_CHUNK)])
    pltpu.sync_copy(zdeg, deg_v)
    for k in range(ROWS_PER_SUB // EDGE_CHUNK):
        pltpu.sync_copy(rowbuf.at[pl.ds(0, EDGE_CHUNK)],
                        agg_sh.at[pl.ds(zbase + k * EDGE_CHUNK, EDGE_CHUNK)])
    plsc.subcore_barrier()

    ones16 = jnp.ones((16,), jnp.float32)

    def buf(k):
        return rowbuf.at[pl.ds((k % NBUF) * EDGE_CHUNK, EDGE_CHUNK)]

    n_groups = CHUNKS_PER_TILE // GROUP
    pltpu.async_copy(srcT.at[w, pl.ds(0, GROUP)], src_v.at[0], stsem)
    pltpu.async_copy(dstT.at[w, pl.ds(0, GROUP)], dst_v.at[0], stsem)

    def group_body(gi, carry):
        pb = gi % 2
        pltpu.make_async_copy(srcT.at[w, pl.ds(0, GROUP)],
                              src_v.at[0], stsem).wait()
        pltpu.make_async_copy(dstT.at[w, pl.ds(0, GROUP)],
                              dst_v.at[0], stsem).wait()

        @pl.when(gi + 1 < n_groups)
        def _():
            nxt = (gi + 1) * GROUP
            pltpu.async_copy(srcT.at[w, pl.ds(nxt, GROUP)],
                             src_v.at[1 - pb], stsem)
            pltpu.async_copy(dstT.at[w, pl.ds(nxt, GROUP)],
                             dst_v.at[1 - pb], stsem)

        def gather(ci):
            return pltpu.async_copy(h10b.at[src_v.at[pb, ci]], buf(ci),
                                    gsem[ci % NBUF])

        gd = [None] * GROUP
        sd = [None] * GROUP
        for k in range(NBUF - 1):
            gd[k] = gather(k)
        for ci in range(GROUP):
            if ci + NBUF - 1 < GROUP:
                if ci >= 1:
                    sd[ci - 1].wait()
                gd[ci + NBUF - 1] = gather(ci + NBUF - 1)
            gd[ci].wait()
            sd[ci] = pltpu.async_copy(buf(ci), agg_sh.at[dst_v.at[pb, ci]],
                                      ssem[ci % NBUF], add=True)
            for j in range(EDGE_CHUNK // 16):
                dv = dst_v[pb, ci, pl.ds(j * 16, 16)]
                plsc.addupdate_scatter(deg_v, [dv], ones16)
        for ci in range(max(0, GROUP - NBUF), GROUP):
            sd[ci].wait()
        return carry

    lax.fori_loop(0, n_groups, group_body, 0)
    plsc.subcore_barrier()

    for k in range(ROWS_PER_SUB // EDGE_CHUNK):
        rbase = zbase + k * EDGE_CHUNK
        pltpu.sync_copy(agg_sh.at[pl.ds(rbase, EDGE_CHUNK)],
                        rowbuf.at[pl.ds(0, EDGE_CHUNK)])
        pltpu.sync_copy(rowbuf.at[pl.ds(0, EDGE_CHUNK)],
                        aggp_o.at[c, pl.ds(rbase, EDGE_CHUNK)])
    pltpu.sync_copy(deg_v, degp_o.at[c, s])


_sc_agg = functools.partial(
    pl.kernel,
    out_type=[
        jax.ShapeDtypeStruct((2, NP, FEATS), jnp.bfloat16),
        jax.ShapeDtypeStruct((2, 16, NP), jnp.float32),
    ],
    mesh=_SC_MESH,
    compiler_params=_SC_PARAMS,
    scratch_types=[
        pltpu.VMEM((2, GROUP, EDGE_CHUNK), jnp.int32),
        pltpu.VMEM((2, GROUP, EDGE_CHUNK), jnp.int32),
        pltpu.VMEM((NBUF * EDGE_CHUNK, FEATS), jnp.bfloat16),
        pltpu.VMEM((NP,), jnp.float32),
        pltpu.VMEM_SHARED((NP, FEATS), jnp.bfloat16),
        pltpu.SemaphoreType.DMA, pltpu.SemaphoreType.DMA,
        pltpu.SemaphoreType.DMA, pltpu.SemaphoreType.DMA,
        pltpu.SemaphoreType.DMA, pltpu.SemaphoreType.DMA,
        pltpu.SemaphoreType.DMA, pltpu.SemaphoreType.DMA,
        pltpu.SemaphoreType.DMA, pltpu.SemaphoreType.DMA,
        pltpu.SemaphoreType.DMA, pltpu.SemaphoreType.DMA,
        pltpu.SemaphoreType.DMA,
    ],
)(_agg_body)


def _tc_body(h_ref, a_ref, d_ref, ws_ref, wn_ref, b_ref, o_ref):
    agg = a_ref[0].astype(jnp.float32) + a_ref[1].astype(jnp.float32)
    deg = jnp.sum(d_ref[...], axis=1, keepdims=True)
    agg = agg / jnp.maximum(deg, 1.0)
    acc = jnp.dot(h_ref[...], ws_ref[...], preferred_element_type=jnp.float32)
    acc += jnp.dot(agg, wn_ref[...], preferred_element_type=jnp.float32)
    o_ref[...] = jnp.maximum(acc + b_ref[...], 0.0)


_TC_BLOCK = 1280


def _tc_kernel(h10, aggp, degT, ws_t, wn_t, bias2):
    grid = (NP // _TC_BLOCK,)
    return pl.pallas_call(
        _tc_body,
        grid=grid,
        in_specs=[
            pl.BlockSpec((_TC_BLOCK, FEATS), lambda i: (i, 0)),
            pl.BlockSpec((2, _TC_BLOCK, FEATS), lambda i: (0, i, 0)),
            pl.BlockSpec((_TC_BLOCK, N_TILES), lambda i: (i, 0)),
            pl.BlockSpec((FEATS, FEATS), lambda i: (0, 0)),
            pl.BlockSpec((FEATS, FEATS), lambda i: (0, 0)),
            pl.BlockSpec((1, FEATS), lambda i: (0, 0)),
        ],
        out_specs=pl.BlockSpec((_TC_BLOCK, FEATS), lambda i: (i, 0)),
        out_shape=jax.ShapeDtypeStruct((NP, FEATS), jnp.float32),
    )(h10, aggp, degT, ws_t, wn_t, bias2)


def kernel(input_nodes, edge_index, emb, W_self, W_neigh, bias):
    idx10 = input_nodes[:N_DST]
    idxA = jnp.concatenate([idx10, jnp.zeros((NP - N_DST,), jnp.int32)]
                           ).reshape(N_TILES, ROWS_PER_TILE // _GCH, _GCH)
    src = edge_index[0]
    dst = edge_index[1]
    srcT = jnp.concatenate([src, jnp.zeros((EP - E,), jnp.int32)]
                           ).reshape(N_TILES, CHUNKS_PER_TILE, EDGE_CHUNK)
    dstT = jnp.concatenate([dst, jnp.full((EP - E,), NP - 1, jnp.int32)]
                           ).reshape(N_TILES, CHUNKS_PER_TILE, EDGE_CHUNK)
    zagg = jnp.zeros((EDGE_CHUNK, FEATS), jnp.bfloat16)
    zdeg = jnp.zeros((NP,), jnp.float32)

    h10 = _sc_gather(emb, idxA)
    h10b = h10.astype(jnp.bfloat16)
    aggp, degp = _sc_agg(h10b, srcT, dstT, zagg, zdeg)
    degT = degp.reshape(N_TILES, NP).T
    out = _tc_kernel(h10, aggp, degT, W_self.T, W_neigh.T,
                     bias.reshape(1, FEATS))
    return out[:N_DST]

# --- scband reference (transcript-rebuilt; emitter-appended) ---
"""Pipeline reference for scband-sage-78417512891170 (READ-ONLY COPY).

The authoritative reference and input builder live on the scoring server;
editing this copy changes nothing except your own understanding.
"""

import jax, jax.numpy as jnp
import numpy as np

NUM_NODES = 100000
N_SRC = 50000
N_DST = 10000
E = 320000
IN_FEATS = 128
OUT_FEATS = 128


def setup_inputs(seed: int = 0) -> dict:
    key = jax.random.key(seed)
    k1, k2, k3, k4, k5 = jax.random.split(key, 5)
    input_nodes = jax.random.randint(k1, (N_SRC,), 0, NUM_NODES, dtype=jnp.int32)
    edge_index = jax.random.randint(k2, (2, E), 0, N_DST, dtype=jnp.int32)
    emb = jax.random.normal(k3, (NUM_NODES, IN_FEATS), dtype=jnp.float32)
    W_self = jax.random.normal(k4, (OUT_FEATS, IN_FEATS), dtype=jnp.float32) * (1.0 / np.sqrt(IN_FEATS))
    W_neigh = jax.random.normal(k5, (OUT_FEATS, IN_FEATS), dtype=jnp.float32) * (1.0 / np.sqrt(IN_FEATS))
    bias = jnp.zeros((OUT_FEATS,), dtype=jnp.float32)
    return {
        'input_nodes': input_nodes,
        'edge_index': edge_index,
        'emb': emb,
        'W_self': W_self,
        'W_neigh': W_neigh,
        'bias': bias,
    }


def reference(input_nodes, edge_index, emb, W_self, W_neigh, bias):
    # Embedding lookup for the sampled input nodes (memory-bound gather)
    h = jnp.take(emb, input_nodes, axis=0)  # [N_SRC, IN_FEATS]
    src = edge_index[0]
    dst = edge_index[1]
    # Message passing: gather src features, mean-aggregate per dst node
    msgs = jnp.take(h, src, axis=0)  # [E, IN_FEATS]
    agg_sum = jax.ops.segment_sum(msgs, dst, num_segments=N_DST)
    deg = jax.ops.segment_sum(jnp.ones((E,), dtype=h.dtype), dst, num_segments=N_DST)
    agg = agg_sum / jnp.maximum(deg, 1.0)[:, None]
    # DGL SAGEConv('mean'): fc_self(h_dst) + fc_neigh(mean_neigh) + bias
    h_dst = h[:N_DST]
    out = h_dst @ W_self.T + agg @ W_neigh.T + bias
    # activation then dropout (eval mode -> identity)
    out = jax.nn.relu(out)
    return out

if __name__ == "__main__":
    import jax
    _d = setup_inputs()
    print(jax.jit(kernel)(*tuple(_d.values())))

</pallas_src>

<mosaic_0001>
#map = affine_map<(d0, d1) -> (0, 0)>
#map1 = affine_map<(d0, d1) -> (0, 0, 0)>
module attributes {stable_mosaic.version = 14 : i64} {
  func.func @_gather_body(%arg0: i32, %arg1: i32, %arg2: memref<100000x128xf32, #tpu.memory_space<hbm>>, %arg3: memref<32x5x64xi32, #tpu.memory_space<hbm>>, %arg4: memref<10240x128xf32, #tpu.memory_space<hbm>>, %arg5: memref<5x64xi32, #tpu.memory_space<vmem>>, %arg6: memref<128x128xf32, #tpu.memory_space<vmem>>, %arg7: memref<!tpu.dma_semaphore, #tpu.memory_space<semaphore_mem>>, %arg8: memref<!tpu.dma_semaphore, #tpu.memory_space<semaphore_mem>>) attributes {dimension_semantics = [#tpu.dimension_semantics<core_parallel>, #tpu.dimension_semantics<subcore_parallel>], iteration_bounds = array<i64: 2, 16>, scalar_prefetch = 0 : i64, scratch_operands = 4 : i64, tpu.core_type = #tpu.core_type<sc_vector_subcore>, window_params = [{transform_indices = #map}, {transform_indices = #map1}, {transform_indices = #map}]} {
    %mul3A = arith.constant 2 : i32
    %mul3A_0 = arith.muli %arg1, %mul3A : i32
    %add3A = arith.addi %mul3A_0, %arg0 : i32
    %mul3A_1 = arith.constant 320 : i32
    %mul3A_2 = arith.muli %add3A, %mul3A_1 : i32
    "tpu.region"() ({
      %run_scoped3A = tpu.sem_alloc : memref<!tpu.dma_semaphore, #tpu.memory_space<semaphore_mem>>
      %dma_start3A_211 = arith.constant 0 : i32
      %dma_start3A_212 = arith.constant 0 : i32
      %dma_start3A_213 = tpu.memref_slice %arg3[%add3A, %dma_start3A_211, %dma_start3A_212] : memref<32x5x64xi32, #tpu.memory_space<hbm>> -> memref<1x5x64xi32, #tpu.memory_space<hbm>>
      %dma_start3A_214 = tpu.memref_squeeze %dma_start3A_213 : memref<1x5x64xi32, #tpu.memory_space<hbm>> -> memref<5x64xi32, #tpu.memory_space<hbm>>
      %dma_start3A_215 = arith.constant 0 : i32
      %dma_start3A_216 = arith.constant 0 : i32
      %dma_start3A_217 = tpu.memref_slice %arg3[%add3A, %dma_start3A_215, %dma_start3A_216] : memref<32x5x64xi32, #tpu.memory_space<hbm>> -> memref<1x5x64xi32, #tpu.memory_space<hbm>>
      %dma_start3A_218 = tpu.memref_squeeze %dma_start3A_217 : memref<1x5x64xi32, #tpu.memory_space<hbm>> -> memref<5x64xi32, #tpu.memory_space<hbm>>
      tpu.enqueue_dma source(%dma_start3A_218 : memref<5x64xi32, #tpu.memory_space<hbm>>) target(%arg5 : memref<5x64xi32, #tpu.memory_space<vmem>>) target_semaphore(%run_scoped3A : memref<!tpu.dma_semaphore, #tpu.memory_space<semaphore_mem>>)
      %dma_wait3A_219 = arith.constant 0 : i32
      %dma_wait3A_220 = arith.constant 0 : i32
      %dma_wait3A_221 = tpu.memref_slice %arg3[%add3A, %dma_wait3A_219, %dma_wait3A_220] : memref<32x5x64xi32, #tpu.memory_space<hbm>> -> memref<1x5x64xi32, #tpu.memory_space<hbm>>
      %dma_wait3A_222 = tpu.memref_squeeze %dma_wait3A_221 : memref<1x5x64xi32, #tpu.memory_space<hbm>> -> memref<5x64xi32, #tpu.memory_space<hbm>>
      %dma_wait3A_223 = arith.constant 0 : i32
      %dma_wait3A_224 = arith.constant 0 : i32
      %dma_wait3A_225 = tpu.memref_slice %arg3[%add3A, %dma_wait3A_223, %dma_wait3A_224] : memref<32x5x64xi32, #tpu.memory_space<hbm>> -> memref<1x5x64xi32, #tpu.memory_space<hbm>>
      %dma_wait3A_226 = tpu.memref_squeeze %dma_wait3A_225 : memref<1x5x64xi32, #tpu.memory_space<hbm>> -> memref<5x64xi32, #tpu.memory_space<hbm>>
      tpu.wait_dma2 semaphore(%run_scoped3A : memref<!tpu.dma_semaphore, #tpu.memory_space<semaphore_mem>>) src(%dma_wait3A_226 : memref<5x64xi32, #tpu.memory_space<hbm>>) dst(%arg5 : memref<5x64xi32, #tpu.memory_space<vmem>>)
      tpu.yield
    }) : () -> ()
    %dma_start3A = arith.constant 0 : i32
    %dma_start3A_3 = arith.constant 0 : i32
    %dma_start3A_4 = arith.constant 0 : i32
    %dma_start3A_5 = tpu.memref_slice %arg6[%dma_start3A_3, %dma_start3A_4] : memref<128x128xf32, #tpu.memory_space<vmem>> -> memref<64x128xf32, #tpu.memory_space<vmem>>
    %dma_start3A_6 = arith.constant 0 : i32
    %dma_start3A_7 = tpu.memref_slice %arg5[%dma_start3A, %dma_start3A_6] : memref<5x64xi32, #tpu.memory_space<vmem>> -> memref<1x64xi32, #tpu.memory_space<vmem>>
    %dma_start3A_8 = tpu.memref_squeeze %dma_start3A_7 : memref<1x64xi32, #tpu.memory_space<vmem>> -> memref<64xi32, #tpu.memory_space<vmem>>
    %dma_start3A_9 = arith.constant 0 : i32
    %dma_start3A_10 = arith.constant 0 : i32
    %dma_start3A_11 = tpu.memref_slice %arg2[%dma_start3A_9, %dma_start3A_10] : memref<100000x128xf32, #tpu.memory_space<hbm>> -> memref<100000x128xf32, #tpu.memory_space<hbm>>
    tpu.enqueue_indirect_dma source(%dma_start3A_11 : memref<100000x128xf32, #tpu.memory_space<hbm>>) target(%dma_start3A_5 : memref<64x128xf32, #tpu.memory_space<vmem>>) offsets(%dma_start3A_8 : memref<64xi32, #tpu.memory_space<vmem>>) semaphore(%arg7 : memref<!tpu.dma_semaphore, #tpu.memory_space<semaphore_mem>>)
    %dma_start3A_12 = arith.constant 1 : i32
    %dma_start3A_13 = arith.constant 64 : i32
    %dma_start3A_14 = arith.constant 0 : i32
    %dma_start3A_15 = tpu.memref_slice %arg6[%dma_start3A_13, %dma_start3A_14] : memref<128x128xf32, #tpu.memory_space<vmem>> -> memref<64x128xf32, #tpu.memory_space<vmem>>
    %dma_start3A_16 = arith.constant 0 : i32
    %dma_start3A_17 = tpu.memref_slice %arg5[%dma_start3A_12, %dma_start3A_16] : memref<5x64xi32, #tpu.memory_space<vmem>> -> memref<1x64xi32, #tpu.memory_space<vmem>>
    %dma_start3A_18 = tpu.memref_squeeze %dma_start3A_17 : memref<1x64xi32, #tpu.memory_space<vmem>> -> memref<64xi32, #tpu.memory_space<vmem>>
    %dma_start3A_19 = arith.constant 0 : i32
    %dma_start3A_20 = arith.constant 0 : i32
    %dma_start3A_21 = tpu.memref_slice %arg2[%dma_start3A_19, %dma_start3A_20] : memref<100000x128xf32, #tpu.memory_space<hbm>> -> memref<100000x128xf32, #tpu.memory_space<hbm>>
    tpu.enqueue_indirect_dma source(%dma_start3A_21 : memref<100000x128xf32, #tpu.memory_space<hbm>>) target(%dma_start3A_15 : memref<64x128xf32, #tpu.memory_space<vmem>>) offsets(%dma_start3A_18 : memref<64xi32, #tpu.memory_space<vmem>>) semaphore(%arg7 : memref<!tpu.dma_semaphore, #tpu.memory_space<semaphore_mem>>)
    %dma_wait3A = arith.constant 0 : i32
    %dma_wait3A_22 = arith.constant 0 : i32
    %dma_wait3A_23 = arith.constant 0 : i32
    %dma_wait3A_24 = tpu.memref_slice %arg6[%dma_wait3A_22, %dma_wait3A_23] : memref<128x128xf32, #tpu.memory_space<vmem>> -> memref<64x128xf32, #tpu.memory_space<vmem>>
    %dma_wait3A_25 = arith.constant 0 : i32
    %dma_wait3A_26 = tpu.memref_slice %arg5[%dma_wait3A, %dma_wait3A_25] : memref<5x64xi32, #tpu.memory_space<vmem>> -> memref<1x64xi32, #tpu.memory_space<vmem>>
    %dma_wait3A_27 = tpu.memref_squeeze %dma_wait3A_26 : memref<1x64xi32, #tpu.memory_space<vmem>> -> memref<64xi32, #tpu.memory_space<vmem>>
    %dma_wait3A_28 = arith.constant 0 : i32
    %dma_wait3A_29 = arith.constant 0 : i32
    %dma_wait3A_30 = tpu.memref_slice %arg2[%dma_wait3A_28, %dma_wait3A_29] : memref<100000x128xf32, #tpu.memory_space<hbm>> -> memref<100000x128xf32, #tpu.memory_space<hbm>>
    tpu.wait_indirect_dma semaphore(%arg7 : memref<!tpu.dma_semaphore, #tpu.memory_space<semaphore_mem>>) src(%dma_wait3A_30 : memref<100000x128xf32, #tpu.memory_space<hbm>>) dst(%dma_wait3A_24 : memref<64x128xf32, #tpu.memory_space<vmem>>)
    %add3A_31 = arith.constant 0 : i32
    %add3A_32 = arith.addi %mul3A_2, %add3A_31 : i32
    %dma_start3A_33 = arith.constant 0 : i32
    %dma_start3A_34 = arith.constant 0 : i32
    %dma_start3A_35 = tpu.memref_slice %arg6[%dma_start3A_33, %dma_start3A_34] : memref<128x128xf32, #tpu.memory_space<vmem>> -> memref<64x128xf32, #tpu.memory_space<vmem>>
    %dma_start3A_36 = arith.constant 0 : i32
    %dma_start3A_37 = tpu.memref_slice %arg4[%add3A_32, %dma_start3A_36] : memref<10240x128xf32, #tpu.memory_space<hbm>> -> memref<64x128xf32, #tpu.memory_space<hbm>>
    %dma_start3A_38 = arith.constant 0 : i32
    %dma_start3A_39 = tpu.memref_slice %arg4[%add3A_32, %dma_start3A_38] : memref<10240x128xf32, #tpu.memory_space<hbm>> -> memref<64x128xf32, #tpu.memory_space<hbm>>
    %dma_start3A_40 = arith.constant 0 : i32
    %dma_start3A_41 = arith.constant 0 : i32
    %dma_start3A_42 = tpu.memref_slice %arg6[%dma_start3A_40, %dma_start3A_41] : memref<128x128xf32, #tpu.memory_space<vmem>> -> memref<64x128xf32, #tpu.memory_space<vmem>>
    tpu.enqueue_dma source(%dma_start3A_42 : memref<64x128xf32, #tpu.memory_space<vmem>>) target(%dma_start3A_39 : memref<64x128xf32, #tpu.memory_space<hbm>>) target_semaphore(%arg8 : memref<!tpu.dma_semaphore, #tpu.memory_space<semaphore_mem>>)
    %dma_wait3A_43 = arith.constant 0 : i32
    %dma_wait3A_44 = arith.constant 0 : i32
    %dma_wait3A_45 = tpu.memref_slice %arg6[%dma_wait3A_43, %dma_wait3A_44] : memref<128x128xf32, #tpu.memory_space<vmem>> -> memref<64x128xf32, #tpu.memory_space<vmem>>
    %dma_wait3A_46 = arith.constant 0 : i32
    %dma_wait3A_47 = tpu.memref_slice %arg4[%add3A_32, %dma_wait3A_46] : memref<10240x128xf32, #tpu.memory_space<hbm>> -> memref<64x128xf32, #tpu.memory_space<hbm>>
    %dma_wait3A_48 = arith.constant 0 : i32
    %dma_wait3A_49 = tpu.memref_slice %arg4[%add3A_32, %dma_wait3A_48] : memref<10240x128xf32, #tpu.memory_space<hbm>> -> memref<64x128xf32, #tpu.memory_space<hbm>>
    %dma_wait3A_50 = arith.constant 0 : i32
    %dma_wait3A_51 = arith.constant 0 : i32
    %dma_wait3A_52 = tpu.memref_slice %arg6[%dma_wait3A_50, %dma_wait3A_51] : memref<128x128xf32, #tpu.memory_space<vmem>> -> memref<64x128xf32, #tpu.memory_space<vmem>>
    tpu.wait_dma2 semaphore(%arg8 : memref<!tpu.dma_semaphore, #tpu.memory_space<semaphore_mem>>) src(%dma_wait3A_52 : memref<64x128xf32, #tpu.memory_space<vmem>>) dst(%dma_wait3A_49 : memref<64x128xf32, #tpu.memory_space<hbm>>)
    %dma_start3A_53 = arith.constant 2 : i32
    %dma_start3A_54 = arith.constant 0 : i32
    %dma_start3A_55 = arith.constant 0 : i32
    %dma_start3A_56 = tpu.memref_slice %arg6[%dma_start3A_54, %dma_start3A_55] : memref<128x128xf32, #tpu.memory_space<vmem>> -> memref<64x128xf32, #tpu.memory_space<vmem>>
    %dma_start3A_57 = arith.constant 0 : i32
    %dma_start3A_58 = tpu.memref_slice %arg5[%dma_start3A_53, %dma_start3A_57] : memref<5x64xi32, #tpu.memory_space<vmem>> -> memref<1x64xi32, #tpu.memory_space<vmem>>
    %dma_start3A_59 = tpu.memref_squeeze %dma_start3A_58 : memref<1x64xi32, #tpu.memory_space<vmem>> -> memref<64xi32, #tpu.memory_space<vmem>>
    %dma_start3A_60 = arith.constant 0 : i32
    %dma_start3A_61 = arith.constant 0 : i32
    %dma_start3A_62 = tpu.memref_slice %arg2[%dma_start3A_60, %dma_start3A_61] : memref<100000x128xf32, #tpu.memory_space<hbm>> -> memref<100000x128xf32, #tpu.memory_space<hbm>>
    tpu.enqueue_indirect_dma source(%dma_start3A_62 : memref<100000x128xf32, #tpu.memory_space<hbm>>) target(%dma_start3A_56 : memref<64x128xf32, #tpu.memory_space<vmem>>) offsets(%dma_start3A_59 : memref<64xi32, #tpu.memory_space<vmem>>) semaphore(%arg7 : memref<!tpu.dma_semaphore, #tpu.memory_space<semaphore_mem>>)
    %dma_wait3A_63 = arith.constant 1 : i32
    %dma_wait3A_64 = arith.constant 64 : i32
    %dma_wait3A_65 = arith.constant 0 : i32
    %dma_wait3A_66 = tpu.memref_slice %arg6[%dma_wait3A_64, %dma_wait3A_65] : memref<128x128xf32, #tpu.memory_space<vmem>> -> memref<64x128xf32, #tpu.memory_space<vmem>>
    %dma_wait3A_67 = arith.constant 0 : i32
    %dma_wait3A_68 = tpu.memref_slice %arg5[%dma_wait3A_63, %dma_wait3A_67] : memref<5x64xi32, #tpu.memory_space<vmem>> -> memref<1x64xi32, #tpu.memory_space<vmem>>
    %dma_wait3A_69 = tpu.memref_squeeze %dma_wait3A_68 : memref<1x64xi32, #tpu.memory_space<vmem>> -> memref<64xi32, #tpu.memory_space<vmem>>
    %dma_wait3A_70 = arith.constant 0 : i32
    %dma_wait3A_71 = arith.constant 0 : i32
    %dma_wait3A_72 = tpu.memref_slice %arg2[%dma_wait3A_70, %dma_wait3A_71] : memref<100000x128xf32, #tpu.memory_space<hbm>> -> memref<100000x128xf32, #tpu.memory_space<hbm>>
    tpu.wait_indirect_dma semaphore(%arg7 : memref<!tpu.dma_semaphore, #tpu.memory_space<semaphore_mem>>) src(%dma_wait3A_72 : memref<100000x128xf32, #tpu.memory_space<hbm>>) dst(%dma_wait3A_66 : memref<64x128xf32, #tpu.memory_space<vmem>>)
    %add3A_73 = arith.constant 64 : i32
    %add3A_74 = arith.addi %mul3A_2, %add3A_73 : i32
    %dma_start3A_75 = arith.constant 64 : i32
    %dma_start3A_76 = arith.constant 0 : i32
    %dma_start3A_77 = tpu.memref_slice %arg6[%dma_start3A_75, %dma_start3A_76] : memref<128x128xf32, #tpu.memory_space<vmem>> -> memref<64x128xf32, #tpu.memory_space<vmem>>
    %dma_start3A_78 = arith.constant 0 : i32
    %dma_start3A_79 = tpu.memref_slice %arg4[%add3A_74, %dma_start3A_78] : memref<10240x128xf32, #tpu.memory_space<hbm>> -> memref<64x128xf32, #tpu.memory_space<hbm>>
    %dma_start3A_80 = arith.constant 0 : i32
    %dma_start3A_81 = tpu.memref_slice %arg4[%add3A_74, %dma_start3A_80] : memref<10240x128xf32, #tpu.memory_space<hbm>> -> memref<64x128xf32, #tpu.memory_space<hbm>>
    %dma_start3A_82 = arith.constant 64 : i32
    %dma_start3A_83 = arith.constant 0 : i32
    %dma_start3A_84 = tpu.memref_slice %arg6[%dma_start3A_82, %dma_start3A_83] : memref<128x128xf32, #tpu.memory_space<vmem>> -> memref<64x128xf32, #tpu.memory_space<vmem>>
    tpu.enqueue_dma source(%dma_start3A_84 : memref<64x128xf32, #tpu.memory_space<vmem>>) target(%dma_start3A_81 : memref<64x128xf32, #tpu.memory_space<hbm>>) target_semaphore(%arg8 : memref<!tpu.dma_semaphore, #tpu.memory_space<semaphore_mem>>)
    %dma_wait3A_85 = arith.constant 64 : i32
    %dma_wait3A_86 = arith.constant 0 : i32
    %dma_wait3A_87 = tpu.memref_slice %arg6[%dma_wait3A_85, %dma_wait3A_86] : memref<128x128xf32, #tpu.memory_space<vmem>> -> memref<64x128xf32, #tpu.memory_space<vmem>>
    %dma_wait3A_88 = arith.constant 0 : i32
    %dma_wait3A_89 = tpu.memref_slice %arg4[%add3A_74, %dma_wait3A_88] : memref<10240x128xf32, #tpu.memory_space<hbm>> -> memref<64x128xf32, #tpu.memory_space<hbm>>
    %dma_wait3A_90 = arith.constant 0 : i32
    %dma_wait3A_91 = tpu.memref_slice %arg4[%add3A_74, %dma_wait3A_90] : memref<10240x128xf32, #tpu.memory_space<hbm>> -> memref<64x128xf32, #tpu.memory_space<hbm>>
    %dma_wait3A_92 = arith.constant 64 : i32
    %dma_wait3A_93 = arith.constant 0 : i32
    %dma_wait3A_94 = tpu.memref_slice %arg6[%dma_wait3A_92, %dma_wait3A_93] : memref<128x128xf32, #tpu.memory_space<vmem>> -> memref<64x128xf32, #tpu.memory_space<vmem>>
    tpu.wait_dma2 semaphore(%arg8 : memref<!tpu.dma_semaphore, #tpu.memory_space<semaphore_mem>>) src(%dma_wait3A_94 : memref<64x128xf32, #tpu.memory_space<vmem>>) dst(%dma_wait3A_91 : memref<64x128xf32, #tpu.memory_space<hbm>>)
    %dma_start3A_95 = arith.constant 3 : i32
    %dma_start3A_96 = arith.constant 64 : i32
    %dma_start3A_97 = arith.constant 0 : i32
    %dma_start3A_98 = tpu.memref_slice %arg6[%dma_start3A_96, %dma_start3A_97] : memref<128x128xf32, #tpu.memory_space<vmem>> -> memref<64x128xf32, #tpu.memory_space<vmem>>
    %dma_start3A_99 = arith.constant 0 : i32
    %dma_start3A_100 = tpu.memref_slice %arg5[%dma_start3A_95, %dma_start3A_99] : memref<5x64xi32, #tpu.memory_space<vmem>> -> memref<1x64xi32, #tpu.memory_space<vmem>>
    %dma_start3A_101 = tpu.memref_squeeze %dma_start3A_100 : memref<1x64xi32, #tpu.memory_space<vmem>> -> memref<64xi32, #tpu.memory_space<vmem>>
    %dma_start3A_102 = arith.constant 0 : i32
    %dma_start3A_103 = arith.constant 0 : i32
    %dma_start3A_104 = tpu.memref_slice %arg2[%dma_start3A_102, %dma_start3A_103] : memref<100000x128xf32, #tpu.memory_space<hbm>> -> memref<100000x128xf32, #tpu.memory_space<hbm>>
    tpu.enqueue_indirect_dma source(%dma_start3A_104 : memref<100000x128xf32, #tpu.memory_space<hbm>>) target(%dma_start3A_98 : memref<64x128xf32, #tpu.memory_space<vmem>>) offsets(%dma_start3A_101 : memref<64xi32, #tpu.memory_space<vmem>>) semaphore(%arg7 : memref<!tpu.dma_semaphore, #tpu.memory_space<semaphore_mem>>)
    %dma_wait3A_105 = arith.constant 2 : i32
    %dma_wait3A_106 = arith.constant 0 : i32
    %dma_wait3A_107 = arith.constant 0 : i32
    %dma_wait3A_108 = tpu.memref_slice %arg6[%dma_wait3A_106, %dma_wait3A_107] : memref<128x128xf32, #tpu.memory_space<vmem>> -> memref<64x128xf32, #tpu.memory_space<vmem>>
    %dma_wait3A_109 = arith.constant 0 : i32
    %dma_wait3A_110 = tpu.memref_slice %arg5[%dma_wait3A_105, %dma_wait3A_109] : memref<5x64xi32, #tpu.memory_space<vmem>> -> memref<1x64xi32, #tpu.memory_space<vmem>>
    %dma_wait3A_111 = tpu.memref_squeeze %dma_wait3A_110 : memref<1x64xi32, #tpu.memory_space<vmem>> -> memref<64xi32, #tpu.memory_space<vmem>>
    %dma_wait3A_112 = arith.constant 0 : i32
    %dma_wait3A_113 = arith.constant 0 : i32
    %dma_wait3A_114 = tpu.memref_slice %arg2[%dma_wait3A_112, %dma_wait3A_113] : memref<100000x128xf32, #tpu.memory_space<hbm>> -> memref<100000x128xf32, #tpu.memory_space<hbm>>
    tpu.wait_indirect_dma semaphore(%arg7 : memref<!tpu.dma_semaphore, #tpu.memory_space<semaphore_mem>>) src(%dma_wait3A_114 : memref<100000x128xf32, #tpu.memory_space<hbm>>) dst(%dma_wait3A_108 : memref<64x128xf32, #tpu.memory_space<vmem>>)
    %add3A_115 = arith.constant 128 : i32
    %add3A_116 = arith.addi %mul3A_2, %add3A_115 : i32
    %dma_start3A_117 = arith.constant 0 : i32
    %dma_start3A_118 = arith.constant 0 : i32
    %dma_start3A_119 = tpu.memref_slice %arg6[%dma_start3A_117, %dma_start3A_118] : memref<128x128xf32, #tpu.memory_space<vmem>> -> memref<64x128xf32, #tpu.memory_space<vmem>>
    %dma_start3A_120 = arith.constant 0 : i32
    %dma_start3A_121 = tpu.memref_slice %arg4[%add3A_116, %dma_start3A_120] : memref<10240x128xf32, #tpu.memory_space<hbm>> -> memref<64x128xf32, #tpu.memory_space<hbm>>
    %dma_start3A_122 = arith.constant 0 : i32
    %dma_start3A_123 = tpu.memref_slice %arg4[%add3A_116, %dma_start3A_122] : memref<10240x128xf32, #tpu.memory_space<hbm>> -> memref<64x128xf32, #tpu.memory_space<hbm>>
    %dma_start3A_124 = arith.constant 0 : i32
    %dma_start3A_125 = arith.constant 0 : i32
    %dma_start3A_126 = tpu.memref_slice %arg6[%dma_start3A_124, %dma_start3A_125] : memref<128x128xf32, #tpu.memory_space<vmem>> -> memref<64x128xf32, #tpu.memory_space<vmem>>
    tpu.enqueue_dma source(%dma_start3A_126 : memref<64x128xf32, #tpu.memory_space<vmem>>) target(%dma_start3A_123 : memref<64x128xf32, #tpu.memory_space<hbm>>) target_semaphore(%arg8 : memref<!tpu.dma_semaphore, #tpu.memory_space<semaphore_mem>>)
    %dma_wait3A_127 = arith.constant 0 : i32
    %dma_wait3A_128 = arith.constant 0 : i32
    %dma_wait3A_129 = tpu.memref_slice %arg6[%dma_wait3A_127, %dma_wait3A_128] : memref<128x128xf32, #tpu.memory_space<vmem>> -> memref<64x128xf32, #tpu.memory_space<vmem>>
    %dma_wait3A_130 = arith.constant 0 : i32
    %dma_wait3A_131 = tpu.memref_slice %arg4[%add3A_116, %dma_wait3A_130] : memref<10240x128xf32, #tpu.memory_space<hbm>> -> memref<64x128xf32, #tpu.memory_space<hbm>>
    %dma_wait3A_132 = arith.constant 0 : i32
    %dma_wait3A_133 = tpu.memref_slice %arg4[%add3A_116, %dma_wait3A_132] : memref<10240x128xf32, #tpu.memory_space<hbm>> -> memref<64x128xf32, #tpu.memory_space<hbm>>
    %dma_wait3A_134 = arith.constant 0 : i32
    %dma_wait3A_135 = arith.constant 0 : i32
    %dma_wait3A_136 = tpu.memref_slice %arg6[%dma_wait3A_134, %dma_wait3A_135] : memref<128x128xf32, #tpu.memory_space<vmem>> -> memref<64x128xf32, #tpu.memory_space<vmem>>
    tpu.wait_dma2 semaphore(%arg8 : memref<!tpu.dma_semaphore, #tpu.memory_space<semaphore_mem>>) src(%dma_wait3A_136 : memref<64x128xf32, #tpu.memory_space<vmem>>) dst(%dma_wait3A_133 : memref<64x128xf32, #tpu.memory_space<hbm>>)
    %dma_start3A_137 = arith.constant 4 : i32
    %dma_start3A_138 = arith.constant 0 : i32
    %dma_start3A_139 = arith.constant 0 : i32
    %dma_start3A_140 = tpu.memref_slice %arg6[%dma_start3A_138, %dma_start3A_139] : memref<128x128xf32, #tpu.memory_space<vmem>> -> memref<64x128xf32, #tpu.memory_space<vmem>>
    %dma_start3A_141 = arith.constant 0 : i32
    %dma_start3A_142 = tpu.memref_slice %arg5[%dma_start3A_137, %dma_start3A_141] : memref<5x64xi32, #tpu.memory_space<vmem>> -> memref<1x64xi32, #tpu.memory_space<vmem>>
    %dma_start3A_143 = tpu.memref_squeeze %dma_start3A_142 : memref<1x64xi32, #tpu.memory_space<vmem>> -> memref<64xi32, #tpu.memory_space<vmem>>
    %dma_start3A_144 = arith.constant 0 : i32
    %dma_start3A_145 = arith.constant 0 : i32
    %dma_start3A_146 = tpu.memref_slice %arg2[%dma_start3A_144, %dma_start3A_145] : memref<100000x128xf32, #tpu.memory_space<hbm>> -> memref<100000x128xf32, #tpu.memory_space<hbm>>
    tpu.enqueue_indirect_dma source(%dma_start3A_146 : memref<100000x128xf32, #tpu.memory_space<hbm>>) target(%dma_start3A_140 : memref<64x128xf32, #tpu.memory_space<vmem>>) offsets(%dma_start3A_143 : memref<64xi32, #tpu.memory_space<vmem>>) semaphore(%arg7 : memref<!tpu.dma_semaphore, #tpu.memory_space<semaphore_mem>>)
    %dma_wait3A_147 = arith.constant 3 : i32
    %dma_wait3A_148 = arith.constant 64 : i32
    %dma_wait3A_149 = arith.constant 0 : i32
    %dma_wait3A_150 = tpu.memref_slice %arg6[%dma_wait3A_148, %dma_wait3A_149] : memref<128x128xf32, #tpu.memory_space<vmem>> -> memref<64x128xf32, #tpu.memory_space<vmem>>
    %dma_wait3A_151 = arith.constant 0 : i32
    %dma_wait3A_152 = tpu.memref_slice %arg5[%dma_wait3A_147, %dma_wait3A_151] : memref<5x64xi32, #tpu.memory_space<vmem>> -> memref<1x64xi32, #tpu.memory_space<vmem>>
    %dma_wait3A_153 = tpu.memref_squeeze %dma_wait3A_152 : memref<1x64xi32, #tpu.memory_space<vmem>> -> memref<64xi32, #tpu.memory_space<vmem>>
    %dma_wait3A_154 = arith.constant 0 : i32
    %dma_wait3A_155 = arith.constant 0 : i32
    %dma_wait3A_156 = tpu.memref_slice %arg2[%dma_wait3A_154, %dma_wait3A_155] : memref<100000x128xf32, #tpu.memory_space<hbm>> -> memref<100000x128xf32, #tpu.memory_space<hbm>>
    tpu.wait_indirect_dma semaphore(%arg7 : memref<!tpu.dma_semaphore, #tpu.memory_space<semaphore_mem>>) src(%dma_wait3A_156 : memref<100000x128xf32, #tpu.memory_space<hbm>>) dst(%dma_wait3A_150 : memref<64x128xf32, #tpu.memory_space<vmem>>)
    %add3A_157 = arith.constant 192 : i32
    %add3A_158 = arith.addi %mul3A_2, %add3A_157 : i32
    %dma_start3A_159 = arith.constant 64 : i32
    %dma_start3A_160 = arith.constant 0 : i32
    %dma_start3A_161 = tpu.memref_slice %arg6[%dma_start3A_159, %dma_start3A_160] : memref<128x128xf32, #tpu.memory_space<vmem>> -> memref<64x128xf32, #tpu.memory_space<vmem>>
    %dma_start3A_162 = arith.constant 0 : i32
    %dma_start3A_163 = tpu.memref_slice %arg4[%add3A_158, %dma_start3A_162] : memref<10240x128xf32, #tpu.memory_space<hbm>> -> memref<64x128xf32, #tpu.memory_space<hbm>>
    %dma_start3A_164 = arith.constant 0 : i32
    %dma_start3A_165 = tpu.memref_slice %arg4[%add3A_158, %dma_start3A_164] : memref<10240x128xf32, #tpu.memory_space<hbm>> -> memref<64x128xf32, #tpu.memory_space<hbm>>
    %dma_start3A_166 = arith.constant 64 : i32
    %dma_start3A_167 = arith.constant 0 : i32
    %dma_start3A_168 = tpu.memref_slice %arg6[%dma_start3A_166, %dma_start3A_167] : memref<128x128xf32, #tpu.memory_space<vmem>> -> memref<64x128xf32, #tpu.memory_space<vmem>>
    tpu.enqueue_dma source(%dma_start3A_168 : memref<64x128xf32, #tpu.memory_space<vmem>>) target(%dma_start3A_165 : memref<64x128xf32, #tpu.memory_space<hbm>>) target_semaphore(%arg8 : memref<!tpu.dma_semaphore, #tpu.memory_space<semaphore_mem>>)
    %dma_wait3A_169 = arith.constant 64 : i32
    %dma_wait3A_170 = arith.constant 0 : i32
    %dma_wait3A_171 = tpu.memref_slice %arg6[%dma_wait3A_169, %dma_wait3A_170] : memref<128x128xf32, #tpu.memory_space<vmem>> -> memref<64x128xf32, #tpu.memory_space<vmem>>
    %dma_wait3A_172 = arith.constant 0 : i32
    %dma_wait3A_173 = tpu.memref_slice %arg4[%add3A_158, %dma_wait3A_172] : memref<10240x128xf32, #tpu.memory_space<hbm>> -> memref<64x128xf32, #tpu.memory_space<hbm>>
    %dma_wait3A_174 = arith.constant 0 : i32
    %dma_wait3A_175 = tpu.memref_slice %arg4[%add3A_158, %dma_wait3A_174] : memref<10240x128xf32, #tpu.memory_space<hbm>> -> memref<64x128xf32, #tpu.memory_space<hbm>>
    %dma_wait3A_176 = arith.constant 64 : i32
    %dma_wait3A_177 = arith.constant 0 : i32
    %dma_wait3A_178 = tpu.memref_slice %arg6[%dma_wait3A_176, %dma_wait3A_177] : memref<128x128xf32, #tpu.memory_space<vmem>> -> memref<64x128xf32, #tpu.memory_space<vmem>>
    tpu.wait_dma2 semaphore(%arg8 : memref<!tpu.dma_semaphore, #tpu.memory_space<semaphore_mem>>) src(%dma_wait3A_178 : memref<64x128xf32, #tpu.memory_space<vmem>>) dst(%dma_wait3A_175 : memref<64x128xf32, #tpu.memory_space<hbm>>)
    %dma_wait3A_179 = arith.constant 4 : i32
    %dma_wait3A_180 = arith.constant 0 : i32
    %dma_wait3A_181 = arith.constant 0 : i32
    %dma_wait3A_182 = tpu.memref_slice %arg6[%dma_wait3A_180, %dma_wait3A_181] : memref<128x128xf32, #tpu.memory_space<vmem>> -> memref<64x128xf32, #tpu.memory_space<vmem>>
    %dma_wait3A_183 = arith.constant 0 : i32
    %dma_wait3A_184 = tpu.memref_slice %arg5[%dma_wait3A_179, %dma_wait3A_183] : memref<5x64xi32, #tpu.memory_space<vmem>> -> memref<1x64xi32, #tpu.memory_space<vmem>>
    %dma_wait3A_185 = tpu.memref_squeeze %dma_wait3A_184 : memref<1x64xi32, #tpu.memory_space<vmem>> -> memref<64xi32, #tpu.memory_space<vmem>>
    %dma_wait3A_186 = arith.constant 0 : i32
    %dma_wait3A_187 = arith.constant 0 : i32
    %dma_wait3A_188 = tpu.memref_slice %arg2[%dma_wait3A_186, %dma_wait3A_187] : memref<100000x128xf32, #tpu.memory_space<hbm>> -> memref<100000x128xf32, #tpu.memory_space<hbm>>
    tpu.wait_indirect_dma semaphore(%arg7 : memref<!tpu.dma_semaphore, #tpu.memory_space<semaphore_mem>>) src(%dma_wait3A_188 : memref<100000x128xf32, #tpu.memory_space<hbm>>) dst(%dma_wait3A_182 : memref<64x128xf32, #tpu.memory_space<vmem>>)
    %add3A_189 = arith.constant 256 : i32
    %add3A_190 = arith.addi %mul3A_2, %add3A_189 : i32
    %dma_start3A_191 = arith.constant 0 : i32
    %dma_start3A_192 = arith.constant 0 : i32
    %dma_start3A_193 = tpu.memref_slice %arg6[%dma_start3A_191, %dma_start3A_192] : memref<128x128xf32, #tpu.memory_space<vmem>> -> memref<64x128xf32, #tpu.memory_space<vmem>>
    %dma_start3A_194 = arith.constant 0 : i32
    %dma_start3A_195 = tpu.memref_slice %arg4[%add3A_190, %dma_start3A_194] : memref<10240x128xf32, #tpu.memory_space<hbm>> -> memref<64x128xf32, #tpu.memory_space<hbm>>
    %dma_start3A_196 = arith.constant 0 : i32
    %dma_start3A_197 = tpu.memref_slice %arg4[%add3A_190, %dma_start3A_196] : memref<10240x128xf32, #tpu.memory_space<hbm>> -> memref<64x128xf32, #tpu.memory_space<hbm>>
    %dma_start3A_198 = arith.constant 0 : i32
    %dma_start3A_199 = arith.constant 0 : i32
    %dma_start3A_200 = tpu.memref_slice %arg6[%dma_start3A_198, %dma_start3A_199] : memref<128x128xf32, #tpu.memory_space<vmem>> -> memref<64x128xf32, #tpu.memory_space<vmem>>
    tpu.enqueue_dma source(%dma_start3A_200 : memref<64x128xf32, #tpu.memory_space<vmem>>) target(%dma_start3A_197 : memref<64x128xf32, #tpu.memory_space<hbm>>) target_semaphore(%arg8 : memref<!tpu.dma_semaphore, #tpu.memory_space<semaphore_mem>>)
    %dma_wait3A_201 = arith.constant 0 : i32
    %dma_wait3A_202 = arith.constant 0 : i32
    %dma_wait3A_203 = tpu.memref_slice %arg6[%dma_wait3A_201, %dma_wait3A_202] : memref<128x128xf32, #tpu.memory_space<vmem>> -> memref<64x128xf32, #tpu.memory_space<vmem>>
    %dma_wait3A_204 = arith.constant 0 : i32
    %dma_wait3A_205 = tpu.memref_slice %arg4[%add3A_190, %dma_wait3A_204] : memref<10240x128xf32, #tpu.memory_space<hbm>> -> memref<64x128xf32, #tpu.memory_space<hbm>>
    %dma_wait3A_206 = arith.constant 0 : i32
    %dma_wait3A_207 = tpu.memref_slice %arg4[%add3A_190, %dma_wait3A_206] : memref<10240x128xf32, #tpu.memory_space<hbm>> -> memref<64x128xf32, #tpu.memory_space<hbm>>
    %dma_wait3A_208 = arith.constant 0 : i32
    %dma_wait3A_209 = arith.constant 0 : i32
    %dma_wait3A_210 = tpu.memref_slice %arg6[%dma_wait3A_208, %dma_wait3A_209] : memref<128x128xf32, #tpu.memory_space<vmem>> -> memref<64x128xf32, #tpu.memory_space<vmem>>
    tpu.wait_dma2 semaphore(%arg8 : memref<!tpu.dma_semaphore, #tpu.memory_space<semaphore_mem>>) src(%dma_wait3A_210 : memref<64x128xf32, #tpu.memory_space<vmem>>) dst(%dma_wait3A_207 : memref<64x128xf32, #tpu.memory_space<hbm>>)
    return
  }
}

#map = affine_map<(d0, d1) -> (0, 0)>
#map1 = affine_map<(d0, d1) -> (0, 0, 0)>
#map2 = affine_map<(d0, d1) -> (0)>
module attributes {stable_mosaic.version = 14 : i64} {
  func.func @_agg_body(%arg0: i32, %arg1: i32, %arg2: memref<10240x128xbf16, #tpu.memory_space<hbm>>, %arg3: memref<32x80x128xi32, #tpu.memory_space<hbm>>, %arg4: memref<32x80x128xi32, #tpu.memory_space<hbm>>, %arg5: memref<128x128xbf16, #tpu.memory_space<hbm>>, %arg6: memref<10240xf32, #tpu.memory_space<hbm>>, %arg7: memref<2x10240x128xbf16, #tpu.memory_space<hbm>>, %arg8: memref<2x16x10240xf32, #tpu.memory_space<hbm>>, %arg9: memref<2x16x128xi32, #tpu.memory_space<vmem>>, %arg10: memref<2x16x128xi32, #tpu.memory_space<vmem>>, %arg11: memref<768x128xbf16, #tpu.memory_space<vmem>>, %arg12: memref<10240xf32, #tpu.memory_space<vmem>>, %arg13: memref<10240x128xbf16, #tpu.memory_space<vmem_shared>>, %arg14: memref<!tpu.dma_semaphore, #tpu.memory_space<semaphore_mem>>, %arg15: memref<!tpu.dma_semaphore, #tpu.memory_space<semaphore_mem>>, %arg16: memref<!tpu.dma_semaphore, #tpu.memory_space<semaphore_mem>>, %arg17: memref<!tpu.dma_semaphore, #tpu.memory_space<semaphore_mem>>, %arg18: memref<!tpu.dma_semaphore, #tpu.memory_space<semaphore_mem>>, %arg19: memref<!tpu.dma_semaphore, #tpu.memory_space<semaphore_mem>>, %arg20: memref<!tpu.dma_semaphore, #tpu.memory_space<semaphore_mem>>, %arg21: memref<!tpu.dma_semaphore, #tpu.memory_space<semaphore_mem>>, %arg22: memref<!tpu.dma_semaphore, #tpu.memory_space<semaphore_mem>>, %arg23: memref<!tpu.dma_semaphore, #tpu.memory_space<semaphore_mem>>, %arg24: memref<!tpu.dma_semaphore, #tpu.memory_space<semaphore_mem>>, %arg25: memref<!tpu.dma_semaphore, #tpu.memory_space<semaphore_mem>>, %arg26: memref<!tpu.dma_semaphore, #tpu.memory_space<semaphore_mem>>) attributes {dimension_semantics = [#tpu.dimension_semantics<core_parallel>, #tpu.dimension_semantics<subcore_parallel>], iteration_bounds = array<i64: 2, 16>, scalar_prefetch = 0 : i64, scratch_operands = 18 : i64, tpu.core_type = #tpu.core_type<sc_vector_subcore>, window_params = [{transform_indices = #map}, {transform_indices = #map1}, {transform_indices = #map1}, {transform_indices = #map}, {transform_indices = #map2}, {transform_indices = #map1}, {transform_indices = #map1}]} {
    %mul3A = arith.constant 2 : i32
    %mul3A_0 = arith.muli %arg1, %mul3A : i32
    %add3A = arith.addi %mul3A_0, %arg0 : i32
    %mul3A_1 = arith.constant 640 : i32
    %mul3A_2 = arith.muli %arg1, %mul3A_1 : i32
    "tpu.region"() ({
      %run_scoped3A = tpu.sem_alloc : memref<!tpu.dma_semaphore, #tpu.memory_space<semaphore_mem>>
      %dma_start3A_63 = arith.constant 0 : i32
      %dma_start3A_64 = arith.constant 0 : i32
      %dma_start3A_65 = tpu.memref_slice %arg11[%dma_start3A_63, %dma_start3A_64] : memref<768x128xbf16, #tpu.memory_space<vmem>> -> memref<128x128xbf16, #tpu.memory_space<vmem>>
      %dma_start3A_66 = arith.constant 0 : i32
      %dma_start3A_67 = arith.constant 0 : i32
      %dma_start3A_68 = tpu.memref_slice %arg11[%dma_start3A_66, %dma_start3A_67] : memref<768x128xbf16, #tpu.memory_space<vmem>> -> memref<128x128xbf16, #tpu.memory_space<vmem>>
      tpu.enqueue_dma source(%arg5 : memref<128x128xbf16, #tpu.memory_space<hbm>>) target(%dma_start3A_68 : memref<128x128xbf16, #tpu.memory_space<vmem>>) target_semaphore(%run_scoped3A : memref<!tpu.dma_semaphore, #tpu.memory_space<semaphore_mem>>)
      %dma_wait3A = arith.constant 0 : i32
      %dma_wait3A_69 = arith.constant 0 : i32
      %dma_wait3A_70 = tpu.memref_slice %arg11[%dma_wait3A, %dma_wait3A_69] : memref<768x128xbf16, #tpu.memory_space<vmem>> -> memref<128x128xbf16, #tpu.memory_space<vmem>>
      %dma_wait3A_71 = arith.constant 0 : i32
      %dma_wait3A_72 = arith.constant 0 : i32
      %dma_wait3A_73 = tpu.memref_slice %arg11[%dma_wait3A_71, %dma_wait3A_72] : memref<768x128xbf16, #tpu.memory_space<vmem>> -> memref<128x128xbf16, #tpu.memory_space<vmem>>
      tpu.wait_dma2 semaphore(%run_scoped3A : memref<!tpu.dma_semaphore, #tpu.memory_space<semaphore_mem>>) src(%arg5 : memref<128x128xbf16, #tpu.memory_space<hbm>>) dst(%dma_wait3A_73 : memref<128x128xbf16, #tpu.memory_space<vmem>>)
      tpu.yield
    }) : () -> ()
    "tpu.region"() ({
      %run_scoped3A = tpu.sem_alloc : memref<!tpu.dma_semaphore, #tpu.memory_space<semaphore_mem>>
      tpu.enqueue_dma source(%arg6 : memref<10240xf32, #tpu.memory_space<hbm>>) target(%arg12 : memref<10240xf32, #tpu.memory_space<vmem>>) target_semaphore(%run_scoped3A : memref<!tpu.dma_semaphore, #tpu.memory_space<semaphore_mem>>)
      tpu.wait_dma2 semaphore(%run_scoped3A : memref<!tpu.dma_semaphore, #tpu.memory_space<semaphore_mem>>) src(%arg6 : memref<10240xf32, #tpu.memory_space<hbm>>) dst(%arg12 : memref<10240xf32, #tpu.memory_space<vmem>>)
      tpu.yield
    }) : () -> ()
    %add3A_3 = arith.constant 0 : i32
    %add3A_4 = arith.addi %mul3A_2, %add3A_3 : i32
    "tpu.region"() ({
      %run_scoped3A = tpu.sem_alloc : memref<!tpu.dma_semaphore, #tpu.memory_space<semaphore_mem>>
      %dma_start3A_63 = arith.constant 0 : i32
      %dma_start3A_64 = arith.constant 0 : i32
      %dma_start3A_65 = tpu.memref_slice %arg11[%dma_start3A_63, %dma_start3A_64] : memref<768x128xbf16, #tpu.memory_space<vmem>> -> memref<128x128xbf16, #tpu.memory_space<vmem>>
      %dma_start3A_66 = arith.constant 0 : i32
      %dma_start3A_67 = tpu.memref_slice %arg13[%add3A_4, %dma_start3A_66] : memref<10240x128xbf16, #tpu.memory_space<vmem_shared>> -> memref<128x128xbf16, #tpu.memory_space<vmem_shared>>
      %dma_start3A_68 = arith.constant 0 : i32
      %dma_start3A_69 = tpu.memref_slice %arg13[%add3A_4, %dma_start3A_68] : memref<10240x128xbf16, #tpu.memory_space<vmem_shared>> -> memref<128x128xbf16, #tpu.memory_space<vmem_shared>>
      %dma_start3A_70 = arith.constant 0 : i32
      %dma_start3A_71 = arith.constant 0 : i32
      %dma_start3A_72 = tpu.memref_slice %arg11[%dma_start3A_70, %dma_start3A_71] : memref<768x128xbf16, #tpu.memory_space<vmem>> -> memref<128x128xbf16, #tpu.memory_space<vmem>>
      tpu.enqueue_dma source(%dma_start3A_72 : memref<128x128xbf16, #tpu.memory_space<vmem>>) target(%dma_start3A_69 : memref<128x128xbf16, #tpu.memory_space<vmem_shared>>) target_semaphore(%run_scoped3A : memref<!tpu.dma_semaphore, #tpu.memory_space<semaphore_mem>>)
      %dma_wait3A = arith.constant 0 : i32
      %dma_wait3A_73 = arith.constant 0 : i32
      %dma_wait3A_74 = tpu.memref_slice %arg11[%dma_wait3A, %dma_wait3A_73] : memref<768x128xbf16, #tpu.memory_space<vmem>> -> memref<128x128xbf16, #tpu.memory_space<vmem>>
      %dma_wait3A_75 = arith.constant 0 : i32
      %dma_wait3A_76 = tpu.memref_slice %arg13[%add3A_4, %dma_wait3A_75] : memref<10240x128xbf16, #tpu.memory_space<vmem_shared>> -> memref<128x128xbf16, #tpu.memory_space<vmem_shared>>
      %dma_wait3A_77 = arith.constant 0 : i32
      %dma_wait3A_78 = tpu.memref_slice %arg13[%add3A_4, %dma_wait3A_77] : memref<10240x128xbf16, #tpu.memory_space<vmem_shared>> -> memref<128x128xbf16, #tpu.memory_space<vmem_shared>>
      %dma_wait3A_79 = arith.constant 0 : i32
      %dma_wait3A_80 = arith.constant 0 : i32
      %dma_wait3A_81 = tpu.memref_slice %arg11[%dma_wait3A_79, %dma_wait3A_80] : memref<768x128xbf16, #tpu.memory_space<vmem>> -> memref<128x128xbf16, #tpu.memory_space<vmem>>
      tpu.wait_dma2 semaphore(%run_scoped3A : memref<!tpu.dma_semaphore, #tpu.memory_space<semaphore_mem>>) src(%dma_wait3A_81 : memref<128x128xbf16, #tpu.memory_space<vmem>>) dst(%dma_wait3A_78 : memref<128x128xbf16, #tpu.memory_space<vmem_shared>>)
      tpu.yield
    }) : () -> ()
    %add3A_5 = arith.constant 128 : i32
    %add3A_6 = arith.addi %mul3A_2, %add3A_5 : i32
    "tpu.region"() ({
      %run_scoped3A = tpu.sem_alloc : memref<!tpu.dma_semaphore, #tpu.memory_space<semaphore_mem>>
      %dma_start3A_63 = arith.constant 0 : i32
      %dma_start3A_64 = arith.constant 0 : i32
      %dma_start3A_65 = tpu.memref_slice %arg11[%dma_start3A_63, %dma_start3A_64] : memref<768x128xbf16, #tpu.memory_space<vmem>> -> memref<128x128xbf16, #tpu.memory_space<vmem>>
      %dma_start3A_66 = arith.constant 0 : i32
      %dma_start3A_67 = tpu.memref_slice %arg13[%add3A_6, %dma_start3A_66] : memref<10240x128xbf16, #tpu.memory_space<vmem_shared>> -> memref<128x128xbf16, #tpu.memory_space<vmem_shared>>
      %dma_start3A_68 = arith.constant 0 : i32
      %dma_start3A_69 = tpu.memref_slice %arg13[%add3A_6, %dma_start3A_68] : memref<10240x128xbf16, #tpu.memory_space<vmem_shared>> -> memref<128x128xbf16, #tpu.memory_space<vmem_shared>>
      %dma_start3A_70 = arith.constant 0 : i32
      %dma_start3A_71 = arith.constant 0 : i32
      %dma_start3A_72 = tpu.memref_slice %arg11[%dma_start3A_70, %dma_start3A_71] : memref<768x128xbf16, #tpu.memory_space<vmem>> -> memref<128x128xbf16, #tpu.memory_space<vmem>>
      tpu.enqueue_dma source(%dma_start3A_72 : memref<128x128xbf16, #tpu.memory_space<vmem>>) target(%dma_start3A_69 : memref<128x128xbf16, #tpu.memory_space<vmem_shared>>) target_semaphore(%run_scoped3A : memref<!tpu.dma_semaphore, #tpu.memory_space<semaphore_mem>>)
      %dma_wait3A = arith.constant 0 : i32
      %dma_wait3A_73 = arith.constant 0 : i32
      %dma_wait3A_74 = tpu.memref_slice %arg11[%dma_wait3A, %dma_wait3A_73] : memref<768x128xbf16, #tpu.memory_space<vmem>> -> memref<128x128xbf16, #tpu.memory_space<vmem>>
      %dma_wait3A_75 = arith.constant 0 : i32
      %dma_wait3A_76 = tpu.memref_slice %arg13[%add3A_6, %dma_wait3A_75] : memref<10240x128xbf16, #tpu.memory_space<vmem_shared>> -> memref<128x128xbf16, #tpu.memory_space<vmem_shared>>
      %dma_wait3A_77 = arith.constant 0 : i32
      %dma_wait3A_78 = tpu.memref_slice %arg13[%add3A_6, %dma_wait3A_77] : memref<10240x128xbf16, #tpu.memory_space<vmem_shared>> -> memref<128x128xbf16, #tpu.memory_space<vmem_shared>>
      %dma_wait3A_79 = arith.constant 0 : i32
      %dma_wait3A_80 = arith.constant 0 : i32
      %dma_wait3A_81 = tpu.memref_slice %arg11[%dma_wait3A_79, %dma_wait3A_80] : memref<768x128xbf16, #tpu.memory_space<vmem>> -> memref<128x128xbf16, #tpu.memory_space<vmem>>
      tpu.wait_dma2 semaphore(%run_scoped3A : memref<!tpu.dma_semaphore, #tpu.memory_space<semaphore_mem>>) src(%dma_wait3A_81 : memref<128x128xbf16, #tpu.memory_space<vmem>>) dst(%dma_wait3A_78 : memref<128x128xbf16, #tpu.memory_space<vmem_shared>>)
      tpu.yield
    }) : () -> ()
    %add3A_7 = arith.constant 256 : i32
    %add3A_8 = arith.addi %mul3A_2, %add3A_7 : i32
    "tpu.region"() ({
      %run_scoped3A = tpu.sem_alloc : memref<!tpu.dma_semaphore, #tpu.memory_space<semaphore_mem>>
      %dma_start3A_63 = arith.constant 0 : i32
      %dma_start3A_64 = arith.constant 0 : i32
      %dma_start3A_65 = tpu.memref_slice %arg11[%dma_start3A_63, %dma_start3A_64] : memref<768x128xbf16, #tpu.memory_space<vmem>> -> memref<128x128xbf16, #tpu.memory_space<vmem>>
      %dma_start3A_66 = arith.constant 0 : i32
      %dma_start3A_67 = tpu.memref_slice %arg13[%add3A_8, %dma_start3A_66] : memref<10240x128xbf16, #tpu.memory_space<vmem_shared>> -> memref<128x128xbf16, #tpu.memory_space<vmem_shared>>
      %dma_start3A_68 = arith.constant 0 : i32
      %dma_start3A_69 = tpu.memref_slice %arg13[%add3A_8, %dma_start3A_68] : memref<10240x128xbf16, #tpu.memory_space<vmem_shared>> -> memref<128x128xbf16, #tpu.memory_space<vmem_shared>>
      %dma_start3A_70 = arith.constant 0 : i32
      %dma_start3A_71 = arith.constant 0 : i32
      %dma_start3A_72 = tpu.memref_slice %arg11[%dma_start3A_70, %dma_start3A_71] : memref<768x128xbf16, #tpu.memory_space<vmem>> -> memref<128x128xbf16, #tpu.memory_space<vmem>>
      tpu.enqueue_dma source(%dma_start3A_72 : memref<128x128xbf16, #tpu.memory_space<vmem>>) target(%dma_start3A_69 : memref<128x128xbf16, #tpu.memory_space<vmem_shared>>) target_semaphore(%run_scoped3A : memref<!tpu.dma_semaphore, #tpu.memory_space<semaphore_mem>>)
      %dma_wait3A = arith.constant 0 : i32
      %dma_wait3A_73 = arith.constant 0 : i32
      %dma_wait3A_74 = tpu.memref_slice %arg11[%dma_wait3A, %dma_wait3A_73] : memref<768x128xbf16, #tpu.memory_space<vmem>> -> memref<128x128xbf16, #tpu.memory_space<vmem>>
      %dma_wait3A_75 = arith.constant 0 : i32
      %dma_wait3A_76 = tpu.memref_slice %arg13[%add3A_8, %dma_wait3A_75] : memref<10240x128xbf16, #tpu.memory_space<vmem_shared>> -> memref<128x128xbf16, #tpu.memory_space<vmem_shared>>
      %dma_wait3A_77 = arith.constant 0 : i32
      %dma_wait3A_78 = tpu.memref_slice %arg13[%add3A_8, %dma_wait3A_77] : memref<10240x128xbf16, #tpu.memory_space<vmem_shared>> -> memref<128x128xbf16, #tpu.memory_space<vmem_shared>>
      %dma_wait3A_79 = arith.constant 0 : i32
      %dma_wait3A_80 = arith.constant 0 : i32
      %dma_wait3A_81 = tpu.memref_slice %arg11[%dma_wait3A_79, %dma_wait3A_80] : memref<768x128xbf16, #tpu.memory_space<vmem>> -> memref<128x128xbf16, #tpu.memory_space<vmem>>
      tpu.wait_dma2 semaphore(%run_scoped3A : memref<!tpu.dma_semaphore, #tpu.memory_space<semaphore_mem>>) src(%dma_wait3A_81 : memref<128x128xbf16, #tpu.memory_space<vmem>>) dst(%dma_wait3A_78 : memref<128x128xbf16, #tpu.memory_space<vmem_shared>>)
      tpu.yield
    }) : () -> ()
    %add3A_9 = arith.constant 384 : i32
    %add3A_10 = arith.addi %mul3A_2, %add3A_9 : i32
    "tpu.region"() ({
      %run_scoped3A = tpu.sem_alloc : memref<!tpu.dma_semaphore, #tpu.memory_space<semaphore_mem>>
      %dma_start3A_63 = arith.constant 0 : i32
      %dma_start3A_64 = arith.constant 0 : i32
      %dma_start3A_65 = tpu.memref_slice %arg11[%dma_start3A_63, %dma_start3A_64] : memref<768x128xbf16, #tpu.memory_space<vmem>> -> memref<128x128xbf16, #tpu.memory_space<vmem>>
      %dma_start3A_66 = arith.constant 0 : i32
      %dma_start3A_67 = tpu.memref_slice %arg13[%add3A_10, %dma_start3A_66] : memref<10240x128xbf16, #tpu.memory_space<vmem_shared>> -> memref<128x128xbf16, #tpu.memory_space<vmem_shared>>
      %dma_start3A_68 = arith.constant 0 : i32
      %dma_start3A_69 = tpu.memref_slice %arg13[%add3A_10, %dma_start3A_68] : memref<10240x128xbf16, #tpu.memory_space<vmem_shared>> -> memref<128x128xbf16, #tpu.memory_space<vmem_shared>>
      %dma_start3A_70 = arith.constant 0 : i32
      %dma_start3A_71 = arith.constant 0 : i32
      %dma_start3A_72 = tpu.memref_slice %arg11[%dma_start3A_70, %dma_start3A_71] : memref<768x128xbf16, #tpu.memory_space<vmem>> -> memref<128x128xbf16, #tpu.memory_space<vmem>>
      tpu.enqueue_dma source(%dma_start3A_72 : memref<128x128xbf16, #tpu.memory_space<vmem>>) target(%dma_start3A_69 : memref<128x128xbf16, #tpu.memory_space<vmem_shared>>) target_semaphore(%run_scoped3A : memref<!tpu.dma_semaphore, #tpu.memory_space<semaphore_mem>>)
      %dma_wait3A = arith.constant 0 : i32
      %dma_wait3A_73 = arith.constant 0 : i32
      %dma_wait3A_74 = tpu.memref_slice %arg11[%dma_wait3A, %dma_wait3A_73] : memref<768x128xbf16, #tpu.memory_space<vmem>> -> memref<128x128xbf16, #tpu.memory_space<vmem>>
      %dma_wait3A_75 = arith.constant 0 : i32
      %dma_wait3A_76 = tpu.memref_slice %arg13[%add3A_10, %dma_wait3A_75] : memref<10240x128xbf16, #tpu.memory_space<vmem_shared>> -> memref<128x128xbf16, #tpu.memory_space<vmem_shared>>
      %dma_wait3A_77 = arith.constant 0 : i32
      %dma_wait3A_78 = tpu.memref_slice %arg13[%add3A_10, %dma_wait3A_77] : memref<10240x128xbf16, #tpu.memory_space<vmem_shared>> -> memref<128x128xbf16, #tpu.memory_space<vmem_shared>>
      %dma_wait3A_79 = arith.constant 0 : i32
      %dma_wait3A_80 = arith.constant 0 : i32
      %dma_wait3A_81 = tpu.memref_slice %arg11[%dma_wait3A_79, %dma_wait3A_80] : memref<768x128xbf16, #tpu.memory_space<vmem>> -> memref<128x128xbf16, #tpu.memory_space<vmem>>
      tpu.wait_dma2 semaphore(%run_scoped3A : memref<!tpu.dma_semaphore, #tpu.memory_space<semaphore_mem>>) src(%dma_wait3A_81 : memref<128x128xbf16, #tpu.memory_space<vmem>>) dst(%dma_wait3A_78 : memref<128x128xbf16, #tpu.memory_space<vmem_shared>>)
      tpu.yield
    }) : () -> ()
    %add3A_11 = arith.constant 512 : i32
    %add3A_12 = arith.addi %mul3A_2, %add3A_11 : i32
    "tpu.region"() ({
      %run_scoped3A = tpu.sem_alloc : memref<!tpu.dma_semaphore, #tpu.memory_space<semaphore_mem>>
      %dma_start3A_63 = arith.constant 0 : i32
      %dma_start3A_64 = arith.constant 0 : i32
      %dma_start3A_65 = tpu.memref_slice %arg11[%dma_start3A_63, %dma_start3A_64] : memref<768x128xbf16, #tpu.memory_space<vmem>> -> memref<128x128xbf16, #tpu.memory_space<vmem>>
      %dma_start3A_66 = arith.constant 0 : i32
      %dma_start3A_67 = tpu.memref_slice %arg13[%add3A_12, %dma_start3A_66] : memref<10240x128xbf16, #tpu.memory_space<vmem_shared>> -> memref<128x128xbf16, #tpu.memory_space<vmem_shared>>
      %dma_start3A_68 = arith.constant 0 : i32
      %dma_start3A_69 = tpu.memref_slice %arg13[%add3A_12, %dma_start3A_68] : memref<10240x128xbf16, #tpu.memory_space<vmem_shared>> -> memref<128x128xbf16, #tpu.memory_space<vmem_shared>>
      %dma_start3A_70 = arith.constant 0 : i32
      %dma_start3A_71 = arith.constant 0 : i32
      %dma_start3A_72 = tpu.memref_slice %arg11[%dma_start3A_70, %dma_start3A_71] : memref<768x128xbf16, #tpu.memory_space<vmem>> -> memref<128x128xbf16, #tpu.memory_space<vmem>>
      tpu.enqueue_dma source(%dma_start3A_72 : memref<128x128xbf16, #tpu.memory_space<vmem>>) target(%dma_start3A_69 : memref<128x128xbf16, #tpu.memory_space<vmem_shared>>) target_semaphore(%run_scoped3A : memref<!tpu.dma_semaphore, #tpu.memory_space<semaphore_mem>>)
      %dma_wait3A = arith.constant 0 : i32
      %dma_wait3A_73 = arith.constant 0 : i32
      %dma_wait3A_74 = tpu.memref_slice %arg11[%dma_wait3A, %dma_wait3A_73] : memref<768x128xbf16, #tpu.memory_space<vmem>> -> memref<128x128xbf16, #tpu.memory_space<vmem>>
      %dma_wait3A_75 = arith.constant 0 : i32
      %dma_wait3A_76 = tpu.memref_slice %arg13[%add3A_12, %dma_wait3A_75] : memref<10240x128xbf16, #tpu.memory_space<vmem_shared>> -> memref<128x128xbf16, #tpu.memory_space<vmem_shared>>
      %dma_wait3A_77 = arith.constant 0 : i32
      %dma_wait3A_78 = tpu.memref_slice %arg13[%add3A_12, %dma_wait3A_77] : memref<10240x128xbf16, #tpu.memory_space<vmem_shared>> -> memref<128x128xbf16, #tpu.memory_space<vmem_shared>>
      %dma_wait3A_79 = arith.constant 0 : i32
      %dma_wait3A_80 = arith.constant 0 : i32
      %dma_wait3A_81 = tpu.memref_slice %arg11[%dma_wait3A_79, %dma_wait3A_80] : memref<768x128xbf16, #tpu.memory_space<vmem>> -> memref<128x128xbf16, #tpu.memory_space<vmem>>
      tpu.wait_dma2 semaphore(%run_scoped3A : memref<!tpu.dma_semaphore, #tpu.memory_space<semaphore_mem>>) src(%dma_wait3A_81 : memref<128x128xbf16, #tpu.memory_space<vmem>>) dst(%dma_wait3A_78 : memref<128x128xbf16, #tpu.memory_space<vmem_shared>>)
      tpu.yield
    }) : () -> ()
    %barrier3A = arith.constant 0 : index
    tpu.barrier barrier_id(%barrier3A)
    %broadcast_in_dim3A = arith.constant 1.000000e+00 : f32
    %broadcast_in_dim3A_13 = vector.broadcast %broadcast_in_dim3A : f32 to vector<16xf32>
    %dma_start3A = arith.constant 0 : i32
    %dma_start3A_14 = arith.constant 0 : i32
    %dma_start3A_15 = arith.constant 0 : i32
    %dma_start3A_16 = tpu.memref_slice %arg9[%dma_start3A, %dma_start3A_14, %dma_start3A_15] : memref<2x16x128xi32, #tpu.memory_space<vmem>> -> memref<1x16x128xi32, #tpu.memory_space<vmem>>
    %dma_start3A_17 = tpu.memref_squeeze %dma_start3A_16 : memref<1x16x128xi32, #tpu.memory_space<vmem>> -> memref<16x128xi32, #tpu.memory_space<vmem>>
    %dma_start3A_18 = arith.constant 0 : i32
    %dma_start3A_19 = arith.constant 0 : i32
    %dma_start3A_20 = tpu.memref_slice %arg3[%add3A, %dma_start3A_18, %dma_start3A_19] : memref<32x80x128xi32, #tpu.memory_space<hbm>> -> memref<1x16x128xi32, #tpu.memory_space<hbm>>
    %dma_start3A_21 = tpu.memref_squeeze %dma_start3A_20 : memref<1x16x128xi32, #tpu.memory_space<hbm>> -> memref<16x128xi32, #tpu.memory_space<hbm>>
    %dma_start3A_22 = arith.constant 0 : i32
    %dma_start3A_23 = arith.constant 0 : i32
    %dma_start3A_24 = tpu.memref_slice %arg9[%dma_start3A, %dma_start3A_22, %dma_start3A_23] : memref<2x16x128xi32, #tpu.memory_space<vmem>> -> memref<1x16x128xi32, #tpu.memory_space<vmem>>
    %dma_start3A_25 = tpu.memref_squeeze %dma_start3A_24 : memref<1x16x128xi32, #tpu.memory_space<vmem>> -> memref<16x128xi32, #tpu.memory_space<vmem>>
    %dma_start3A_26 = arith.constant 0 : i32
    %dma_start3A_27 = arith.constant 0 : i32
    %dma_start3A_28 = tpu.memref_slice %arg3[%add3A, %dma_start3A_26, %dma_start3A_27] : memref<32x80x128xi32, #tpu.memory_space<hbm>> -> memref<1x16x128xi32, #tpu.memory_space<hbm>>
    %dma_start3A_29 = tpu.memref_squeeze %dma_start3A_28 : memref<1x16x128xi32, #tpu.memory_space<hbm>> -> memref<16x128xi32, #tpu.memory_space<hbm>>
    tpu.enqueue_dma source(%dma_start3A_29 : memref<16x128xi32, #tpu.memory_space<hbm>>) target(%dma_start3A_25 : memref<16x128xi32, #tpu.memory_space<vmem>>) target_semaphore(%arg26 : memref<!tpu.dma_semaphore, #tpu.memory_space<semaphore_mem>>)
    %dma_start3A_30 = arith.constant 0 : i32
    %dma_start3A_31 = arith.constant 0 : i32
    %dma_start3A_32 = arith.constant 0 : i32
    %dma_start3A_33 = tpu.memref_slice %arg10[%dma_start3A_30, %dma_start3A_31, %dma_start3A_32] : memref<2x16x128xi32, #tpu.memory_space<vmem>> -> memref<1x16x128xi32, #tpu.memory_space<vmem>>
    %dma_start3A_34 = tpu.memref_squeeze %dma_start3A_33 : memref<1x16x128xi32, #tpu.memory_space<vmem>> -> memref<16x128xi32, #tpu.memory_space<vmem>>
    %dma_start3A_35 = arith.constant 0 : i32
    %dma_start3A_36 = arith.constant 0 : i32
    %dma_start3A_37 = tpu.memref_slice %arg4[%add3A, %dma_start3A_35, %dma_start3A_36] : memref<32x80x128xi32, #tpu.memory_space<hbm>> -> memref<1x16x128xi32, #tpu.memory_space<hbm>>
    %dma_start3A_38 = tpu.memref_squeeze %dma_start3A_37 : memref<1x16x128xi32, #tpu.memory_space<hbm>> -> memref<16x128xi32, #tpu.memory_space<hbm>>
    %dma_start3A_39 = arith.constant 0 : i32
    %dma_start3A_40 = arith.constant 0 : i32
    %dma_start3A_41 = tpu.memref_slice %arg10[%dma_start3A_30, %dma_start3A_39, %dma_start3A_40] : memref<2x16x128xi32, #tpu.memory_space<vmem>> -> memref<1x16x128xi32, #tpu.memory_space<vmem>>
    %dma_start3A_42 = tpu.memref_squeeze %dma_start3A_41 : memref<1x16x128xi32, #tpu.memory_space<vmem>> -> memref<16x128xi32, #tpu.memory_space<vmem>>
    %dma_start3A_43 = arith.constant 0 : i32
    %dma_start3A_44 = arith.constant 0 : i32
    %dma_start3A_45 = tpu.memref_slice %arg4[%add3A, %dma_start3A_43, %dma_start3A_44] : memref<32x80x128xi32, #tpu.memory_space<hbm>> -> memref<1x16x128xi32, #tpu.memory_space<hbm>>
    %dma_start3A_46 = tpu.memref_squeeze %dma_start3A_45 : memref<1x16x128xi32, #tpu.memory_space<hbm>> -> memref<16x128xi32, #tpu.memory_space<hbm>>
    tpu.enqueue_dma source(%dma_start3A_46 : memref<16x128xi32, #tpu.memory_space<hbm>>) target(%dma_start3A_42 : memref<16x128xi32, #tpu.memory_space<vmem>>) target_semaphore(%arg26 : memref<!tpu.dma_semaphore, #tpu.memory_space<semaphore_mem>>)
    %scan3A = arith.constant 0 : i32
    %scan3A_47 = arith.constant 0 : i32
    %scan3A_48 = arith.constant 5 : i32
    %scan3A_49 = arith.addi %scan3A_47, %scan3A_48 : i32
    %scan3A_50 = arith.constant 1 : i32
    scf.for %scan3A_63 = %scan3A_47 to %scan3A_49 step %scan3A_50  : i32 {
      %jit3A = arith.constant 2 : i32
      %eq3A = arith.constant 0 : i32
      %eq3A_64 = arith.cmpi eq, %jit3A, %eq3A : i32
      %jit3A_65 = arith.constant 1 : i32
      %select_n3A = arith.select %eq3A_64, %jit3A_65, %jit3A : i32
      %rem3A = arith.remsi %scan3A_63, %select_n3A : i32
      %ne3A = arith.constant 0 : i32
      %ne3A_66 = arith.cmpi ne, %rem3A, %ne3A : i32
      %lt3A = arith.constant 0 : i32
      %lt3A_67 = arith.cmpi slt, %rem3A, %lt3A : i32
      %lt3A_68 = arith.constant 0 : i32
      %lt3A_69 = arith.cmpi slt, %select_n3A, %lt3A_68 : i32
      %ne3A_70 = arith.xori %lt3A_67, %lt3A_69 : i1
      %and3A = arith.andi %ne3A_70, %ne3A_66 : i1
      %add3A_71 = arith.addi %rem3A, %select_n3A : i32
      %select_n3A_72 = arith.select %and3A, %add3A_71, %rem3A : i32
      %dma_wait3A = arith.constant 0 : i32
      %dma_wait3A_73 = arith.constant 0 : i32
      %dma_wait3A_74 = arith.constant 0 : i32
      %dma_wait3A_75 = tpu.memref_slice %arg9[%dma_wait3A, %dma_wait3A_73, %dma_wait3A_74] : memref<2x16x128xi32, #tpu.memory_space<vmem>> -> memref<1x16x128xi32, #tpu.memory_space<vmem>>
      %dma_wait3A_76 = tpu.memref_squeeze %dma_wait3A_75 : memref<1x16x128xi32, #tpu.memory_space<vmem>> -> memref<16x128xi32, #tpu.memory_space<vmem>>
      %dma_wait3A_77 = arith.constant 0 : i32
      %dma_wait3A_78 = arith.constant 0 : i32
      %dma_wait3A_79 = tpu.memref_slice %arg3[%add3A, %dma_wait3A_77, %dma_wait3A_78] : memref<32x80x128xi32, #tpu.memory_space<hbm>> -> memref<1x16x128xi32, #tpu.memory_space<hbm>>
      %dma_wait3A_80 = tpu.memref_squeeze %dma_wait3A_79 : memref<1x16x128xi32, #tpu.memory_space<hbm>> -> memref<16x128xi32, #tpu.memory_space<hbm>>
      %dma_wait3A_81 = arith.constant 0 : i32
      %dma_wait3A_82 = arith.constant 0 : i32
      %dma_wait3A_83 = tpu.memref_slice %arg9[%dma_wait3A, %dma_wait3A_81, %dma_wait3A_82] : memref<2x16x128xi32, #tpu.memory_space<vmem>> -> memref<1x16x128xi32, #tpu.memory_space<vmem>>
      %dma_wait3A_84 = tpu.memref_squeeze %dma_wait3A_83 : memref<1x16x128xi32, #tpu.memory_space<vmem>> -> memref<16x128xi32, #tpu.memory_space<vmem>>
      %dma_wait3A_85 = arith.constant 0 : i32
      %dma_wait3A_86 = arith.constant 0 : i32
      %dma_wait3A_87 = tpu.memref_slice %arg3[%add3A, %dma_wait3A_85, %dma_wait3A_86] : memref<32x80x128xi32, #tpu.memory_space<hbm>> -> memref<1x16x128xi32, #tpu.memory_space<hbm>>
      %dma_wait3A_88 = tpu.memref_squeeze %dma_wait3A_87 : memref<1x16x128xi32, #tpu.memory_space<hbm>> -> memref<16x128xi32, #tpu.memory_space<hbm>>
      tpu.wait_dma2 semaphore(%arg26 : memref<!tpu.dma_semaphore, #tpu.memory_space<semaphore_mem>>) src(%dma_wait3A_88 : memref<16x128xi32, #tpu.memory_space<hbm>>) dst(%dma_wait3A_84 : memref<16x128xi32, #tpu.memory_space<vmem>>)
      %dma_wait3A_89 = arith.constant 0 : i32
      %dma_wait3A_90 = arith.constant 0 : i32
      %dma_wait3A_91 = arith.constant 0 : i32
      %dma_wait3A_92 = tpu.memref_slice %arg10[%dma_wait3A_89, %dma_wait3A_90, %dma_wait3A_91] : memref<2x16x128xi32, #tpu.memory_space<vmem>> -> memref<1x16x128xi32, #tpu.memory_space<vmem>>
      %dma_wait3A_93 = tpu.memref_squeeze %dma_wait3A_92 : memref<1x16x128xi32, #tpu.memory_space<vmem>> -> memref<16x128xi32, #tpu.memory_space<vmem>>
      %dma_wait3A_94 = arith.constant 0 : i32
      %dma_wait3A_95 = arith.constant 0 : i32
      %dma_wait3A_96 = tpu.memref_slice %arg4[%add3A, %dma_wait3A_94, %dma_wait3A_95] : memref<32x80x128xi32, #tpu.memory_space<hbm>> -> memref<1x16x128xi32, #tpu.memory_space<hbm>>
      %dma_wait3A_97 = tpu.memref_squeeze %dma_wait3A_96 : memref<1x16x128xi32, #tpu.memory_space<hbm>> -> memref<16x128xi32, #tpu.memory_space<hbm>>
      %dma_wait3A_98 = arith.constant 0 : i32
      %dma_wait3A_99 = arith.constant 0 : i32
      %dma_wait3A_100 = tpu.memref_slice %arg10[%dma_wait3A_89, %dma_wait3A_98, %dma_wait3A_99] : memref<2x16x128xi32, #tpu.memory_space<vmem>> -> memref<1x16x128xi32, #tpu.memory_space<vmem>>
      %dma_wait3A_101 = tpu.memref_squeeze %dma_wait3A_100 : memref<1x16x128xi32, #tpu.memory_space<vmem>> -> memref<16x128xi32, #tpu.memory_space<vmem>>
      %dma_wait3A_102 = arith.constant 0 : i32
      %dma_wait3A_103 = arith.constant 0 : i32
      %dma_wait3A_104 = tpu.memref_slice %arg4[%add3A, %dma_wait3A_102, %dma_wait3A_103] : memref<32x80x128xi32, #tpu.memory_space<hbm>> -> memref<1x16x128xi32, #tpu.memory_space<hbm>>
      %dma_wait3A_105 = tpu.memref_squeeze %dma_wait3A_104 : memref<1x16x128xi32, #tpu.memory_space<hbm>> -> memref<16x128xi32, #tpu.memory_space<hbm>>
      tpu.wait_dma2 semaphore(%arg26 : memref<!tpu.dma_semaphore, #tpu.memory_space<semaphore_mem>>) src(%dma_wait3A_105 : memref<16x128xi32, #tpu.memory_space<hbm>>) dst(%dma_wait3A_101 : memref<16x128xi32, #tpu.memory_space<vmem>>)
      %add3A_106 = arith.constant 1 : i32
      %add3A_107 = arith.addi %scan3A_63, %add3A_106 : i32
      %lt3A_108 = arith.constant 5 : i32
      %lt3A_109 = arith.cmpi slt, %add3A_107, %lt3A_108 : i32
      %convert_element_type3A = arith.extui %lt3A_109 : i1 to i32
      %cond3A = arith.constant 0 : i32
      %cond3A_110 = arith.cmpi ne, %convert_element_type3A, %cond3A : i32
      scf.if %cond3A_110 {
        %add3A_1390 = arith.constant 1 : i32
        %add3A_1391 = arith.addi %scan3A_63, %add3A_1390 : i32
        %mul3A_1392 = arith.constant 16 : i32
        %mul3A_1393 = arith.muli %add3A_1391, %mul3A_1392 : i32
        %sub3A = arith.constant 1 : i32
        %sub3A_1394 = arith.subi %sub3A, %select_n3A_72 : i32
        %dma_start3A_1395 = arith.constant 0 : i32
        %dma_start3A_1396 = arith.constant 0 : i32
        %dma_start3A_1397 = tpu.memref_slice %arg9[%sub3A_1394, %dma_start3A_1395, %dma_start3A_1396] : memref<2x16x128xi32, #tpu.memory_space<vmem>> -> memref<1x16x128xi32, #tpu.memory_space<vmem>>
        %dma_start3A_1398 = tpu.memref_squeeze %dma_start3A_1397 : memref<1x16x128xi32, #tpu.memory_space<vmem>> -> memref<16x128xi32, #tpu.memory_space<vmem>>
        %dma_start3A_1399 = arith.constant 0 : i32
        %dma_start3A_1400 = tpu.memref_slice %arg3[%add3A, %mul3A_1393, %dma_start3A_1399] : memref<32x80x128xi32, #tpu.memory_space<hbm>> -> memref<1x16x128xi32, #tpu.memory_space<hbm>>
        %dma_start3A_1401 = tpu.memref_squeeze %dma_start3A_1400 : memref<1x16x128xi32, #tpu.memory_space<hbm>> -> memref<16x128xi32, #tpu.memory_space<hbm>>
        %dma_start3A_1402 = arith.constant 0 : i32
        %dma_start3A_1403 = arith.constant 0 : i32
        %dma_start3A_1404 = tpu.memref_slice %arg9[%sub3A_1394, %dma_start3A_1402, %dma_start3A_1403] : memref<2x16x128xi32, #tpu.memory_space<vmem>> -> memref<1x16x128xi32, #tpu.memory_space<vmem>>
        %dma_start3A_1405 = tpu.memref_squeeze %dma_start3A_1404 : memref<1x16x128xi32, #tpu.memory_space<vmem>> -> memref<16x128xi32, #tpu.memory_space<vmem>>
        %dma_start3A_1406 = arith.constant 0 : i32
        %dma_start3A_1407 = tpu.memref_slice %arg3[%add3A, %mul3A_1393, %dma_start3A_1406] : memref<32x80x128xi32, #tpu.memory_space<hbm>> -> memref<1x16x128xi32, #tpu.memory_space<hbm>>
        %dma_start3A_1408 = tpu.memref_squeeze %dma_start3A_1407 : memref<1x16x128xi32, #tpu.memory_space<hbm>> -> memref<16x128xi32, #tpu.memory_space<hbm>>
        tpu.enqueue_dma source(%dma_start3A_1408 : memref<16x128xi32, #tpu.memory_space<hbm>>) target(%dma_start3A_1405 : memref<16x128xi32, #tpu.memory_space<vmem>>) target_semaphore(%arg26 : memref<!tpu.dma_semaphore, #tpu.memory_space<semaphore_mem>>)
        %sub3A_1409 = arith.constant 1 : i32
        %sub3A_1410 = arith.subi %sub3A_1409, %select_n3A_72 : i32
        %dma_start3A_1411 = arith.constant 0 : i32
        %dma_start3A_1412 = arith.constant 0 : i32
        %dma_start3A_1413 = tpu.memref_slice %arg10[%sub3A_1410, %dma_start3A_1411, %dma_start3A_1412] : memref<2x16x128xi32, #tpu.memory_space<vmem>> -> memref<1x16x128xi32, #tpu.memory_space<vmem>>
        %dma_start3A_1414 = tpu.memref_squeeze %dma_start3A_1413 : memref<1x16x128xi32, #tpu.memory_space<vmem>> -> memref<16x128xi32, #tpu.memory_space<vmem>>
        %dma_start3A_1415 = arith.constant 0 : i32
        %dma_start3A_1416 = tpu.memref_slice %arg4[%add3A, %mul3A_1393, %dma_start3A_1415] : memref<32x80x128xi32, #tpu.memory_space<hbm>> -> memref<1x16x128xi32, #tpu.memory_space<hbm>>
        %dma_start3A_1417 = tpu.memref_squeeze %dma_start3A_1416 : memref<1x16x128xi32, #tpu.memory_space<hbm>> -> memref<16x128xi32, #tpu.memory_space<hbm>>
        %dma_start3A_1418 = arith.constant 0 : i32
        %dma_start3A_1419 = arith.constant 0 : i32
        %dma_start3A_1420 = tpu.memref_slice %arg10[%sub3A_1410, %dma_start3A_1418, %dma_start3A_1419] : memref<2x16x128xi32, #tpu.memory_space<vmem>> -> memref<1x16x128xi32, #tpu.memory_space<vmem>>
        %dma_start3A_1421 = tpu.memref_squeeze %dma_start3A_1420 : memref<1x16x128xi32, #tpu.memory_space<vmem>> -> memref<16x128xi32, #tpu.memory_space<vmem>>
        %dma_start3A_1422 = arith.constant 0 : i32
        %dma_start3A_1423 = tpu.memref_slice %arg4[%add3A, %mul3A_1393, %dma_start3A_1422] : memref<32x80x128xi32, #tpu.memory_space<hbm>> -> memref<1x16x128xi32, #tpu.memory_space<hbm>>
        %dma_start3A_1424 = tpu.memref_squeeze %dma_start3A_1423 : memref<1x16x128xi32, #tpu.memory_space<hbm>> -> memref<16x128xi32, #tpu.memory_space<hbm>>
        tpu.enqueue_dma source(%dma_start3A_1424 : memref<16x128xi32, #tpu.memory_space<hbm>>) target(%dma_start3A_1421 : memref<16x128xi32, #tpu.memory_space<vmem>>) target_semaphore(%arg26 : memref<!tpu.dma_semaphore, #tpu.memory_space<semaphore_mem>>)
      } else {
      }
      %dma_start3A_111 = arith.constant 0 : i32
      %dma_start3A_112 = arith.constant 0 : i32
      %dma_start3A_113 = arith.constant 0 : i32
      %dma_start3A_114 = tpu.memref_slice %arg11[%dma_start3A_112, %dma_start3A_113] : memref<768x128xbf16, #tpu.memory_space<vmem>> -> memref<128x128xbf16, #tpu.memory_space<vmem>>
      %dma_start3A_115 = arith.constant 0 : i32
      %dma_start3A_116 = tpu.memref_slice %arg9[%select_n3A_72, %dma_start3A_111, %dma_start3A_115] : memref<2x16x128xi32, #tpu.memory_space<vmem>> -> memref<1x1x128xi32, #tpu.memory_space<vmem>>
      %dma_start3A_117 = tpu.memref_squeeze %dma_start3A_116 : memref<1x1x128xi32, #tpu.memory_space<vmem>> -> memref<128xi32, #tpu.memory_space<vmem>>
      %dma_start3A_118 = arith.constant 0 : i32
      %dma_start3A_119 = arith.constant 0 : i32
      %dma_start3A_120 = tpu.memref_slice %arg2[%dma_start3A_118, %dma_start3A_119] : memref<10240x128xbf16, #tpu.memory_space<hbm>> -> memref<10240x128xbf16, #tpu.memory_space<hbm>>
      tpu.enqueue_indirect_dma source(%dma_start3A_120 : memref<10240x128xbf16, #tpu.memory_space<hbm>>) target(%dma_start3A_114 : memref<128x128xbf16, #tpu.memory_space<vmem>>) offsets(%dma_start3A_117 : memref<128xi32, #tpu.memory_space<vmem>>) semaphore(%arg14 : memref<!tpu.dma_semaphore, #tpu.memory_space<semaphore_mem>>)
      %dma_start3A_121 = arith.constant 1 : i32
      %dma_start3A_122 = arith.constant 128 : i32
      %dma_start3A_123 = arith.constant 0 : i32
      %dma_start3A_124 = tpu.memref_slice %arg11[%dma_start3A_122, %dma_start3A_123] : memref<768x128xbf16, #tpu.memory_space<vmem>> -> memref<128x128xbf16, #tpu.memory_space<vmem>>
      %dma_start3A_125 = arith.constant 0 : i32
      %dma_start3A_126 = tpu.memref_slice %arg9[%select_n3A_72, %dma_start3A_121, %dma_start3A_125] : memref<2x16x128xi32, #tpu.memory_space<vmem>> -> memref<1x1x128xi32, #tpu.memory_space<vmem>>
      %dma_start3A_127 = tpu.memref_squeeze %dma_start3A_126 : memref<1x1x128xi32, #tpu.memory_space<vmem>> -> memref<128xi32, #tpu.memory_space<vmem>>
      %dma_start3A_128 = arith.constant 0 : i32
      %dma_start3A_129 = arith.constant 0 : i32
      %dma_start3A_130 = tpu.memref_slice %arg2[%dma_start3A_128, %dma_start3A_129] : memref<10240x128xbf16, #tpu.memory_space<hbm>> -> memref<10240x128xbf16, #tpu.memory_space<hbm>>
      tpu.enqueue_indirect_dma source(%dma_start3A_130 : memref<10240x128xbf16, #tpu.memory_space<hbm>>) target(%dma_start3A_124 : memref<128x128xbf16, #tpu.memory_space<vmem>>) offsets(%dma_start3A_127 : memref<128xi32, #tpu.memory_space<vmem>>) semaphore(%arg15 : memref<!tpu.dma_semaphore, #tpu.memory_space<semaphore_mem>>)
      %dma_start3A_131 = arith.constant 2 : i32
      %dma_start3A_132 = arith.constant 256 : i32
      %dma_start3A_133 = arith.constant 0 : i32
      %dma_start3A_134 = tpu.memref_slice %arg11[%dma_start3A_132, %dma_start3A_133] : memref<768x128xbf16, #tpu.memory_space<vmem>> -> memref<128x128xbf16, #tpu.memory_space<vmem>>
      %dma_start3A_135 = arith.constant 0 : i32
      %dma_start3A_136 = tpu.memref_slice %arg9[%select_n3A_72, %dma_start3A_131, %dma_start3A_135] : memref<2x16x128xi32, #tpu.memory_space<vmem>> -> memref<1x1x128xi32, #tpu.memory_space<vmem>>
      %dma_start3A_137 = tpu.memref_squeeze %dma_start3A_136 : memref<1x1x128xi32, #tpu.memory_space<vmem>> -> memref<128xi32, #tpu.memory_space<vmem>>
      %dma_start3A_138 = arith.constant 0 : i32
      %dma_start3A_139 = arith.constant 0 : i32
      %dma_start3A_140 = tpu.memref_slice %arg2[%dma_start3A_138, %dma_start3A_139] : memref<10240x128xbf16, #tpu.memory_space<hbm>> -> memref<10240x128xbf16, #tpu.memory_space<hbm>>
      tpu.enqueue_indirect_dma source(%dma_start3A_140 : memref<10240x128xbf16, #tpu.memory_space<hbm>>) target(%dma_start3A_134 : memref<128x128xbf16, #tpu.memory_space<vmem>>) offsets(%dma_start3A_137 : memref<128xi32, #tpu.memory_space<vmem>>) semaphore(%arg16 : memref<!tpu.dma_semaphore, #tpu.memory_space<semaphore_mem>>)
      %dma_start3A_141 = arith.constant 3 : i32
      %dma_start3A_142 = arith.constant 384 : i32
      %dma_start3A_143 = arith.constant 0 : i32
      %dma_start3A_144 = tpu.memref_slice %arg11[%dma_start3A_142, %dma_start3A_143] : memref<768x128xbf16, #tpu.memory_space<vmem>> -> memref<128x128xbf16, #tpu.memory_space<vmem>>
      %dma_start3A_145 = arith.constant 0 : i32
      %dma_start3A_146 = tpu.memref_slice %arg9[%select_n3A_72, %dma_start3A_141, %dma_start3A_145] : memref<2x16x128xi32, #tpu.memory_space<vmem>> -> memref<1x1x128xi32, #tpu.memory_space<vmem>>
      %dma_start3A_147 = tpu.memref_squeeze %dma_start3A_146 : memref<1x1x128xi32, #tpu.memory_space<vmem>> -> memref<128xi32, #tpu.memory_space<vmem>>
      %dma_start3A_148 = arith.constant 0 : i32
      %dma_start3A_149 = arith.constant 0 : i32
      %dma_start3A_150 = tpu.memref_slice %arg2[%dma_start3A_148, %dma_start3A_149] : memref<10240x128xbf16, #tpu.memory_space<hbm>> -> memref<10240x128xbf16, #tpu.memory_space<hbm>>
      tpu.enqueue_indirect_dma source(%dma_start3A_150 : memref<10240x128xbf16, #tpu.memory_space<hbm>>) target(%dma_start3A_144 : memref<128x128xbf16, #tpu.memory_space<vmem>>) offsets(%dma_start3A_147 : memref<128xi32, #tpu.memory_space<vmem>>) semaphore(%arg17 : memref<!tpu.dma_semaphore, #tpu.memory_space<semaphore_mem>>)
      %dma_start3A_151 = arith.constant 4 : i32
      %dma_start3A_152 = arith.constant 512 : i32
      %dma_start3A_153 = arith.constant 0 : i32
      %dma_start3A_154 = tpu.memref_slice %arg11[%dma_start3A_152, %dma_start3A_153] : memref<768x128xbf16, #tpu.memory_space<vmem>> -> memref<128x128xbf16, #tpu.memory_space<vmem>>
      %dma_start3A_155 = arith.constant 0 : i32
      %dma_start3A_156 = tpu.memref_slice %arg9[%select_n3A_72, %dma_start3A_151, %dma_start3A_155] : memref<2x16x128xi32, #tpu.memory_space<vmem>> -> memref<1x1x128xi32, #tpu.memory_space<vmem>>
      %dma_start3A_157 = tpu.memref_squeeze %dma_start3A_156 : memref<1x1x128xi32, #tpu.memory_space<vmem>> -> memref<128xi32, #tpu.memory_space<vmem>>
      %dma_start3A_158 = arith.constant 0 : i32
      %dma_start3A_159 = arith.constant 0 : i32
      %dma_start3A_160 = tpu.memref_slice %arg2[%dma_start3A_158, %dma_start3A_159] : memref<10240x128xbf16, #tpu.memory_space<hbm>> -> memref<10240x128xbf16, #tpu.memory_space<hbm>>
      tpu.enqueue_indirect_dma source(%dma_start3A_160 : memref<10240x128xbf16, #tpu.memory_space<hbm>>) target(%dma_start3A_154 : memref<128x128xbf16, #tpu.memory_space<vmem>>) offsets(%dma_start3A_157 : memref<128xi32, #tpu.memory_space<vmem>>) semaphore(%arg18 : memref<!tpu.dma_semaphore, #tpu.memory_space<semaphore_mem>>)
      %dma_start3A_161 = arith.constant 5 : i32
      %dma_start3A_162 = arith.constant 640 : i32
      %dma_start3A_163 = arith.constant 0 : i32
      %dma_start3A_164 = tpu.memref_slice %arg11[%dma_start3A_162, %dma_start3A_163] : memref<768x128xbf16, #tpu.memory_space<vmem>> -> memref<128x128xbf16, #tpu.memory_space<vmem>>
      %dma_start3A_165 = arith.constant 0 : i32
      %dma_start3A_166 = tpu.memref_slice %arg9[%select_n3A_72, %dma_start3A_161, %dma_start3A_165] : memref<2x16x128xi32, #tpu.memory_space<vmem>> -> memref<1x1x128xi32, #tpu.memory_space<vmem>>
      %dma_start3A_167 = tpu.memref_squeeze %dma_start3A_166 : memref<1x1x128xi32, #tpu.memory_space<vmem>> -> memref<128xi32, #tpu.memory_space<vmem>>
      %dma_start3A_168 = arith.constant 0 : i32
      %dma_start3A_169 = arith.constant 0 : i32
      %dma_start3A_170 = tpu.memref_slice %arg2[%dma_start3A_168, %dma_start3A_169] : memref<10240x128xbf16, #tpu.memory_space<hbm>> -> memref<10240x128xbf16, #tpu.memory_space<hbm>>
      tpu.enqueue_indirect_dma source(%dma_start3A_170 : memref<10240x128xbf16, #tpu.memory_space<hbm>>) target(%dma_start3A_164 : memref<128x128xbf16, #tpu.memory_space<vmem>>) offsets(%dma_start3A_167 : memref<128xi32, #tpu.memory_space<vmem>>) semaphore(%arg19 : memref<!tpu.dma_semaphore, #tpu.memory_space<semaphore_mem>>)
      %dma_wait3A_171 = arith.constant 0 : i32
      %dma_wait3A_172 = arith.constant 0 : i32
      %dma_wait3A_173 = arith.constant 0 : i32
      %dma_wait3A_174 = tpu.memref_slice %arg11[%dma_wait3A_172, %dma_wait3A_173] : memref<768x128xbf16, #tpu.memory_space<vmem>> -> memref<128x128xbf16, #tpu.memory_space<vmem>>
      %dma_wait3A_175 = arith.constant 0 : i32
      %dma_wait3A_176 = tpu.memref_slice %arg9[%select_n3A_72, %dma_wait3A_171, %dma_wait3A_175] : memref<2x16x128xi32, #tpu.memory_space<vmem>> -> memref<1x1x128xi32, #tpu.memory_space<vmem>>
      %dma_wait3A_177 = tpu.memref_squeeze %dma_wait3A_176 : memref<1x1x128xi32, #tpu.memory_space<vmem>> -> memref<128xi32, #tpu.memory_space<vmem>>
      %dma_wait3A_178 = arith.constant 0 : i32
      %dma_wait3A_179 = arith.constant 0 : i32
      %dma_wait3A_180 = tpu.memref_slice %arg2[%dma_wait3A_178, %dma_wait3A_179] : memref<10240x128xbf16, #tpu.memory_space<hbm>> -> memref<10240x128xbf16, #tpu.memory_space<hbm>>
      tpu.wait_indirect_dma semaphore(%arg14 : memref<!tpu.dma_semaphore, #tpu.memory_space<semaphore_mem>>) src(%dma_wait3A_180 : memref<10240x128xbf16, #tpu.memory_space<hbm>>) dst(%dma_wait3A_174 : memref<128x128xbf16, #tpu.memory_space<vmem>>)
      %dma_start3A_181 = arith.constant 0 : i32
      %dma_start3A_182 = arith.constant 0 : i32
      %dma_start3A_183 = arith.constant 0 : i32
      %dma_start3A_184 = tpu.memref_slice %arg11[%dma_start3A_182, %dma_start3A_183] : memref<768x128xbf16, #tpu.memory_space<vmem>> -> memref<128x128xbf16, #tpu.memory_space<vmem>>
      %dma_start3A_185 = arith.constant 0 : i32
      %dma_start3A_186 = tpu.memref_slice %arg10[%select_n3A_72, %dma_start3A_181, %dma_start3A_185] : memref<2x16x128xi32, #tpu.memory_space<vmem>> -> memref<1x1x128xi32, #tpu.memory_space<vmem>>
      %dma_start3A_187 = tpu.memref_squeeze %dma_start3A_186 : memref<1x1x128xi32, #tpu.memory_space<vmem>> -> memref<128xi32, #tpu.memory_space<vmem>>
      %dma_start3A_188 = arith.constant 0 : i32
      %dma_start3A_189 = arith.constant 0 : i32
      %dma_start3A_190 = tpu.memref_slice %arg13[%dma_start3A_188, %dma_start3A_189] : memref<10240x128xbf16, #tpu.memory_space<vmem_shared>> -> memref<10240x128xbf16, #tpu.memory_space<vmem_shared>>
      tpu.enqueue_indirect_dma source(%dma_start3A_184 : memref<128x128xbf16, #tpu.memory_space<vmem>>) target(%dma_start3A_190 : memref<10240x128xbf16, #tpu.memory_space<vmem_shared>>) offsets(%dma_start3A_187 : memref<128xi32, #tpu.memory_space<vmem>>) semaphore(%arg20 : memref<!tpu.dma_semaphore, #tpu.memory_space<semaphore_mem>>) {add = true}
      %get3A = arith.constant 0 : i32
      %get3A_191 = arith.index_cast %select_n3A_72 : i32 to index
      %get3A_192 = arith.index_cast %get3A : i32 to index
      %get3A_193 = arith.constant 0 : index
      %get3A_194 = tpu.vector_load %arg10[%get3A_191, %get3A_192, %get3A_193] {strides = array<i32>} : memref<2x16x128xi32, #tpu.memory_space<vmem>>, vector<16xi32>,
      tpu.vector_store_idx %arg12[%get3A_194], %broadcast_in_dim3A_13 {add = true} : memref<10240xf32, #tpu.memory_space<vmem>>[vector<16xi32>], vector<16xf32>,
      %get3A_195 = arith.constant 0 : i32
      %get3A_196 = arith.index_cast %select_n3A_72 : i32 to index
      %get3A_197 = arith.index_cast %get3A_195 : i32 to index
      %get3A_198 = arith.constant 16 : index
      %get3A_199 = tpu.vector_load %arg10[%get3A_196, %get3A_197, %get3A_198] {strides = array<i32>} : memref<2x16x128xi32, #tpu.memory_space<vmem>>, vector<16xi32>,
      tpu.vector_store_idx %arg12[%get3A_199], %broadcast_in_dim3A_13 {add = true} : memref<10240xf32, #tpu.memory_space<vmem>>[vector<16xi32>], vector<16xf32>,
      %get3A_200 = arith.constant 0 : i32
      %get3A_201 = arith.index_cast %select_n3A_72 : i32 to index
      %get3A_202 = arith.index_cast %get3A_200 : i32 to index
      %get3A_203 = arith.constant 32 : index
      %get3A_204 = tpu.vector_load %arg10[%get3A_201, %get3A_202, %get3A_203] {strides = array<i32>} : memref<2x16x128xi32, #tpu.memory_space<vmem>>, vector<16xi32>,
      tpu.vector_store_idx %arg12[%get3A_204], %broadcast_in_dim3A_13 {add = true} : memref<10240xf32, #tpu.memory_space<vmem>>[vector<16xi32>], vector<16xf32>,
      %get3A_205 = arith.constant 0 : i32
      %get3A_206 = arith.index_cast %select_n3A_72 : i32 to index
      %get3A_207 = arith.index_cast %get3A_205 : i32 to index
      %get3A_208 = arith.constant 48 : index
      %get3A_209 = tpu.vector_load %arg10[%get3A_206, %get3A_207, %get3A_208] {strides = array<i32>} : memref<2x16x128xi32, #tpu.memory_space<vmem>>, vector<16xi32>,
      tpu.vector_store_idx %arg12[%get3A_209], %broadcast_in_dim3A_13 {add = true} : memref<10240xf32, #tpu.memory_space<vmem>>[vector<16xi32>], vector<16xf32>,
      %get3A_210 = arith.constant 0 : i32
      %get3A_211 = arith.index_cast %select_n3A_72 : i32 to index
      %get3A_212 = arith.index_cast %get3A_210 : i32 to index
      %get3A_213 = arith.constant 64 : index
      %get3A_214 = tpu.vector_load %arg10[%get3A_211, %get3A_212, %get3A_213] {strides = array<i32>} : memref<2x16x128xi32, #tpu.memory_space<vmem>>, vector<16xi32>,
      tpu.vector_store_idx %arg12[%get3A_214], %broadcast_in_dim3A_13 {add = true} : memref<10240xf32, #tpu.memory_space<vmem>>[vector<16xi32>], vector<16xf32>,
      %get3A_215 = arith.constant 0 : i32
      %get3A_216 = arith.index_cast %select_n3A_72 : i32 to index
      %get3A_217 = arith.index_cast %get3A_215 : i32 to index
      %get3A_218 = arith.constant 80 : index
      %get3A_219 = tpu.vector_load %arg10[%get3A_216, %get3A_217, %get3A_218] {strides = array<i32>} : memref<2x16x128xi32, #tpu.memory_space<vmem>>, vector<16xi32>,
      tpu.vector_store_idx %arg12[%get3A_219], %broadcast_in_dim3A_13 {add = true} : memref<10240xf32, #tpu.memory_space<vmem>>[vector<16xi32>], vector<16xf32>,
      %get3A_220 = arith.constant 0 : i32
      %get3A_221 = arith.index_cast %select_n3A_72 : i32 to index
      %get3A_222 = arith.index_cast %get3A_220 : i32 to index
      %get3A_223 = arith.constant 96 : index
      %get3A_224 = tpu.vector_load %arg10[%get3A_221, %get3A_222, %get3A_223] {strides = array<i32>} : memref<2x16x128xi32, #tpu.memory_space<vmem>>, vector<16xi32>,
      tpu.vector_store_idx %arg12[%get3A_224], %broadcast_in_dim3A_13 {add = true} : memref<10240xf32, #tpu.memory_space<vmem>>[vector<16xi32>], vector<16xf32>,
      %get3A_225 = arith.constant 0 : i32
      %get3A_226 = arith.index_cast %select_n3A_72 : i32 to index
      %get3A_227 = arith.index_cast %get3A_225 : i32 to index
      %get3A_228 = arith.constant 112 : index
      %get3A_229 = tpu.vector_load %arg10[%get3A_226, %get3A_227, %get3A_228] {strides = array<i32>} : memref<2x16x128xi32, #tpu.memory_space<vmem>>, vector<16xi32>,
      tpu.vector_store_idx %arg12[%get3A_229], %broadcast_in_dim3A_13 {add = true} : memref<10240xf32, #tpu.memory_space<vmem>>[vector<16xi32>], vector<16xf32>,
      %dma_wait3A_230 = arith.constant 0 : i32
      %dma_wait3A_231 = arith.constant 0 : i32
      %dma_wait3A_232 = arith.constant 0 : i32
      %dma_wait3A_233 = tpu.memref_slice %arg11[%dma_wait3A_231, %dma_wait3A_232] : memref<768x128xbf16, #tpu.memory_space<vmem>> -> memref<128x128xbf16, #tpu.memory_space<vmem>>
      %dma_wait3A_234 = arith.constant 0 : i32
      %dma_wait3A_235 = tpu.memref_slice %arg10[%select_n3A_72, %dma_wait3A_230, %dma_wait3A_234] : memref<2x16x128xi32, #tpu.memory_space<vmem>> -> memref<1x1x128xi32, #tpu.memory_space<vmem>>
      %dma_wait3A_236 = tpu.memref_squeeze %dma_wait3A_235 : memref<1x1x128xi32, #tpu.memory_space<vmem>> -> memref<128xi32, #tpu.memory_space<vmem>>
      %dma_wait3A_237 = arith.constant 0 : i32
      %dma_wait3A_238 = arith.constant 0 : i32
      %dma_wait3A_239 = tpu.memref_slice %arg13[%dma_wait3A_237, %dma_wait3A_238] : memref<10240x128xbf16, #tpu.memory_space<vmem_shared>> -> memref<10240x128xbf16, #tpu.memory_space<vmem_shared>>
      tpu.wait_indirect_dma semaphore(%arg20 : memref<!tpu.dma_semaphore, #tpu.memory_space<semaphore_mem>>) src(%dma_wait3A_233 : memref<128x128xbf16, #tpu.memory_space<vmem>>) dst(%dma_wait3A_239 : memref<10240x128xbf16, #tpu.memory_space<vmem_shared>>)
      %dma_start3A_240 = arith.constant 6 : i32
      %dma_start3A_241 = arith.constant 0 : i32
      %dma_start3A_242 = arith.constant 0 : i32
      %dma_start3A_243 = tpu.memref_slice %arg11[%dma_start3A_241, %dma_start3A_242] : memref<768x128xbf16, #tpu.memory_space<vmem>> -> memref<128x128xbf16, #tpu.memory_space<vmem>>
      %dma_start3A_244 = arith.constant 0 : i32
      %dma_start3A_245 = tpu.memref_slice %arg9[%select_n3A_72, %dma_start3A_240, %dma_start3A_244] : memref<2x16x128xi32, #tpu.memory_space<vmem>> -> memref<1x1x128xi32, #tpu.memory_space<vmem>>
      %dma_start3A_246 = tpu.memref_squeeze %dma_start3A_245 : memref<1x1x128xi32, #tpu.memory_space<vmem>> -> memref<128xi32, #tpu.memory_space<vmem>>
      %dma_start3A_247 = arith.constant 0 : i32
      %dma_start3A_248 = arith.constant 0 : i32
      %dma_start3A_249 = tpu.memref_slice %arg2[%dma_start3A_247, %dma_start3A_248] : memref<10240x128xbf16, #tpu.memory_space<hbm>> -> memref<10240x128xbf16, #tpu.memory_space<hbm>>
      tpu.enqueue_indirect_dma source(%dma_start3A_249 : memref<10240x128xbf16, #tpu.memory_space<hbm>>) target(%dma_start3A_243 : memref<128x128xbf16, #tpu.memory_space<vmem>>) offsets(%dma_start3A_246 : memref<128xi32, #tpu.memory_space<vmem>>) semaphore(%arg14 : memref<!tpu.dma_semaphore, #tpu.memory_space<semaphore_mem>>)
      %dma_wait3A_250 = arith.constant 1 : i32
      %dma_wait3A_251 = arith.constant 128 : i32
      %dma_wait3A_252 = arith.constant 0 : i32
      %dma_wait3A_253 = tpu.memref_slice %arg11[%dma_wait3A_251, %dma_wait3A_252] : memref<768x128xbf16, #tpu.memory_space<vmem>> -> memref<128x128xbf16, #tpu.memory_space<vmem>>
      %dma_wait3A_254 = arith.constant 0 : i32
      %dma_wait3A_255 = tpu.memref_slice %arg9[%select_n3A_72, %dma_wait3A_250, %dma_wait3A_254] : memref<2x16x128xi32, #tpu.memory_space<vmem>> -> memref<1x1x128xi32, #tpu.memory_space<vmem>>
      %dma_wait3A_256 = tpu.memref_squeeze %dma_wait3A_255 : memref<1x1x128xi32, #tpu.memory_space<vmem>> -> memref<128xi32, #tpu.memory_space<vmem>>
      %dma_wait3A_257 = arith.constant 0 : i32
      %dma_wait3A_258 = arith.constant 0 : i32
      %dma_wait3A_259 = tpu.memref_slice %arg2[%dma_wait3A_257, %dma_wait3A_258] : memref<10240x128xbf16, #tpu.memory_space<hbm>> -> memref<10240x128xbf16, #tpu.memory_space<hbm>>
      tpu.wait_indirect_dma semaphore(%arg15 : memref<!tpu.dma_semaphore, #tpu.memory_space<semaphore_mem>>) src(%dma_wait3A_259 : memref<10240x128xbf16, #tpu.memory_space<hbm>>) dst(%dma_wait3A_253 : memref<128x128xbf16, #tpu.memory_space<vmem>>)
      %dma_start3A_260 = arith.constant 1 : i32
      %dma_start3A_261 = arith.constant 128 : i32
      %dma_start3A_262 = arith.constant 0 : i32
      %dma_start3A_263 = tpu.memref_slice %arg11[%dma_start3A_261, %dma_start3A_262] : memref<768x128xbf16, #tpu.memory_space<vmem>> -> memref<128x128xbf16, #tpu.memory_space<vmem>>
      %dma_start3A_264 = arith.constant 0 : i32
      %dma_start3A_265 = tpu.memref_slice %arg10[%select_n3A_72, %dma_start3A_260, %dma_start3A_264] : memref<2x16x128xi32, #tpu.memory_space<vmem>> -> memref<1x1x128xi32, #tpu.memory_space<vmem>>
      %dma_start3A_266 = tpu.memref_squeeze %dma_start3A_265 : memref<1x1x128xi32, #tpu.memory_space<vmem>> -> memref<128xi32, #tpu.memory_space<vmem>>
      %dma_start3A_267 = arith.constant 0 : i32
      %dma_start3A_268 = arith.constant 0 : i32
      %dma_start3A_269 = tpu.memref_slice %arg13[%dma_start3A_267, %dma_start3A_268] : memref<10240x128xbf16, #tpu.memory_space<vmem_shared>> -> memref<10240x128xbf16, #tpu.memory_space<vmem_shared>>
      tpu.enqueue_indirect_dma source(%dma_start3A_263 : memref<128x128xbf16, #tpu.memory_space<vmem>>) target(%dma_start3A_269 : memref<10240x128xbf16, #tpu.memory_space<vmem_shared>>) offsets(%dma_start3A_266 : memref<128xi32, #tpu.memory_space<vmem>>) semaphore(%arg21 : memref<!tpu.dma_semaphore, #tpu.memory_space<semaphore_mem>>) {add = true}
      %get3A_270 = arith.constant 1 : i32
      %get3A_271 = arith.index_cast %select_n3A_72 : i32 to index
      %get3A_272 = arith.index_cast %get3A_270 : i32 to index
      %get3A_273 = arith.constant 0 : index
      %get3A_274 = tpu.vector_load %arg10[%get3A_271, %get3A_272, %get3A_273] {strides = array<i32>} : memref<2x16x128xi32, #tpu.memory_space<vmem>>, vector<16xi32>,
      tpu.vector_store_idx %arg12[%get3A_274], %broadcast_in_dim3A_13 {add = true} : memref<10240xf32, #tpu.memory_space<vmem>>[vector<16xi32>], vector<16xf32>,
      %get3A_275 = arith.constant 1 : i32
      %get3A_276 = arith.index_cast %select_n3A_72 : i32 to index
      %get3A_277 = arith.index_cast %get3A_275 : i32 to index
      %get3A_278 = arith.constant 16 : index
      %get3A_279 = tpu.vector_load %arg10[%get3A_276, %get3A_277, %get3A_278] {strides = array<i32>} : memref<2x16x128xi32, #tpu.memory_space<vmem>>, vector<16xi32>,
      tpu.vector_store_idx %arg12[%get3A_279], %broadcast_in_dim3A_13 {add = true} : memref<10240xf32, #tpu.memory_space<vmem>>[vector<16xi32>], vector<16xf32>,
      %get3A_280 = arith.constant 1 : i32
      %get3A_281 = arith.index_cast %select_n3A_72 : i32 to index
      %get3A_282 = arith.index_cast %get3A_280 : i32 to index
      %get3A_283 = arith.constant 32 : index
      %get3A_284 = tpu.vector_load %arg10[%get3A_281, %get3A_282, %get3A_283] {strides = array<i32>} : memref<2x16x128xi32, #tpu.memory_space<vmem>>, vector<16xi32>,
      tpu.vector_store_idx %arg12[%get3A_284], %broadcast_in_dim3A_13 {add = true} : memref<10240xf32, #tpu.memory_space<vmem>>[vector<16xi32>], vector<16xf32>,
      %get3A_285 = arith.constant 1 : i32
      %get3A_286 = arith.index_cast %select_n3A_72 : i32 to index
      %get3A_287 = arith.index_cast %get3A_285 : i32 to index
      %get3A_288 = arith.constant 48 : index
      %get3A_289 = tpu.vector_load %arg10[%get3A_286, %get3A_287, %get3A_288] {strides = array<i32>} : memref<2x16x128xi32, #tpu.memory_space<vmem>>, vector<16xi32>,
      tpu.vector_store_idx %arg12[%get3A_289], %broadcast_in_dim3A_13 {add = true} : memref<10240xf32, #tpu.memory_space<vmem>>[vector<16xi32>], vector<16xf32>,
      %get3A_290 = arith.constant 1 : i32
      %get3A_291 = arith.index_cast %select_n3A_72 : i32 to index
      %get3A_292 = arith.index_cast %get3A_290 : i32 to index
      %get3A_293 = arith.constant 64 : index
      %get3A_294 = tpu.vector_load %arg10[%get3A_291, %get3A_292, %get3A_293] {strides = array<i32>} : memref<2x16x128xi32, #tpu.memory_space<vmem>>, vector<16xi32>,
      tpu.vector_store_idx %arg12[%get3A_294], %broadcast_in_dim3A_13 {add = true} : memref<10240xf32, #tpu.memory_space<vmem>>[vector<16xi32>], vector<16xf32>,
      %get3A_295 = arith.constant 1 : i32
      %get3A_296 = arith.index_cast %select_n3A_72 : i32 to index
      %get3A_297 = arith.index_cast %get3A_295 : i32 to index
      %get3A_298 = arith.constant 80 : index
      %get3A_299 = tpu.vector_load %arg10[%get3A_296, %get3A_297, %get3A_298] {strides = array<i32>} : memref<2x16x128xi32, #tpu.memory_space<vmem>>, vector<16xi32>,
      tpu.vector_store_idx %arg12[%get3A_299], %broadcast_in_dim3A_13 {add = true} : memref<10240xf32, #tpu.memory_space<vmem>>[vector<16xi32>], vector<16xf32>,
      %get3A_300 = arith.constant 1 : i32
      %get3A_301 = arith.index_cast %select_n3A_72 : i32 to index
      %get3A_302 = arith.index_cast %get3A_300 : i32 to index
      %get3A_303 = arith.constant 96 : index
      %get3A_304 = tpu.vector_load %arg10[%get3A_301, %get3A_302, %get3A_303] {strides = array<i32>} : memref<2x16x128xi32, #tpu.memory_space<vmem>>, vector<16xi32>,
      tpu.vector_store_idx %arg12[%get3A_304], %broadcast_in_dim3A_13 {add = true} : memref<10240xf32, #tpu.memory_space<vmem>>[vector<16xi32>], vector<16xf32>,
      %get3A_305 = arith.constant 1 : i32
      %get3A_306 = arith.index_cast %select_n3A_72 : i32 to index
      %get3A_307 = arith.index_cast %get3A_305 : i32 to index
      %get3A_308 = arith.constant 112 : index
      %get3A_309 = tpu.vector_load %arg10[%get3A_306, %get3A_307, %get3A_308] {strides = array<i32>} : memref<2x16x128xi32, #tpu.memory_space<vmem>>, vector<16xi32>,
      tpu.vector_store_idx %arg12[%get3A_309], %broadcast_in_dim3A_13 {add = true} : memref<10240xf32, #tpu.memory_space<vmem>>[vector<16xi32>], vector<16xf32>,
      %dma_wait3A_310 = arith.constant 1 : i32
      %dma_wait3A_311 = arith.constant 128 : i32
      %dma_wait3A_312 = arith.constant 0 : i32
      %dma_wait3A_313 = tpu.memref_slice %arg11[%dma_wait3A_311, %dma_wait3A_312] : memref<768x128xbf16, #tpu.memory_space<vmem>> -> memref<128x128xbf16, #tpu.memory_space<vmem>>
      %dma_wait3A_314 = arith.constant 0 : i32
      %dma_wait3A_315 = tpu.memref_slice %arg10[%select_n3A_72, %dma_wait3A_310, %dma_wait3A_314] : memref<2x16x128xi32, #tpu.memory_space<vmem>> -> memref<1x1x128xi32, #tpu.memory_space<vmem>>
      %dma_wait3A_316 = tpu.memref_squeeze %dma_wait3A_315 : memref<1x1x128xi32, #tpu.memory_space<vmem>> -> memref<128xi32, #tpu.memory_space<vmem>>
      %dma_wait3A_317 = arith.constant 0 : i32
      %dma_wait3A_318 = arith.constant 0 : i32
      %dma_wait3A_319 = tpu.memref_slice %arg13[%dma_wait3A_317, %dma_wait3A_318] : memref<10240x128xbf16, #tpu.memory_space<vmem_shared>> -> memref<10240x128xbf16, #tpu.memory_space<vmem_shared>>
      tpu.wait_indirect_dma semaphore(%arg21 : memref<!tpu.dma_semaphore, #tpu.memory_space<semaphore_mem>>) src(%dma_wait3A_313 : memref<128x128xbf16, #tpu.memory_space<vmem>>) dst(%dma_wait3A_319 : memref<10240x128xbf16, #tpu.memory_space<vmem_shared>>)
      %dma_start3A_320 = arith.constant 7 : i32
      %dma_start3A_321 = arith.constant 128 : i32
      %dma_start3A_322 = arith.constant 0 : i32
      %dma_start3A_323 = tpu.memref_slice %arg11[%dma_start3A_321, %dma_start3A_322] : memref<768x128xbf16, #tpu.memory_space<vmem>> -> memref<128x128xbf16, #tpu.memory_space<vmem>>
      %dma_start3A_324 = arith.constant 0 : i32
      %dma_start3A_325 = tpu.memref_slice %arg9[%select_n3A_72, %dma_start3A_320, %dma_start3A_324] : memref<2x16x128xi32, #tpu.memory_space<vmem>> -> memref<1x1x128xi32, #tpu.memory_space<vmem>>
      %dma_start3A_326 = tpu.memref_squeeze %dma_start3A_325 : memref<1x1x128xi32, #tpu.memory_space<vmem>> -> memref<128xi32, #tpu.memory_space<vmem>>
      %dma_start3A_327 = arith.constant 0 : i32
      %dma_start3A_328 = arith.constant 0 : i32
      %dma_start3A_329 = tpu.memref_slice %arg2[%dma_start3A_327, %dma_start3A_328] : memref<10240x128xbf16, #tpu.memory_space<hbm>> -> memref<10240x128xbf16, #tpu.memory_space<hbm>>
      tpu.enqueue_indirect_dma source(%dma_start3A_329 : memref<10240x128xbf16, #tpu.memory_space<hbm>>) target(%dma_start3A_323 : memref<128x128xbf16, #tpu.memory_space<vmem>>) offsets(%dma_start3A_326 : memref<128xi32, #tpu.memory_space<vmem>>) semaphore(%arg15 : memref<!tpu.dma_semaphore, #tpu.memory_space<semaphore_mem>>)
      %dma_wait3A_330 = arith.constant 2 : i32
      %dma_wait3A_331 = arith.constant 256 : i32
      %dma_wait3A_332 = arith.constant 0 : i32
      %dma_wait3A_333 = tpu.memref_slice %arg11[%dma_wait3A_331, %dma_wait3A_332] : memref<768x128xbf16, #tpu.memory_space<vmem>> -> memref<128x128xbf16, #tpu.memory_space<vmem>>
      %dma_wait3A_334 = arith.constant 0 : i32
      %dma_wait3A_335 = tpu.memref_slice %arg9[%select_n3A_72, %dma_wait3A_330, %dma_wait3A_334] : memref<2x16x128xi32, #tpu.memory_space<vmem>> -> memref<1x1x128xi32, #tpu.memory_space<vmem>>
      %dma_wait3A_336 = tpu.memref_squeeze %dma_wait3A_335 : memref<1x1x128xi32, #tpu.memory_space<vmem>> -> memref<128xi32, #tpu.memory_space<vmem>>
      %dma_wait3A_337 = arith.constant 0 : i32
      %dma_wait3A_338 = arith.constant 0 : i32
      %dma_wait3A_339 = tpu.memref_slice %arg2[%dma_wait3A_337, %dma_wait3A_338] : memref<10240x128xbf16, #tpu.memory_space<hbm>> -> memref<10240x128xbf16, #tpu.memory_space<hbm>>
      tpu.wait_indirect_dma semaphore(%arg16 : memref<!tpu.dma_semaphore, #tpu.memory_space<semaphore_mem>>) src(%dma_wait3A_339 : memref<10240x128xbf16, #tpu.memory_space<hbm>>) dst(%dma_wait3A_333 : memref<128x128xbf16, #tpu.memory_space<vmem>>)
      %dma_start3A_340 = arith.constant 2 : i32
      %dma_start3A_341 = arith.constant 256 : i32
      %dma_start3A_342 = arith.constant 0 : i32
      %dma_start3A_343 = tpu.memref_slice %arg11[%dma_start3A_341, %dma_start3A_342] : memref<768x128xbf16, #tpu.memory_space<vmem>> -> memref<128x128xbf16, #tpu.memory_space<vmem>>
      %dma_start3A_344 = arith.constant 0 : i32
      %dma_start3A_345 = tpu.memref_slice %arg10[%select_n3A_72, %dma_start3A_340, %dma_start3A_344] : memref<2x16x128xi32, #tpu.memory_space<vmem>> -> memref<1x1x128xi32, #tpu.memory_space<vmem>>
      %dma_start3A_346 = tpu.memref_squeeze %dma_start3A_345 : memref<1x1x128xi32, #tpu.memory_space<vmem>> -> memref<128xi32, #tpu.memory_space<vmem>>
      %dma_start3A_347 = arith.constant 0 : i32
      %dma_start3A_348 = arith.constant 0 : i32
      %dma_start3A_349 = tpu.memref_slice %arg13[%dma_start3A_347, %dma_start3A_348] : memref<10240x128xbf16, #tpu.memory_space<vmem_shared>> -> memref<10240x128xbf16, #tpu.memory_space<vmem_shared>>
      tpu.enqueue_indirect_dma source(%dma_start3A_343 : memref<128x128xbf16, #tpu.memory_space<vmem>>) target(%dma_start3A_349 : memref<10240x128xbf16, #tpu.memory_space<vmem_shared>>) offsets(%dma_start3A_346 : memref<128xi32, #tpu.memory_space<vmem>>) semaphore(%arg22 : memref<!tpu.dma_semaphore, #tpu.memory_space<semaphore_mem>>) {add = true}
      %get3A_350 = arith.constant 2 : i32
      %get3A_351 = arith.index_cast %select_n3A_72 : i32 to index
      %get3A_352 = arith.index_cast %get3A_350 : i32 to index
      %get3A_353 = arith.constant 0 : index
      %get3A_354 = tpu.vector_load %arg10[%get3A_351, %get3A_352, %get3A_353] {strides = array<i32>} : memref<2x16x128xi32, #tpu.memory_space<vmem>>, vector<16xi32>,
      tpu.vector_store_idx %arg12[%get3A_354], %broadcast_in_dim3A_13 {add = true} : memref<10240xf32, #tpu.memory_space<vmem>>[vector<16xi32>], vector<16xf32>,
      %get3A_355 = arith.constant 2 : i32
      %get3A_356 = arith.index_cast %select_n3A_72 : i32 to index
      %get3A_357 = arith.index_cast %get3A_355 : i32 to index
      %get3A_358 = arith.constant 16 : index
      %get3A_359 = tpu.vector_load %arg10[%get3A_356, %get3A_357, %get3A_358] {strides = array<i32>} : memref<2x16x128xi32, #tpu.memory_space<vmem>>, vector<16xi32>,
      tpu.vector_store_idx %arg12[%get3A_359], %broadcast_in_dim3A_13 {add = true} : memref<10240xf32, #tpu.memory_space<vmem>>[vector<16xi32>], vector<16xf32>,
      %get3A_360 = arith.constant 2 : i32
      %get3A_361 = arith.index_cast %select_n3A_72 : i32 to index
      %get3A_362 = arith.index_cast %get3A_360 : i32 to index
      %get3A_363 = arith.constant 32 : index
      %get3A_364 = tpu.vector_load %arg10[%get3A_361, %get3A_362, %get3A_363] {strides = array<i32>} : memref<2x16x128xi32, #tpu.memory_space<vmem>>, vector<16xi32>,
      tpu.vector_store_idx %arg12[%get3A_364], %broadcast_in_dim3A_13 {add = true} : memref<10240xf32, #tpu.memory_space<vmem>>[vector<16xi32>], vector<16xf32>,
      %get3A_365 = arith.constant 2 : i32
      %get3A_366 = arith.index_cast %select_n3A_72 : i32 to index
      %get3A_367 = arith.index_cast %get3A_365 : i32 to index
      %get3A_368 = arith.constant 48 : index
      %get3A_369 = tpu.vector_load %arg10[%get3A_366, %get3A_367, %get3A_368] {strides = array<i32>} : memref<2x16x128xi32, #tpu.memory_space<vmem>>, vector<16xi32>,
      tpu.vector_store_idx %arg12[%get3A_369], %broadcast_in_dim3A_13 {add = true} : memref<10240xf32, #tpu.memory_space<vmem>>[vector<16xi32>], vector<16xf32>,
      %get3A_370 = arith.constant 2 : i32
      %get3A_371 = arith.index_cast %select_n3A_72 : i32 to index
      %get3A_372 = arith.index_cast %get3A_370 : i32 to index
      %get3A_373 = arith.constant 64 : index
      %get3A_374 = tpu.vector_load %arg10[%get3A_371, %get3A_372, %get3A_373] {strides = array<i32>} : memref<2x16x128xi32, #tpu.memory_space<vmem>>, vector<16xi32>,
      tpu.vector_store_idx %arg12[%get3A_374], %broadcast_in_dim3A_13 {add = true} : memref<10240xf32, #tpu.memory_space<vmem>>[vector<16xi32>], vector<16xf32>,
      %get3A_375 = arith.constant 2 : i32
      %get3A_376 = arith.index_cast %select_n3A_72 : i32 to index
      %get3A_377 = arith.index_cast %get3A_375 : i32 to index
      %get3A_378 = arith.constant 80 : index
      %get3A_379 = tpu.vector_load %arg10[%get3A_376, %get3A_377, %get3A_378] {strides = array<i32>} : memref<2x16x128xi32, #tpu.memory_space<vmem>>, vector<16xi32>,
      tpu.vector_store_idx %arg12[%get3A_379], %broadcast_in_dim3A_13 {add = true} : memref<10240xf32, #tpu.memory_space<vmem>>[vector<16xi32>], vector<16xf32>,
      %get3A_380 = arith.constant 2 : i32
      %get3A_381 = arith.index_cast %select_n3A_72 : i32 to index
      %get3A_382 = arith.index_cast %get3A_380 : i32 to index
      %get3A_383 = arith.constant 96 : index
      %get3A_384 = tpu.vector_load %arg10[%get3A_381, %get3A_382, %get3A_383] {strides = array<i32>} : memref<2x16x128xi32, #tpu.memory_space<vmem>>, vector<16xi32>,
      tpu.vector_store_idx %arg12[%get3A_384], %broadcast_in_dim3A_13 {add = true} : memref<10240xf32, #tpu.memory_space<vmem>>[vector<16xi32>], vector<16xf32>,
      %get3A_385 = arith.constant 2 : i32
      %get3A_386 = arith.index_cast %select_n3A_72 : i32 to index
      %get3A_387 = arith.index_cast %get3A_385 : i32 to index
      %get3A_388 = arith.constant 112 : index
      %get3A_389 = tpu.vector_load %arg10[%get3A_386, %get3A_387, %get3A_388] {strides = array<i32>} : memref<2x16x128xi32, #tpu.memory_space<vmem>>, vector<16xi32>,
      tpu.vector_store_idx %arg12[%get3A_389], %broadcast_in_dim3A_13 {add = true} : memref<10240xf32, #tpu.memory_space<vmem>>[vector<16xi32>], vector<16xf32>,
      %dma_wait3A_390 = arith.constant 2 : i32
      %dma_wait3A_391 = arith.constant 256 : i32
      %dma_wait3A_392 = arith.constant 0 : i32
      %dma_wait3A_393 = tpu.memref_slice %arg11[%dma_wait3A_391, %dma_wait3A_392] : memref<768x128xbf16, #tpu.memory_space<vmem>> -> memref<128x128xbf16, #tpu.memory_space<vmem>>
      %dma_wait3A_394 = arith.constant 0 : i32
      %dma_wait3A_395 = tpu.memref_slice %arg10[%select_n3A_72, %dma_wait3A_390, %dma_wait3A_394] : memref<2x16x128xi32, #tpu.memory_space<vmem>> -> memref<1x1x128xi32, #tpu.memory_space<vmem>>
      %dma_wait3A_396 = tpu.memref_squeeze %dma_wait3A_395 : memref<1x1x128xi32, #tpu.memory_space<vmem>> -> memref<128xi32, #tpu.memory_space<vmem>>
      %dma_wait3A_397 = arith.constant 0 : i32
      %dma_wait3A_398 = arith.constant 0 : i32
      %dma_wait3A_399 = tpu.memref_slice %arg13[%dma_wait3A_397, %dma_wait3A_398] : memref<10240x128xbf16, #tpu.memory_space<vmem_shared>> -> memref<10240x128xbf16, #tpu.memory_space<vmem_shared>>
      tpu.wait_indirect_dma semaphore(%arg22 : memref<!tpu.dma_semaphore, #tpu.memory_space<semaphore_mem>>) src(%dma_wait3A_393 : memref<128x128xbf16, #tpu.memory_space<vmem>>) dst(%dma_wait3A_399 : memref<10240x128xbf16, #tpu.memory_space<vmem_shared>>)
      %dma_start3A_400 = arith.constant 8 : i32
      %dma_start3A_401 = arith.constant 256 : i32
      %dma_start3A_402 = arith.constant 0 : i32
      %dma_start3A_403 = tpu.memref_slice %arg11[%dma_start3A_401, %dma_start3A_402] : memref<768x128xbf16, #tpu.memory_space<vmem>> -> memref<128x128xbf16, #tpu.memory_space<vmem>>
      %dma_start3A_404 = arith.constant 0 : i32
      %dma_start3A_405 = tpu.memref_slice %arg9[%select_n3A_72, %dma_start3A_400, %dma_start3A_404] : memref<2x16x128xi32, #tpu.memory_space<vmem>> -> memref<1x1x128xi32, #tpu.memory_space<vmem>>
      %dma_start3A_406 = tpu.memref_squeeze %dma_start3A_405 : memref<1x1x128xi32, #tpu.memory_space<vmem>> -> memref<128xi32, #tpu.memory_space<vmem>>
      %dma_start3A_407 = arith.constant 0 : i32
      %dma_start3A_408 = arith.constant 0 : i32
      %dma_start3A_409 = tpu.memref_slice %arg2[%dma_start3A_407, %dma_start3A_408] : memref<10240x128xbf16, #tpu.memory_space<hbm>> -> memref<10240x128xbf16, #tpu.memory_space<hbm>>
      tpu.enqueue_indirect_dma source(%dma_start3A_409 : memref<10240x128xbf16, #tpu.memory_space<hbm>>) target(%dma_start3A_403 : memref<128x128xbf16, #tpu.memory_space<vmem>>) offsets(%dma_start3A_406 : memref<128xi32, #tpu.memory_space<vmem>>) semaphore(%arg16 : memref<!tpu.dma_semaphore, #tpu.memory_space<semaphore_mem>>)
      %dma_wait3A_410 = arith.constant 3 : i32
      %dma_wait3A_411 = arith.constant 384 : i32
      %dma_wait3A_412 = arith.constant 0 : i32
      %dma_wait3A_413 = tpu.memref_slice %arg11[%dma_wait3A_411, %dma_wait3A_412] : memref<768x128xbf16, #tpu.memory_space<vmem>> -> memref<128x128xbf16, #tpu.memory_space<vmem>>
      %dma_wait3A_414 = arith.constant 0 : i32
      %dma_wait3A_415 = tpu.memref_slice %arg9[%select_n3A_72, %dma_wait3A_410, %dma_wait3A_414] : memref<2x16x128xi32, #tpu.memory_space<vmem>> -> memref<1x1x128xi32, #tpu.memory_space<vmem>>
      %dma_wait3A_416 = tpu.memref_squeeze %dma_wait3A_415 : memref<1x1x128xi32, #tpu.memory_space<vmem>> -> memref<128xi32, #tpu.memory_space<vmem>>
      %dma_wait3A_417 = arith.constant 0 : i32
      %dma_wait3A_418 = arith.constant 0 : i32
      %dma_wait3A_419 = tpu.memref_slice %arg2[%dma_wait3A_417, %dma_wait3A_418] : memref<10240x128xbf16, #tpu.memory_space<hbm>> -> memref<10240x128xbf16, #tpu.memory_space<hbm>>
      tpu.wait_indirect_dma semaphore(%arg17 : memref<!tpu.dma_semaphore, #tpu.memory_space<semaphore_mem>>) src(%dma_wait3A_419 : memref<10240x128xbf16, #tpu.memory_space<hbm>>) dst(%dma_wait3A_413 : memref<128x128xbf16, #tpu.memory_space<vmem>>)
      %dma_start3A_420 = arith.constant 3 : i32
      %dma_start3A_421 = arith.constant 384 : i32
      %dma_start3A_422 = arith.constant 0 : i32
      %dma_start3A_423 = tpu.memref_slice %arg11[%dma_start3A_421, %dma_start3A_422] : memref<768x128xbf16, #tpu.memory_space<vmem>> -> memref<128x128xbf16, #tpu.memory_space<vmem>>
      %dma_start3A_424 = arith.constant 0 : i32
      %dma_start3A_425 = tpu.memref_slice %arg10[%select_n3A_72, %dma_start3A_420, %dma_start3A_424] : memref<2x16x128xi32, #tpu.memory_space<vmem>> -> memref<1x1x128xi32, #tpu.memory_space<vmem>>
      %dma_start3A_426 = tpu.memref_squeeze %dma_start3A_425 : memref<1x1x128xi32, #tpu.memory_space<vmem>> -> memref<128xi32, #tpu.memory_space<vmem>>
      %dma_start3A_427 = arith.constant 0 : i32
      %dma_start3A_428 = arith.constant 0 : i32
      %dma_start3A_429 = tpu.memref_slice %arg13[%dma_start3A_427, %dma_start3A_428] : memref<10240x128xbf16, #tpu.memory_space<vmem_shared>> -> memref<10240x128xbf16, #tpu.memory_space<vmem_shared>>
      tpu.enqueue_indirect_dma source(%dma_start3A_423 : memref<128x128xbf16, #tpu.memory_space<vmem>>) target(%dma_start3A_429 : memref<10240x128xbf16, #tpu.memory_space<vmem_shared>>) offsets(%dma_start3A_426 : memref<128xi32, #tpu.memory_space<vmem>>) semaphore(%arg23 : memref<!tpu.dma_semaphore, #tpu.memory_space<semaphore_mem>>) {add = true}
      %get3A_430 = arith.constant 3 : i32
      %get3A_431 = arith.index_cast %select_n3A_72 : i32 to index
      %get3A_432 = arith.index_cast %get3A_430 : i32 to index
      %get3A_433 = arith.constant 0 : index
      %get3A_434 = tpu.vector_load %arg10[%get3A_431, %get3A_432, %get3A_433] {strides = array<i32>} : memref<2x16x128xi32, #tpu.memory_space<vmem>>, vector<16xi32>,
      tpu.vector_store_idx %arg12[%get3A_434], %broadcast_in_dim3A_13 {add = true} : memref<10240xf32, #tpu.memory_space<vmem>>[vector<16xi32>], vector<16xf32>,
      %get3A_435 = arith.constant 3 : i32
      %get3A_436 = arith.index_cast %select_n3A_72 : i32 to index
      %get3A_437 = arith.index_cast %get3A_435 : i32 to index
      %get3A_438 = arith.constant 16 : index
      %get3A_439 = tpu.vector_load %arg10[%get3A_436, %get3A_437, %get3A_438] {strides = array<i32>} : memref<2x16x128xi32, #tpu.memory_space<vmem>>, vector<16xi32>,
      tpu.vector_store_idx %arg12[%get3A_439], %broadcast_in_dim3A_13 {add = true} : memref<10240xf32, #tpu.memory_space<vmem>>[vector<16xi32>], vector<16xf32>,
      %get3A_440 = arith.constant 3 : i32
      %get3A_441 = arith.index_cast %select_n3A_72 : i32 to index
      %get3A_442 = arith.index_cast %get3A_440 : i32 to index
      %get3A_443 = arith.constant 32 : index
      %get3A_444 = tpu.vector_load %arg10[%get3A_441, %get3A_442, %get3A_443] {strides = array<i32>} : memref<2x16x128xi32, #tpu.memory_space<vmem>>, vector<16xi32>,
      tpu.vector_store_idx %arg12[%get3A_444], %broadcast_in_dim3A_13 {add = true} : memref<10240xf32, #tpu.memory_space<vmem>>[vector<16xi32>], vector<16xf32>,
      %get3A_445 = arith.constant 3 : i32
      %get3A_446 = arith.index_cast %select_n3A_72 : i32 to index
      %get3A_447 = arith.index_cast %get3A_445 : i32 to index
      %get3A_448 = arith.constant 48 : index
      %get3A_449 = tpu.vector_load %arg10[%get3A_446, %get3A_447, %get3A_448] {strides = array<i32>} : memref<2x16x128xi32, #tpu.memory_space<vmem>>, vector<16xi32>,
      tpu.vector_store_idx %arg12[%get3A_449], %broadcast_in_dim3A_13 {add = true} : memref<10240xf32, #tpu.memory_space<vmem>>[vector<16xi32>], vector<16xf32>,
      %get3A_450 = arith.constant 3 : i32
      %get3A_451 = arith.index_cast %select_n3A_72 : i32 to index
      %get3A_452 = arith.index_cast %get3A_450 : i32 to index
      %get3A_453 = arith.constant 64 : index
      %get3A_454 = tpu.vector_load %arg10[%get3A_451, %get3A_452, %get3A_453] {strides = array<i32>} : memref<2x16x128xi32, #tpu.memory_space<vmem>>, vector<16xi32>,
      tpu.vector_store_idx %arg12[%get3A_454], %broadcast_in_dim3A_13 {add = true} : memref<10240xf32, #tpu.memory_space<vmem>>[vector<16xi32>], vector<16xf32>,
      %get3A_455 = arith.constant 3 : i32
      %get3A_456 = arith.index_cast %select_n3A_72 : i32 to index
      %get3A_457 = arith.index_cast %get3A_455 : i32 to index
      %get3A_458 = arith.constant 80 : index
      %get3A_459 = tpu.vector_load %arg10[%get3A_456, %get3A_457, %get3A_458] {strides = array<i32>} : memref<2x16x128xi32, #tpu.memory_space<vmem>>, vector<16xi32>,
      tpu.vector_store_idx %arg12[%get3A_459], %broadcast_in_dim3A_13 {add = true} : memref<10240xf32, #tpu.memory_space<vmem>>[vector<16xi32>], vector<16xf32>,
      %get3A_460 = arith.constant 3 : i32
      %get3A_461 = arith.index_cast %select_n3A_72 : i32 to index
      %get3A_462 = arith.index_cast %get3A_460 : i32 to index
      %get3A_463 = arith.constant 96 : index
      %get3A_464 = tpu.vector_load %arg10[%get3A_461, %get3A_462, %get3A_463] {strides = array<i32>} : memref<2x16x128xi32, #tpu.memory_space<vmem>>, vector<16xi32>,
      tpu.vector_store_idx %arg12[%get3A_464], %broadcast_in_dim3A_13 {add = true} : memref<10240xf32, #tpu.memory_space<vmem>>[vector<16xi32>], vector<16xf32>,
      %get3A_465 = arith.constant 3 : i32
      %get3A_466 = arith.index_cast %select_n3A_72 : i32 to index
      %get3A_467 = arith.index_cast %get3A_465 : i32 to index
      %get3A_468 = arith.constant 112 : index
      %get3A_469 = tpu.vector_load %arg10[%get3A_466, %get3A_467, %get3A_468] {strides = array<i32>} : memref<2x16x128xi32, #tpu.memory_space<vmem>>, vector<16xi32>,
      tpu.vector_store_idx %arg12[%get3A_469], %broadcast_in_dim3A_13 {add = true} : memref<10240xf32, #tpu.memory_space<vmem>>[vector<16xi32>], vector<16xf32>,
      %dma_wait3A_470 = arith.constant 3 : i32
      %dma_wait3A_471 = arith.constant 384 : i32
      %dma_wait3A_472 = arith.constant 0 : i32
      %dma_wait3A_473 = tpu.memref_slice %arg11[%dma_wait3A_471, %dma_wait3A_472] : memref<768x128xbf16, #tpu.memory_space<vmem>> -> memref<128x128xbf16, #tpu.memory_space<vmem>>
      %dma_wait3A_474 = arith.constant 0 : i32
      %dma_wait3A_475 = tpu.memref_slice %arg10[%select_n3A_72, %dma_wait3A_470, %dma_wait3A_474] : memref<2x16x128xi32, #tpu.memory_space<vmem>> -> memref<1x1x128xi32, #tpu.memory_space<vmem>>
      %dma_wait3A_476 = tpu.memref_squeeze %dma_wait3A_475 : memref<1x1x128xi32, #tpu.memory_space<vmem>> -> memref<128xi32, #tpu.memory_space<vmem>>
      %dma_wait3A_477 = arith.constant 0 : i32
      %dma_wait3A_478 = arith.constant 0 : i32
      %dma_wait3A_479 = tpu.memref_slice %arg13[%dma_wait3A_477, %dma_wait3A_478] : memref<10240x128xbf16, #tpu.memory_space<vmem_shared>> -> memref<10240x128xbf16, #tpu.memory_space<vmem_shared>>
      tpu.wait_indirect_dma semaphore(%arg23 : memref<!tpu.dma_semaphore, #tpu.memory_space<semaphore_mem>>) src(%dma_wait3A_473 : memref<128x128xbf16, #tpu.memory_space<vmem>>) dst(%dma_wait3A_479 : memref<10240x128xbf16, #tpu.memory_space<vmem_shared>>)
      %dma_start3A_480 = arith.constant 9 : i32
      %dma_start3A_481 = arith.constant 384 : i32
      %dma_start3A_482 = arith.constant 0 : i32
      %dma_start3A_483 = tpu.memref_slice %arg11[%dma_start3A_481, %dma_start3A_482] : memref<768x128xbf16, #tpu.memory_space<vmem>> -> memref<128x128xbf16, #tpu.memory_space<vmem>>
      %dma_start3A_484 = arith.constant 0 : i32
      %dma_start3A_485 = tpu.memref_slice %arg9[%select_n3A_72, %dma_start3A_480, %dma_start3A_484] : memref<2x16x128xi32, #tpu.memory_space<vmem>> -> memref<1x1x128xi32, #tpu.memory_space<vmem>>
      %dma_start3A_486 = tpu.memref_squeeze %dma_start3A_485 : memref<1x1x128xi32, #tpu.memory_space<vmem>> -> memref<128xi32, #tpu.memory_space<vmem>>
      %dma_start3A_487 = arith.constant 0 : i32
      %dma_start3A_488 = arith.constant 0 : i32
      %dma_start3A_489 = tpu.memref_slice %arg2[%dma_start3A_487, %dma_start3A_488] : memref<10240x128xbf16, #tpu.memory_space<hbm>> -> memref<10240x128xbf16, #tpu.memory_space<hbm>>
      tpu.enqueue_indirect_dma source(%dma_start3A_489 : memref<10240x128xbf16, #tpu.memory_space<hbm>>) target(%dma_start3A_483 : memref<128x128xbf16, #tpu.memory_space<vmem>>) offsets(%dma_start3A_486 : memref<128xi32, #tpu.memory_space<vmem>>) semaphore(%arg17 : memref<!tpu.dma_semaphore, #tpu.memory_space<semaphore_mem>>)
      %dma_wait3A_490 = arith.constant 4 : i32
      %dma_wait3A_491 = arith.constant 512 : i32
      %dma_wait3A_492 = arith.constant 0 : i32
      %dma_wait3A_493 = tpu.memref_slice %arg11[%dma_wait3A_491, %dma_wait3A_492] : memref<768x128xbf16, #tpu.memory_space<vmem>> -> memref<128x128xbf16, #tpu.memory_space<vmem>>
      %dma_wait3A_494 = arith.constant 0 : i32
      %dma_wait3A_495 = tpu.memref_slice %arg9[%select_n3A_72, %dma_wait3A_490, %dma_wait3A_494] : memref<2x16x128xi32, #tpu.memory_space<vmem>> -> memref<1x1x128xi32, #tpu.memory_space<vmem>>
      %dma_wait3A_496 = tpu.memref_squeeze %dma_wait3A_495 : memref<1x1x128xi32, #tpu.memory_space<vmem>> -> memref<128xi32, #tpu.memory_space<vmem>>
      %dma_wait3A_497 = arith.constant 0 : i32
      %dma_wait3A_498 = arith.constant 0 : i32
      %dma_wait3A_499 = tpu.memref_slice %arg2[%dma_wait3A_497, %dma_wait3A_498] : memref<10240x128xbf16, #tpu.memory_space<hbm>> -> memref<10240x128xbf16, #tpu.memory_space<hbm>>
      tpu.wait_indirect_dma semaphore(%arg18 : memref<!tpu.dma_semaphore, #tpu.memory_space<semaphore_mem>>) src(%dma_wait3A_499 : memref<10240x128xbf16, #tpu.memory_space<hbm>>) dst(%dma_wait3A_493 : memref<128x128xbf16, #tpu.memory_space<vmem>>)
      %dma_start3A_500 = arith.constant 4 : i32
      %dma_start3A_501 = arith.constant 512 : i32
      %dma_start3A_502 = arith.constant 0 : i32
      %dma_start3A_503 = tpu.memref_slice %arg11[%dma_start3A_501, %dma_start3A_502] : memref<768x128xbf16, #tpu.memory_space<vmem>> -> memref<128x128xbf16, #tpu.memory_space<vmem>>
      %dma_start3A_504 = arith.constant 0 : i32
      %dma_start3A_505 = tpu.memref_slice %arg10[%select_n3A_72, %dma_start3A_500, %dma_start3A_504] : memref<2x16x128xi32, #tpu.memory_space<vmem>> -> memref<1x1x128xi32, #tpu.memory_space<vmem>>
      %dma_start3A_506 = tpu.memref_squeeze %dma_start3A_505 : memref<1x1x128xi32, #tpu.memory_space<vmem>> -> memref<128xi32, #tpu.memory_space<vmem>>
      %dma_start3A_507 = arith.constant 0 : i32
      %dma_start3A_508 = arith.constant 0 : i32
      %dma_start3A_509 = tpu.memref_slice %arg13[%dma_start3A_507, %dma_start3A_508] : memref<10240x128xbf16, #tpu.memory_space<vmem_shared>> -> memref<10240x128xbf16, #tpu.memory_space<vmem_shared>>
      tpu.enqueue_indirect_dma source(%dma_start3A_503 : memref<128x128xbf16, #tpu.memory_space<vmem>>) target(%dma_start3A_509 : memref<10240x128xbf16, #tpu.memory_space<vmem_shared>>) offsets(%dma_start3A_506 : memref<128xi32, #tpu.memory_space<vmem>>) semaphore(%arg24 : memref<!tpu.dma_semaphore, #tpu.memory_space<semaphore_mem>>) {add = true}
      %get3A_510 = arith.constant 4 : i32
      %get3A_511 = arith.index_cast %select_n3A_72 : i32 to index
      %get3A_512 = arith.index_cast %get3A_510 : i32 to index
      %get3A_513 = arith.constant 0 : index
      %get3A_514 = tpu.vector_load %arg10[%get3A_511, %get3A_512, %get3A_513] {strides = array<i32>} : memref<2x16x128xi32, #tpu.memory_space<vmem>>, vector<16xi32>,
      tpu.vector_store_idx %arg12[%get3A_514], %broadcast_in_dim3A_13 {add = true} : memref<10240xf32, #tpu.memory_space<vmem>>[vector<16xi32>], vector<16xf32>,
      %get3A_515 = arith.constant 4 : i32
      %get3A_516 = arith.index_cast %select_n3A_72 : i32 to index
      %get3A_517 = arith.index_cast %get3A_515 : i32 to index
      %get3A_518 = arith.constant 16 : index
      %get3A_519 = tpu.vector_load %arg10[%get3A_516, %get3A_517, %get3A_518] {strides = array<i32>} : memref<2x16x128xi32, #tpu.memory_space<vmem>>, vector<16xi32>,
      tpu.vector_store_idx %arg12[%get3A_519], %broadcast_in_dim3A_13 {add = true} : memref<10240xf32, #tpu.memory_space<vmem>>[vector<16xi32>], vector<16xf32>,
      %get3A_520 = arith.constant 4 : i32
      %get3A_521 = arith.index_cast %select_n3A_72 : i32 to index
      %get3A_522 = arith.index_cast %get3A_520 : i32 to index
      %get3A_523 = arith.constant 32 : index
      %get3A_524 = tpu.vector_load %arg10[%get3A_521, %get3A_522, %get3A_523] {strides = array<i32>} : memref<2x16x128xi32, #tpu.memory_space<vmem>>, vector<16xi32>,
      tpu.vector_store_idx %arg12[%get3A_524], %broadcast_in_dim3A_13 {add = true} : memref<10240xf32, #tpu.memory_space<vmem>>[vector<16xi32>], vector<16xf32>,
      %get3A_525 = arith.constant 4 : i32
      %get3A_526 = arith.index_cast %select_n3A_72 : i32 to index
      %get3A_527 = arith.index_cast %get3A_525 : i32 to index
      %get3A_528 = arith.constant 48 : index
      %get3A_529 = tpu.vector_load %arg10[%get3A_526, %get3A_527, %get3A_528] {strides = array<i32>} : memref<2x16x128xi32, #tpu.memory_space<vmem>>, vector<16xi32>,
      tpu.vector_store_idx %arg12[%get3A_529], %broadcast_in_dim3A_13 {add = true} : memref<10240xf32, #tpu.memory_space<vmem>>[vector<16xi32>], vector<16xf32>,
      %get3A_530 = arith.constant 4 : i32
      %get3A_531 = arith.index_cast %select_n3A_72 : i32 to index
      %get3A_532 = arith.index_cast %get3A_530 : i32 to index
      %get3A_533 = arith.constant 64 : index
      %get3A_534 = tpu.vector_load %arg10[%get3A_531, %get3A_532, %get3A_533] {strides = array<i32>} : memref<2x16x128xi32, #tpu.memory_space<vmem>>, vector<16xi32>,
      tpu.vector_store_idx %arg12[%get3A_534], %broadcast_in_dim3A_13 {add = true} : memref<10240xf32, #tpu.memory_space<vmem>>[vector<16xi32>], vector<16xf32>,
      %get3A_535 = arith.constant 4 : i32
      %get3A_536 = arith.index_cast %select_n3A_72 : i32 to index
      %get3A_537 = arith.index_cast %get3A_535 : i32 to index
      %get3A_538 = arith.constant 80 : index
      %get3A_539 = tpu.vector_load %arg10[%get3A_536, %get3A_537, %get3A_538] {strides = array<i32>} : memref<2x16x128xi32, #tpu.memory_space<vmem>>, vector<16xi32>,
      tpu.vector_store_idx %arg12[%get3A_539], %broadcast_in_dim3A_13 {add = true} : memref<10240xf32, #tpu.memory_space<vmem>>[vector<16xi32>], vector<16xf32>,
      %get3A_540 = arith.constant 4 : i32
      %get3A_541 = arith.index_cast %select_n3A_72 : i32 to index
      %get3A_542 = arith.index_cast %get3A_540 : i32 to index
      %get3A_543 = arith.constant 96 : index
      %get3A_544 = tpu.vector_load %arg10[%get3A_541, %get3A_542, %get3A_543] {strides = array<i32>} : memref<2x16x128xi32, #tpu.memory_space<vmem>>, vector<16xi32>,
      tpu.vector_store_idx %arg12[%get3A_544], %broadcast_in_dim3A_13 {add = true} : memref<10240xf32, #tpu.memory_space<vmem>>[vector<16xi32>], vector<16xf32>,
      %get3A_545 = arith.constant 4 : i32
      %get3A_546 = arith.index_cast %select_n3A_72 : i32 to index
      %get3A_547 = arith.index_cast %get3A_545 : i32 to index
      %get3A_548 = arith.constant 112 : index
      %get3A_549 = tpu.vector_load %arg10[%get3A_546, %get3A_547, %get3A_548] {strides = array<i32>} : memref<2x16x128xi32, #tpu.memory_space<vmem>>, vector<16xi32>,
      tpu.vector_store_idx %arg12[%get3A_549], %broadcast_in_dim3A_13 {add = true} : memref<10240xf32, #tpu.memory_space<vmem>>[vector<16xi32>], vector<16xf32>,
      %dma_wait3A_550 = arith.constant 4 : i32
      %dma_wait3A_551 = arith.constant 512 : i32
      %dma_wait3A_552 = arith.constant 0 : i32
      %dma_wait3A_553 = tpu.memref_slice %arg11[%dma_wait3A_551, %dma_wait3A_552] : memref<768x128xbf16, #tpu.memory_space<vmem>> -> memref<128x128xbf16, #tpu.memory_space<vmem>>
      %dma_wait3A_554 = arith.constant 0 : i32
      %dma_wait3A_555 = tpu.memref_slice %arg10[%select_n3A_72, %dma_wait3A_550, %dma_wait3A_554] : memref<2x16x128xi32, #tpu.memory_space<vmem>> -> memref<1x1x128xi32, #tpu.memory_space<vmem>>
      %dma_wait3A_556 = tpu.memref_squeeze %dma_wait3A_555 : memref<1x1x128xi32, #tpu.memory_space<vmem>> -> memref<128xi32, #tpu.memory_space<vmem>>
      %dma_wait3A_557 = arith.constant 0 : i32
      %dma_wait3A_558 = arith.constant 0 : i32
      %dma_wait3A_559 = tpu.memref_slice %arg13[%dma_wait3A_557, %dma_wait3A_558] : memref<10240x128xbf16, #tpu.memory_space<vmem_shared>> -> memref<10240x128xbf16, #tpu.memory_space<vmem_shared>>
      tpu.wait_indirect_dma semaphore(%arg24 : memref<!tpu.dma_semaphore, #tpu.memory_space<semaphore_mem>>) src(%dma_wait3A_553 : memref<128x128xbf16, #tpu.memory_space<vmem>>) dst(%dma_wait3A_559 : memref<10240x128xbf16, #tpu.memory_space<vmem_shared>>)
      %dma_start3A_560 = arith.constant 10 : i32
      %dma_start3A_561 = arith.constant 512 : i32
      %dma_start3A_562 = arith.constant 0 : i32
      %dma_start3A_563 = tpu.memref_slice %arg11[%dma_start3A_561, %dma_start3A_562] : memref<768x128xbf16, #tpu.memory_space<vmem>> -> memref<128x128xbf16, #tpu.memory_space<vmem>>
      %dma_start3A_564 = arith.constant 0 : i32
      %dma_start3A_565 = tpu.memref_slice %arg9[%select_n3A_72, %dma_start3A_560, %dma_start3A_564] : memref<2x16x128xi32, #tpu.memory_space<vmem>> -> memref<1x1x128xi32, #tpu.memory_space<vmem>>
      %dma_start3A_566 = tpu.memref_squeeze %dma_start3A_565 : memref<1x1x128xi32, #tpu.memory_space<vmem>> -> memref<128xi32, #tpu.memory_space<vmem>>
      %dma_start3A_567 = arith.constant 0 : i32
      %dma_start3A_568 = arith.constant 0 : i32
      %dma_start3A_569 = tpu.memref_slice %arg2[%dma_start3A_567, %dma_start3A_568] : memref<10240x128xbf16, #tpu.memory_space<hbm>> -> memref<10240x128xbf16, #tpu.memory_space<hbm>>
      tpu.enqueue_indirect_dma source(%dma_start3A_569 : memref<10240x128xbf16, #tpu.memory_space<hbm>>) target(%dma_start3A_563 : memref<128x128xbf16, #tpu.memory_space<vmem>>) offsets(%dma_start3A_566 : memref<128xi32, #tpu.memory_space<vmem>>) semaphore(%arg18 : memref<!tpu.dma_semaphore, #tpu.memory_space<semaphore_mem>>)
      %dma_wait3A_570 = arith.constant 5 : i32
      %dma_wait3A_571 = arith.constant 640 : i32
      %dma_wait3A_572 = arith.constant 0 : i32
      %dma_wait3A_573 = tpu.memref_slice %arg11[%dma_wait3A_571, %dma_wait3A_572] : memref<768x128xbf16, #tpu.memory_space<vmem>> -> memref<128x128xbf16, #tpu.memory_space<vmem>>
      %dma_wait3A_574 = arith.constant 0 : i32
      %dma_wait3A_575 = tpu.memref_slice %arg9[%select_n3A_72, %dma_wait3A_570, %dma_wait3A_574] : memref<2x16x128xi32, #tpu.memory_space<vmem>> -> memref<1x1x128xi32, #tpu.memory_space<vmem>>
      %dma_wait3A_576 = tpu.memref_squeeze %dma_wait3A_575 : memref<1x1x128xi32, #tpu.memory_space<vmem>> -> memref<128xi32, #tpu.memory_space<vmem>>
      %dma_wait3A_577 = arith.constant 0 : i32
      %dma_wait3A_578 = arith.constant 0 : i32
      %dma_wait3A_579 = tpu.memref_slice %arg2[%dma_wait3A_577, %dma_wait3A_578] : memref<10240x128xbf16, #tpu.memory_space<hbm>> -> memref<10240x128xbf16, #tpu.memory_space<hbm>>
      tpu.wait_indirect_dma semaphore(%arg19 : memref<!tpu.dma_semaphore, #tpu.memory_space<semaphore_mem>>) src(%dma_wait3A_579 : memref<10240x128xbf16, #tpu.memory_space<hbm>>) dst(%dma_wait3A_573 : memref<128x128xbf16, #tpu.memory_space<vmem>>)
      %dma_start3A_580 = arith.constant 5 : i32
      %dma_start3A_581 = arith.constant 640 : i32
      %dma_start3A_582 = arith.constant 0 : i32
      %dma_start3A_583 = tpu.memref_slice %arg11[%dma_start3A_581, %dma_start3A_582] : memref<768x128xbf16, #tpu.memory_space<vmem>> -> memref<128x128xbf16, #tpu.memory_space<vmem>>
      %dma_start3A_584 = arith.constant 0 : i32
      %dma_start3A_585 = tpu.memref_slice %arg10[%select_n3A_72, %dma_start3A_580, %dma_start3A_584] : memref<2x16x128xi32, #tpu.memory_space<vmem>> -> memref<1x1x128xi32, #tpu.memory_space<vmem>>
      %dma_start3A_586 = tpu.memref_squeeze %dma_start3A_585 : memref<1x1x128xi32, #tpu.memory_space<vmem>> -> memref<128xi32, #tpu.memory_space<vmem>>
      %dma_start3A_587 = arith.constant 0 : i32
      %dma_start3A_588 = arith.constant 0 : i32
      %dma_start3A_589 = tpu.memref_slice %arg13[%dma_start3A_587, %dma_start3A_588] : memref<10240x128xbf16, #tpu.memory_space<vmem_shared>> -> memref<10240x128xbf16, #tpu.memory_space<vmem_shared>>
      tpu.enqueue_indirect_dma source(%dma_start3A_583 : memref<128x128xbf16, #tpu.memory_space<vmem>>) target(%dma_start3A_589 : memref<10240x128xbf16, #tpu.memory_space<vmem_shared>>) offsets(%dma_start3A_586 : memref<128xi32, #tpu.memory_space<vmem>>) semaphore(%arg25 : memref<!tpu.dma_semaphore, #tpu.memory_space<semaphore_mem>>) {add = true}
      %get3A_590 = arith.constant 5 : i32
      %get3A_591 = arith.index_cast %select_n3A_72 : i32 to index
      %get3A_592 = arith.index_cast %get3A_590 : i32 to index
      %get3A_593 = arith.constant 0 : index
      %get3A_594 = tpu.vector_load %arg10[%get3A_591, %get3A_592, %get3A_593] {strides = array<i32>} : memref<2x16x128xi32, #tpu.memory_space<vmem>>, vector<16xi32>,
      tpu.vector_store_idx %arg12[%get3A_594], %broadcast_in_dim3A_13 {add = true} : memref<10240xf32, #tpu.memory_space<vmem>>[vector<16xi32>], vector<16xf32>,
      %get3A_595 = arith.constant 5 : i32
      %get3A_596 = arith.index_cast %select_n3A_72 : i32 to index
      %get3A_597 = arith.index_cast %get3A_595 : i32 to index
      %get3A_598 = arith.constant 16 : index
      %get3A_599 = tpu.vector_load %arg10[%get3A_596, %get3A_597, %get3A_598] {strides = array<i32>} : memref<2x16x128xi32, #tpu.memory_space<vmem>>, vector<16xi32>,
      tpu.vector_store_idx %arg12[%get3A_599], %broadcast_in_dim3A_13 {add = true} : memref<10240xf32, #tpu.memory_space<vmem>>[vector<16xi32>], vector<16xf32>,
      %get3A_600 = arith.constant 5 : i32
      %get3A_601 = arith.index_cast %select_n3A_72 : i32 to index
      %get3A_602 = arith.index_cast %get3A_600 : i32 to index
      %get3A_603 = arith.constant 32 : index
      %get3A_604 = tpu.vector_load %arg10[%get3A_601, %get3A_602, %get3A_603] {strides = array<i32>} : memref<2x16x128xi32, #tpu.memory_space<vmem>>, vector<16xi32>,
      tpu.vector_store_idx %arg12[%get3A_604], %broadcast_in_dim3A_13 {add = true} : memref<10240xf32, #tpu.memory_space<vmem>>[vector<16xi32>], vector<16xf32>,
      %get3A_605 = arith.constant 5 : i32
      %get3A_606 = arith.index_cast %select_n3A_72 : i32 to index
      %get3A_607 = arith.index_cast %get3A_605 : i32 to index
      %get3A_608 = arith.constant 48 : index
      %get3A_609 = tpu.vector_load %arg10[%get3A_606, %get3A_607, %get3A_608] {strides = array<i32>} : memref<2x16x128xi32, #tpu.memory_space<vmem>>, vector<16xi32>,
      tpu.vector_store_idx %arg12[%get3A_609], %broadcast_in_dim3A_13 {add = true} : memref<10240xf32, #tpu.memory_space<vmem>>[vector<16xi32>], vector<16xf32>,
      %get3A_610 = arith.constant 5 : i32
      %get3A_611 = arith.index_cast %select_n3A_72 : i32 to index
      %get3A_612 = arith.index_cast %get3A_610 : i32 to index
      %get3A_613 = arith.constant 64 : index
      %get3A_614 = tpu.vector_load %arg10[%get3A_611, %get3A_612, %get3A_613] {strides = array<i32>} : memref<2x16x128xi32, #tpu.memory_space<vmem>>, vector<16xi32>,
      tpu.vector_store_idx %arg12[%get3A_614], %broadcast_in_dim3A_13 {add = true} : memref<10240xf32, #tpu.memory_space<vmem>>[vector<16xi32>], vector<16xf32>,
      %get3A_615 = arith.constant 5 : i32
      %get3A_616 = arith.index_cast %select_n3A_72 : i32 to index
      %get3A_617 = arith.index_cast %get3A_615 : i32 to index
      %get3A_618 = arith.constant 80 : index
      %get3A_619 = tpu.vector_load %arg10[%get3A_616, %get3A_617, %get3A_618] {strides = array<i32>} : memref<2x16x128xi32, #tpu.memory_space<vmem>>, vector<16xi32>,
      tpu.vector_store_idx %arg12[%get3A_619], %broadcast_in_dim3A_13 {add = true} : memref<10240xf32, #tpu.memory_space<vmem>>[vector<16xi32>], vector<16xf32>,
      %get3A_620 = arith.constant 5 : i32
      %get3A_621 = arith.index_cast %select_n3A_72 : i32 to index
      %get3A_622 = arith.index_cast %get3A_620 : i32 to index
      %get3A_623 = arith.constant 96 : index
      %get3A_624 = tpu.vector_load %arg10[%get3A_621, %get3A_622, %get3A_623] {strides = array<i32>} : memref<2x16x128xi32, #tpu.memory_space<vmem>>, vector<16xi32>,
      tpu.vector_store_idx %arg12[%get3A_624], %broadcast_in_dim3A_13 {add = true} : memref<10240xf32, #tpu.memory_space<vmem>>[vector<16xi32>], vector<16xf32>,
      %get3A_625 = arith.constant 5 : i32
      %get3A_626 = arith.index_cast %select_n3A_72 : i32 to index
      %get3A_627 = arith.index_cast %get3A_625 : i32 to index
      %get3A_628 = arith.constant 112 : index
      %get3A_629 = tpu.vector_load %arg10[%get3A_626, %get3A_627, %get3A_628] {strides = array<i32>} : memref<2x16x128xi32, #tpu.memory_space<vmem>>, vector<16xi32>,
      tpu.vector_store_idx %arg12[%get3A_629], %broadcast_in_dim3A_13 {add = true} : memref<10240xf32, #tpu.memory_space<vmem>>[vector<16xi32>], vector<16xf32>,
      %dma_wait3A_630 = arith.constant 5 : i32
      %dma_wait3A_631 = arith.constant 640 : i32
      %dma_wait3A_632 = arith.constant 0 : i32
      %dma_wait3A_633 = tpu.memref_slice %arg11[%dma_wait3A_631, %dma_wait3A_632] : memref<768x128xbf16, #tpu.memory_space<vmem>> -> memref<128x128xbf16, #tpu.memory_space<vmem>>
      %dma_wait3A_634 = arith.constant 0 : i32
      %dma_wait3A_635 = tpu.memref_slice %arg10[%select_n3A_72, %dma_wait3A_630, %dma_wait3A_634] : memref<2x16x128xi32, #tpu.memory_space<vmem>> -> memref<1x1x128xi32, #tpu.memory_space<vmem>>
      %dma_wait3A_636 = tpu.memref_squeeze %dma_wait3A_635 : memref<1x1x128xi32, #tpu.memory_space<vmem>> -> memref<128xi32, #tpu.memory_space<vmem>>
      %dma_wait3A_637 = arith.constant 0 : i32
      %dma_wait3A_638 = arith.constant 0 : i32
      %dma_wait3A_639 = tpu.memref_slice %arg13[%dma_wait3A_637, %dma_wait3A_638] : memref<10240x128xbf16, #tpu.memory_space<vmem_shared>> -> memref<10240x128xbf16, #tpu.memory_space<vmem_shared>>
      tpu.wait_indirect_dma semaphore(%arg25 : memref<!tpu.dma_semaphore, #tpu.memory_space<semaphore_mem>>) src(%dma_wait3A_633 : memref<128x128xbf16, #tpu.memory_space<vmem>>) dst(%dma_wait3A_639 : memref<10240x128xbf16, #tpu.memory_space<vmem_shared>>)
      %dma_start3A_640 = arith.constant 11 : i32
      %dma_start3A_641 = arith.constant 640 : i32
      %dma_start3A_642 = arith.constant 0 : i32
      %dma_start3A_643 = tpu.memref_slice %arg11[%dma_start3A_641, %dma_start3A_642] : memref<768x128xbf16, #tpu.memory_space<vmem>> -> memref<128x128xbf16, #tpu.memory_space<vmem>>
      %dma_start3A_644 = arith.constant 0 : i32
      %dma_start3A_645 = tpu.memref_slice %arg9[%select_n3A_72, %dma_start3A_640, %dma_start3A_644] : memref<2x16x128xi32, #tpu.memory_space<vmem>> -> memref<1x1x128xi32, #tpu.memory_space<vmem>>
      %dma_start3A_646 = tpu.memref_squeeze %dma_start3A_645 : memref<1x1x128xi32, #tpu.memory_space<vmem>> -> memref<128xi32, #tpu.memory_space<vmem>>
      %dma_start3A_647 = arith.constant 0 : i32
      %dma_start3A_648 = arith.constant 0 : i32
      %dma_start3A_649 = tpu.memref_slice %arg2[%dma_start3A_647, %dma_start3A_648] : memref<10240x128xbf16, #tpu.memory_space<hbm>> -> memref<10240x128xbf16, #tpu.memory_space<hbm>>
      tpu.enqueue_indirect_dma source(%dma_start3A_649 : memref<10240x128xbf16, #tpu.memory_space<hbm>>) target(%dma_start3A_643 : memref<128x128xbf16, #tpu.memory_space<vmem>>) offsets(%dma_start3A_646 : memref<128xi32, #tpu.memory_space<vmem>>) semaphore(%arg19 : memref<!tpu.dma_semaphore, #tpu.memory_space<semaphore_mem>>)
      %dma_wait3A_650 = arith.constant 6 : i32
      %dma_wait3A_651 = arith.constant 0 : i32
      %dma_wait3A_652 = arith.constant 0 : i32
      %dma_wait3A_653 = tpu.memref_slice %arg11[%dma_wait3A_651, %dma_wait3A_652] : memref<768x128xbf16, #tpu.memory_space<vmem>> -> memref<128x128xbf16, #tpu.memory_space<vmem>>
      %dma_wait3A_654 = arith.constant 0 : i32
      %dma_wait3A_655 = tpu.memref_slice %arg9[%select_n3A_72, %dma_wait3A_650, %dma_wait3A_654] : memref<2x16x128xi32, #tpu.memory_space<vmem>> -> memref<1x1x128xi32, #tpu.memory_space<vmem>>
      %dma_wait3A_656 = tpu.memref_squeeze %dma_wait3A_655 : memref<1x1x128xi32, #tpu.memory_space<vmem>> -> memref<128xi32, #tpu.memory_space<vmem>>
      %dma_wait3A_657 = arith.constant 0 : i32
      %dma_wait3A_658 = arith.constant 0 : i32
      %dma_wait3A_659 = tpu.memref_slice %arg2[%dma_wait3A_657, %dma_wait3A_658] : memref<10240x128xbf16, #tpu.memory_space<hbm>> -> memref<10240x128xbf16, #tpu.memory_space<hbm>>
      tpu.wait_indirect_dma semaphore(%arg14 : memref<!tpu.dma_semaphore, #tpu.memory_space<semaphore_mem>>) src(%dma_wait3A_659 : memref<10240x128xbf16, #tpu.memory_space<hbm>>) dst(%dma_wait3A_653 : memref<128x128xbf16, #tpu.memory_space<vmem>>)
      %dma_start3A_660 = arith.constant 6 : i32
      %dma_start3A_661 = arith.constant 0 : i32
      %dma_start3A_662 = arith.constant 0 : i32
      %dma_start3A_663 = tpu.memref_slice %arg11[%dma_start3A_661, %dma_start3A_662] : memref<768x128xbf16, #tpu.memory_space<vmem>> -> memref<128x128xbf16, #tpu.memory_space<vmem>>
      %dma_start3A_664 = arith.constant 0 : i32
      %dma_start3A_665 = tpu.memref_slice %arg10[%select_n3A_72, %dma_start3A_660, %dma_start3A_664] : memref<2x16x128xi32, #tpu.memory_space<vmem>> -> memref<1x1x128xi32, #tpu.memory_space<vmem>>
      %dma_start3A_666 = tpu.memref_squeeze %dma_start3A_665 : memref<1x1x128xi32, #tpu.memory_space<vmem>> -> memref<128xi32, #tpu.memory_space<vmem>>
      %dma_start3A_667 = arith.constant 0 : i32
      %dma_start3A_668 = arith.constant 0 : i32
      %dma_start3A_669 = tpu.memref_slice %arg13[%dma_start3A_667, %dma_start3A_668] : memref<10240x128xbf16, #tpu.memory_space<vmem_shared>> -> memref<10240x128xbf16, #tpu.memory_space<vmem_shared>>
      tpu.enqueue_indirect_dma source(%dma_start3A_663 : memref<128x128xbf16, #tpu.memory_space<vmem>>) target(%dma_start3A_669 : memref<10240x128xbf16, #tpu.memory_space<vmem_shared>>) offsets(%dma_start3A_666 : memref<128xi32, #tpu.memory_space<vmem>>) semaphore(%arg20 : memref<!tpu.dma_semaphore, #tpu.memory_space<semaphore_mem>>) {add = true}
      %get3A_670 = arith.constant 6 : i32
      %get3A_671 = arith.index_cast %select_n3A_72 : i32 to index
      %get3A_672 = arith.index_cast %get3A_670 : i32 to index
      %get3A_673 = arith.constant 0 : index
      %get3A_674 = tpu.vector_load %arg10[%get3A_671, %get3A_672, %get3A_673] {strides = array<i32>} : memref<2x16x128xi32, #tpu.memory_space<vmem>>, vector<16xi32>,
      tpu.vector_store_idx %arg12[%get3A_674], %broadcast_in_dim3A_13 {add = true} : memref<10240xf32, #tpu.memory_space<vmem>>[vector<16xi32>], vector<16xf32>,
      %get3A_675 = arith.constant 6 : i32
      %get3A_676 = arith.index_cast %select_n3A_72 : i32 to index
      %get3A_677 = arith.index_cast %get3A_675 : i32 to index
      %get3A_678 = arith.constant 16 : index
      %get3A_679 = tpu.vector_load %arg10[%get3A_676, %get3A_677, %get3A_678] {strides = array<i32>} : memref<2x16x128xi32, #tpu.memory_space<vmem>>, vector<16xi32>,
      tpu.vector_store_idx %arg12[%get3A_679], %broadcast_in_dim3A_13 {add = true} : memref<10240xf32, #tpu.memory_space<vmem>>[vector<16xi32>], vector<16xf32>,
      %get3A_680 = arith.constant 6 : i32
      %get3A_681 = arith.index_cast %select_n3A_72 : i32 to index
      %get3A_682 = arith.index_cast %get3A_680 : i32 to index
      %get3A_683 = arith.constant 32 : index
      %get3A_684 = tpu.vector_load %arg10[%get3A_681, %get3A_682, %get3A_683] {strides = array<i32>} : memref<2x16x128xi32, #tpu.memory_space<vmem>>, vector<16xi32>,
      tpu.vector_store_idx %arg12[%get3A_684], %broadcast_in_dim3A_13 {add = true} : memref<10240xf32, #tpu.memory_space<vmem>>[vector<16xi32>], vector<16xf32>,
      %get3A_685 = arith.constant 6 : i32
      %get3A_686 = arith.index_cast %select_n3A_72 : i32 to index
      %get3A_687 = arith.index_cast %get3A_685 : i32 to index
      %get3A_688 = arith.constant 48 : index
      %get3A_689 = tpu.vector_load %arg10[%get3A_686, %get3A_687, %get3A_688] {strides = array<i32>} : memref<2x16x128xi32, #tpu.memory_space<vmem>>, vector<16xi32>,
      tpu.vector_store_idx %arg12[%get3A_689], %broadcast_in_dim3A_13 {add = true} : memref<10240xf32, #tpu.memory_space<vmem>>[vector<16xi32>], vector<16xf32>,
      %get3A_690 = arith.constant 6 : i32
      %get3A_691 = arith.index_cast %select_n3A_72 : i32 to index
      %get3A_692 = arith.index_cast %get3A_690 : i32 to index
      %get3A_693 = arith.constant 64 : index
      %get3A_694 = tpu.vector_load %arg10[%get3A_691, %get3A_692, %get3A_693] {strides = array<i32>} : memref<2x16x128xi32, #tpu.memory_space<vmem>>, vector<16xi32>,
      tpu.vector_store_idx %arg12[%get3A_694], %broadcast_in_dim3A_13 {add = true} : memref<10240xf32, #tpu.memory_space<vmem>>[vector<16xi32>], vector<16xf32>,
      %get3A_695 = arith.constant 6 : i32
      %get3A_696 = arith.index_cast %select_n3A_72 : i32 to index
      %get3A_697 = arith.index_cast %get3A_695 : i32 to index
      %get3A_698 = arith.constant 80 : index
      %get3A_699 = tpu.vector_load %arg10[%get3A_696, %get3A_697, %get3A_698] {strides = array<i32>} : memref<2x16x128xi32, #tpu.memory_space<vmem>>, vector<16xi32>,
      tpu.vector_store_idx %arg12[%get3A_699], %broadcast_in_dim3A_13 {add = true} : memref<10240xf32, #tpu.memory_space<vmem>>[vector<16xi32>], vector<16xf32>,
      %get3A_700 = arith.constant 6 : i32
      %get3A_701 = arith.index_cast %select_n3A_72 : i32 to index
      %get3A_702 = arith.index_cast %get3A_700 : i32 to index
      %get3A_703 = arith.constant 96 : index
      %get3A_704 = tpu.vector_load %arg10[%get3A_701, %get3A_702, %get3A_703] {strides = array<i32>} : memref<2x16x128xi32, #tpu.memory_space<vmem>>, vector<16xi32>,
      tpu.vector_store_idx %arg12[%get3A_704], %broadcast_in_dim3A_13 {add = true} : memref<10240xf32, #tpu.memory_space<vmem>>[vector<16xi32>], vector<16xf32>,
      %get3A_705 = arith.constant 6 : i32
      %get3A_706 = arith.index_cast %select_n3A_72 : i32 to index
      %get3A_707 = arith.index_cast %get3A_705 : i32 to index
      %get3A_708 = arith.constant 112 : index
      %get3A_709 = tpu.vector_load %arg10[%get3A_706, %get3A_707, %get3A_708] {strides = array<i32>} : memref<2x16x128xi32, #tpu.memory_space<vmem>>, vector<16xi32>,
      tpu.vector_store_idx %arg12[%get3A_709], %broadcast_in_dim3A_13 {add = true} : memref<10240xf32, #tpu.memory_space<vmem>>[vector<16xi32>], vector<16xf32>,
      %dma_wait3A_710 = arith.constant 6 : i32
      %dma_wait3A_711 = arith.constant 0 : i32
      %dma_wait3A_712 = arith.constant 0 : i32
      %dma_wait3A_713 = tpu.memref_slice %arg11[%dma_wait3A_711, %dma_wait3A_712] : memref<768x128xbf16, #tpu.memory_space<vmem>> -> memref<128x128xbf16, #tpu.memory_space<vmem>>
      %dma_wait3A_714 = arith.constant 0 : i32
      %dma_wait3A_715 = tpu.memref_slice %arg10[%select_n3A_72, %dma_wait3A_710, %dma_wait3A_714] : memref<2x16x128xi32, #tpu.memory_space<vmem>> -> memref<1x1x128xi32, #tpu.memory_space<vmem>>
      %dma_wait3A_716 = tpu.memref_squeeze %dma_wait3A_715 : memref<1x1x128xi32, #tpu.memory_space<vmem>> -> memref<128xi32, #tpu.memory_space<vmem>>
      %dma_wait3A_717 = arith.constant 0 : i32
      %dma_wait3A_718 = arith.constant 0 : i32
      %dma_wait3A_719 = tpu.memref_slice %arg13[%dma_wait3A_717, %dma_wait3A_718] : memref<10240x128xbf16, #tpu.memory_space<vmem_shared>> -> memref<10240x128xbf16, #tpu.memory_space<vmem_shared>>
      tpu.wait_indirect_dma semaphore(%arg20 : memref<!tpu.dma_semaphore, #tpu.memory_space<semaphore_mem>>) src(%dma_wait3A_713 : memref<128x128xbf16, #tpu.memory_space<vmem>>) dst(%dma_wait3A_719 : memref<10240x128xbf16, #tpu.memory_space<vmem_shared>>)
      %dma_start3A_720 = arith.constant 12 : i32
      %dma_start3A_721 = arith.constant 0 : i32
      %dma_start3A_722 = arith.constant 0 : i32
      %dma_start3A_723 = tpu.memref_slice %arg11[%dma_start3A_721, %dma_start3A_722] : memref<768x128xbf16, #tpu.memory_space<vmem>> -> memref<128x128xbf16, #tpu.memory_space<vmem>>
      %dma_start3A_724 = arith.constant 0 : i32
      %dma_start3A_725 = tpu.memref_slice %arg9[%select_n3A_72, %dma_start3A_720, %dma_start3A_724] : memref<2x16x128xi32, #tpu.memory_space<vmem>> -> memref<1x1x128xi32, #tpu.memory_space<vmem>>
      %dma_start3A_726 = tpu.memref_squeeze %dma_start3A_725 : memref<1x1x128xi32, #tpu.memory_space<vmem>> -> memref<128xi32, #tpu.memory_space<vmem>>
      %dma_start3A_727 = arith.constant 0 : i32
      %dma_start3A_728 = arith.constant 0 : i32
      %dma_start3A_729 = tpu.memref_slice %arg2[%dma_start3A_727, %dma_start3A_728] : memref<10240x128xbf16, #tpu.memory_space<hbm>> -> memref<10240x128xbf16, #tpu.memory_space<hbm>>
      tpu.enqueue_indirect_dma source(%dma_start3A_729 : memref<10240x128xbf16, #tpu.memory_space<hbm>>) target(%dma_start3A_723 : memref<128x128xbf16, #tpu.memory_space<vmem>>) offsets(%dma_start3A_726 : memref<128xi32, #tpu.memory_space<vmem>>) semaphore(%arg14 : memref<!tpu.dma_semaphore, #tpu.memory_space<semaphore_mem>>)
      %dma_wait3A_730 = arith.constant 7 : i32
      %dma_wait3A_731 = arith.constant 128 : i32
      %dma_wait3A_732 = arith.constant 0 : i32
      %dma_wait3A_733 = tpu.memref_slice %arg11[%dma_wait3A_731, %dma_wait3A_732] : memref<768x128xbf16, #tpu.memory_space<vmem>> -> memref<128x128xbf16, #tpu.memory_space<vmem>>
      %dma_wait3A_734 = arith.constant 0 : i32
      %dma_wait3A_735 = tpu.memref_slice %arg9[%select_n3A_72, %dma_wait3A_730, %dma_wait3A_734] : memref<2x16x128xi32, #tpu.memory_space<vmem>> -> memref<1x1x128xi32, #tpu.memory_space<vmem>>
      %dma_wait3A_736 = tpu.memref_squeeze %dma_wait3A_735 : memref<1x1x128xi32, #tpu.memory_space<vmem>> -> memref<128xi32, #tpu.memory_space<vmem>>
      %dma_wait3A_737 = arith.constant 0 : i32
      %dma_wait3A_738 = arith.constant 0 : i32
      %dma_wait3A_739 = tpu.memref_slice %arg2[%dma_wait3A_737, %dma_wait3A_738] : memref<10240x128xbf16, #tpu.memory_space<hbm>> -> memref<10240x128xbf16, #tpu.memory_space<hbm>>
      tpu.wait_indirect_dma semaphore(%arg15 : memref<!tpu.dma_semaphore, #tpu.memory_space<semaphore_mem>>) src(%dma_wait3A_739 : memref<10240x128xbf16, #tpu.memory_space<hbm>>) dst(%dma_wait3A_733 : memref<128x128xbf16, #tpu.memory_space<vmem>>)
      %dma_start3A_740 = arith.constant 7 : i32
      %dma_start3A_741 = arith.constant 128 : i32
      %dma_start3A_742 = arith.constant 0 : i32
      %dma_start3A_743 = tpu.memref_slice %arg11[%dma_start3A_741, %dma_start3A_742] : memref<768x128xbf16, #tpu.memory_space<vmem>> -> memref<128x128xbf16, #tpu.memory_space<vmem>>
      %dma_start3A_744 = arith.constant 0 : i32
      %dma_start3A_745 = tpu.memref_slice %arg10[%select_n3A_72, %dma_start3A_740, %dma_start3A_744] : memref<2x16x128xi32, #tpu.memory_space<vmem>> -> memref<1x1x128xi32, #tpu.memory_space<vmem>>
      %dma_start3A_746 = tpu.memref_squeeze %dma_start3A_745 : memref<1x1x128xi32, #tpu.memory_space<vmem>> -> memref<128xi32, #tpu.memory_space<vmem>>
      %dma_start3A_747 = arith.constant 0 : i32
      %dma_start3A_748 = arith.constant 0 : i32
      %dma_start3A_749 = tpu.memref_slice %arg13[%dma_start3A_747, %dma_start3A_748] : memref<10240x128xbf16, #tpu.memory_space<vmem_shared>> -> memref<10240x128xbf16, #tpu.memory_space<vmem_shared>>
      tpu.enqueue_indirect_dma source(%dma_start3A_743 : memref<128x128xbf16, #tpu.memory_space<vmem>>) target(%dma_start3A_749 : memref<10240x128xbf16, #tpu.memory_space<vmem_shared>>) offsets(%dma_start3A_746 : memref<128xi32, #tpu.memory_space<vmem>>) semaphore(%arg21 : memref<!tpu.dma_semaphore, #tpu.memory_space<semaphore_mem>>) {add = true}
      %get3A_750 = arith.constant 7 : i32
      %get3A_751 = arith.index_cast %select_n3A_72 : i32 to index
      %get3A_752 = arith.index_cast %get3A_750 : i32 to index
      %get3A_753 = arith.constant 0 : index
      %get3A_754 = tpu.vector_load %arg10[%get3A_751, %get3A_752, %get3A_753] {strides = array<i32>} : memref<2x16x128xi32, #tpu.memory_space<vmem>>, vector<16xi32>,
      tpu.vector_store_idx %arg12[%get3A_754], %broadcast_in_dim3A_13 {add = true} : memref<10240xf32, #tpu.memory_space<vmem>>[vector<16xi32>], vector<16xf32>,
      %get3A_755 = arith.constant 7 : i32
      %get3A_756 = arith.index_cast %select_n3A_72 : i32 to index
      %get3A_757 = arith.index_cast %get3A_755 : i32 to index
      %get3A_758 = arith.constant 16 : index
      %get3A_759 = tpu.vector_load %arg10[%get3A_756, %get3A_757, %get3A_758] {strides = array<i32>} : memref<2x16x128xi32, #tpu.memory_space<vmem>>, vector<16xi32>,
      tpu.vector_store_idx %arg12[%get3A_759], %broadcast_in_dim3A_13 {add = true} : memref<10240xf32, #tpu.memory_space<vmem>>[vector<16xi32>], vector<16xf32>,
      %get3A_760 = arith.constant 7 : i32
      %get3A_761 = arith.index_cast %select_n3A_72 : i32 to index
      %get3A_762 = arith.index_cast %get3A_760 : i32 to index
      %get3A_763 = arith.constant 32 : index
      %get3A_764 = tpu.vector_load %arg10[%get3A_761, %get3A_762, %get3A_763] {strides = array<i32>} : memref<2x16x128xi32, #tpu.memory_space<vmem>>, vector<16xi32>,
      tpu.vector_store_idx %arg12[%get3A_764], %broadcast_in_dim3A_13 {add = true} : memref<10240xf32, #tpu.memory_space<vmem>>[vector<16xi32>], vector<16xf32>,
      %get3A_765 = arith.constant 7 : i32
      %get3A_766 = arith.index_cast %select_n3A_72 : i32 to index
      %get3A_767 = arith.index_cast %get3A_765 : i32 to index
      %get3A_768 = arith.constant 48 : index
      %get3A_769 = tpu.vector_load %arg10[%get3A_766, %get3A_767, %get3A_768] {strides = array<i32>} : memref<2x16x128xi32, #tpu.memory_space<vmem>>, vector<16xi32>,
      tpu.vector_store_idx %arg12[%get3A_769], %broadcast_in_dim3A_13 {add = true} : memref<10240xf32, #tpu.memory_space<vmem>>[vector<16xi32>], vector<16xf32>,
      %get3A_770 = arith.constant 7 : i32
      %get3A_771 = arith.index_cast %select_n3A_72 : i32 to index
      %get3A_772 = arith.index_cast %get3A_770 : i32 to index
      %get3A_773 = arith.constant 64 : index
      %get3A_774 = tpu.vector_load %arg10[%get3A_771, %get3A_772, %get3A_773] {strides = array<i32>} : memref<2x16x128xi32, #tpu.memory_space<vmem>>, vector<16xi32>,
      tpu.vector_store_idx %arg12[%get3A_774], %broadcast_in_dim3A_13 {add = true} : memref<10240xf32, #tpu.memory_space<vmem>>[vector<16xi32>], vector<16xf32>,
      %get3A_775 = arith.constant 7 : i32
      %get3A_776 = arith.index_cast %select_n3A_72 : i32 to index
      %get3A_777 = arith.index_cast %get3A_775 : i32 to index
      %get3A_778 = arith.constant 80 : index
      %get3A_779 = tpu.vector_load %arg10[%get3A_776, %get3A_777, %get3A_778] {strides = array<i32>} : memref<2x16x128xi32, #tpu.memory_space<vmem>>, vector<16xi32>,
      tpu.vector_store_idx %arg12[%get3A_779], %broadcast_in_dim3A_13 {add = true} : memref<10240xf32, #tpu.memory_space<vmem>>[vector<16xi32>], vector<16xf32>,
      %get3A_780 = arith.constant 7 : i32
      %get3A_781 = arith.index_cast %select_n3A_72 : i32 to index
      %get3A_782 = arith.index_cast %get3A_780 : i32 to index
      %get3A_783 = arith.constant 96 : index
      %get3A_784 = tpu.vector_load %arg10[%get3A_781, %get3A_782, %get3A_783] {strides = array<i32>} : memref<2x16x128xi32, #tpu.memory_space<vmem>>, vector<16xi32>,
      tpu.vector_store_idx %arg12[%get3A_784], %broadcast_in_dim3A_13 {add = true} : memref<10240xf32, #tpu.memory_space<vmem>>[vector<16xi32>], vector<16xf32>,
      %get3A_785 = arith.constant 7 : i32
      %get3A_786 = arith.index_cast %select_n3A_72 : i32 to index
      %get3A_787 = arith.index_cast %get3A_785 : i32 to index
      %get3A_788 = arith.constant 112 : index
      %get3A_789 = tpu.vector_load %arg10[%get3A_786, %get3A_787, %get3A_788] {strides = array<i32>} : memref<2x16x128xi32, #tpu.memory_space<vmem>>, vector<16xi32>,
      tpu.vector_store_idx %arg12[%get3A_789], %broadcast_in_dim3A_13 {add = true} : memref<10240xf32, #tpu.memory_space<vmem>>[vector<16xi32>], vector<16xf32>,
      %dma_wait3A_790 = arith.constant 7 : i32
      %dma_wait3A_791 = arith.constant 128 : i32
      %dma_wait3A_792 = arith.constant 0 : i32
      %dma_wait3A_793 = tpu.memref_slice %arg11[%dma_wait3A_791, %dma_wait3A_792] : memref<768x128xbf16, #tpu.memory_space<vmem>> -> memref<128x128xbf16, #tpu.memory_space<vmem>>
      %dma_wait3A_794 = arith.constant 0 : i32
      %dma_wait3A_795 = tpu.memref_slice %arg10[%select_n3A_72, %dma_wait3A_790, %dma_wait3A_794] : memref<2x16x128xi32, #tpu.memory_space<vmem>> -> memref<1x1x128xi32, #tpu.memory_space<vmem>>
      %dma_wait3A_796 = tpu.memref_squeeze %dma_wait3A_795 : memref<1x1x128xi32, #tpu.memory_space<vmem>> -> memref<128xi32, #tpu.memory_space<vmem>>
      %dma_wait3A_797 = arith.constant 0 : i32
      %dma_wait3A_798 = arith.constant 0 : i32
      %dma_wait3A_799 = tpu.memref_slice %arg13[%dma_wait3A_797, %dma_wait3A_798] : memref<10240x128xbf16, #tpu.memory_space<vmem_shared>> -> memref<10240x128xbf16, #tpu.memory_space<vmem_shared>>
      tpu.wait_indirect_dma semaphore(%arg21 : memref<!tpu.dma_semaphore, #tpu.memory_space<semaphore_mem>>) src(%dma_wait3A_793 : memref<128x128xbf16, #tpu.memory_space<vmem>>) dst(%dma_wait3A_799 : memref<10240x128xbf16, #tpu.memory_space<vmem_shared>>)
      %dma_start3A_800 = arith.constant 13 : i32
      %dma_start3A_801 = arith.constant 128 : i32
      %dma_start3A_802 = arith.constant 0 : i32
      %dma_start3A_803 = tpu.memref_slice %arg11[%dma_start3A_801, %dma_start3A_802] : memref<768x128xbf16, #tpu.memory_space<vmem>> -> memref<128x128xbf16, #tpu.memory_space<vmem>>
      %dma_start3A_804 = arith.constant 0 : i32
      %dma_start3A_805 = tpu.memref_slice %arg9[%select_n3A_72, %dma_start3A_800, %dma_start3A_804] : memref<2x16x128xi32, #tpu.memory_space<vmem>> -> memref<1x1x128xi32, #tpu.memory_space<vmem>>
      %dma_start3A_806 = tpu.memref_squeeze %dma_start3A_805 : memref<1x1x128xi32, #tpu.memory_space<vmem>> -> memref<128xi32, #tpu.memory_space<vmem>>
      %dma_start3A_807 = arith.constant 0 : i32
      %dma_start3A_808 = arith.constant 0 : i32
      %dma_start3A_809 = tpu.memref_slice %arg2[%dma_start3A_807, %dma_start3A_808] : memref<10240x128xbf16, #tpu.memory_space<hbm>> -> memref<10240x128xbf16, #tpu.memory_space<hbm>>
      tpu.enqueue_indirect_dma source(%dma_start3A_809 : memref<10240x128xbf16, #tpu.memory_space<hbm>>) target(%dma_start3A_803 : memref<128x128xbf16, #tpu.memory_space<vmem>>) offsets(%dma_start3A_806 : memref<128xi32, #tpu.memory_space<vmem>>) semaphore(%arg15 : memref<!tpu.dma_semaphore, #tpu.memory_space<semaphore_mem>>)
      %dma_wait3A_810 = arith.constant 8 : i32
      %dma_wait3A_811 = arith.constant 256 : i32
      %dma_wait3A_812 = arith.constant 0 : i32
      %dma_wait3A_813 = tpu.memref_slice %arg11[%dma_wait3A_811, %dma_wait3A_812] : memref<768x128xbf16, #tpu.memory_space<vmem>> -> memref<128x128xbf16, #tpu.memory_space<vmem>>
      %dma_wait3A_814 = arith.constant 0 : i32
      %dma_wait3A_815 = tpu.memref_slice %arg9[%select_n3A_72, %dma_wait3A_810, %dma_wait3A_814] : memref<2x16x128xi32, #tpu.memory_space<vmem>> -> memref<1x1x128xi32, #tpu.memory_space<vmem>>
      %dma_wait3A_816 = tpu.memref_squeeze %dma_wait3A_815 : memref<1x1x128xi32, #tpu.memory_space<vmem>> -> memref<128xi32, #tpu.memory_space<vmem>>
      %dma_wait3A_817 = arith.constant 0 : i32
      %dma_wait3A_818 = arith.constant 0 : i32
      %dma_wait3A_819 = tpu.memref_slice %arg2[%dma_wait3A_817, %dma_wait3A_818] : memref<10240x128xbf16, #tpu.memory_space<hbm>> -> memref<10240x128xbf16, #tpu.memory_space<hbm>>
      tpu.wait_indirect_dma semaphore(%arg16 : memref<!tpu.dma_semaphore, #tpu.memory_space<semaphore_mem>>) src(%dma_wait3A_819 : memref<10240x128xbf16, #tpu.memory_space<hbm>>) dst(%dma_wait3A_813 : memref<128x128xbf16, #tpu.memory_space<vmem>>)
      %dma_start3A_820 = arith.constant 8 : i32
      %dma_start3A_821 = arith.constant 256 : i32
      %dma_start3A_822 = arith.constant 0 : i32
      %dma_start3A_823 = tpu.memref_slice %arg11[%dma_start3A_821, %dma_start3A_822] : memref<768x128xbf16, #tpu.memory_space<vmem>> -> memref<128x128xbf16, #tpu.memory_space<vmem>>
      %dma_start3A_824 = arith.constant 0 : i32
      %dma_start3A_825 = tpu.memref_slice %arg10[%select_n3A_72, %dma_start3A_820, %dma_start3A_824] : memref<2x16x128xi32, #tpu.memory_space<vmem>> -> memref<1x1x128xi32, #tpu.memory_space<vmem>>
      %dma_start3A_826 = tpu.memref_squeeze %dma_start3A_825 : memref<1x1x128xi32, #tpu.memory_space<vmem>> -> memref<128xi32, #tpu.memory_space<vmem>>
      %dma_start3A_827 = arith.constant 0 : i32
      %dma_start3A_828 = arith.constant 0 : i32
      %dma_start3A_829 = tpu.memref_slice %arg13[%dma_start3A_827, %dma_start3A_828] : memref<10240x128xbf16, #tpu.memory_space<vmem_shared>> -> memref<10240x128xbf16, #tpu.memory_space<vmem_shared>>
      tpu.enqueue_indirect_dma source(%dma_start3A_823 : memref<128x128xbf16, #tpu.memory_space<vmem>>) target(%dma_start3A_829 : memref<10240x128xbf16, #tpu.memory_space<vmem_shared>>) offsets(%dma_start3A_826 : memref<128xi32, #tpu.memory_space<vmem>>) semaphore(%arg22 : memref<!tpu.dma_semaphore, #tpu.memory_space<semaphore_mem>>) {add = true}
      %get3A_830 = arith.constant 8 : i32
      %get3A_831 = arith.index_cast %select_n3A_72 : i32 to index
      %get3A_832 = arith.index_cast %get3A_830 : i32 to index
      %get3A_833 = arith.constant 0 : index
      %get3A_834 = tpu.vector_load %arg10[%get3A_831, %get3A_832, %get3A_833] {strides = array<i32>} : memref<2x16x128xi32, #tpu.memory_space<vmem>>, vector<16xi32>,
      tpu.vector_store_idx %arg12[%get3A_834], %broadcast_in_dim3A_13 {add = true} : memref<10240xf32, #tpu.memory_space<vmem>>[vector<16xi32>], vector<16xf32>,
      %get3A_835 = arith.constant 8 : i32
      %get3A_836 = arith.index_cast %select_n3A_72 : i32 to index
      %get3A_837 = arith.index_cast %get3A_835 : i32 to index
      %get3A_838 = arith.constant 16 : index
      %get3A_839 = tpu.vector_load %arg10[%get3A_836, %get3A_837, %get3A_838] {strides = array<i32>} : memref<2x16x128xi32, #tpu.memory_space<vmem>>, vector<16xi32>,
      tpu.vector_store_idx %arg12[%get3A_839], %broadcast_in_dim3A_13 {add = true} : memref<10240xf32, #tpu.memory_space<vmem>>[vector<16xi32>], vector<16xf32>,
      %get3A_840 = arith.constant 8 : i32
      %get3A_841 = arith.index_cast %select_n3A_72 : i32 to index
      %get3A_842 = arith.index_cast %get3A_840 : i32 to index
      %get3A_843 = arith.constant 32 : index
      %get3A_844 = tpu.vector_load %arg10[%get3A_841, %get3A_842, %get3A_843] {strides = array<i32>} : memref<2x16x128xi32, #tpu.memory_space<vmem>>, vector<16xi32>,
      tpu.vector_store_idx %arg12[%get3A_844], %broadcast_in_dim3A_13 {add = true} : memref<10240xf32, #tpu.memory_space<vmem>>[vector<16xi32>], vector<16xf32>,
      %get3A_845 = arith.constant 8 : i32
      %get3A_846 = arith.index_cast %select_n3A_72 : i32 to index
      %get3A_847 = arith.index_cast %get3A_845 : i32 to index
      %get3A_848 = arith.constant 48 : index
      %get3A_849 = tpu.vector_load %arg10[%get3A_846, %get3A_847, %get3A_848] {strides = array<i32>} : memref<2x16x128xi32, #tpu.memory_space<vmem>>, vector<16xi32>,
      tpu.vector_store_idx %arg12[%get3A_849], %broadcast_in_dim3A_13 {add = true} : memref<10240xf32, #tpu.memory_space<vmem>>[vector<16xi32>], vector<16xf32>,
      %get3A_850 = arith.constant 8 : i32
      %get3A_851 = arith.index_cast %select_n3A_72 : i32 to index
      %get3A_852 = arith.index_cast %get3A_850 : i32 to index
      %get3A_853 = arith.constant 64 : index
      %get3A_854 = tpu.vector_load %arg10[%get3A_851, %get3A_852, %get3A_853] {strides = array<i32>} : memref<2x16x128xi32, #tpu.memory_space<vmem>>, vector<16xi32>,
      tpu.vector_store_idx %arg12[%get3A_854], %broadcast_in_dim3A_13 {add = true} : memref<10240xf32, #tpu.memory_space<vmem>>[vector<16xi32>], vector<16xf32>,
      %get3A_855 = arith.constant 8 : i32
      %get3A_856 = arith.index_cast %select_n3A_72 : i32 to index
      %get3A_857 = arith.index_cast %get3A_855 : i32 to index
      %get3A_858 = arith.constant 80 : index
      %get3A_859 = tpu.vector_load %arg10[%get3A_856, %get3A_857, %get3A_858] {strides = array<i32>} : memref<2x16x128xi32, #tpu.memory_space<vmem>>, vector<16xi32>,
      tpu.vector_store_idx %arg12[%get3A_859], %broadcast_in_dim3A_13 {add = true} : memref<10240xf32, #tpu.memory_space<vmem>>[vector<16xi32>], vector<16xf32>,
      %get3A_860 = arith.constant 8 : i32
      %get3A_861 = arith.index_cast %select_n3A_72 : i32 to index
      %get3A_862 = arith.index_cast %get3A_860 : i32 to index
      %get3A_863 = arith.constant 96 : index
      %get3A_864 = tpu.vector_load %arg10[%get3A_861, %get3A_862, %get3A_863] {strides = array<i32>} : memref<2x16x128xi32, #tpu.memory_space<vmem>>, vector<16xi32>,
      tpu.vector_store_idx %arg12[%get3A_864], %broadcast_in_dim3A_13 {add = true} : memref<10240xf32, #tpu.memory_space<vmem>>[vector<16xi32>], vector<16xf32>,
      %get3A_865 = arith.constant 8 : i32
      %get3A_866 = arith.index_cast %select_n3A_72 : i32 to index
      %get3A_867 = arith.index_cast %get3A_865 : i32 to index
      %get3A_868 = arith.constant 112 : index
      %get3A_869 = tpu.vector_load %arg10[%get3A_866, %get3A_867, %get3A_868] {strides = array<i32>} : memref<2x16x128xi32, #tpu.memory_space<vmem>>, vector<16xi32>,
      tpu.vector_store_idx %arg12[%get3A_869], %broadcast_in_dim3A_13 {add = true} : memref<10240xf32, #tpu.memory_space<vmem>>[vector<16xi32>], vector<16xf32>,
      %dma_wait3A_870 = arith.constant 8 : i32
      %dma_wait3A_871 = arith.constant 256 : i32
      %dma_wait3A_872 = arith.constant 0 : i32
      %dma_wait3A_873 = tpu.memref_slice %arg11[%dma_wait3A_871, %dma_wait3A_872] : memref<768x128xbf16, #tpu.memory_space<vmem>> -> memref<128x128xbf16, #tpu.memory_space<vmem>>
      %dma_wait3A_874 = arith.constant 0 : i32
      %dma_wait3A_875 = tpu.memref_slice %arg10[%select_n3A_72, %dma_wait3A_870, %dma_wait3A_874] : memref<2x16x128xi32, #tpu.memory_space<vmem>> -> memref<1x1x128xi32, #tpu.memory_space<vmem>>
      %dma_wait3A_876 = tpu.memref_squeeze %dma_wait3A_875 : memref<1x1x128xi32, #tpu.memory_space<vmem>> -> memref<128xi32, #tpu.memory_space<vmem>>
      %dma_wait3A_877 = arith.constant 0 : i32
      %dma_wait3A_878 = arith.constant 0 : i32
      %dma_wait3A_879 = tpu.memref_slice %arg13[%dma_wait3A_877, %dma_wait3A_878] : memref<10240x128xbf16, #tpu.memory_space<vmem_shared>> -> memref<10240x128xbf16, #tpu.memory_space<vmem_shared>>
      tpu.wait_indirect_dma semaphore(%arg22 : memref<!tpu.dma_semaphore, #tpu.memory_space<semaphore_mem>>) src(%dma_wait3A_873 : memref<128x128xbf16, #tpu.memory_space<vmem>>) dst(%dma_wait3A_879 : memref<10240x128xbf16, #tpu.memory_space<vmem_shared>>)
      %dma_start3A_880 = arith.constant 14 : i32
      %dma_start3A_881 = arith.constant 256 : i32
      %dma_start3A_882 = arith.constant 0 : i32
      %dma_start3A_883 = tpu.memref_slice %arg11[%dma_start3A_881, %dma_start3A_882] : memref<768x128xbf16, #tpu.memory_space<vmem>> -> memref<128x128xbf16, #tpu.memory_space<vmem>>
      %dma_start3A_884 = arith.constant 0 : i32
      %dma_start3A_885 = tpu.memref_slice %arg9[%select_n3A_72, %dma_start3A_880, %dma_start3A_884] : memref<2x16x128xi32, #tpu.memory_space<vmem>> -> memref<1x1x128xi32, #tpu.memory_space<vmem>>
      %dma_start3A_886 = tpu.memref_squeeze %dma_start3A_885 : memref<1x1x128xi32, #tpu.memory_space<vmem>> -> memref<128xi32, #tpu.memory_space<vmem>>
      %dma_start3A_887 = arith.constant 0 : i32
      %dma_start3A_888 = arith.constant 0 : i32
      %dma_start3A_889 = tpu.memref_slice %arg2[%dma_start3A_887, %dma_start3A_888] : memref<10240x128xbf16, #tpu.memory_space<hbm>> -> memref<10240x128xbf16, #tpu.memory_space<hbm>>
      tpu.enqueue_indirect_dma source(%dma_start3A_889 : memref<10240x128xbf16, #tpu.memory_space<hbm>>) target(%dma_start3A_883 : memref<128x128xbf16, #tpu.memory_space<vmem>>) offsets(%dma_start3A_886 : memref<128xi32, #tpu.memory_space<vmem>>) semaphore(%arg16 : memref<!tpu.dma_semaphore, #tpu.memory_space<semaphore_mem>>)
      %dma_wait3A_890 = arith.constant 9 : i32
      %dma_wait3A_891 = arith.constant 384 : i32
      %dma_wait3A_892 = arith.constant 0 : i32
      %dma_wait3A_893 = tpu.memref_slice %arg11[%dma_wait3A_891, %dma_wait3A_892] : memref<768x128xbf16, #tpu.memory_space<vmem>> -> memref<128x128xbf16, #tpu.memory_space<vmem>>
      %dma_wait3A_894 = arith.constant 0 : i32
      %dma_wait3A_895 = tpu.memref_slice %arg9[%select_n3A_72, %dma_wait3A_890, %dma_wait3A_894] : memref<2x16x128xi32, #tpu.memory_space<vmem>> -> memref<1x1x128xi32, #tpu.memory_space<vmem>>
      %dma_wait3A_896 = tpu.memref_squeeze %dma_wait3A_895 : memref<1x1x128xi32, #tpu.memory_space<vmem>> -> memref<128xi32, #tpu.memory_space<vmem>>
      %dma_wait3A_897 = arith.constant 0 : i32
      %dma_wait3A_898 = arith.constant 0 : i32
      %dma_wait3A_899 = tpu.memref_slice %arg2[%dma_wait3A_897, %dma_wait3A_898] : memref<10240x128xbf16, #tpu.memory_space<hbm>> -> memref<10240x128xbf16, #tpu.memory_space<hbm>>
      tpu.wait_indirect_dma semaphore(%arg17 : memref<!tpu.dma_semaphore, #tpu.memory_space<semaphore_mem>>) src(%dma_wait3A_899 : memref<10240x128xbf16, #tpu.memory_space<hbm>>) dst(%dma_wait3A_893 : memref<128x128xbf16, #tpu.memory_space<vmem>>)
      %dma_start3A_900 = arith.constant 9 : i32
      %dma_start3A_901 = arith.constant 384 : i32
      %dma_start3A_902 = arith.constant 0 : i32
      %dma_start3A_903 = tpu.memref_slice %arg11[%dma_start3A_901, %dma_start3A_902] : memref<768x128xbf16, #tpu.memory_space<vmem>> -> memref<128x128xbf16, #tpu.memory_space<vmem>>
      %dma_start3A_904 = arith.constant 0 : i32
      %dma_start3A_905 = tpu.memref_slice %arg10[%select_n3A_72, %dma_start3A_900, %dma_start3A_904] : memref<2x16x128xi32, #tpu.memory_space<vmem>> -> memref<1x1x128xi32, #tpu.memory_space<vmem>>
      %dma_start3A_906 = tpu.memref_squeeze %dma_start3A_905 : memref<1x1x128xi32, #tpu.memory_space<vmem>> -> memref<128xi32, #tpu.memory_space<vmem>>
      %dma_start3A_907 = arith.constant 0 : i32
      %dma_start3A_908 = arith.constant 0 : i32
      %dma_start3A_909 = tpu.memref_slice %arg13[%dma_start3A_907, %dma_start3A_908] : memref<10240x128xbf16, #tpu.memory_space<vmem_shared>> -> memref<10240x128xbf16, #tpu.memory_space<vmem_shared>>
      tpu.enqueue_indirect_dma source(%dma_start3A_903 : memref<128x128xbf16, #tpu.memory_space<vmem>>) target(%dma_start3A_909 : memref<10240x128xbf16, #tpu.memory_space<vmem_shared>>) offsets(%dma_start3A_906 : memref<128xi32, #tpu.memory_space<vmem>>) semaphore(%arg23 : memref<!tpu.dma_semaphore, #tpu.memory_space<semaphore_mem>>) {add = true}
      %get3A_910 = arith.constant 9 : i32
      %get3A_911 = arith.index_cast %select_n3A_72 : i32 to index
      %get3A_912 = arith.index_cast %get3A_910 : i32 to index
      %get3A_913 = arith.constant 0 : index
      %get3A_914 = tpu.vector_load %arg10[%get3A_911, %get3A_912, %get3A_913] {strides = array<i32>} : memref<2x16x128xi32, #tpu.memory_space<vmem>>, vector<16xi32>,
      tpu.vector_store_idx %arg12[%get3A_914], %broadcast_in_dim3A_13 {add = true} : memref<10240xf32, #tpu.memory_space<vmem>>[vector<16xi32>], vector<16xf32>,
      %get3A_915 = arith.constant 9 : i32
      %get3A_916 = arith.index_cast %select_n3A_72 : i32 to index
      %get3A_917 = arith.index_cast %get3A_915 : i32 to index
      %get3A_918 = arith.constant 16 : index
      %get3A_919 = tpu.vector_load %arg10[%get3A_916, %get3A_917, %get3A_918] {strides = array<i32>} : memref<2x16x128xi32, #tpu.memory_space<vmem>>, vector<16xi32>,
      tpu.vector_store_idx %arg12[%get3A_919], %broadcast_in_dim3A_13 {add = true} : memref<10240xf32, #tpu.memory_space<vmem>>[vector<16xi32>], vector<16xf32>,
      %get3A_920 = arith.constant 9 : i32
      %get3A_921 = arith.index_cast %select_n3A_72 : i32 to index
      %get3A_922 = arith.index_cast %get3A_920 : i32 to index
      %get3A_923 = arith.constant 32 : index
      %get3A_924 = tpu.vector_load %arg10[%get3A_921, %get3A_922, %get3A_923] {strides = array<i32>} : memref<2x16x128xi32, #tpu.memory_space<vmem>>, vector<16xi32>,
      tpu.vector_store_idx %arg12[%get3A_924], %broadcast_in_dim3A_13 {add = true} : memref<10240xf32, #tpu.memory_space<vmem>>[vector<16xi32>], vector<16xf32>,
      %get3A_925 = arith.constant 9 : i32
      %get3A_926 = arith.index_cast %select_n3A_72 : i32 to index
      %get3A_927 = arith.index_cast %get3A_925 : i32 to index
      %get3A_928 = arith.constant 48 : index
      %get3A_929 = tpu.vector_load %arg10[%get3A_926, %get3A_927, %get3A_928] {strides = array<i32>} : memref<2x16x128xi32, #tpu.memory_space<vmem>>, vector<16xi32>,
      tpu.vector_store_idx %arg12[%get3A_929], %broadcast_in_dim3A_13 {add = true} : memref<10240xf32, #tpu.memory_space<vmem>>[vector<16xi32>], vector<16xf32>,
      %get3A_930 = arith.constant 9 : i32
      %get3A_931 = arith.index_cast %select_n3A_72 : i32 to index
      %get3A_932 = arith.index_cast %get3A_930 : i32 to index
      %get3A_933 = arith.constant 64 : index
      %get3A_934 = tpu.vector_load %arg10[%get3A_931, %get3A_932, %get3A_933] {strides = array<i32>} : memref<2x16x128xi32, #tpu.memory_space<vmem>>, vector<16xi32>,
      tpu.vector_store_idx %arg12[%get3A_934], %broadcast_in_dim3A_13 {add = true} : memref<10240xf32, #tpu.memory_space<vmem>>[vector<16xi32>], vector<16xf32>,
      %get3A_935 = arith.constant 9 : i32
      %get3A_936 = arith.index_cast %select_n3A_72 : i32 to index
      %get3A_937 = arith.index_cast %get3A_935 : i32 to index
      %get3A_938 = arith.constant 80 : index
      %get3A_939 = tpu.vector_load %arg10[%get3A_936, %get3A_937, %get3A_938] {strides = array<i32>} : memref<2x16x128xi32, #tpu.memory_space<vmem>>, vector<16xi32>,
      tpu.vector_store_idx %arg12[%get3A_939], %broadcast_in_dim3A_13 {add = true} : memref<10240xf32, #tpu.memory_space<vmem>>[vector<16xi32>], vector<16xf32>,
      %get3A_940 = arith.constant 9 : i32
      %get3A_941 = arith.index_cast %select_n3A_72 : i32 to index
      %get3A_942 = arith.index_cast %get3A_940 : i32 to index
      %get3A_943 = arith.constant 96 : index
      %get3A_944 = tpu.vector_load %arg10[%get3A_941, %get3A_942, %get3A_943] {strides = array<i32>} : memref<2x16x128xi32, #tpu.memory_space<vmem>>, vector<16xi32>,
      tpu.vector_store_idx %arg12[%get3A_944], %broadcast_in_dim3A_13 {add = true} : memref<10240xf32, #tpu.memory_space<vmem>>[vector<16xi32>], vector<16xf32>,
      %get3A_945 = arith.constant 9 : i32
      %get3A_946 = arith.index_cast %select_n3A_72 : i32 to index
      %get3A_947 = arith.index_cast %get3A_945 : i32 to index
      %get3A_948 = arith.constant 112 : index
      %get3A_949 = tpu.vector_load %arg10[%get3A_946, %get3A_947, %get3A_948] {strides = array<i32>} : memref<2x16x128xi32, #tpu.memory_space<vmem>>, vector<16xi32>,
      tpu.vector_store_idx %arg12[%get3A_949], %broadcast_in_dim3A_13 {add = true} : memref<10240xf32, #tpu.memory_space<vmem>>[vector<16xi32>], vector<16xf32>,
      %dma_wait3A_950 = arith.constant 9 : i32
      %dma_wait3A_951 = arith.constant 384 : i32
      %dma_wait3A_952 = arith.constant 0 : i32
      %dma_wait3A_953 = tpu.memref_slice %arg11[%dma_wait3A_951, %dma_wait3A_952] : memref<768x128xbf16, #tpu.memory_space<vmem>> -> memref<128x128xbf16, #tpu.memory_space<vmem>>
      %dma_wait3A_954 = arith.constant 0 : i32
      %dma_wait3A_955 = tpu.memref_slice %arg10[%select_n3A_72, %dma_wait3A_950, %dma_wait3A_954] : memref<2x16x128xi32, #tpu.memory_space<vmem>> -> memref<1x1x128xi32, #tpu.memory_space<vmem>>
      %dma_wait3A_956 = tpu.memref_squeeze %dma_wait3A_955 : memref<1x1x128xi32, #tpu.memory_space<vmem>> -> memref<128xi32, #tpu.memory_space<vmem>>
      %dma_wait3A_957 = arith.constant 0 : i32
      %dma_wait3A_958 = arith.constant 0 : i32
      %dma_wait3A_959 = tpu.memref_slice %arg13[%dma_wait3A_957, %dma_wait3A_958] : memref<10240x128xbf16, #tpu.memory_space<vmem_shared>> -> memref<10240x128xbf16, #tpu.memory_space<vmem_shared>>
      tpu.wait_indirect_dma semaphore(%arg23 : memref<!tpu.dma_semaphore, #tpu.memory_space<semaphore_mem>>) src(%dma_wait3A_953 : memref<128x128xbf16, #tpu.memory_space<vmem>>) dst(%dma_wait3A_959 : memref<10240x128xbf16, #tpu.memory_space<vmem_shared>>)
      %dma_start3A_960 = arith.constant 15 : i32
      %dma_start3A_961 = arith.constant 384 : i32
      %dma_start3A_962 = arith.constant 0 : i32
      %dma_start3A_963 = tpu.memref_slice %arg11[%dma_start3A_961, %dma_start3A_962] : memref<768x128xbf16, #tpu.memory_space<vmem>> -> memref<128x128xbf16, #tpu.memory_space<vmem>>
      %dma_start3A_964 = arith.constant 0 : i32
      %dma_start3A_965 = tpu.memref_slice %arg9[%select_n3A_72, %dma_start3A_960, %dma_start3A_964] : memref<2x16x128xi32, #tpu.memory_space<vmem>> -> memref<1x1x128xi32, #tpu.memory_space<vmem>>
      %dma_start3A_966 = tpu.memref_squeeze %dma_start3A_965 : memref<1x1x128xi32, #tpu.memory_space<vmem>> -> memref<128xi32, #tpu.memory_space<vmem>>
      %dma_start3A_967 = arith.constant 0 : i32
      %dma_start3A_968 = arith.constant 0 : i32
      %dma_start3A_969 = tpu.memref_slice %arg2[%dma_start3A_967, %dma_start3A_968] : memref<10240x128xbf16, #tpu.memory_space<hbm>> -> memref<10240x128xbf16, #tpu.memory_space<hbm>>
      tpu.enqueue_indirect_dma source(%dma_start3A_969 : memref<10240x128xbf16, #tpu.memory_space<hbm>>) target(%dma_start3A_963 : memref<128x128xbf16, #tpu.memory_space<vmem>>) offsets(%dma_start3A_966 : memref<128xi32, #tpu.memory_space<vmem>>) semaphore(%arg17 : memref<!tpu.dma_semaphore, #tpu.memory_space<semaphore_mem>>)
      %dma_wait3A_970 = arith.constant 10 : i32
      %dma_wait3A_971 = arith.constant 512 : i32
      %dma_wait3A_972 = arith.constant 0 : i32
      %dma_wait3A_973 = tpu.memref_slice %arg11[%dma_wait3A_971, %dma_wait3A_972] : memref<768x128xbf16, #tpu.memory_space<vmem>> -> memref<128x128xbf16, #tpu.memory_space<vmem>>
      %dma_wait3A_974 = arith.constant 0 : i32
      %dma_wait3A_975 = tpu.memref_slice %arg9[%select_n3A_72, %dma_wait3A_970, %dma_wait3A_974] : memref<2x16x128xi32, #tpu.memory_space<vmem>> -> memref<1x1x128xi32, #tpu.memory_space<vmem>>
      %dma_wait3A_976 = tpu.memref_squeeze %dma_wait3A_975 : memref<1x1x128xi32, #tpu.memory_space<vmem>> -> memref<128xi32, #tpu.memory_space<vmem>>
      %dma_wait3A_977 = arith.constant 0 : i32
      %dma_wait3A_978 = arith.constant 0 : i32
      %dma_wait3A_979 = tpu.memref_slice %arg2[%dma_wait3A_977, %dma_wait3A_978] : memref<10240x128xbf16, #tpu.memory_space<hbm>> -> memref<10240x128xbf16, #tpu.memory_space<hbm>>
      tpu.wait_indirect_dma semaphore(%arg18 : memref<!tpu.dma_semaphore, #tpu.memory_space<semaphore_mem>>) src(%dma_wait3A_979 : memref<10240x128xbf16, #tpu.memory_space<hbm>>) dst(%dma_wait3A_973 : memref<128x128xbf16, #tpu.memory_space<vmem>>)
      %dma_start3A_980 = arith.constant 10 : i32
      %dma_start3A_981 = arith.constant 512 : i32
      %dma_start3A_982 = arith.constant 0 : i32
      %dma_start3A_983 = tpu.memref_slice %arg11[%dma_start3A_981, %dma_start3A_982] : memref<768x128xbf16, #tpu.memory_space<vmem>> -> memref<128x128xbf16, #tpu.memory_space<vmem>>
      %dma_start3A_984 = arith.constant 0 : i32
      %dma_start3A_985 = tpu.memref_slice %arg10[%select_n3A_72, %dma_start3A_980, %dma_start3A_984] : memref<2x16x128xi32, #tpu.memory_space<vmem>> -> memref<1x1x128xi32, #tpu.memory_space<vmem>>
      %dma_start3A_986 = tpu.memref_squeeze %dma_start3A_985 : memref<1x1x128xi32, #tpu.memory_space<vmem>> -> memref<128xi32, #tpu.memory_space<vmem>>
      %dma_start3A_987 = arith.constant 0 : i32
      %dma_start3A_988 = arith.constant 0 : i32
      %dma_start3A_989 = tpu.memref_slice %arg13[%dma_start3A_987, %dma_start3A_988] : memref<10240x128xbf16, #tpu.memory_space<vmem_shared>> -> memref<10240x128xbf16, #tpu.memory_space<vmem_shared>>
      tpu.enqueue_indirect_dma source(%dma_start3A_983 : memref<128x128xbf16, #tpu.memory_space<vmem>>) target(%dma_start3A_989 : memref<10240x128xbf16, #tpu.memory_space<vmem_shared>>) offsets(%dma_start3A_986 : memref<128xi32, #tpu.memory_space<vmem>>) semaphore(%arg24 : memref<!tpu.dma_semaphore, #tpu.memory_space<semaphore_mem>>) {add = true}
      %get3A_990 = arith.constant 10 : i32
      %get3A_991 = arith.index_cast %select_n3A_72 : i32 to index
      %get3A_992 = arith.index_cast %get3A_990 : i32 to index
      %get3A_993 = arith.constant 0 : index
      %get3A_994 = tpu.vector_load %arg10[%get3A_991, %get3A_992, %get3A_993] {strides = array<i32>} : memref<2x16x128xi32, #tpu.memory_space<vmem>>, vector<16xi32>,
      tpu.vector_store_idx %arg12[%get3A_994], %broadcast_in_dim3A_13 {add = true} : memref<10240xf32, #tpu.memory_space<vmem>>[vector<16xi32>], vector<16xf32>,
      %get3A_995 = arith.constant 10 : i32
      %get3A_996 = arith.index_cast %select_n3A_72 : i32 to index
      %get3A_997 = arith.index_cast %get3A_995 : i32 to index
      %get3A_998 = arith.constant 16 : index
      %get3A_999 = tpu.vector_load %arg10[%get3A_996, %get3A_997, %get3A_998] {strides = array<i32>} : memref<2x16x128xi32, #tpu.memory_space<vmem>>, vector<16xi32>,
      tpu.vector_store_idx %arg12[%get3A_999], %broadcast_in_dim3A_13 {add = true} : memref<10240xf32, #tpu.memory_space<vmem>>[vector<16xi32>], vector<16xf32>,
      %get3A_1000 = arith.constant 10 : i32
      %get3A_1001 = arith.index_cast %select_n3A_72 : i32 to index
      %get3A_1002 = arith.index_cast %get3A_1000 : i32 to index
      %get3A_1003 = arith.constant 32 : index
      %get3A_1004 = tpu.vector_load %arg10[%get3A_1001, %get3A_1002, %get3A_1003] {strides = array<i32>} : memref<2x16x128xi32, #tpu.memory_space<vmem>>, vector<16xi32>,
      tpu.vector_store_idx %arg12[%get3A_1004], %broadcast_in_dim3A_13 {add = true} : memref<10240xf32, #tpu.memory_space<vmem>>[vector<16xi32>], vector<16xf32>,
      %get3A_1005 = arith.constant 10 : i32
      %get3A_1006 = arith.index_cast %select_n3A_72 : i32 to index
      %get3A_1007 = arith.index_cast %get3A_1005 : i32 to index
      %get3A_1008 = arith.constant 48 : index
      %get3A_1009 = tpu.vector_load %arg10[%get3A_1006, %get3A_1007, %get3A_1008] {strides = array<i32>} : memref<2x16x128xi32, #tpu.memory_space<vmem>>, vector<16xi32>,
      tpu.vector_store_idx %arg12[%get3A_1009], %broadcast_in_dim3A_13 {add = true} : memref<10240xf32, #tpu.memory_space<vmem>>[vector<16xi32>], vector<16xf32>,
      %get3A_1010 = arith.constant 10 : i32
      %get3A_1011 = arith.index_cast %select_n3A_72 : i32 to index
      %get3A_1012 = arith.index_cast %get3A_1010 : i32 to index
      %get3A_1013 = arith.constant 64 : index
      %get3A_1014 = tpu.vector_load %arg10[%get3A_1011, %get3A_1012, %get3A_1013] {strides = array<i32>} : memref<2x16x128xi32, #tpu.memory_space<vmem>>, vector<16xi32>,
      tpu.vector_store_idx %arg12[%get3A_1014], %broadcast_in_dim3A_13 {add = true} : memref<10240xf32, #tpu.memory_space<vmem>>[vector<16xi32>], vector<16xf32>,
      %get3A_1015 = arith.constant 10 : i32
      %get3A_1016 = arith.index_cast %select_n3A_72 : i32 to index
      %get3A_1017 = arith.index_cast %get3A_1015 : i32 to index
      %get3A_1018 = arith.constant 80 : index
      %get3A_1019 = tpu.vector_load %arg10[%get3A_1016, %get3A_1017, %get3A_1018] {strides = array<i32>} : memref<2x16x128xi32, #tpu.memory_space<vmem>>, vector<16xi32>,
      tpu.vector_store_idx %arg12[%get3A_1019], %broadcast_in_dim3A_13 {add = true} : memref<10240xf32, #tpu.memory_space<vmem>>[vector<16xi32>], vector<16xf32>,
      %get3A_1020 = arith.constant 10 : i32
      %get3A_1021 = arith.index_cast %select_n3A_72 : i32 to index
      %get3A_1022 = arith.index_cast %get3A_1020 : i32 to index
      %get3A_1023 = arith.constant 96 : index
      %get3A_1024 = tpu.vector_load %arg10[%get3A_1021, %get3A_1022, %get3A_1023] {strides = array<i32>} : memref<2x16x128xi32, #tpu.memory_space<vmem>>, vector<16xi32>,
      tpu.vector_store_idx %arg12[%get3A_1024], %broadcast_in_dim3A_13 {add = true} : memref<10240xf32, #tpu.memory_space<vmem>>[vector<16xi32>], vector<16xf32>,
      %get3A_1025 = arith.constant 10 : i32
      %get3A_1026 = arith.index_cast %select_n3A_72 : i32 to index
      %get3A_1027 = arith.index_cast %get3A_1025 : i32 to index
      %get3A_1028 = arith.constant 112 : index
      %get3A_1029 = tpu.vector_load %arg10[%get3A_1026, %get3A_1027, %get3A_1028] {strides = array<i32>} : memref<2x16x128xi32, #tpu.memory_space<vmem>>, vector<16xi32>,
      tpu.vector_store_idx %arg12[%get3A_1029], %broadcast_in_dim3A_13 {add = true} : memref<10240xf32, #tpu.memory_space<vmem>>[vector<16xi32>], vector<16xf32>,
      %dma_wait3A_1030 = arith.constant 11 : i32
      %dma_wait3A_1031 = arith.constant 640 : i32
      %dma_wait3A_1032 = arith.constant 0 : i32
      %dma_wait3A_1033 = tpu.memref_slice %arg11[%dma_wait3A_1031, %dma_wait3A_1032] : memref<768x128xbf16, #tpu.memory_space<vmem>> -> memref<128x128xbf16, #tpu.memory_space<vmem>>
      %dma_wait3A_1034 = arith.constant 0 : i32
      %dma_wait3A_1035 = tpu.memref_slice %arg9[%select_n3A_72, %dma_wait3A_1030, %dma_wait3A_1034] : memref<2x16x128xi32, #tpu.memory_space<vmem>> -> memref<1x1x128xi32, #tpu.memory_space<vmem>>
      %dma_wait3A_1036 = tpu.memref_squeeze %dma_wait3A_1035 : memref<1x1x128xi32, #tpu.memory_space<vmem>> -> memref<128xi32, #tpu.memory_space<vmem>>
      %dma_wait3A_1037 = arith.constant 0 : i32
      %dma_wait3A_1038 = arith.constant 0 : i32
      %dma_wait3A_1039 = tpu.memref_slice %arg2[%dma_wait3A_1037, %dma_wait3A_1038] : memref<10240x128xbf16, #tpu.memory_space<hbm>> -> memref<10240x128xbf16, #tpu.memory_space<hbm>>
      tpu.wait_indirect_dma semaphore(%arg19 : memref<!tpu.dma_semaphore, #tpu.memory_space<semaphore_mem>>) src(%dma_wait3A_1039 : memref<10240x128xbf16, #tpu.memory_space<hbm>>) dst(%dma_wait3A_1033 : memref<128x128xbf16, #tpu.memory_space<vmem>>)
      %dma_start3A_1040 = arith.constant 11 : i32
      %dma_start3A_1041 = arith.constant 640 : i32
      %dma_start3A_1042 = arith.constant 0 : i32
      %dma_start3A_1043 = tpu.memref_slice %arg11[%dma_start3A_1041, %dma_start3A_1042] : memref<768x128xbf16, #tpu.memory_space<vmem>> -> memref<128x128xbf16, #tpu.memory_space<vmem>>
      %dma_start3A_1044 = arith.constant 0 : i32
      %dma_start3A_1045 = tpu.memref_slice %arg10[%select_n3A_72, %dma_start3A_1040, %dma_start3A_1044] : memref<2x16x128xi32, #tpu.memory_space<vmem>> -> memref<1x1x128xi32, #tpu.memory_space<vmem>>
      %dma_start3A_1046 = tpu.memref_squeeze %dma_start3A_1045 : memref<1x1x128xi32, #tpu.memory_space<vmem>> -> memref<128xi32, #tpu.memory_space<vmem>>
      %dma_start3A_1047 = arith.constant 0 : i32
      %dma_start3A_1048 = arith.constant 0 : i32
      %dma_start3A_1049 = tpu.memref_slice %arg13[%dma_start3A_1047, %dma_start3A_1048] : memref<10240x128xbf16, #tpu.memory_space<vmem_shared>> -> memref<10240x128xbf16, #tpu.memory_space<vmem_shared>>
      tpu.enqueue_indirect_dma source(%dma_start3A_1043 : memref<128x128xbf16, #tpu.memory_space<vmem>>) target(%dma_start3A_1049 : memref<10240x128xbf16, #tpu.memory_space<vmem_shared>>) offsets(%dma_start3A_1046 : memref<128xi32, #tpu.memory_space<vmem>>) semaphore(%arg25 : memref<!tpu.dma_semaphore, #tpu.memory_space<semaphore_mem>>) {add = true}
      %get3A_1050 = arith.constant 11 : i32
      %get3A_1051 = arith.index_cast %select_n3A_72 : i32 to index
      %get3A_1052 = arith.index_cast %get3A_1050 : i32 to index
      %get3A_1053 = arith.constant 0 : index
      %get3A_1054 = tpu.vector_load %arg10[%get3A_1051, %get3A_1052, %get3A_1053] {strides = array<i32>} : memref<2x16x128xi32, #tpu.memory_space<vmem>>, vector<16xi32>,
      tpu.vector_store_idx %arg12[%get3A_1054], %broadcast_in_dim3A_13 {add = true} : memref<10240xf32, #tpu.memory_space<vmem>>[vector<16xi32>], vector<16xf32>,
      %get3A_1055 = arith.constant 11 : i32
      %get3A_1056 = arith.index_cast %select_n3A_72 : i32 to index
      %get3A_1057 = arith.index_cast %get3A_1055 : i32 to index
      %get3A_1058 = arith.constant 16 : index
      %get3A_1059 = tpu.vector_load %arg10[%get3A_1056, %get3A_1057, %get3A_1058] {strides = array<i32>} : memref<2x16x128xi32, #tpu.memory_space<vmem>>, vector<16xi32>,
      tpu.vector_store_idx %arg12[%get3A_1059], %broadcast_in_dim3A_13 {add = true} : memref<10240xf32, #tpu.memory_space<vmem>>[vector<16xi32>], vector<16xf32>,
      %get3A_1060 = arith.constant 11 : i32
      %get3A_1061 = arith.index_cast %select_n3A_72 : i32 to index
      %get3A_1062 = arith.index_cast %get3A_1060 : i32 to index
      %get3A_1063 = arith.constant 32 : index
      %get3A_1064 = tpu.vector_load %arg10[%get3A_1061, %get3A_1062, %get3A_1063] {strides = array<i32>} : memref<2x16x128xi32, #tpu.memory_space<vmem>>, vector<16xi32>,
      tpu.vector_store_idx %arg12[%get3A_1064], %broadcast_in_dim3A_13 {add = true} : memref<10240xf32, #tpu.memory_space<vmem>>[vector<16xi32>], vector<16xf32>,
      %get3A_1065 = arith.constant 11 : i32
      %get3A_1066 = arith.index_cast %select_n3A_72 : i32 to index
      %get3A_1067 = arith.index_cast %get3A_1065 : i32 to index
      %get3A_1068 = arith.constant 48 : index
      %get3A_1069 = tpu.vector_load %arg10[%get3A_1066, %get3A_1067, %get3A_1068] {strides = array<i32>} : memref<2x16x128xi32, #tpu.memory_space<vmem>>, vector<16xi32>,
      tpu.vector_store_idx %arg12[%get3A_1069], %broadcast_in_dim3A_13 {add = true} : memref<10240xf32, #tpu.memory_space<vmem>>[vector<16xi32>], vector<16xf32>,
      %get3A_1070 = arith.constant 11 : i32
      %get3A_1071 = arith.index_cast %select_n3A_72 : i32 to index
      %get3A_1072 = arith.index_cast %get3A_1070 : i32 to index
      %get3A_1073 = arith.constant 64 : index
      %get3A_1074 = tpu.vector_load %arg10[%get3A_1071, %get3A_1072, %get3A_1073] {strides = array<i32>} : memref<2x16x128xi32, #tpu.memory_space<vmem>>, vector<16xi32>,
      tpu.vector_store_idx %arg12[%get3A_1074], %broadcast_in_dim3A_13 {add = true} : memref<10240xf32, #tpu.memory_space<vmem>>[vector<16xi32>], vector<16xf32>,
      %get3A_1075 = arith.constant 11 : i32
      %get3A_1076 = arith.index_cast %select_n3A_72 : i32 to index
      %get3A_1077 = arith.index_cast %get3A_1075 : i32 to index
      %get3A_1078 = arith.constant 80 : index
      %get3A_1079 = tpu.vector_load %arg10[%get3A_1076, %get3A_1077, %get3A_1078] {strides = array<i32>} : memref<2x16x128xi32, #tpu.memory_space<vmem>>, vector<16xi32>,
      tpu.vector_store_idx %arg12[%get3A_1079], %broadcast_in_dim3A_13 {add = true} : memref<10240xf32, #tpu.memory_space<vmem>>[vector<16xi32>], vector<16xf32>,
      %get3A_1080 = arith.constant 11 : i32
      %get3A_1081 = arith.index_cast %select_n3A_72 : i32 to index
      %get3A_1082 = arith.index_cast %get3A_1080 : i32 to index
      %get3A_1083 = arith.constant 96 : index
      %get3A_1084 = tpu.vector_load %arg10[%get3A_1081, %get3A_1082, %get3A_1083] {strides = array<i32>} : memref<2x16x128xi32, #tpu.memory_space<vmem>>, vector<16xi32>,
      tpu.vector_store_idx %arg12[%get3A_1084], %broadcast_in_dim3A_13 {add = true} : memref<10240xf32, #tpu.memory_space<vmem>>[vector<16xi32>], vector<16xf32>,
      %get3A_1085 = arith.constant 11 : i32
      %get3A_1086 = arith.index_cast %select_n3A_72 : i32 to index
      %get3A_1087 = arith.index_cast %get3A_1085 : i32 to index
      %get3A_1088 = arith.constant 112 : index
      %get3A_1089 = tpu.vector_load %arg10[%get3A_1086, %get3A_1087, %get3A_1088] {strides = array<i32>} : memref<2x16x128xi32, #tpu.memory_space<vmem>>, vector<16xi32>,
      tpu.vector_store_idx %arg12[%get3A_1089], %broadcast_in_dim3A_13 {add = true} : memref<10240xf32, #tpu.memory_space<vmem>>[vector<16xi32>], vector<16xf32>,
      %dma_wait3A_1090 = arith.constant 12 : i32
      %dma_wait3A_1091 = arith.constant 0 : i32
      %dma_wait3A_1092 = arith.constant 0 : i32
      %dma_wait3A_1093 = tpu.memref_slice %arg11[%dma_wait3A_1091, %dma_wait3A_1092] : memref<768x128xbf16, #tpu.memory_space<vmem>> -> memref<128x128xbf16, #tpu.memory_space<vmem>>
      %dma_wait3A_1094 = arith.constant 0 : i32
      %dma_wait3A_1095 = tpu.memref_slice %arg9[%select_n3A_72, %dma_wait3A_1090, %dma_wait3A_1094] : memref<2x16x128xi32, #tpu.memory_space<vmem>> -> memref<1x1x128xi32, #tpu.memory_space<vmem>>
      %dma_wait3A_1096 = tpu.memref_squeeze %dma_wait3A_1095 : memref<1x1x128xi32, #tpu.memory_space<vmem>> -> memref<128xi32, #tpu.memory_space<vmem>>
      %dma_wait3A_1097 = arith.constant 0 : i32
      %dma_wait3A_1098 = arith.constant 0 : i32
      %dma_wait3A_1099 = tpu.memref_slice %arg2[%dma_wait3A_1097, %dma_wait3A_1098] : memref<10240x128xbf16, #tpu.memory_space<hbm>> -> memref<10240x128xbf16, #tpu.memory_space<hbm>>
      tpu.wait_indirect_dma semaphore(%arg14 : memref<!tpu.dma_semaphore, #tpu.memory_space<semaphore_mem>>) src(%dma_wait3A_1099 : memref<10240x128xbf16, #tpu.memory_space<hbm>>) dst(%dma_wait3A_1093 : memref<128x128xbf16, #tpu.memory_space<vmem>>)
      %dma_start3A_1100 = arith.constant 12 : i32
      %dma_start3A_1101 = arith.constant 0 : i32
      %dma_start3A_1102 = arith.constant 0 : i32
      %dma_start3A_1103 = tpu.memref_slice %arg11[%dma_start3A_1101, %dma_start3A_1102] : memref<768x128xbf16, #tpu.memory_space<vmem>> -> memref<128x128xbf16, #tpu.memory_space<vmem>>
      %dma_start3A_1104 = arith.constant 0 : i32
      %dma_start3A_1105 = tpu.memref_slice %arg10[%select_n3A_72, %dma_start3A_1100, %dma_start3A_1104] : memref<2x16x128xi32, #tpu.memory_space<vmem>> -> memref<1x1x128xi32, #tpu.memory_space<vmem>>
      %dma_start3A_1106 = tpu.memref_squeeze %dma_start3A_1105 : memref<1x1x128xi32, #tpu.memory_space<vmem>> -> memref<128xi32, #tpu.memory_space<vmem>>
      %dma_start3A_1107 = arith.constant 0 : i32
      %dma_start3A_1108 = arith.constant 0 : i32
      %dma_start3A_1109 = tpu.memref_slice %arg13[%dma_start3A_1107, %dma_start3A_1108] : memref<10240x128xbf16, #tpu.memory_space<vmem_shared>> -> memref<10240x128xbf16, #tpu.memory_space<vmem_shared>>
      tpu.enqueue_indirect_dma source(%dma_start3A_1103 : memref<128x128xbf16, #tpu.memory_space<vmem>>) target(%dma_start3A_1109 : memref<10240x128xbf16, #tpu.memory_space<vmem_shared>>) offsets(%dma_start3A_1106 : memref<128xi32, #tpu.memory_space<vmem>>) semaphore(%arg20 : memref<!tpu.dma_semaphore, #tpu.memory_space<semaphore_mem>>) {add = true}
      %get3A_1110 = arith.constant 12 : i32
      %get3A_1111 = arith.index_cast %select_n3A_72 : i32 to index
      %get3A_1112 = arith.index_cast %get3A_1110 : i32 to index
      %get3A_1113 = arith.constant 0 : index
      %get3A_1114 = tpu.vector_load %arg10[%get3A_1111, %get3A_1112, %get3A_1113] {strides = array<i32>} : memref<2x16x128xi32, #tpu.memory_space<vmem>>, vector<16xi32>,
      tpu.vector_store_idx %arg12[%get3A_1114], %broadcast_in_dim3A_13 {add = true} : memref<10240xf32, #tpu.memory_space<vmem>>[vector<16xi32>], vector<16xf32>,
      %get3A_1115 = arith.constant 12 : i32
      %get3A_1116 = arith.index_cast %select_n3A_72 : i32 to index
      %get3A_1117 = arith.index_cast %get3A_1115 : i32 to index
      %get3A_1118 = arith.constant 16 : index
      %get3A_1119 = tpu.vector_load %arg10[%get3A_1116, %get3A_1117, %get3A_1118] {strides = array<i32>} : memref<2x16x128xi32, #tpu.memory_space<vmem>>, vector<16xi32>,
      tpu.vector_store_idx %arg12[%get3A_1119], %broadcast_in_dim3A_13 {add = true} : memref<10240xf32, #tpu.memory_space<vmem>>[vector<16xi32>], vector<16xf32>,
      %get3A_1120 = arith.constant 12 : i32
      %get3A_1121 = arith.index_cast %select_n3A_72 : i32 to index
      %get3A_1122 = arith.index_cast %get3A_1120 : i32 to index
      %get3A_1123 = arith.constant 32 : index
      %get3A_1124 = tpu.vector_load %arg10[%get3A_1121, %get3A_1122, %get3A_1123] {strides = array<i32>} : memref<2x16x128xi32, #tpu.memory_space<vmem>>, vector<16xi32>,
      tpu.vector_store_idx %arg12[%get3A_1124], %broadcast_in_dim3A_13 {add = true} : memref<10240xf32, #tpu.memory_space<vmem>>[vector<16xi32>], vector<16xf32>,
      %get3A_1125 = arith.constant 12 : i32
      %get3A_1126 = arith.index_cast %select_n3A_72 : i32 to index
      %get3A_1127 = arith.index_cast %get3A_1125 : i32 to index
      %get3A_1128 = arith.constant 48 : index
      %get3A_1129 = tpu.vector_load %arg10[%get3A_1126, %get3A_1127, %get3A_1128] {strides = array<i32>} : memref<2x16x128xi32, #tpu.memory_space<vmem>>, vector<16xi32>,
      tpu.vector_store_idx %arg12[%get3A_1129], %broadcast_in_dim3A_13 {add = true} : memref<10240xf32, #tpu.memory_space<vmem>>[vector<16xi32>], vector<16xf32>,
      %get3A_1130 = arith.constant 12 : i32
      %get3A_1131 = arith.index_cast %select_n3A_72 : i32 to index
      %get3A_1132 = arith.index_cast %get3A_1130 : i32 to index
      %get3A_1133 = arith.constant 64 : index
      %get3A_1134 = tpu.vector_load %arg10[%get3A_1131, %get3A_1132, %get3A_1133] {strides = array<i32>} : memref<2x16x128xi32, #tpu.memory_space<vmem>>, vector<16xi32>,
      tpu.vector_store_idx %arg12[%get3A_1134], %broadcast_in_dim3A_13 {add = true} : memref<10240xf32, #tpu.memory_space<vmem>>[vector<16xi32>], vector<16xf32>,
      %get3A_1135 = arith.constant 12 : i32
      %get3A_1136 = arith.index_cast %select_n3A_72 : i32 to index
      %get3A_1137 = arith.index_cast %get3A_1135 : i32 to index
      %get3A_1138 = arith.constant 80 : index
      %get3A_1139 = tpu.vector_load %arg10[%get3A_1136, %get3A_1137, %get3A_1138] {strides = array<i32>} : memref<2x16x128xi32, #tpu.memory_space<vmem>>, vector<16xi32>,
      tpu.vector_store_idx %arg12[%get3A_1139], %broadcast_in_dim3A_13 {add = true} : memref<10240xf32, #tpu.memory_space<vmem>>[vector<16xi32>], vector<16xf32>,
      %get3A_1140 = arith.constant 12 : i32
      %get3A_1141 = arith.index_cast %select_n3A_72 : i32 to index
      %get3A_1142 = arith.index_cast %get3A_1140 : i32 to index
      %get3A_1143 = arith.constant 96 : index
      %get3A_1144 = tpu.vector_load %arg10[%get3A_1141, %get3A_1142, %get3A_1143] {strides = array<i32>} : memref<2x16x128xi32, #tpu.memory_space<vmem>>, vector<16xi32>,
      tpu.vector_store_idx %arg12[%get3A_1144], %broadcast_in_dim3A_13 {add = true} : memref<10240xf32, #tpu.memory_space<vmem>>[vector<16xi32>], vector<16xf32>,
      %get3A_1145 = arith.constant 12 : i32
      %get3A_1146 = arith.index_cast %select_n3A_72 : i32 to index
      %get3A_1147 = arith.index_cast %get3A_1145 : i32 to index
      %get3A_1148 = arith.constant 112 : index
      %get3A_1149 = tpu.vector_load %arg10[%get3A_1146, %get3A_1147, %get3A_1148] {strides = array<i32>} : memref<2x16x128xi32, #tpu.memory_space<vmem>>, vector<16xi32>,
      tpu.vector_store_idx %arg12[%get3A_1149], %broadcast_in_dim3A_13 {add = true} : memref<10240xf32, #tpu.memory_space<vmem>>[vector<16xi32>], vector<16xf32>,
      %dma_wait3A_1150 = arith.constant 13 : i32
      %dma_wait3A_1151 = arith.constant 128 : i32
      %dma_wait3A_1152 = arith.constant 0 : i32
      %dma_wait3A_1153 = tpu.memref_slice %arg11[%dma_wait3A_1151, %dma_wait3A_1152] : memref<768x128xbf16, #tpu.memory_space<vmem>> -> memref<128x128xbf16, #tpu.memory_space<vmem>>
      %dma_wait3A_1154 = arith.constant 0 : i32
      %dma_wait3A_1155 = tpu.memref_slice %arg9[%select_n3A_72, %dma_wait3A_1150, %dma_wait3A_1154] : memref<2x16x128xi32, #tpu.memory_space<vmem>> -> memref<1x1x128xi32, #tpu.memory_space<vmem>>
      %dma_wait3A_1156 = tpu.memref_squeeze %dma_wait3A_1155 : memref<1x1x128xi32, #tpu.memory_space<vmem>> -> memref<128xi32, #tpu.memory_space<vmem>>
      %dma_wait3A_1157 = arith.constant 0 : i32
      %dma_wait3A_1158 = arith.constant 0 : i32
      %dma_wait3A_1159 = tpu.memref_slice %arg2[%dma_wait3A_1157, %dma_wait3A_1158] : memref<10240x128xbf16, #tpu.memory_space<hbm>> -> memref<10240x128xbf16, #tpu.memory_space<hbm>>
      tpu.wait_indirect_dma semaphore(%arg15 : memref<!tpu.dma_semaphore, #tpu.memory_space<semaphore_mem>>) src(%dma_wait3A_1159 : memref<10240x128xbf16, #tpu.memory_space<hbm>>) dst(%dma_wait3A_1153 : memref<128x128xbf16, #tpu.memory_space<vmem>>)
      %dma_start3A_1160 = arith.constant 13 : i32
      %dma_start3A_1161 = arith.constant 128 : i32
      %dma_start3A_1162 = arith.constant 0 : i32
      %dma_start3A_1163 = tpu.memref_slice %arg11[%dma_start3A_1161, %dma_start3A_1162] : memref<768x128xbf16, #tpu.memory_space<vmem>> -> memref<128x128xbf16, #tpu.memory_space<vmem>>
      %dma_start3A_1164 = arith.constant 0 : i32
      %dma_start3A_1165 = tpu.memref_slice %arg10[%select_n3A_72, %dma_start3A_1160, %dma_start3A_1164] : memref<2x16x128xi32, #tpu.memory_space<vmem>> -> memref<1x1x128xi32, #tpu.memory_space<vmem>>
      %dma_start3A_1166 = tpu.memref_squeeze %dma_start3A_1165 : memref<1x1x128xi32, #tpu.memory_space<vmem>> -> memref<128xi32, #tpu.memory_space<vmem>>
      %dma_start3A_1167 = arith.constant 0 : i32
      %dma_start3A_1168 = arith.constant 0 : i32
      %dma_start3A_1169 = tpu.memref_slice %arg13[%dma_start3A_1167, %dma_start3A_1168] : memref<10240x128xbf16, #tpu.memory_space<vmem_shared>> -> memref<10240x128xbf16, #tpu.memory_space<vmem_shared>>
      tpu.enqueue_indirect_dma source(%dma_start3A_1163 : memref<128x128xbf16, #tpu.memory_space<vmem>>) target(%dma_start3A_1169 : memref<10240x128xbf16, #tpu.memory_space<vmem_shared>>) offsets(%dma_start3A_1166 : memref<128xi32, #tpu.memory_space<vmem>>) semaphore(%arg21 : memref<!tpu.dma_semaphore, #tpu.memory_space<semaphore_mem>>) {add = true}
      %get3A_1170 = arith.constant 13 : i32
      %get3A_1171 = arith.index_cast %select_n3A_72 : i32 to index
      %get3A_1172 = arith.index_cast %get3A_1170 : i32 to index
      %get3A_1173 = arith.constant 0 : index
      %get3A_1174 = tpu.vector_load %arg10[%get3A_1171, %get3A_1172, %get3A_1173] {strides = array<i32>} : memref<2x16x128xi32, #tpu.memory_space<vmem>>, vector<16xi32>,
      tpu.vector_store_idx %arg12[%get3A_1174], %broadcast_in_dim3A_13 {add = true} : memref<10240xf32, #tpu.memory_space<vmem>>[vector<16xi32>], vector<16xf32>,
      %get3A_1175 = arith.constant 13 : i32
      %get3A_1176 = arith.index_cast %select_n3A_72 : i32 to index
      %get3A_1177 = arith.index_cast %get3A_1175 : i32 to index
      %get3A_1178 = arith.constant 16 : index
      %get3A_1179 = tpu.vector_load %arg10[%get3A_1176, %get3A_1177, %get3A_1178] {strides = array<i32>} : memref<2x16x128xi32, #tpu.memory_space<vmem>>, vector<16xi32>,
      tpu.vector_store_idx %arg12[%get3A_1179], %broadcast_in_dim3A_13 {add = true} : memref<10240xf32, #tpu.memory_space<vmem>>[vector<16xi32>], vector<16xf32>,
      %get3A_1180 = arith.constant 13 : i32
      %get3A_1181 = arith.index_cast %select_n3A_72 : i32 to index
      %get3A_1182 = arith.index_cast %get3A_1180 : i32 to index
      %get3A_1183 = arith.constant 32 : index
      %get3A_1184 = tpu.vector_load %arg10[%get3A_1181, %get3A_1182, %get3A_1183] {strides = array<i32>} : memref<2x16x128xi32, #tpu.memory_space<vmem>>, vector<16xi32>,
      tpu.vector_store_idx %arg12[%get3A_1184], %broadcast_in_dim3A_13 {add = true} : memref<10240xf32, #tpu.memory_space<vmem>>[vector<16xi32>], vector<16xf32>,
      %get3A_1185 = arith.constant 13 : i32
      %get3A_1186 = arith.index_cast %select_n3A_72 : i32 to index
      %get3A_1187 = arith.index_cast %get3A_1185 : i32 to index
      %get3A_1188 = arith.constant 48 : index
      %get3A_1189 = tpu.vector_load %arg10[%get3A_1186, %get3A_1187, %get3A_1188] {strides = array<i32>} : memref<2x16x128xi32, #tpu.memory_space<vmem>>, vector<16xi32>,
      tpu.vector_store_idx %arg12[%get3A_1189], %broadcast_in_dim3A_13 {add = true} : memref<10240xf32, #tpu.memory_space<vmem>>[vector<16xi32>], vector<16xf32>,
      %get3A_1190 = arith.constant 13 : i32
      %get3A_1191 = arith.index_cast %select_n3A_72 : i32 to index
      %get3A_1192 = arith.index_cast %get3A_1190 : i32 to index
      %get3A_1193 = arith.constant 64 : index
      %get3A_1194 = tpu.vector_load %arg10[%get3A_1191, %get3A_1192, %get3A_1193] {strides = array<i32>} : memref<2x16x128xi32, #tpu.memory_space<vmem>>, vector<16xi32>,
      tpu.vector_store_idx %arg12[%get3A_1194], %broadcast_in_dim3A_13 {add = true} : memref<10240xf32, #tpu.memory_space<vmem>>[vector<16xi32>], vector<16xf32>,
      %get3A_1195 = arith.constant 13 : i32
      %get3A_1196 = arith.index_cast %select_n3A_72 : i32 to index
      %get3A_1197 = arith.index_cast %get3A_1195 : i32 to index
      %get3A_1198 = arith.constant 80 : index
      %get3A_1199 = tpu.vector_load %arg10[%get3A_1196, %get3A_1197, %get3A_1198] {strides = array<i32>} : memref<2x16x128xi32, #tpu.memory_space<vmem>>, vector<16xi32>,
      tpu.vector_store_idx %arg12[%get3A_1199], %broadcast_in_dim3A_13 {add = true} : memref<10240xf32, #tpu.memory_space<vmem>>[vector<16xi32>], vector<16xf32>,
      %get3A_1200 = arith.constant 13 : i32
      %get3A_1201 = arith.index_cast %select_n3A_72 : i32 to index
      %get3A_1202 = arith.index_cast %get3A_1200 : i32 to index
      %get3A_1203 = arith.constant 96 : index
      %get3A_1204 = tpu.vector_load %arg10[%get3A_1201, %get3A_1202, %get3A_1203] {strides = array<i32>} : memref<2x16x128xi32, #tpu.memory_space<vmem>>, vector<16xi32>,
      tpu.vector_store_idx %arg12[%get3A_1204], %broadcast_in_dim3A_13 {add = true} : memref<10240xf32, #tpu.memory_space<vmem>>[vector<16xi32>], vector<16xf32>,
      %get3A_1205 = arith.constant 13 : i32
      %get3A_1206 = arith.index_cast %select_n3A_72 : i32 to index
      %get3A_1207 = arith.index_cast %get3A_1205 : i32 to index
      %get3A_1208 = arith.constant 112 : index
      %get3A_1209 = tpu.vector_load %arg10[%get3A_1206, %get3A_1207, %get3A_1208] {strides = array<i32>} : memref<2x16x128xi32, #tpu.memory_space<vmem>>, vector<16xi32>,
      tpu.vector_store_idx %arg12[%get3A_1209], %broadcast_in_dim3A_13 {add = true} : memref<10240xf32, #tpu.memory_space<vmem>>[vector<16xi32>], vector<16xf32>,
      %dma_wait3A_1210 = arith.constant 14 : i32
      %dma_wait3A_1211 = arith.constant 256 : i32
      %dma_wait3A_1212 = arith.constant 0 : i32
      %dma_wait3A_1213 = tpu.memref_slice %arg11[%dma_wait3A_1211, %dma_wait3A_1212] : memref<768x128xbf16, #tpu.memory_space<vmem>> -> memref<128x128xbf16, #tpu.memory_space<vmem>>
      %dma_wait3A_1214 = arith.constant 0 : i32
      %dma_wait3A_1215 = tpu.memref_slice %arg9[%select_n3A_72, %dma_wait3A_1210, %dma_wait3A_1214] : memref<2x16x128xi32, #tpu.memory_space<vmem>> -> memref<1x1x128xi32, #tpu.memory_space<vmem>>
      %dma_wait3A_1216 = tpu.memref_squeeze %dma_wait3A_1215 : memref<1x1x128xi32, #tpu.memory_space<vmem>> -> memref<128xi32, #tpu.memory_space<vmem>>
      %dma_wait3A_1217 = arith.constant 0 : i32
      %dma_wait3A_1218 = arith.constant 0 : i32
      %dma_wait3A_1219 = tpu.memref_slice %arg2[%dma_wait3A_1217, %dma_wait3A_1218] : memref<10240x128xbf16, #tpu.memory_space<hbm>> -> memref<10240x128xbf16, #tpu.memory_space<hbm>>
      tpu.wait_indirect_dma semaphore(%arg16 : memref<!tpu.dma_semaphore, #tpu.memory_space<semaphore_mem>>) src(%dma_wait3A_1219 : memref<10240x128xbf16, #tpu.memory_space<hbm>>) dst(%dma_wait3A_1213 : memref<128x128xbf16, #tpu.memory_space<vmem>>)
      %dma_start3A_1220 = arith.constant 14 : i32
      %dma_start3A_1221 = arith.constant 256 : i32
      %dma_start3A_1222 = arith.constant 0 : i32
      %dma_start3A_1223 = tpu.memref_slice %arg11[%dma_start3A_1221, %dma_start3A_1222] : memref<768x128xbf16, #tpu.memory_space<vmem>> -> memref<128x128xbf16, #tpu.memory_space<vmem>>
      %dma_start3A_1224 = arith.constant 0 : i32
      %dma_start3A_1225 = tpu.memref_slice %arg10[%select_n3A_72, %dma_start3A_1220, %dma_start3A_1224] : memref<2x16x128xi32, #tpu.memory_space<vmem>> -> memref<1x1x128xi32, #tpu.memory_space<vmem>>
      %dma_start3A_1226 = tpu.memref_squeeze %dma_start3A_1225 : memref<1x1x128xi32, #tpu.memory_space<vmem>> -> memref<128xi32, #tpu.memory_space<vmem>>
      %dma_start3A_1227 = arith.constant 0 : i32
      %dma_start3A_1228 = arith.constant 0 : i32
      %dma_start3A_1229 = tpu.memref_slice %arg13[%dma_start3A_1227, %dma_start3A_1228] : memref<10240x128xbf16, #tpu.memory_space<vmem_shared>> -> memref<10240x128xbf16, #tpu.memory_space<vmem_shared>>
      tpu.enqueue_indirect_dma source(%dma_start3A_1223 : memref<128x128xbf16, #tpu.memory_space<vmem>>) target(%dma_start3A_1229 : memref<10240x128xbf16, #tpu.memory_space<vmem_shared>>) offsets(%dma_start3A_1226 : memref<128xi32, #tpu.memory_space<vmem>>) semaphore(%arg22 : memref<!tpu.dma_semaphore, #tpu.memory_space<semaphore_mem>>) {add = true}
      %get3A_1230 = arith.constant 14 : i32
      %get3A_1231 = arith.index_cast %select_n3A_72 : i32 to index
      %get3A_1232 = arith.index_cast %get3A_1230 : i32 to index
      %get3A_1233 = arith.constant 0 : index
      %get3A_1234 = tpu.vector_load %arg10[%get3A_1231, %get3A_1232, %get3A_1233] {strides = array<i32>} : memref<2x16x128xi32, #tpu.memory_space<vmem>>, vector<16xi32>,
      tpu.vector_store_idx %arg12[%get3A_1234], %broadcast_in_dim3A_13 {add = true} : memref<10240xf32, #tpu.memory_space<vmem>>[vector<16xi32>], vector<16xf32>,
      %get3A_1235 = arith.constant 14 : i32
      %get3A_1236 = arith.index_cast %select_n3A_72 : i32 to index
      %get3A_1237 = arith.index_cast %get3A_1235 : i32 to index
      %get3A_1238 = arith.constant 16 : index
      %get3A_1239 = tpu.vector_load %arg10[%get3A_1236, %get3A_1237, %get3A_1238] {strides = array<i32>} : memref<2x16x128xi32, #tpu.memory_space<vmem>>, vector<16xi32>,
      tpu.vector_store_idx %arg12[%get3A_1239], %broadcast_in_dim3A_13 {add = true} : memref<10240xf32, #tpu.memory_space<vmem>>[vector<16xi32>], vector<16xf32>,
      %get3A_1240 = arith.constant 14 : i32
      %get3A_1241 = arith.index_cast %select_n3A_72 : i32 to index
      %get3A_1242 = arith.index_cast %get3A_1240 : i32 to index
      %get3A_1243 = arith.constant 32 : index
      %get3A_1244 = tpu.vector_load %arg10[%get3A_1241, %get3A_1242, %get3A_1243] {strides = array<i32>} : memref<2x16x128xi32, #tpu.memory_space<vmem>>, vector<16xi32>,
      tpu.vector_store_idx %arg12[%get3A_1244], %broadcast_in_dim3A_13 {add = true} : memref<10240xf32, #tpu.memory_space<vmem>>[vector<16xi32>], vector<16xf32>,
      %get3A_1245 = arith.constant 14 : i32
      %get3A_1246 = arith.index_cast %select_n3A_72 : i32 to index
      %get3A_1247 = arith.index_cast %get3A_1245 : i32 to index
      %get3A_1248 = arith.constant 48 : index
      %get3A_1249 = tpu.vector_load %arg10[%get3A_1246, %get3A_1247, %get3A_1248] {strides = array<i32>} : memref<2x16x128xi32, #tpu.memory_space<vmem>>, vector<16xi32>,
      tpu.vector_store_idx %arg12[%get3A_1249], %broadcast_in_dim3A_13 {add = true} : memref<10240xf32, #tpu.memory_space<vmem>>[vector<16xi32>], vector<16xf32>,
      %get3A_1250 = arith.constant 14 : i32
      %get3A_1251 = arith.index_cast %select_n3A_72 : i32 to index
      %get3A_1252 = arith.index_cast %get3A_1250 : i32 to index
      %get3A_1253 = arith.constant 64 : index
      %get3A_1254 = tpu.vector_load %arg10[%get3A_1251, %get3A_1252, %get3A_1253] {strides = array<i32>} : memref<2x16x128xi32, #tpu.memory_space<vmem>>, vector<16xi32>,
      tpu.vector_store_idx %arg12[%get3A_1254], %broadcast_in_dim3A_13 {add = true} : memref<10240xf32, #tpu.memory_space<vmem>>[vector<16xi32>], vector<16xf32>,
      %get3A_1255 = arith.constant 14 : i32
      %get3A_1256 = arith.index_cast %select_n3A_72 : i32 to index
      %get3A_1257 = arith.index_cast %get3A_1255 : i32 to index
      %get3A_1258 = arith.constant 80 : index
      %get3A_1259 = tpu.vector_load %arg10[%get3A_1256, %get3A_1257, %get3A_1258] {strides = array<i32>} : memref<2x16x128xi32, #tpu.memory_space<vmem>>, vector<16xi32>,
      tpu.vector_store_idx %arg12[%get3A_1259], %broadcast_in_dim3A_13 {add = true} : memref<10240xf32, #tpu.memory_space<vmem>>[vector<16xi32>], vector<16xf32>,
      %get3A_1260 = arith.constant 14 : i32
      %get3A_1261 = arith.index_cast %select_n3A_72 : i32 to index
      %get3A_1262 = arith.index_cast %get3A_1260 : i32 to index
      %get3A_1263 = arith.constant 96 : index
      %get3A_1264 = tpu.vector_load %arg10[%get3A_1261, %get3A_1262, %get3A_1263] {strides = array<i32>} : memref<2x16x128xi32, #tpu.memory_space<vmem>>, vector<16xi32>,
      tpu.vector_store_idx %arg12[%get3A_1264], %broadcast_in_dim3A_13 {add = true} : memref<10240xf32, #tpu.memory_space<vmem>>[vector<16xi32>], vector<16xf32>,
      %get3A_1265 = arith.constant 14 : i32
      %get3A_1266 = arith.index_cast %select_n3A_72 : i32 to index
      %get3A_1267 = arith.index_cast %get3A_1265 : i32 to index
      %get3A_1268 = arith.constant 112 : index
      %get3A_1269 = tpu.vector_load %arg10[%get3A_1266, %get3A_1267, %get3A_1268] {strides = array<i32>} : memref<2x16x128xi32, #tpu.memory_space<vmem>>, vector<16xi32>,
      tpu.vector_store_idx %arg12[%get3A_1269], %broadcast_in_dim3A_13 {add = true} : memref<10240xf32, #tpu.memory_space<vmem>>[vector<16xi32>], vector<16xf32>,
      %dma_wait3A_1270 = arith.constant 15 : i32
      %dma_wait3A_1271 = arith.constant 384 : i32
      %dma_wait3A_1272 = arith.constant 0 : i32
      %dma_wait3A_1273 = tpu.memref_slice %arg11[%dma_wait3A_1271, %dma_wait3A_1272] : memref<768x128xbf16, #tpu.memory_space<vmem>> -> memref<128x128xbf16, #tpu.memory_space<vmem>>
      %dma_wait3A_1274 = arith.constant 0 : i32
      %dma_wait3A_1275 = tpu.memref_slice %arg9[%select_n3A_72, %dma_wait3A_1270, %dma_wait3A_1274] : memref<2x16x128xi32, #tpu.memory_space<vmem>> -> memref<1x1x128xi32, #tpu.memory_space<vmem>>
      %dma_wait3A_1276 = tpu.memref_squeeze %dma_wait3A_1275 : memref<1x1x128xi32, #tpu.memory_space<vmem>> -> memref<128xi32, #tpu.memory_space<vmem>>
      %dma_wait3A_1277 = arith.constant 0 : i32
      %dma_wait3A_1278 = arith.constant 0 : i32
      %dma_wait3A_1279 = tpu.memref_slice %arg2[%dma_wait3A_1277, %dma_wait3A_1278] : memref<10240x128xbf16, #tpu.memory_space<hbm>> -> memref<10240x128xbf16, #tpu.memory_space<hbm>>
      tpu.wait_indirect_dma semaphore(%arg17 : memref<!tpu.dma_semaphore, #tpu.memory_space<semaphore_mem>>) src(%dma_wait3A_1279 : memref<10240x128xbf16, #tpu.memory_space<hbm>>) dst(%dma_wait3A_1273 : memref<128x128xbf16, #tpu.memory_space<vmem>>)
      %dma_start3A_1280 = arith.constant 15 : i32
      %dma_start3A_1281 = arith.constant 384 : i32
      %dma_start3A_1282 = arith.constant 0 : i32
      %dma_start3A_1283 = tpu.memref_slice %arg11[%dma_start3A_1281, %dma_start3A_1282] : memref<768x128xbf16, #tpu.memory_space<vmem>> -> memref<128x128xbf16, #tpu.memory_space<vmem>>
      %dma_start3A_1284 = arith.constant 0 : i32
      %dma_start3A_1285 = tpu.memref_slice %arg10[%select_n3A_72, %dma_start3A_1280, %dma_start3A_1284] : memref<2x16x128xi32, #tpu.memory_space<vmem>> -> memref<1x1x128xi32, #tpu.memory_space<vmem>>
      %dma_start3A_1286 = tpu.memref_squeeze %dma_start3A_1285 : memref<1x1x128xi32, #tpu.memory_space<vmem>> -> memref<128xi32, #tpu.memory_space<vmem>>
      %dma_start3A_1287 = arith.constant 0 : i32
      %dma_start3A_1288 = arith.constant 0 : i32
      %dma_start3A_1289 = tpu.memref_slice %arg13[%dma_start3A_1287, %dma_start3A_1288] : memref<10240x128xbf16, #tpu.memory_space<vmem_shared>> -> memref<10240x128xbf16, #tpu.memory_space<vmem_shared>>
      tpu.enqueue_indirect_dma source(%dma_start3A_1283 : memref<128x128xbf16, #tpu.memory_space<vmem>>) target(%dma_start3A_1289 : memref<10240x128xbf16, #tpu.memory_space<vmem_shared>>) offsets(%dma_start3A_1286 : memref<128xi32, #tpu.memory_space<vmem>>) semaphore(%arg23 : memref<!tpu.dma_semaphore, #tpu.memory_space<semaphore_mem>>) {add = true}
      %get3A_1290 = arith.constant 15 : i32
      %get3A_1291 = arith.index_cast %select_n3A_72 : i32 to index
      %get3A_1292 = arith.index_cast %get3A_1290 : i32 to index
      %get3A_1293 = arith.constant 0 : index
      %get3A_1294 = tpu.vector_load %arg10[%get3A_1291, %get3A_1292, %get3A_1293] {strides = array<i32>} : memref<2x16x128xi32, #tpu.memory_space<vmem>>, vector<16xi32>,
      tpu.vector_store_idx %arg12[%get3A_1294], %broadcast_in_dim3A_13 {add = true} : memref<10240xf32, #tpu.memory_space<vmem>>[vector<16xi32>], vector<16xf32>,
      %get3A_1295 = arith.constant 15 : i32
      %get3A_1296 = arith.index_cast %select_n3A_72 : i32 to index
      %get3A_1297 = arith.index_cast %get3A_1295 : i32 to index
      %get3A_1298 = arith.constant 16 : index
      %get3A_1299 = tpu.vector_load %arg10[%get3A_1296, %get3A_1297, %get3A_1298] {strides = array<i32>} : memref<2x16x128xi32, #tpu.memory_space<vmem>>, vector<16xi32>,
      tpu.vector_store_idx %arg12[%get3A_1299], %broadcast_in_dim3A_13 {add = true} : memref<10240xf32, #tpu.memory_space<vmem>>[vector<16xi32>], vector<16xf32>,
      %get3A_1300 = arith.constant 15 : i32
      %get3A_1301 = arith.index_cast %select_n3A_72 : i32 to index
      %get3A_1302 = arith.index_cast %get3A_1300 : i32 to index
      %get3A_1303 = arith.constant 32 : index
      %get3A_1304 = tpu.vector_load %arg10[%get3A_1301, %get3A_1302, %get3A_1303] {strides = array<i32>} : memref<2x16x128xi32, #tpu.memory_space<vmem>>, vector<16xi32>,
      tpu.vector_store_idx %arg12[%get3A_1304], %broadcast_in_dim3A_13 {add = true} : memref<10240xf32, #tpu.memory_space<vmem>>[vector<16xi32>], vector<16xf32>,
      %get3A_1305 = arith.constant 15 : i32
      %get3A_1306 = arith.index_cast %select_n3A_72 : i32 to index
      %get3A_1307 = arith.index_cast %get3A_1305 : i32 to index
      %get3A_1308 = arith.constant 48 : index
      %get3A_1309 = tpu.vector_load %arg10[%get3A_1306, %get3A_1307, %get3A_1308] {strides = array<i32>} : memref<2x16x128xi32, #tpu.memory_space<vmem>>, vector<16xi32>,
      tpu.vector_store_idx %arg12[%get3A_1309], %broadcast_in_dim3A_13 {add = true} : memref<10240xf32, #tpu.memory_space<vmem>>[vector<16xi32>], vector<16xf32>,
      %get3A_1310 = arith.constant 15 : i32
      %get3A_1311 = arith.index_cast %select_n3A_72 : i32 to index
      %get3A_1312 = arith.index_cast %get3A_1310 : i32 to index
      %get3A_1313 = arith.constant 64 : index
      %get3A_1314 = tpu.vector_load %arg10[%get3A_1311, %get3A_1312, %get3A_1313] {strides = array<i32>} : memref<2x16x128xi32, #tpu.memory_space<vmem>>, vector<16xi32>,
      tpu.vector_store_idx %arg12[%get3A_1314], %broadcast_in_dim3A_13 {add = true} : memref<10240xf32, #tpu.memory_space<vmem>>[vector<16xi32>], vector<16xf32>,
      %get3A_1315 = arith.constant 15 : i32
      %get3A_1316 = arith.index_cast %select_n3A_72 : i32 to index
      %get3A_1317 = arith.index_cast %get3A_1315 : i32 to index
      %get3A_1318 = arith.constant 80 : index
      %get3A_1319 = tpu.vector_load %arg10[%get3A_1316, %get3A_1317, %get3A_1318] {strides = array<i32>} : memref<2x16x128xi32, #tpu.memory_space<vmem>>, vector<16xi32>,
      tpu.vector_store_idx %arg12[%get3A_1319], %broadcast_in_dim3A_13 {add = true} : memref<10240xf32, #tpu.memory_space<vmem>>[vector<16xi32>], vector<16xf32>,
      %get3A_1320 = arith.constant 15 : i32
      %get3A_1321 = arith.index_cast %select_n3A_72 : i32 to index
      %get3A_1322 = arith.index_cast %get3A_1320 : i32 to index
      %get3A_1323 = arith.constant 96 : index
      %get3A_1324 = tpu.vector_load %arg10[%get3A_1321, %get3A_1322, %get3A_1323] {strides = array<i32>} : memref<2x16x128xi32, #tpu.memory_space<vmem>>, vector<16xi32>,
      tpu.vector_store_idx %arg12[%get3A_1324], %broadcast_in_dim3A_13 {add = true} : memref<10240xf32, #tpu.memory_space<vmem>>[vector<16xi32>], vector<16xf32>,
      %get3A_1325 = arith.constant 15 : i32
      %get3A_1326 = arith.index_cast %select_n3A_72 : i32 to index
      %get3A_1327 = arith.index_cast %get3A_1325 : i32 to index
      %get3A_1328 = arith.constant 112 : index
      %get3A_1329 = tpu.vector_load %arg10[%get3A_1326, %get3A_1327, %get3A_1328] {strides = array<i32>} : memref<2x16x128xi32, #tpu.memory_space<vmem>>, vector<16xi32>,
      tpu.vector_store_idx %arg12[%get3A_1329], %broadcast_in_dim3A_13 {add = true} : memref<10240xf32, #tpu.memory_space<vmem>>[vector<16xi32>], vector<16xf32>,
      %dma_wait3A_1330 = arith.constant 10 : i32
      %dma_wait3A_1331 = arith.constant 512 : i32
      %dma_wait3A_1332 = arith.constant 0 : i32
      %dma_wait3A_1333 = tpu.memref_slice %arg11[%dma_wait3A_1331, %dma_wait3A_1332] : memref<768x128xbf16, #tpu.memory_space<vmem>> -> memref<128x128xbf16, #tpu.memory_space<vmem>>
      %dma_wait3A_1334 = arith.constant 0 : i32
      %dma_wait3A_1335 = tpu.memref_slice %arg10[%select_n3A_72, %dma_wait3A_1330, %dma_wait3A_1334] : memref<2x16x128xi32, #tpu.memory_space<vmem>> -> memref<1x1x128xi32, #tpu.memory_space<vmem>>
      %dma_wait3A_1336 = tpu.memref_squeeze %dma_wait3A_1335 : memref<1x1x128xi32, #tpu.memory_space<vmem>> -> memref<128xi32, #tpu.memory_space<vmem>>
      %dma_wait3A_1337 = arith.constant 0 : i32
      %dma_wait3A_1338 = arith.constant 0 : i32
      %dma_wait3A_1339 = tpu.memref_slice %arg13[%dma_wait3A_1337, %dma_wait3A_1338] : memref<10240x128xbf16, #tpu.memory_space<vmem_shared>> -> memref<10240x128xbf16, #tpu.memory_space<vmem_shared>>
      tpu.wait_indirect_dma semaphore(%arg24 : memref<!tpu.dma_semaphore, #tpu.memory_space<semaphore_mem>>) src(%dma_wait3A_1333 : memref<128x128xbf16, #tpu.memory_space<vmem>>) dst(%dma_wait3A_1339 : memref<10240x128xbf16, #tpu.memory_space<vmem_shared>>)
      %dma_wait3A_1340 = arith.constant 11 : i32
      %dma_wait3A_1341 = arith.constant 640 : i32
      %dma_wait3A_1342 = arith.constant 0 : i32
      %dma_wait3A_1343 = tpu.memref_slice %arg11[%dma_wait3A_1341, %dma_wait3A_1342] : memref<768x128xbf16, #tpu.memory_space<vmem>> -> memref<128x128xbf16, #tpu.memory_space<vmem>>
      %dma_wait3A_1344 = arith.constant 0 : i32
      %dma_wait3A_1345 = tpu.memref_slice %arg10[%select_n3A_72, %dma_wait3A_1340, %dma_wait3A_1344] : memref<2x16x128xi32, #tpu.memory_space<vmem>> -> memref<1x1x128xi32, #tpu.memory_space<vmem>>
      %dma_wait3A_1346 = tpu.memref_squeeze %dma_wait3A_1345 : memref<1x1x128xi32, #tpu.memory_space<vmem>> -> memref<128xi32, #tpu.memory_space<vmem>>
      %dma_wait3A_1347 = arith.constant 0 : i32
      %dma_wait3A_1348 = arith.constant 0 : i32
      %dma_wait3A_1349 = tpu.memref_slice %arg13[%dma_wait3A_1347, %dma_wait3A_1348] : memref<10240x128xbf16, #tpu.memory_space<vmem_shared>> -> memref<10240x128xbf16, #tpu.memory_space<vmem_shared>>
      tpu.wait_indirect_dma semaphore(%arg25 : memref<!tpu.dma_semaphore, #tpu.memory_space<semaphore_mem>>) src(%dma_wait3A_1343 : memref<128x128xbf16, #tpu.memory_space<vmem>>) dst(%dma_wait3A_1349 : memref<10240x128xbf16, #tpu.memory_space<vmem_shared>>)
      %dma_wait3A_1350 = arith.constant 12 : i32
      %dma_wait3A_1351 = arith.constant 0 : i32
      %dma_wait3A_1352 = arith.constant 0 : i32
      %dma_wait3A_1353 = tpu.memref_slice %arg11[%dma_wait3A_1351, %dma_wait3A_1352] : memref<768x128xbf16, #tpu.memory_space<vmem>> -> memref<128x128xbf16, #tpu.memory_space<vmem>>
      %dma_wait3A_1354 = arith.constant 0 : i32
      %dma_wait3A_1355 = tpu.memref_slice %arg10[%select_n3A_72, %dma_wait3A_1350, %dma_wait3A_1354] : memref<2x16x128xi32, #tpu.memory_space<vmem>> -> memref<1x1x128xi32, #tpu.memory_space<vmem>>
      %dma_wait3A_1356 = tpu.memref_squeeze %dma_wait3A_1355 : memref<1x1x128xi32, #tpu.memory_space<vmem>> -> memref<128xi32, #tpu.memory_space<vmem>>
      %dma_wait3A_1357 = arith.constant 0 : i32
      %dma_wait3A_1358 = arith.constant 0 : i32
      %dma_wait3A_1359 = tpu.memref_slice %arg13[%dma_wait3A_1357, %dma_wait3A_1358] : memref<10240x128xbf16, #tpu.memory_space<vmem_shared>> -> memref<10240x128xbf16, #tpu.memory_space<vmem_shared>>
      tpu.wait_indirect_dma semaphore(%arg20 : memref<!tpu.dma_semaphore, #tpu.memory_space<semaphore_mem>>) src(%dma_wait3A_1353 : memref<128x128xbf16, #tpu.memory_space<vmem>>) dst(%dma_wait3A_1359 : memref<10240x128xbf16, #tpu.memory_space<vmem_shared>>)
      %dma_wait3A_1360 = arith.constant 13 : i32
      %dma_wait3A_1361 = arith.constant 128 : i32
      %dma_wait3A_1362 = arith.constant 0 : i32
      %dma_wait3A_1363 = tpu.memref_slice %arg11[%dma_wait3A_1361, %dma_wait3A_1362] : memref<768x128xbf16, #tpu.memory_space<vmem>> -> memref<128x128xbf16, #tpu.memory_space<vmem>>
      %dma_wait3A_1364 = arith.constant 0 : i32
      %dma_wait3A_1365 = tpu.memref_slice %arg10[%select_n3A_72, %dma_wait3A_1360, %dma_wait3A_1364] : memref<2x16x128xi32, #tpu.memory_space<vmem>> -> memref<1x1x128xi32, #tpu.memory_space<vmem>>
      %dma_wait3A_1366 = tpu.memref_squeeze %dma_wait3A_1365 : memref<1x1x128xi32, #tpu.memory_space<vmem>> -> memref<128xi32, #tpu.memory_space<vmem>>
      %dma_wait3A_1367 = arith.constant 0 : i32
      %dma_wait3A_1368 = arith.constant 0 : i32
      %dma_wait3A_1369 = tpu.memref_slice %arg13[%dma_wait3A_1367, %dma_wait3A_1368] : memref<10240x128xbf16, #tpu.memory_space<vmem_shared>> -> memref<10240x128xbf16, #tpu.memory_space<vmem_shared>>
      tpu.wait_indirect_dma semaphore(%arg21 : memref<!tpu.dma_semaphore, #tpu.memory_space<semaphore_mem>>) src(%dma_wait3A_1363 : memref<128x128xbf16, #tpu.memory_space<vmem>>) dst(%dma_wait3A_1369 : memref<10240x128xbf16, #tpu.memory_space<vmem_shared>>)
      %dma_wait3A_1370 = arith.constant 14 : i32
      %dma_wait3A_1371 = arith.constant 256 : i32
      %dma_wait3A_1372 = arith.constant 0 : i32
      %dma_wait3A_1373 = tpu.memref_slice %arg11[%dma_wait3A_1371, %dma_wait3A_1372] : memref<768x128xbf16, #tpu.memory_space<vmem>> -> memref<128x128xbf16, #tpu.memory_space<vmem>>
      %dma_wait3A_1374 = arith.constant 0 : i32
      %dma_wait3A_1375 = tpu.memref_slice %arg10[%select_n3A_72, %dma_wait3A_1370, %dma_wait3A_1374] : memref<2x16x128xi32, #tpu.memory_space<vmem>> -> memref<1x1x128xi32, #tpu.memory_space<vmem>>
      %dma_wait3A_1376 = tpu.memref_squeeze %dma_wait3A_1375 : memref<1x1x128xi32, #tpu.memory_space<vmem>> -> memref<128xi32, #tpu.memory_space<vmem>>
      %dma_wait3A_1377 = arith.constant 0 : i32
      %dma_wait3A_1378 = arith.constant 0 : i32
      %dma_wait3A_1379 = tpu.memref_slice %arg13[%dma_wait3A_1377, %dma_wait3A_1378] : memref<10240x128xbf16, #tpu.memory_space<vmem_shared>> -> memref<10240x128xbf16, #tpu.memory_space<vmem_shared>>
      tpu.wait_indirect_dma semaphore(%arg22 : memref<!tpu.dma_semaphore, #tpu.memory_space<semaphore_mem>>) src(%dma_wait3A_1373 : memref<128x128xbf16, #tpu.memory_space<vmem>>) dst(%dma_wait3A_1379 : memref<10240x128xbf16, #tpu.memory_space<vmem_shared>>)
      %dma_wait3A_1380 = arith.constant 15 : i32
      %dma_wait3A_1381 = arith.constant 384 : i32
      %dma_wait3A_1382 = arith.constant 0 : i32
      %dma_wait3A_1383 = tpu.memref_slice %arg11[%dma_wait3A_1381, %dma_wait3A_1382] : memref<768x128xbf16, #tpu.memory_space<vmem>> -> memref<128x128xbf16, #tpu.memory_space<vmem>>
      %dma_wait3A_1384 = arith.constant 0 : i32
      %dma_wait3A_1385 = tpu.memref_slice %arg10[%select_n3A_72, %dma_wait3A_1380, %dma_wait3A_1384] : memref<2x16x128xi32, #tpu.memory_space<vmem>> -> memref<1x1x128xi32, #tpu.memory_space<vmem>>
      %dma_wait3A_1386 = tpu.memref_squeeze %dma_wait3A_1385 : memref<1x1x128xi32, #tpu.memory_space<vmem>> -> memref<128xi32, #tpu.memory_space<vmem>>
      %dma_wait3A_1387 = arith.constant 0 : i32
      %dma_wait3A_1388 = arith.constant 0 : i32
      %dma_wait3A_1389 = tpu.memref_slice %arg13[%dma_wait3A_1387, %dma_wait3A_1388] : memref<10240x128xbf16, #tpu.memory_space<vmem_shared>> -> memref<10240x128xbf16, #tpu.memory_space<vmem_shared>>
      tpu.wait_indirect_dma semaphore(%arg23 : memref<!tpu.dma_semaphore, #tpu.memory_space<semaphore_mem>>) src(%dma_wait3A_1383 : memref<128x128xbf16, #tpu.memory_space<vmem>>) dst(%dma_wait3A_1389 : memref<10240x128xbf16, #tpu.memory_space<vmem_shared>>)
    }
    %scan3A_51 = arith.constant 5 : i32
    %barrier3A_52 = arith.constant 0 : index
    tpu.barrier barrier_id(%barrier3A_52)
    %add3A_53 = arith.constant 0 : i32
    %add3A_54 = arith.addi %mul3A_2, %add3A_53 : i32
    "tpu.region"() ({
      %run_scoped3A = tpu.sem_alloc : memref<!tpu.dma_semaphore, #tpu.memory_space<semaphore_mem>>
      %dma_start3A_63 = arith.constant 0 : i32
      %dma_start3A_64 = arith.constant 0 : i32
      %dma_start3A_65 = tpu.memref_slice %arg11[%dma_start3A_63, %dma_start3A_64] : memref<768x128xbf16, #tpu.memory_space<vmem>> -> memref<128x128xbf16, #tpu.memory_space<vmem>>
      %dma_start3A_66 = arith.constant 0 : i32
      %dma_start3A_67 = tpu.memref_slice %arg13[%add3A_54, %dma_start3A_66] : memref<10240x128xbf16, #tpu.memory_space<vmem_shared>> -> memref<128x128xbf16, #tpu.memory_space<vmem_shared>>
      %dma_start3A_68 = arith.constant 0 : i32
      %dma_start3A_69 = arith.constant 0 : i32
      %dma_start3A_70 = tpu.memref_slice %arg11[%dma_start3A_68, %dma_start3A_69] : memref<768x128xbf16, #tpu.memory_space<vmem>> -> memref<128x128xbf16, #tpu.memory_space<vmem>>
      %dma_start3A_71 = arith.constant 0 : i32
      %dma_start3A_72 = tpu.memref_slice %arg13[%add3A_54, %dma_start3A_71] : memref<10240x128xbf16, #tpu.memory_space<vmem_shared>> -> memref<128x128xbf16, #tpu.memory_space<vmem_shared>>
      tpu.enqueue_dma source(%dma_start3A_72 : memref<128x128xbf16, #tpu.memory_space<vmem_shared>>) target(%dma_start3A_70 : memref<128x128xbf16, #tpu.memory_space<vmem>>) target_semaphore(%run_scoped3A : memref<!tpu.dma_semaphore, #tpu.memory_space<semaphore_mem>>)
      %dma_wait3A = arith.constant 0 : i32
      %dma_wait3A_73 = arith.constant 0 : i32
      %dma_wait3A_74 = tpu.memref_slice %arg11[%dma_wait3A, %dma_wait3A_73] : memref<768x128xbf16, #tpu.memory_space<vmem>> -> memref<128x128xbf16, #tpu.memory_space<vmem>>
      %dma_wait3A_75 = arith.constant 0 : i32
      %dma_wait3A_76 = tpu.memref_slice %arg13[%add3A_54, %dma_wait3A_75] : memref<10240x128xbf16, #tpu.memory_space<vmem_shared>> -> memref<128x128xbf16, #tpu.memory_space<vmem_shared>>
      %dma_wait3A_77 = arith.constant 0 : i32
      %dma_wait3A_78 = arith.constant 0 : i32
      %dma_wait3A_79 = tpu.memref_slice %arg11[%dma_wait3A_77, %dma_wait3A_78] : memref<768x128xbf16, #tpu.memory_space<vmem>> -> memref<128x128xbf16, #tpu.memory_space<vmem>>
      %dma_wait3A_80 = arith.constant 0 : i32
      %dma_wait3A_81 = tpu.memref_slice %arg13[%add3A_54, %dma_wait3A_80] : memref<10240x128xbf16, #tpu.memory_space<vmem_shared>> -> memref<128x128xbf16, #tpu.memory_space<vmem_shared>>
      tpu.wait_dma2 semaphore(%run_scoped3A : memref<!tpu.dma_semaphore, #tpu.memory_space<semaphore_mem>>) src(%dma_wait3A_81 : memref<128x128xbf16, #tpu.memory_space<vmem_shared>>) dst(%dma_wait3A_79 : memref<128x128xbf16, #tpu.memory_space<vmem>>)
      tpu.yield
    }) : () -> ()
    "tpu.region"() ({
      %run_scoped3A = tpu.sem_alloc : memref<!tpu.dma_semaphore, #tpu.memory_space<semaphore_mem>>
      %dma_start3A_63 = arith.constant 0 : i32
      %dma_start3A_64 = arith.constant 0 : i32
      %dma_start3A_65 = tpu.memref_slice %arg11[%dma_start3A_63, %dma_start3A_64] : memref<768x128xbf16, #tpu.memory_space<vmem>> -> memref<128x128xbf16, #tpu.memory_space<vmem>>
      %dma_start3A_66 = arith.constant 0 : i32
      %dma_start3A_67 = tpu.memref_slice %arg7[%arg0, %add3A_54, %dma_start3A_66] : memref<2x10240x128xbf16, #tpu.memory_space<hbm>> -> memref<1x128x128xbf16, #tpu.memory_space<hbm>>
      %dma_start3A_68 = tpu.memref_squeeze %dma_start3A_67 : memref<1x128x128xbf16, #tpu.memory_space<hbm>> -> memref<128x128xbf16, #tpu.memory_space<hbm>>
      %dma_start3A_69 = arith.constant 0 : i32
      %dma_start3A_70 = tpu.memref_slice %arg7[%arg0, %add3A_54, %dma_start3A_69] : memref<2x10240x128xbf16, #tpu.memory_space<hbm>> -> memref<1x128x128xbf16, #tpu.memory_space<hbm>>
      %dma_start3A_71 = tpu.memref_squeeze %dma_start3A_70 : memref<1x128x128xbf16, #tpu.memory_space<hbm>> -> memref<128x128xbf16, #tpu.memory_space<hbm>>
      %dma_start3A_72 = arith.constant 0 : i32
      %dma_start3A_73 = arith.constant 0 : i32
      %dma_start3A_74 = tpu.memref_slice %arg11[%dma_start3A_72, %dma_start3A_73] : memref<768x128xbf16, #tpu.memory_space<vmem>> -> memref<128x128xbf16, #tpu.memory_space<vmem>>
      tpu.enqueue_dma source(%dma_start3A_74 : memref<128x128xbf16, #tpu.memory_space<vmem>>) target(%dma_start3A_71 : memref<128x128xbf16, #tpu.memory_space<hbm>>) target_semaphore(%run_scoped3A : memref<!tpu.dma_semaphore, #tpu.memory_space<semaphore_mem>>)
      %dma_wait3A = arith.constant 0 : i32
      %dma_wait3A_75 = arith.constant 0 : i32
      %dma_wait3A_76 = tpu.memref_slice %arg11[%dma_wait3A, %dma_wait3A_75] : memref<768x128xbf16, #tpu.memory_space<vmem>> -> memref<128x128xbf16, #tpu.memory_space<vmem>>
      %dma_wait3A_77 = arith.constant 0 : i32
      %dma_wait3A_78 = tpu.memref_slice %arg7[%arg0, %add3A_54, %dma_wait3A_77] : memref<2x10240x128xbf16, #tpu.memory_space<hbm>> -> memref<1x128x128xbf16, #tpu.memory_space<hbm>>
      %dma_wait3A_79 = tpu.memref_squeeze %dma_wait3A_78 : memref<1x128x128xbf16, #tpu.memory_space<hbm>> -> memref<128x128xbf16, #tpu.memory_space<hbm>>
      %dma_wait3A_80 = arith.constant 0 : i32
      %dma_wait3A_81 = tpu.memref_slice %arg7[%arg0, %add3A_54, %dma_wait3A_80] : memref<2x10240x128xbf16, #tpu.memory_space<hbm>> -> memref<1x128x128xbf16, #tpu.memory_space<hbm>>
      %dma_wait3A_82 = tpu.memref_squeeze %dma_wait3A_81 : memref<1x128x128xbf16, #tpu.memory_space<hbm>> -> memref<128x128xbf16, #tpu.memory_space<hbm>>
      %dma_wait3A_83 = arith.constant 0 : i32
      %dma_wait3A_84 = arith.constant 0 : i32
      %dma_wait3A_85 = tpu.memref_slice %arg11[%dma_wait3A_83, %dma_wait3A_84] : memref<768x128xbf16, #tpu.memory_space<vmem>> -> memref<128x128xbf16, #tpu.memory_space<vmem>>
      tpu.wait_dma2 semaphore(%run_scoped3A : memref<!tpu.dma_semaphore, #tpu.memory_space<semaphore_mem>>) src(%dma_wait3A_85 : memref<128x128xbf16, #tpu.memory_space<vmem>>) dst(%dma_wait3A_82 : memref<128x128xbf16, #tpu.memory_space<hbm>>)
      tpu.yield
    }) : () -> ()
    %add3A_55 = arith.constant 128 : i32
    %add3A_56 = arith.addi %mul3A_2, %add3A_55 : i32
    "tpu.region"() ({
      %run_scoped3A = tpu.sem_alloc : memref<!tpu.dma_semaphore, #tpu.memory_space<semaphore_mem>>
      %dma_start3A_63 = arith.constant 0 : i32
      %dma_start3A_64 = arith.constant 0 : i32
      %dma_start3A_65 = tpu.memref_slice %arg11[%dma_start3A_63, %dma_start3A_64] : memref<768x128xbf16, #tpu.memory_space<vmem>> -> memref<128x128xbf16, #tpu.memory_space<vmem>>
      %dma_start3A_66 = arith.constant 0 : i32
      %dma_start3A_67 = tpu.memref_slice %arg13[%add3A_56, %dma_start3A_66] : memref<10240x128xbf16, #tpu.memory_space<vmem_shared>> -> memref<128x128xbf16, #tpu.memory_space<vmem_shared>>
      %dma_start3A_68 = arith.constant 0 : i32
      %dma_start3A_69 = arith.constant 0 : i32
      %dma_start3A_70 = tpu.memref_slice %arg11[%dma_start3A_68, %dma_start3A_69] : memref<768x128xbf16, #tpu.memory_space<vmem>> -> memref<128x128xbf16, #tpu.memory_space<vmem>>
      %dma_start3A_71 = arith.constant 0 : i32
      %dma_start3A_72 = tpu.memref_slice %arg13[%add3A_56, %dma_start3A_71] : memref<10240x128xbf16, #tpu.memory_space<vmem_shared>> -> memref<128x128xbf16, #tpu.memory_space<vmem_shared>>
      tpu.enqueue_dma source(%dma_start3A_72 : memref<128x128xbf16, #tpu.memory_space<vmem_shared>>) target(%dma_start3A_70 : memref<128x128xbf16, #tpu.memory_space<vmem>>) target_semaphore(%run_scoped3A : memref<!tpu.dma_semaphore, #tpu.memory_space<semaphore_mem>>)
      %dma_wait3A = arith.constant 0 : i32
      %dma_wait3A_73 = arith.constant 0 : i32
      %dma_wait3A_74 = tpu.memref_slice %arg11[%dma_wait3A, %dma_wait3A_73] : memref<768x128xbf16, #tpu.memory_space<vmem>> -> memref<128x128xbf16, #tpu.memory_space<vmem>>
      %dma_wait3A_75 = arith.constant 0 : i32
      %dma_wait3A_76 = tpu.memref_slice %arg13[%add3A_56, %dma_wait3A_75] : memref<10240x128xbf16, #tpu.memory_space<vmem_shared>> -> memref<128x128xbf16, #tpu.memory_space<vmem_shared>>
      %dma_wait3A_77 = arith.constant 0 : i32
      %dma_wait3A_78 = arith.constant 0 : i32
      %dma_wait3A_79 = tpu.memref_slice %arg11[%dma_wait3A_77, %dma_wait3A_78] : memref<768x128xbf16, #tpu.memory_space<vmem>> -> memref<128x128xbf16, #tpu.memory_space<vmem>>
      %dma_wait3A_80 = arith.constant 0 : i32
      %dma_wait3A_81 = tpu.memref_slice %arg13[%add3A_56, %dma_wait3A_80] : memref<10240x128xbf16, #tpu.memory_space<vmem_shared>> -> memref<128x128xbf16, #tpu.memory_space<vmem_shared>>
      tpu.wait_dma2 semaphore(%run_scoped3A : memref<!tpu.dma_semaphore, #tpu.memory_space<semaphore_mem>>) src(%dma_wait3A_81 : memref<128x128xbf16, #tpu.memory_space<vmem_shared>>) dst(%dma_wait3A_79 : memref<128x128xbf16, #tpu.memory_space<vmem>>)
      tpu.yield
    }) : () -> ()
    "tpu.region"() ({
      %run_scoped3A = tpu.sem_alloc : memref<!tpu.dma_semaphore, #tpu.memory_space<semaphore_mem>>
      %dma_start3A_63 = arith.constant 0 : i32
      %dma_start3A_64 = arith.constant 0 : i32
      %dma_start3A_65 = tpu.memref_slice %arg11[%dma_start3A_63, %dma_start3A_64] : memref<768x128xbf16, #tpu.memory_space<vmem>> -> memref<128x128xbf16, #tpu.memory_space<vmem>>
      %dma_start3A_66 = arith.constant 0 : i32
      %dma_start3A_67 = tpu.memref_slice %arg7[%arg0, %add3A_56, %dma_start3A_66] : memref<2x10240x128xbf16, #tpu.memory_space<hbm>> -> memref<1x128x128xbf16, #tpu.memory_space<hbm>>
      %dma_start3A_68 = tpu.memref_squeeze %dma_start3A_67 : memref<1x128x128xbf16, #tpu.memory_space<hbm>> -> memref<128x128xbf16, #tpu.memory_space<hbm>>
      %dma_start3A_69 = arith.constant 0 : i32
      %dma_start3A_70 = tpu.memref_slice %arg7[%arg0, %add3A_56, %dma_start3A_69] : memref<2x10240x128xbf16, #tpu.memory_space<hbm>> -> memref<1x128x128xbf16, #tpu.memory_space<hbm>>
      %dma_start3A_71 = tpu.memref_squeeze %dma_start3A_70 : memref<1x128x128xbf16, #tpu.memory_space<hbm>> -> memref<128x128xbf16, #tpu.memory_space<hbm>>
      %dma_start3A_72 = arith.constant 0 : i32
      %dma_start3A_73 = arith.constant 0 : i32
      %dma_start3A_74 = tpu.memref_slice %arg11[%dma_start3A_72, %dma_start3A_73] : memref<768x128xbf16, #tpu.memory_space<vmem>> -> memref<128x128xbf16, #tpu.memory_space<vmem>>
      tpu.enqueue_dma source(%dma_start3A_74 : memref<128x128xbf16, #tpu.memory_space<vmem>>) target(%dma_start3A_71 : memref<128x128xbf16, #tpu.memory_space<hbm>>) target_semaphore(%run_scoped3A : memref<!tpu.dma_semaphore, #tpu.memory_space<semaphore_mem>>)
      %dma_wait3A = arith.constant 0 : i32
      %dma_wait3A_75 = arith.constant 0 : i32
      %dma_wait3A_76 = tpu.memref_slice %arg11[%dma_wait3A, %dma_wait3A_75] : memref<768x128xbf16, #tpu.memory_space<vmem>> -> memref<128x128xbf16, #tpu.memory_space<vmem>>
      %dma_wait3A_77 = arith.constant 0 : i32
      %dma_wait3A_78 = tpu.memref_slice %arg7[%arg0, %add3A_56, %dma_wait3A_77] : memref<2x10240x128xbf16, #tpu.memory_space<hbm>> -> memref<1x128x128xbf16, #tpu.memory_space<hbm>>
      %dma_wait3A_79 = tpu.memref_squeeze %dma_wait3A_78 : memref<1x128x128xbf16, #tpu.memory_space<hbm>> -> memref<128x128xbf16, #tpu.memory_space<hbm>>
      %dma_wait3A_80 = arith.constant 0 : i32
      %dma_wait3A_81 = tpu.memref_slice %arg7[%arg0, %add3A_56, %dma_wait3A_80] : memref<2x10240x128xbf16, #tpu.memory_space<hbm>> -> memref<1x128x128xbf16, #tpu.memory_space<hbm>>
      %dma_wait3A_82 = tpu.memref_squeeze %dma_wait3A_81 : memref<1x128x128xbf16, #tpu.memory_space<hbm>> -> memref<128x128xbf16, #tpu.memory_space<hbm>>
      %dma_wait3A_83 = arith.constant 0 : i32
      %dma_wait3A_84 = arith.constant 0 : i32
      %dma_wait3A_85 = tpu.memref_slice %arg11[%dma_wait3A_83, %dma_wait3A_84] : memref<768x128xbf16, #tpu.memory_space<vmem>> -> memref<128x128xbf16, #tpu.memory_space<vmem>>
      tpu.wait_dma2 semaphore(%run_scoped3A : memref<!tpu.dma_semaphore, #tpu.memory_space<semaphore_mem>>) src(%dma_wait3A_85 : memref<128x128xbf16, #tpu.memory_space<vmem>>) dst(%dma_wait3A_82 : memref<128x128xbf16, #tpu.memory_space<hbm>>)
      tpu.yield
    }) : () -> ()
    %add3A_57 = arith.constant 256 : i32
    %add3A_58 = arith.addi %mul3A_2, %add3A_57 : i32
    "tpu.region"() ({
      %run_scoped3A = tpu.sem_alloc : memref<!tpu.dma_semaphore, #tpu.memory_space<semaphore_mem>>
      %dma_start3A_63 = arith.constant 0 : i32
      %dma_start3A_64 = arith.constant 0 : i32
      %dma_start3A_65 = tpu.memref_slice %arg11[%dma_start3A_63, %dma_start3A_64] : memref<768x128xbf16, #tpu.memory_space<vmem>> -> memref<128x128xbf16, #tpu.memory_space<vmem>>
      %dma_start3A_66 = arith.constant 0 : i32
      %dma_start3A_67 = tpu.memref_slice %arg13[%add3A_58, %dma_start3A_66] : memref<10240x128xbf16, #tpu.memory_space<vmem_shared>> -> memref<128x128xbf16, #tpu.memory_space<vmem_shared>>
      %dma_start3A_68 = arith.constant 0 : i32
      %dma_start3A_69 = arith.constant 0 : i32
      %dma_start3A_70 = tpu.memref_slice %arg11[%dma_start3A_68, %dma_start3A_69] : memref<768x128xbf16, #tpu.memory_space<vmem>> -> memref<128x128xbf16, #tpu.memory_space<vmem>>
      %dma_start3A_71 = arith.constant 0 : i32
      %dma_start3A_72 = tpu.memref_slice %arg13[%add3A_58, %dma_start3A_71] : memref<10240x128xbf16, #tpu.memory_space<vmem_shared>> -> memref<128x128xbf16, #tpu.memory_space<vmem_shared>>
      tpu.enqueue_dma source(%dma_start3A_72 : memref<128x128xbf16, #tpu.memory_space<vmem_shared>>) target(%dma_start3A_70 : memref<128x128xbf16, #tpu.memory_space<vmem>>) target_semaphore(%run_scoped3A : memref<!tpu.dma_semaphore, #tpu.memory_space<semaphore_mem>>)
      %dma_wait3A = arith.constant 0 : i32
      %dma_wait3A_73 = arith.constant 0 : i32
      %dma_wait3A_74 = tpu.memref_slice %arg11[%dma_wait3A, %dma_wait3A_73] : memref<768x128xbf16, #tpu.memory_space<vmem>> -> memref<128x128xbf16, #tpu.memory_space<vmem>>
      %dma_wait3A_75 = arith.constant 0 : i32
      %dma_wait3A_76 = tpu.memref_slice %arg13[%add3A_58, %dma_wait3A_75] : memref<10240x128xbf16, #tpu.memory_space<vmem_shared>> -> memref<128x128xbf16, #tpu.memory_space<vmem_shared>>
      %dma_wait3A_77 = arith.constant 0 : i32
      %dma_wait3A_78 = arith.constant 0 : i32
      %dma_wait3A_79 = tpu.memref_slice %arg11[%dma_wait3A_77, %dma_wait3A_78] : memref<768x128xbf16, #tpu.memory_space<vmem>> -> memref<128x128xbf16, #tpu.memory_space<vmem>>
      %dma_wait3A_80 = arith.constant 0 : i32
      %dma_wait3A_81 = tpu.memref_slice %arg13[%add3A_58, %dma_wait3A_80] : memref<10240x128xbf16, #tpu.memory_space<vmem_shared>> -> memref<128x128xbf16, #tpu.memory_space<vmem_shared>>
      tpu.wait_dma2 semaphore(%run_scoped3A : memref<!tpu.dma_semaphore, #tpu.memory_space<semaphore_mem>>) src(%dma_wait3A_81 : memref<128x128xbf16, #tpu.memory_space<vmem_shared>>) dst(%dma_wait3A_79 : memref<128x128xbf16, #tpu.memory_space<vmem>>)
      tpu.yield
    }) : () -> ()
    "tpu.region"() ({
      %run_scoped3A = tpu.sem_alloc : memref<!tpu.dma_semaphore, #tpu.memory_space<semaphore_mem>>
      %dma_start3A_63 = arith.constant 0 : i32
      %dma_start3A_64 = arith.constant 0 : i32
      %dma_start3A_65 = tpu.memref_slice %arg11[%dma_start3A_63, %dma_start3A_64] : memref<768x128xbf16, #tpu.memory_space<vmem>> -> memref<128x128xbf16, #tpu.memory_space<vmem>>
      %dma_start3A_66 = arith.constant 0 : i32
      %dma_start3A_67 = tpu.memref_slice %arg7[%arg0, %add3A_58, %dma_start3A_66] : memref<2x10240x128xbf16, #tpu.memory_space<hbm>> -> memref<1x128x128xbf16, #tpu.memory_space<hbm>>
      %dma_start3A_68 = tpu.memref_squeeze %dma_start3A_67 : memref<1x128x128xbf16, #tpu.memory_space<hbm>> -> memref<128x128xbf16, #tpu.memory_space<hbm>>
      %dma_start3A_69 = arith.constant 0 : i32
      %dma_start3A_70 = tpu.memref_slice %arg7[%arg0, %add3A_58, %dma_start3A_69] : memref<2x10240x128xbf16, #tpu.memory_space<hbm>> -> memref<1x128x128xbf16, #tpu.memory_space<hbm>>
      %dma_start3A_71 = tpu.memref_squeeze %dma_start3A_70 : memref<1x128x128xbf16, #tpu.memory_space<hbm>> -> memref<128x128xbf16, #tpu.memory_space<hbm>>
      %dma_start3A_72 = arith.constant 0 : i32
      %dma_start3A_73 = arith.constant 0 : i32
      %dma_start3A_74 = tpu.memref_slice %arg11[%dma_start3A_72, %dma_start3A_73] : memref<768x128xbf16, #tpu.memory_space<vmem>> -> memref<128x128xbf16, #tpu.memory_space<vmem>>
      tpu.enqueue_dma source(%dma_start3A_74 : memref<128x128xbf16, #tpu.memory_space<vmem>>) target(%dma_start3A_71 : memref<128x128xbf16, #tpu.memory_space<hbm>>) target_semaphore(%run_scoped3A : memref<!tpu.dma_semaphore, #tpu.memory_space<semaphore_mem>>)
      %dma_wait3A = arith.constant 0 : i32
      %dma_wait3A_75 = arith.constant 0 : i32
      %dma_wait3A_76 = tpu.memref_slice %arg11[%dma_wait3A, %dma_wait3A_75] : memref<768x128xbf16, #tpu.memory_space<vmem>> -> memref<128x128xbf16, #tpu.memory_space<vmem>>
      %dma_wait3A_77 = arith.constant 0 : i32
      %dma_wait3A_78 = tpu.memref_slice %arg7[%arg0, %add3A_58, %dma_wait3A_77] : memref<2x10240x128xbf16, #tpu.memory_space<hbm>> -> memref<1x128x128xbf16, #tpu.memory_space<hbm>>
      %dma_wait3A_79 = tpu.memref_squeeze %dma_wait3A_78 : memref<1x128x128xbf16, #tpu.memory_space<hbm>> -> memref<128x128xbf16, #tpu.memory_space<hbm>>
      %dma_wait3A_80 = arith.constant 0 : i32
      %dma_wait3A_81 = tpu.memref_slice %arg7[%arg0, %add3A_58, %dma_wait3A_80] : memref<2x10240x128xbf16, #tpu.memory_space<hbm>> -> memref<1x128x128xbf16, #tpu.memory_space<hbm>>
      %dma_wait3A_82 = tpu.memref_squeeze %dma_wait3A_81 : memref<1x128x128xbf16, #tpu.memory_space<hbm>> -> memref<128x128xbf16, #tpu.memory_space<hbm>>
      %dma_wait3A_83 = arith.constant 0 : i32
      %dma_wait3A_84 = arith.constant 0 : i32
      %dma_wait3A_85 = tpu.memref_slice %arg11[%dma_wait3A_83, %dma_wait3A_84] : memref<768x128xbf16, #tpu.memory_space<vmem>> -> memref<128x128xbf16, #tpu.memory_space<vmem>>
      tpu.wait_dma2 semaphore(%run_scoped3A : memref<!tpu.dma_semaphore, #tpu.memory_space<semaphore_mem>>) src(%dma_wait3A_85 : memref<128x128xbf16, #tpu.memory_space<vmem>>) dst(%dma_wait3A_82 : memref<128x128xbf16, #tpu.memory_space<hbm>>)
      tpu.yield
    }) : () -> ()
    %add3A_59 = arith.constant 384 : i32
    %add3A_60 = arith.addi %mul3A_2, %add3A_59 : i32
    "tpu.region"() ({
      %run_scoped3A = tpu.sem_alloc : memref<!tpu.dma_semaphore, #tpu.memory_space<semaphore_mem>>
      %dma_start3A_63 = arith.constant 0 : i32
      %dma_start3A_64 = arith.constant 0 : i32
      %dma_start3A_65 = tpu.memref_slice %arg11[%dma_start3A_63, %dma_start3A_64] : memref<768x128xbf16, #tpu.memory_space<vmem>> -> memref<128x128xbf16, #tpu.memory_space<vmem>>
      %dma_start3A_66 = arith.constant 0 : i32
      %dma_start3A_67 = tpu.memref_slice %arg13[%add3A_60, %dma_start3A_66] : memref<10240x128xbf16, #tpu.memory_space<vmem_shared>> -> memref<128x128xbf16, #tpu.memory_space<vmem_shared>>
      %dma_start3A_68 = arith.constant 0 : i32
      %dma_start3A_69 = arith.constant 0 : i32
      %dma_start3A_70 = tpu.memref_slice %arg11[%dma_start3A_68, %dma_start3A_69] : memref<768x128xbf16, #tpu.memory_space<vmem>> -> memref<128x128xbf16, #tpu.memory_space<vmem>>
      %dma_start3A_71 = arith.constant 0 : i32
      %dma_start3A_72 = tpu.memref_slice %arg13[%add3A_60, %dma_start3A_71] : memref<10240x128xbf16, #tpu.memory_space<vmem_shared>> -> memref<128x128xbf16, #tpu.memory_space<vmem_shared>>
      tpu.enqueue_dma source(%dma_start3A_72 : memref<128x128xbf16, #tpu.memory_space<vmem_shared>>) target(%dma_start3A_70 : memref<128x128xbf16, #tpu.memory_space<vmem>>) target_semaphore(%run_scoped3A : memref<!tpu.dma_semaphore, #tpu.memory_space<semaphore_mem>>)
      %dma_wait3A = arith.constant 0 : i32
      %dma_wait3A_73 = arith.constant 0 : i32
      %dma_wait3A_74 = tpu.memref_slice %arg11[%dma_wait3A, %dma_wait3A_73] : memref<768x128xbf16, #tpu.memory_space<vmem>> -> memref<128x128xbf16, #tpu.memory_space<vmem>>
      %dma_wait3A_75 = arith.constant 0 : i32
      %dma_wait3A_76 = tpu.memref_slice %arg13[%add3A_60, %dma_wait3A_75] : memref<10240x128xbf16, #tpu.memory_space<vmem_shared>> -> memref<128x128xbf16, #tpu.memory_space<vmem_shared>>
      %dma_wait3A_77 = arith.constant 0 : i32
      %dma_wait3A_78 = arith.constant 0 : i32
      %dma_wait3A_79 = tpu.memref_slice %arg11[%dma_wait3A_77, %dma_wait3A_78] : memref<768x128xbf16, #tpu.memory_space<vmem>> -> memref<128x128xbf16, #tpu.memory_space<vmem>>
      %dma_wait3A_80 = arith.constant 0 : i32
      %dma_wait3A_81 = tpu.memref_slice %arg13[%add3A_60, %dma_wait3A_80] : memref<10240x128xbf16, #tpu.memory_space<vmem_shared>> -> memref<128x128xbf16, #tpu.memory_space<vmem_shared>>
      tpu.wait_dma2 semaphore(%run_scoped3A : memref<!tpu.dma_semaphore, #tpu.memory_space<semaphore_mem>>) src(%dma_wait3A_81 : memref<128x128xbf16, #tpu.memory_space<vmem_shared>>) dst(%dma_wait3A_79 : memref<128x128xbf16, #tpu.memory_space<vmem>>)
      tpu.yield
    }) : () -> ()
    "tpu.region"() ({
      %run_scoped3A = tpu.sem_alloc : memref<!tpu.dma_semaphore, #tpu.memory_space<semaphore_mem>>
      %dma_start3A_63 = arith.constant 0 : i32
      %dma_start3A_64 = arith.constant 0 : i32
      %dma_start3A_65 = tpu.memref_slice %arg11[%dma_start3A_63, %dma_start3A_64] : memref<768x128xbf16, #tpu.memory_space<vmem>> -> memref<128x128xbf16, #tpu.memory_space<vmem>>
      %dma_start3A_66 = arith.constant 0 : i32
      %dma_start3A_67 = tpu.memref_slice %arg7[%arg0, %add3A_60, %dma_start3A_66] : memref<2x10240x128xbf16, #tpu.memory_space<hbm>> -> memref<1x128x128xbf16, #tpu.memory_space<hbm>>
      %dma_start3A_68 = tpu.memref_squeeze %dma_start3A_67 : memref<1x128x128xbf16, #tpu.memory_space<hbm>> -> memref<128x128xbf16, #tpu.memory_space<hbm>>
      %dma_start3A_69 = arith.constant 0 : i32
      %dma_start3A_70 = tpu.memref_slice %arg7[%arg0, %add3A_60, %dma_start3A_69] : memref<2x10240x128xbf16, #tpu.memory_space<hbm>> -> memref<1x128x128xbf16, #tpu.memory_space<hbm>>
      %dma_start3A_71 = tpu.memref_squeeze %dma_start3A_70 : memref<1x128x128xbf16, #tpu.memory_space<hbm>> -> memref<128x128xbf16, #tpu.memory_space<hbm>>
      %dma_start3A_72 = arith.constant 0 : i32
      %dma_start3A_73 = arith.constant 0 : i32
      %dma_start3A_74 = tpu.memref_slice %arg11[%dma_start3A_72, %dma_start3A_73] : memref<768x128xbf16, #tpu.memory_space<vmem>> -> memref<128x128xbf16, #tpu.memory_space<vmem>>
      tpu.enqueue_dma source(%dma_start3A_74 : memref<128x128xbf16, #tpu.memory_space<vmem>>) target(%dma_start3A_71 : memref<128x128xbf16, #tpu.memory_space<hbm>>) target_semaphore(%run_scoped3A : memref<!tpu.dma_semaphore, #tpu.memory_space<semaphore_mem>>)
      %dma_wait3A = arith.constant 0 : i32
      %dma_wait3A_75 = arith.constant 0 : i32
      %dma_wait3A_76 = tpu.memref_slice %arg11[%dma_wait3A, %dma_wait3A_75] : memref<768x128xbf16, #tpu.memory_space<vmem>> -> memref<128x128xbf16, #tpu.memory_space<vmem>>
      %dma_wait3A_77 = arith.constant 0 : i32
      %dma_wait3A_78 = tpu.memref_slice %arg7[%arg0, %add3A_60, %dma_wait3A_77] : memref<2x10240x128xbf16, #tpu.memory_space<hbm>> -> memref<1x128x128xbf16, #tpu.memory_space<hbm>>
      %dma_wait3A_79 = tpu.memref_squeeze %dma_wait3A_78 : memref<1x128x128xbf16, #tpu.memory_space<hbm>> -> memref<128x128xbf16, #tpu.memory_space<hbm>>
      %dma_wait3A_80 = arith.constant 0 : i32
      %dma_wait3A_81 = tpu.memref_slice %arg7[%arg0, %add3A_60, %dma_wait3A_80] : memref<2x10240x128xbf16, #tpu.memory_space<hbm>> -> memref<1x128x128xbf16, #tpu.memory_space<hbm>>
      %dma_wait3A_82 = tpu.memref_squeeze %dma_wait3A_81 : memref<1x128x128xbf16, #tpu.memory_space<hbm>> -> memref<128x128xbf16, #tpu.memory_space<hbm>>
      %dma_wait3A_83 = arith.constant 0 : i32
      %dma_wait3A_84 = arith.constant 0 : i32
      %dma_wait3A_85 = tpu.memref_slice %arg11[%dma_wait3A_83, %dma_wait3A_84] : memref<768x128xbf16, #tpu.memory_space<vmem>> -> memref<128x128xbf16, #tpu.memory_space<vmem>>
      tpu.wait_dma2 semaphore(%run_scoped3A : memref<!tpu.dma_semaphore, #tpu.memory_space<semaphore_mem>>) src(%dma_wait3A_85 : memref<128x128xbf16, #tpu.memory_space<vmem>>) dst(%dma_wait3A_82 : memref<128x128xbf16, #tpu.memory_space<hbm>>)
      tpu.yield
    }) : () -> ()
    %add3A_61 = arith.constant 512 : i32
    %add3A_62 = arith.addi %mul3A_2, %add3A_61 : i32
    "tpu.region"() ({
      %run_scoped3A = tpu.sem_alloc : memref<!tpu.dma_semaphore, #tpu.memory_space<semaphore_mem>>
      %dma_start3A_63 = arith.constant 0 : i32
      %dma_start3A_64 = arith.constant 0 : i32
      %dma_start3A_65 = tpu.memref_slice %arg11[%dma_start3A_63, %dma_start3A_64] : memref<768x128xbf16, #tpu.memory_space<vmem>> -> memref<128x128xbf16, #tpu.memory_space<vmem>>
      %dma_start3A_66 = arith.constant 0 : i32
      %dma_start3A_67 = tpu.memref_slice %arg13[%add3A_62, %dma_start3A_66] : memref<10240x128xbf16, #tpu.memory_space<vmem_shared>> -> memref<128x128xbf16, #tpu.memory_space<vmem_shared>>
      %dma_start3A_68 = arith.constant 0 : i32
      %dma_start3A_69 = arith.constant 0 : i32
      %dma_start3A_70 = tpu.memref_slice %arg11[%dma_start3A_68, %dma_start3A_69] : memref<768x128xbf16, #tpu.memory_space<vmem>> -> memref<128x128xbf16, #tpu.memory_space<vmem>>
      %dma_start3A_71 = arith.constant 0 : i32
      %dma_start3A_72 = tpu.memref_slice %arg13[%add3A_62, %dma_start3A_71] : memref<10240x128xbf16, #tpu.memory_space<vmem_shared>> -> memref<128x128xbf16, #tpu.memory_space<vmem_shared>>
      tpu.enqueue_dma source(%dma_start3A_72 : memref<128x128xbf16, #tpu.memory_space<vmem_shared>>) target(%dma_start3A_70 : memref<128x128xbf16, #tpu.memory_space<vmem>>) target_semaphore(%run_scoped3A : memref<!tpu.dma_semaphore, #tpu.memory_space<semaphore_mem>>)
      %dma_wait3A = arith.constant 0 : i32
      %dma_wait3A_73 = arith.constant 0 : i32
      %dma_wait3A_74 = tpu.memref_slice %arg11[%dma_wait3A, %dma_wait3A_73] : memref<768x128xbf16, #tpu.memory_space<vmem>> -> memref<128x128xbf16, #tpu.memory_space<vmem>>
      %dma_wait3A_75 = arith.constant 0 : i32
      %dma_wait3A_76 = tpu.memref_slice %arg13[%add3A_62, %dma_wait3A_75] : memref<10240x128xbf16, #tpu.memory_space<vmem_shared>> -> memref<128x128xbf16, #tpu.memory_space<vmem_shared>>
      %dma_wait3A_77 = arith.constant 0 : i32
      %dma_wait3A_78 = arith.constant 0 : i32
      %dma_wait3A_79 = tpu.memref_slice %arg11[%dma_wait3A_77, %dma_wait3A_78] : memref<768x128xbf16, #tpu.memory_space<vmem>> -> memref<128x128xbf16, #tpu.memory_space<vmem>>
      %dma_wait3A_80 = arith.constant 0 : i32
      %dma_wait3A_81 = tpu.memref_slice %arg13[%add3A_62, %dma_wait3A_80] : memref<10240x128xbf16, #tpu.memory_space<vmem_shared>> -> memref<128x128xbf16, #tpu.memory_space<vmem_shared>>
      tpu.wait_dma2 semaphore(%run_scoped3A : memref<!tpu.dma_semaphore, #tpu.memory_space<semaphore_mem>>) src(%dma_wait3A_81 : memref<128x128xbf16, #tpu.memory_space<vmem_shared>>) dst(%dma_wait3A_79 : memref<128x128xbf16, #tpu.memory_space<vmem>>)
      tpu.yield
    }) : () -> ()
    "tpu.region"() ({
      %run_scoped3A = tpu.sem_alloc : memref<!tpu.dma_semaphore, #tpu.memory_space<semaphore_mem>>
      %dma_start3A_63 = arith.constant 0 : i32
      %dma_start3A_64 = arith.constant 0 : i32
      %dma_start3A_65 = tpu.memref_slice %arg11[%dma_start3A_63, %dma_start3A_64] : memref<768x128xbf16, #tpu.memory_space<vmem>> -> memref<128x128xbf16, #tpu.memory_space<vmem>>
      %dma_start3A_66 = arith.constant 0 : i32
      %dma_start3A_67 = tpu.memref_slice %arg7[%arg0, %add3A_62, %dma_start3A_66] : memref<2x10240x128xbf16, #tpu.memory_space<hbm>> -> memref<1x128x128xbf16, #tpu.memory_space<hbm>>
      %dma_start3A_68 = tpu.memref_squeeze %dma_start3A_67 : memref<1x128x128xbf16, #tpu.memory_space<hbm>> -> memref<128x128xbf16, #tpu.memory_space<hbm>>
      %dma_start3A_69 = arith.constant 0 : i32
      %dma_start3A_70 = tpu.memref_slice %arg7[%arg0, %add3A_62, %dma_start3A_69] : memref<2x10240x128xbf16, #tpu.memory_space<hbm>> -> memref<1x128x128xbf16, #tpu.memory_space<hbm>>
      %dma_start3A_71 = tpu.memref_squeeze %dma_start3A_70 : memref<1x128x128xbf16, #tpu.memory_space<hbm>> -> memref<128x128xbf16, #tpu.memory_space<hbm>>
      %dma_start3A_72 = arith.constant 0 : i32
      %dma_start3A_73 = arith.constant 0 : i32
      %dma_start3A_74 = tpu.memref_slice %arg11[%dma_start3A_72, %dma_start3A_73] : memref<768x128xbf16, #tpu.memory_space<vmem>> -> memref<128x128xbf16, #tpu.memory_space<vmem>>
      tpu.enqueue_dma source(%dma_start3A_74 : memref<128x128xbf16, #tpu.memory_space<vmem>>) target(%dma_start3A_71 : memref<128x128xbf16, #tpu.memory_space<hbm>>) target_semaphore(%run_scoped3A : memref<!tpu.dma_semaphore, #tpu.memory_space<semaphore_mem>>)
      %dma_wait3A = arith.constant 0 : i32
      %dma_wait3A_75 = arith.constant 0 : i32
      %dma_wait3A_76 = tpu.memref_slice %arg11[%dma_wait3A, %dma_wait3A_75] : memref<768x128xbf16, #tpu.memory_space<vmem>> -> memref<128x128xbf16, #tpu.memory_space<vmem>>
      %dma_wait3A_77 = arith.constant 0 : i32
      %dma_wait3A_78 = tpu.memref_slice %arg7[%arg0, %add3A_62, %dma_wait3A_77] : memref<2x10240x128xbf16, #tpu.memory_space<hbm>> -> memref<1x128x128xbf16, #tpu.memory_space<hbm>>
      %dma_wait3A_79 = tpu.memref_squeeze %dma_wait3A_78 : memref<1x128x128xbf16, #tpu.memory_space<hbm>> -> memref<128x128xbf16, #tpu.memory_space<hbm>>
      %dma_wait3A_80 = arith.constant 0 : i32
      %dma_wait3A_81 = tpu.memref_slice %arg7[%arg0, %add3A_62, %dma_wait3A_80] : memref<2x10240x128xbf16, #tpu.memory_space<hbm>> -> memref<1x128x128xbf16, #tpu.memory_space<hbm>>
      %dma_wait3A_82 = tpu.memref_squeeze %dma_wait3A_81 : memref<1x128x128xbf16, #tpu.memory_space<hbm>> -> memref<128x128xbf16, #tpu.memory_space<hbm>>
      %dma_wait3A_83 = arith.constant 0 : i32
      %dma_wait3A_84 = arith.constant 0 : i32
      %dma_wait3A_85 = tpu.memref_slice %arg11[%dma_wait3A_83, %dma_wait3A_84] : memref<768x128xbf16, #tpu.memory_space<vmem>> -> memref<128x128xbf16, #tpu.memory_space<vmem>>
      tpu.wait_dma2 semaphore(%run_scoped3A : memref<!tpu.dma_semaphore, #tpu.memory_space<semaphore_mem>>) src(%dma_wait3A_85 : memref<128x128xbf16, #tpu.memory_space<vmem>>) dst(%dma_wait3A_82 : memref<128x128xbf16, #tpu.memory_space<hbm>>)
      tpu.yield
    }) : () -> ()
    "tpu.region"() ({
      %run_scoped3A = tpu.sem_alloc : memref<!tpu.dma_semaphore, #tpu.memory_space<semaphore_mem>>
      %dma_start3A_63 = arith.constant 0 : i32
      %dma_start3A_64 = tpu.memref_slice %arg8[%arg0, %arg1, %dma_start3A_63] : memref<2x16x10240xf32, #tpu.memory_space<hbm>> -> memref<1x1x10240xf32, #tpu.memory_space<hbm>>
      %dma_start3A_65 = tpu.memref_squeeze %dma_start3A_64 : memref<1x1x10240xf32, #tpu.memory_space<hbm>> -> memref<10240xf32, #tpu.memory_space<hbm>>
      %dma_start3A_66 = arith.constant 0 : i32
      %dma_start3A_67 = tpu.memref_slice %arg8[%arg0, %arg1, %dma_start3A_66] : memref<2x16x10240xf32, #tpu.memory_space<hbm>> -> memref<1x1x10240xf32, #tpu.memory_space<hbm>>
      %dma_start3A_68 = tpu.memref_squeeze %dma_start3A_67 : memref<1x1x10240xf32, #tpu.memory_space<hbm>> -> memref<10240xf32, #tpu.memory_space<hbm>>
      tpu.enqueue_dma source(%arg12 : memref<10240xf32, #tpu.memory_space<vmem>>) target(%dma_start3A_68 : memref<10240xf32, #tpu.memory_space<hbm>>) target_semaphore(%run_scoped3A : memref<!tpu.dma_semaphore, #tpu.memory_space<semaphore_mem>>)
      %dma_wait3A = arith.constant 0 : i32
      %dma_wait3A_69 = tpu.memref_slice %arg8[%arg0, %arg1, %dma_wait3A] : memref<2x16x10240xf32, #tpu.memory_space<hbm>> -> memref<1x1x10240xf32, #tpu.memory_space<hbm>>
      %dma_wait3A_70 = tpu.memref_squeeze %dma_wait3A_69 : memref<1x1x10240xf32, #tpu.memory_space<hbm>> -> memref<10240xf32, #tpu.memory_space<hbm>>
      %dma_wait3A_71 = arith.constant 0 : i32
      %dma_wait3A_72 = tpu.memref_slice %arg8[%arg0, %arg1, %dma_wait3A_71] : memref<2x16x10240xf32, #tpu.memory_space<hbm>> -> memref<1x1x10240xf32, #tpu.memory_space<hbm>>
      %dma_wait3A_73 = tpu.memref_squeeze %dma_wait3A_72 : memref<1x1x10240xf32, #tpu.memory_space<hbm>> -> memref<10240xf32, #tpu.memory_space<hbm>>
      tpu.wait_dma2 semaphore(%run_scoped3A : memref<!tpu.dma_semaphore, #tpu.memory_space<semaphore_mem>>) src(%arg12 : memref<10240xf32, #tpu.memory_space<vmem>>) dst(%dma_wait3A_73 : memref<10240xf32, #tpu.memory_space<hbm>>)
      tpu.yield
    }) : () -> ()
    return
  }
}

module attributes {stable_mosaic.version = 14 : i64} {
  func.func @_tc_body(%arg0: i32, %arg1: memref<1280x128xf32, #tpu.memory_space<vmem>>, %arg2: memref<2x1280x128xbf16, #tpu.memory_space<vmem>>, %arg3: memref<1280x32xf32, #tpu.memory_space<vmem>>, %arg4: memref<128x128xf32, #tpu.memory_space<vmem>>, %arg5: memref<128x128xf32, #tpu.memory_space<vmem>>, %arg6: memref<1x128xf32, #tpu.memory_space<vmem>>, %arg7: memref<1280x128xf32, #tpu.memory_space<vmem>>) attributes {dimension_semantics = [#tpu.dimension_semantics<arbitrary>], iteration_bounds = array<i64: 8>, scalar_prefetch = 0 : i64, scratch_operands = 0 : i64, tpu.core_type = #tpu.core_type<tc>, window_params = [{transform_indices = @transform_0, window_bounds = array<i64: 1280, 128>}, {transform_indices = @transform_1, window_bounds = array<i64: 2, 1280, 128>}, {transform_indices = @transform_2, window_bounds = array<i64: 1280, 32>}, {pipeline_mode = #tpu.pipeline_mode<synchronous>, transform_indices = @transform_3, window_bounds = array<i64: 128, 128>}, {pipeline_mode = #tpu.pipeline_mode<synchronous>, transform_indices = @transform_4, window_bounds = array<i64: 128, 128>}, {pipeline_mode = #tpu.pipeline_mode<synchronous>, transform_indices = @transform_5, window_bounds = array<i64: 1, 128>}, {transform_indices = @transform_6, window_bounds = array<i64: 1280, 128>}]} {
    %get3A = arith.constant 0 : index
    %get3A_0 = arith.constant 0 : index
    %get3A_1 = arith.constant 0 : index
    %get3A_2 = vector.load %arg2[%get3A, %get3A_0, %get3A_1] : memref<2x1280x128xbf16, #tpu.memory_space<vmem>>, vector<1x1280x128xbf16>
    %get3A_3 = vector.shape_cast %get3A_2 : vector<1x1280x128xbf16> to vector<1280x128xbf16>
    %convert_element_type3A = arith.extf %get3A_3 : vector<1280x128xbf16> to vector<1280x128xf32>
    %get3A_4 = arith.constant 1 : index
    %get3A_5 = arith.constant 0 : index
    %get3A_6 = arith.constant 0 : index
    %get3A_7 = vector.load %arg2[%get3A_4, %get3A_5, %get3A_6] : memref<2x1280x128xbf16, #tpu.memory_space<vmem>>, vector<1x1280x128xbf16>
    %get3A_8 = vector.shape_cast %get3A_7 : vector<1x1280x128xbf16> to vector<1280x128xbf16>
    %convert_element_type3A_9 = arith.extf %get3A_8 : vector<1280x128xbf16> to vector<1280x128xf32>
    %add3A = arith.addf %convert_element_type3A, %convert_element_type3A_9 : vector<1280x128xf32>
    %get3A_10 = arith.constant 0 : index
    %get3A_11 = arith.constant 0 : index
    %get3A_12 = vector.load %arg3[%get3A_10, %get3A_11] : memref<1280x32xf32, #tpu.memory_space<vmem>>, vector<1280x32xf32>
    %reduce_sum3A = arith.constant dense<0.000000e+00> : vector<1280xf32>
    %reduce_sum3A_13 = vector.multi_reduction <add>, %get3A_12, %reduce_sum3A [1] : vector<1280x32xf32> to vector<1280xf32>
    %broadcast_in_dim3A = vector.shape_cast %reduce_sum3A_13 : vector<1280xf32> to vector<1280x1xf32>
    %max3A = arith.constant 1.000000e+00 : f32
    %max3A_14 = vector.broadcast %max3A : f32 to vector<1280x1xf32>
    %max3A_15 = arith.maximumf %broadcast_in_dim3A, %max3A_14 : vector<1280x1xf32>
    %div3A = vector.broadcast %max3A_15 : vector<1280x1xf32> to vector<1280x128xf32>
    %div3A_16 = arith.divf %add3A, %div3A : vector<1280x128xf32>
    %get3A_17 = arith.constant 0 : index
    %get3A_18 = arith.constant 0 : index
    %get3A_19 = vector.load %arg1[%get3A_17, %get3A_18] : memref<1280x128xf32, #tpu.memory_space<vmem>>, vector<1280x128xf32>
    %get3A_20 = arith.constant 0 : index
    %get3A_21 = arith.constant 0 : index
    %get3A_22 = vector.load %arg4[%get3A_20, %get3A_21] : memref<128x128xf32, #tpu.memory_space<vmem>>, vector<128x128xf32>
    %dot_general3A = arith.constant dense<0.000000e+00> : vector<1280x128xf32>
    %dot_general3A_23 = tpu.matmul %get3A_19, %get3A_22, %dot_general3A {dimension_numbers = #tpu.dot_dimension_numbers<[1], [0], [0], [1], [0, 0, 1, 1], [], []>, transpose_lhs_hint = false} : vector<1280x128xf32>, vector<128x128xf32>, vector<1280x128xf32> -> vector<1280x128xf32>
    %get3A_24 = arith.constant 0 : index
    %get3A_25 = arith.constant 0 : index
    %get3A_26 = vector.load %arg5[%get3A_24, %get3A_25] : memref<128x128xf32, #tpu.memory_space<vmem>>, vector<128x128xf32>
    %dot_general3A_27 = arith.constant dense<0.000000e+00> : vector<1280x128xf32>
    %dot_general3A_28 = tpu.matmul %div3A_16, %get3A_26, %dot_general3A_27 {dimension_numbers = #tpu.dot_dimension_numbers<[1], [0], [0], [1], [0, 0, 1, 1], [], []>, transpose_lhs_hint = false} : vector<1280x128xf32>, vector<128x128xf32>, vector<1280x128xf32> -> vector<1280x128xf32>
    %add3A_29 = arith.addf %dot_general3A_23, %dot_general3A_28 : vector<1280x128xf32>
    %get3A_30 = arith.constant 0 : index
    %get3A_31 = arith.constant 0 : index
    %get3A_32 = vector.load %arg6[%get3A_30, %get3A_31] : memref<1x128xf32, #tpu.memory_space<vmem>>, vector<1x128xf32>
    %add3A_33 = vector.broadcast %get3A_32 : vector<1x128xf32> to vector<1280x128xf32>
    %add3A_34 = arith.addf %add3A_29, %add3A_33 : vector<1280x128xf32>
    %max3A_35 = arith.constant 0.000000e+00 : f32
    %max3A_36 = vector.broadcast %max3A_35 : f32 to vector<1280x128xf32>
    %max3A_37 = arith.maximumf %add3A_34, %max3A_36 : vector<1280x128xf32>
    %swap3A = arith.constant 0 : index
    %swap3A_38 = arith.constant 0 : index
    %swap3A_39 = vector.load %arg7[%swap3A, %swap3A_38] : memref<1280x128xf32, #tpu.memory_space<vmem>>, vector<1280x128xf32>
    tpu.vector_store %arg7[%swap3A, %swap3A_38], %max3A_37 {strides = array<i32>} : memref<1280x128xf32, #tpu.memory_space<vmem>>, vector<1280x128xf32>,
    return
  }
  func.func @transform_0(%arg0: i32) -> (i32, i32) {
    %c0_i32 = arith.constant 0 : i32
    %c0_i32_0 = arith.constant 0 : i32
    return %arg0, %c0_i32 : i32, i32
  }
  func.func @transform_1(%arg0: i32) -> (i32, i32, i32) {
    %c0_i32 = arith.constant 0 : i32
    %c0_i32_0 = arith.constant 0 : i32
    %c0_i32_1 = arith.constant 0 : i32
    return %c0_i32, %arg0, %c0_i32_0 : i32, i32, i32
  }
  func.func @transform_2(%arg0: i32) -> (i32, i32) {
    %c0_i32 = arith.constant 0 : i32
    %c0_i32_0 = arith.constant 0 : i32
    return %arg0, %c0_i32 : i32, i32
  }
  func.func @transform_3(%arg0: i32) -> (i32, i32) {
    %c0_i32 = arith.constant 0 : i32
    %c0_i32_0 = arith.constant 0 : i32
    %c0_i32_1 = arith.constant 0 : i32
    return %c0_i32, %c0_i32_0 : i32, i32
  }
  func.func @transform_4(%arg0: i32) -> (i32, i32) {
    %c0_i32 = arith.constant 0 : i32
    %c0_i32_0 = arith.constant 0 : i32
    %c0_i32_1 = arith.constant 0 : i32
    return %c0_i32, %c0_i32_0 : i32, i32
  }
  func.func @transform_5(%arg0: i32) -> (i32, i32) {
    %c0_i32 = arith.constant 0 : i32
    %c0_i32_0 = arith.constant 0 : i32
    %c0_i32_1 = arith.constant 0 : i32
    return %c0_i32, %c0_i32_0 : i32, i32
  }
  func.func @transform_6(%arg0: i32) -> (i32, i32) {
    %c0_i32 = arith.constant 0 : i32
    %c0_i32_0 = arith.constant 0 : i32
    return %arg0, %c0_i32 : i32, i32
  }
}

</mosaic_0001>

<sc_bundles>
// kernel: kernel.5.cloned.1.call-start
scs
__scs_entry_jumppad:
0x0: {  	(pc) =	sbr.rel $0x88, $3  }
0x1: {  	(tag) =	ssettag $0x0;
	lr =	simm.s32 $0x1  }
0x2: {  	[smem:$0x3F9B] =	sst lr;
	_ =	strace $0xD0000000  }
0x3: {  	_ = 	snop  }
0x4: {  	_ = 	snop  }
0x5: {  	_ = 	snop  }
0x6: {  	_ = 	snop  }
0x7: {  	_ = 	snop  }
__scs_overlays_trampoline_lowered:
0x8: {  	[smem:$0x3FAA] =	sst s0  }
0x9: {  	[smem:$0x3FAB] =	sst s1  }
0xa: {  	[smem:$0x3FAC] =	sst s2  }
0xb: {  	[smem:$0x3FAD] =	sst s3  }
0xc: {  	[smem:$0x3FAE] =	sst s4  }
0xd: {  	[smem:$0x3FAF] =	sst s5  }
0xe: {  	[smem:$0x3FB0] =	sst s6  }
0xf: {  	[smem:$0x3FB1] =	sst s7  }
0x10: {  	[smem:$0x3FB2] =	sst s8  }
0x11: {  	[smem:$0x3FB3] =	sst s9;
	s0 =	simm.s32 @!p0 $0x0  }
0x12: {  	s1 =	sld [smem:$0x3F99];
	s0 =	simm.s32 @p0 $0x1  }
0x13: {  	[smem:$0x3FB4] =	sst s0;
	s0 =	simm.s32 @!p1 $0x0  }
0x14: {  	s2 =	sld [smem:$0x3F98];
	s0 =	simm.s32 @p1 $0x1  }
0x15: {  	[smem:$0x3FB5] =	sst s0;
	s0 =	simm.s32 @!p2 $0x0  }
0x16: {  	s3 =	sld [smem:$0x3FDB];
	s0 =	simm.s32 @p2 $0x1  }
0x17: {  	s4 =	simm.s32 $0x1BF5;
	[smem:$0x3FB7] =	sst s0  }
0x18: {  	s0 =	sld [smem:$0x3F9A];
	_ =	swait.ge [sflag:s4], $0x0  }
0x19: {  	s7 =	sld [smem:$0x3F9B]  }
0x1a: {  	s8 =	sadd.s32 $0xFFFFE003, lr  }
0x1b: {  	s9 =	sadd.s32 $0xFFFFFEF7, lr;
	s5 =	simm.s32 $0xFFFFFFFF;
	p2 =	slt.u32 s8, $0xFFFFF086  }
0x1c: {  	p1 =	slt.u32 s9, $0xF7A;
	s5 =	simm.s32 @!p2 $0x0  }
0x1d: {  	s5 =	simm.s32 @p1 $0x1;
	p0 =	seq.s32 s7, s2  }
0x1e: {  	s7 =	smul.u32 @!p0 $0xF7A, s2;
	p2 =	seq.s32 @!p0 s5, $0x0  }
0x1f: {  	s9 =	smul.u32 $0xF7A, s1;
	s8 =	simm.s32 @!p0 $0x1BF5;
	p2 =	por !p2, p0  }
0x20: {  	[sflag:s8] =	ssyncset.s32 @!p0 $0xFFFFF086;
	s6 =	sadd.s32 @!p0 s3, s7;
	s7 =	simm.s32 @!p0 $0x108  }
0x21: {  	s3 =	sadd.s32 s3, s9;
	s6 =	sadd.s32 @!p0 $0x88, s6;
	s7 =	simm.s32 @p2 $0x1082  }
0x22: {  	[simem:s7], [sflag:s8] =	dma.local @!p0 [hbm:s6], $0xF7A  }
0x23: {  	s9 =	sor.u32 $0xD0000000, s2;
	s6 =	simm.s32 $0x108;
	_ =	swait.ge @!p0 [sflag:s8], $0x0  }
0x24: {  	s3 =	sadd.s32 $0x88, s3;
	s6 =	simm.s32 @!p1 $0x1082;
	[sflag:s4] =	ssyncset.s32 $0xFFFFF086  }
0x25: {  	[simem:s6], [sflag:s4] =	dma.local [hbm:s3], $0xF7A  }
0x26: {  	[smem:$0x3F9B] =	sst s1;
	(tag) =	ssettag s2;
	_ =	strace s9  }
0x27: {  	s1 =	sld [smem:$0x3FAB]  }
0x28: {  	s2 =	sld [smem:$0x3FAC]  }
0x29: {  	s4 =	sld [smem:$0x3FAE]  }
0x2a: {  	p0 =	seq.s32 s5, $0x0;
	s5 =	sld [smem:$0x3FAF]  }
0x2b: {  	s6 =	sld [smem:$0x3FB0]  }
0x2c: {  	s7 =	sld [smem:$0x3FB1]  }
0x2d: {  	s3 =	simm.s32 $0x108;
	s8 =	sld [smem:$0x3FB2]  }
0x2e: {  	s3 =	simm.s32 @!p0 $0x1082;
	s9 =	sld [smem:$0x3FB3]  }
0x2f: {  	lr =	sadd.s32 s0, s3;
	s0 =	sld [smem:$0x3FAA]  }
0x30: {  	s3 =	sld [smem:$0x3FAD]  }
0x31: {  	[smem:$0x3FB6] =	sst s10  }
0x32: {  	s10 =	sld [smem:$0x3FB4];
	_ =	sdelay $0x3  }
0x33: {  	p0 =	seq.s32 s10, $0x1;
	s10 =	sld [smem:$0x3FB6];
	_ =	sdelay $0x3  }
0x34: {  	[smem:$0x3FB6] =	sst s10  }
0x35: {  	s10 =	sld [smem:$0x3FB5];
	_ =	sdelay $0x3  }
0x36: {  	p1 =	seq.s32 s10, $0x1;
	s10 =	sld [smem:$0x3FB6];
	_ =	sdelay $0x3  }
0x37: {  	[smem:$0x3FB6] =	sst s10  }
0x38: {  	s10 =	sld [smem:$0x3FB7]  }
0x39: {  	_ = 	snop;
	(pc) =	sbr.ind lr, $3  }
0x3a: {  	_ = 	snop  }
0x3b: {  	_ = 	snop  }
0x3c: {  	p2 =	seq.s32 s10, $0x1;
	s10 =	sld [smem:$0x3FB6]  }
0x3d: {  	_ =	shalt  }
0x3e: {  	_ =	shalt  }
0x3f: {  	_ =	shalt  }
0x40: {  	_ =	shalt  }
0x41: {  	_ =	shalt  }
0x42: {  	_ =	shalt  }
0x43: {  	_ =	shalt  }
0x44: {  	_ =	shalt  }
0x45: {  	_ =	shalt  }
0x46: {  	_ =	shalt  }
0x47: {  	_ =	shalt  }
0x48: {  	_ =	shalt  }
0x49: {  	_ =	shalt  }
0x4a: {  	_ =	shalt  }
0x4b: {  	_ =	shalt  }
0x4c: {  	_ =	shalt  }
0x4d: {  	_ =	shalt  }
0x4e: {  	_ =	shalt  }
0x4f: {  	_ =	shalt  }
0x50: {  	_ =	shalt  }
0x51: {  	_ =	shalt  }
0x52: {  	_ =	shalt  }
0x53: {  	_ =	shalt  }
0x54: {  	_ =	shalt  }
0x55: {  	_ =	shalt  }
0x56: {  	_ =	shalt  }
0x57: {  	_ =	shalt  }
0x58: {  	_ =	shalt  }
0x59: {  	_ =	shalt  }
0x5a: {  	_ =	shalt  }
0x5b: {  	_ =	shalt  }
0x5c: {  	_ =	shalt  }
0x5d: {  	_ =	shalt  }
0x5e: {  	_ =	shalt  }
0x5f: {  	_ =	shalt  }
0x60: {  	_ =	shalt  }
0x61: {  	_ =	shalt  }
0x62: {  	_ =	shalt  }
0x63: {  	_ =	shalt  }
0x64: {  	_ =	shalt  }
0x65: {  	_ =	shalt  }
0x66: {  	_ =	shalt  }
0x67: {  	_ =	shalt  }
0x68: {  	_ =	shalt  }
0x69: {  	_ =	shalt  }
0x6a: {  	_ =	shalt  }
0x6b: {  	_ =	shalt  }
0x6c: {  	_ =	shalt  }
0x6d: {  	_ =	shalt  }
0x6e: {  	_ =	shalt  }
0x6f: {  	_ =	shalt  }
0x70: {  	_ =	shalt  }
0x71: {  	_ =	shalt  }
0x72: {  	_ =	shalt  }
0x73: {  	_ =	shalt  }
0x74: {  	_ =	shalt  }
0x75: {  	_ =	shalt  }
0x76: {  	_ =	shalt  }
0x77: {  	_ =	shalt  }
0x78: {  	_ =	shalt  }
0x79: {  	_ =	shalt  }
0x7a: {  	_ =	shalt  }
0x7b: {  	_ =	shalt  }
0x7c: {  	_ =	shalt  }
0x7d: {  	_ =	shalt  }
0x7e: {  	_ =	shalt  }
0x7f: {  	_ =	shalt  }
0x80: {  	_ =	shalt  }
0x81: {  	_ =	shalt  }
0x82: {  	_ =	shalt  }
0x83: {  	_ =	shalt  }
0x84: {  	_ =	shalt  }
0x85: {  	_ =	shalt  }
0x86: {  	_ =	shalt  }
0x87: {  	_ =	shalt  }
.Lfunc_end0:
.L_simem_size_0:
called_computation_lowered:
.L_overlay_start_0:
0x88: {  	s2 =	sld [smem:$0x3FD9]  }
0x89: {  	s3 =	sld [smem:$0x3FFE];
	_ =	sdelay $0x1  }
0x8a: {  	s1 =	srdreg.scid  }
0x8b: {  	s0 =	sand.u32 $0x1, s1  }
0x8c: {  	s17 =	sshll.u32 s0, $0xA;
	s2 =	sadd.s32 s3, s2  }
0x8d: {  	s2 =	sadd.s32 s2, s17  }
0x8e: {  	[smem:$0x3FC2] =	sst s2  }
0x8f: {  	_ = 	snop  }
0x90: {  	s2 =	sld [smem:$0x3FC7]  }
0x91: {  	s18 =	sld [smem:$0x3FD0];
	(tm) =	ssettm $0x1  }
0x92: {  	s4 =	sld [smem:$0x3FFB];
	_ =	sdelay $0x3  }
0x93: {  	_ =	strace s4  }
0x94: {  	s4 =	sld [smem:$0x3FFC];
	_ =	sdelay $0x3  }
0x95: {  	_ =	strace s4  }
0x96: {  	s4 =	sld [smem:$0x3FFD];
	_ =	sdelay $0x3  }
0x97: {  	_ =	strace s4  }
0x98: {  	_ =	strace $0x8FFFFFFF  }
0x99: {  	s19 =	sld [smem:$0x3FDB];
	_ =	sdelay $0x1  }
0x9a: {  	s5 =	simm.s32 $_scs_section_size  }
0x9b: {  	s6 =	simm.s32 $_size__tile_overlayer_lowered;
	s7 =	simm.s32 $_tile_overlayer_lowered  }
0x9c: {  	s22 =	simm.s32 $0x1BFF;
	s21 =	sshll.u32 s7, $0x1;
	s4 =	sadd.s32 s5, s19  }
0x9d: {  	s8 =	simm.s32 $0x0;
	s20 =	sshll.u32 s6, $0x1;
	s6 =	sadd.s32 s21, s4  }
0x9e: {  	[timem:s8], [sflag:s22] =	dma.local [hbm:s6], s20  }
0x9f: {  	_ =	swait.ge [sflag:s22], s20  }
0xa0: {  	s5 =	ssub.s32 $0x0, s20;
	[sflag:s22] =	ssyncset.done $0x0  }
0xa1: {  	[sflag:s22] =	ssyncadd.s32 s5;
	_ =	sdelay $0x1  }
0xa2: {  	s23 =	simm.s32 $0x1B8B  }
0xa3: {  	_ =	swait.ge [sflag:s23], $0x1  }
0xa4: {  	[sflag:s23] =	ssyncset.done $0x0  }
0xa5: {  	s25 =	simm.s32 $0x1B8E;
	s24 =	sld [smem:$0x3FFE];
	[sflag:s23] =	ssyncadd.s32 $0xFFFFFFFF  }
0xa6: {  	s26 =	simm.s32 $execute0_lowered;
	[smem:$0x3FD2] =	sst s25  }
0xa7: {  	s6 =	sshll.u32 s26, $0x1;
	_ =	strace $0x80000046;
	[dreg:$0x1] =	wrdreg $0xFFFFFFFF  }
0xa8: {  	s28 =	simm.s32 $_size_execute0_lowered;
	s4 =	sadd.s32 s4, s6;
	[dreg:$0x0] =	wrdreg $0x0  }
0xa9: {  	s6 =	sshll.u32 s28, $0x1;
	[dreg:$0x2] =	wrdreg s4  }
0xaa: {  	[dreg:$0x3] =	wrdreg s6  }
0xab: {  	[dreg:$0x4] =	wrdreg $0xC0  }
0xac: {  	_ =	task [dreg:s8], $0x5FFFF  }
0xad: {  	[dreg:$0x1] =	wrdreg $0xFFFFFFFF  }
0xae: {  	[dreg:$0x0] =	wrdreg $0x60  }
0xaf: {  	[dreg:$0x2] =	wrdreg s2  }
0xb0: {  	[dreg:$0x3] =	wrdreg s18  }
0xb1: {  	[dreg:$0x4] =	wrdreg s24  }
0xb2: {  	[dreg:$0x5] =	wrdreg $0x9  }
0xb3: {  	_ =	task.clear_ibuf [dreg:s8], $0x6FFFF;
	_ =	strace $0x90000046  }
0xb4: {  	s29 =	simm.s32 $0x9;
	_ =	strace $0x80000048  }
0xb5: {  	_ =	swait.ge [sflag:s29], $0x1  }
0xb6: {  	[sflag:s29] =	ssyncadd.s32 $0xFFFFFFFF  }
0xb7: {  	_ =	strace $0x90000048  }
0xb8: {  	_ =	sfence  }
0xb9: {  	s30 =	sld [smem:$0x0];
	_ =	sdelay $0x2  }
0xba: {  	s31 =	sshll.u32 s1, $0xD;
	s1 =	sshrl.u32 s1, $0x2  }
0xbb: {  	s3 =	sand.u32 $0x4000, s31;
	s1 =	sadd.s32 s1, s30  }
0xbc: {  	s0 =	sor.u32 s3, s0;
	s1 =	sshll.u32 s1, $0x11  }
0xbd: {  	s0 =	sor.u32 s1, s0  }
0xbe: {  	s0 =	sadd.s32 $0x8F2B, s0  }
0xbf: {  	[sflag:s0] =	ssyncadd.remote.s32 $0x1  }
0xc0: {  	_ =	sfence.sel $0xFFFF  }
0xc1: {  	[dreg:$0x0] =	wrdreg $0xFFFFFFFF;
	(pc) =	sbr.abs _section_cstart, $3  }
0xc2: {  	[dreg:$0x1] =	wrdreg $0xFFFFFFFF  }
0xc3: {  	_ =	task.clear_ibuf [dreg:s8], $0x2FFFF;
	_ =	strace $0x9FFFFFFF  }
0xc4: {  	(tm) =	ssettm $0x7FFFFFFF  }
0xc5: {  	_ =	shalt  }
tec
execute0_lowered:
.L_overlay_start_1:
0x0: {  	(tag) =	ssettag $0x1  }
0x1: {  	s1 =	rddreg [dreg:$0x0]  }
0x2: {  	s2 =	srdreg.scid;
	s0 =	stileid.u32  }
0x3: {  	s4 =	rddreg [dreg:$0x1];
	s18 =	sand.u32 $0x1, s2;
	s30 =	sshll.u32 s0, $0x1  }
0x4: {  	s10 =	rddreg [dreg:$0x2];
	s12 =	sor.u32 s18, s30  }
0x5: {  	s3 =	simm.s32 $0x0;
	s2 =	rddreg [dreg:$0x3];
	s5 =	smul.u32 $0x28, s12  }
0x6: {  	[smem:$0x7FF] =	sst s3  }
0x7: {  	_ =	strace $0x80000047;
	s4 =	sadd.s32 s4, s5;
	s5 =	simm.s32 $0x3  }
0x8: {  	[tilespmem:s3], [sflag:$0x3] =	stream.linear.gather [hbm4b:s4+s3], $0x140, $0x38;
	[tilespmem:$0x4140] =	vst v63  }
0x9: {  	_ =	swait.ge [sflag:s5], $0x140  }
0xa: {  	[sflag:s5] =	ssyncset.done $0x0  }
0xb: {  	s6 =	simm.s32 $0x40;
	s7 =	simm.s32 $0x140;
	[sflag:s5] =	ssyncadd.s32 $0xFFFFFEC0  }
0xc: {  	[tilespmem:s7], [sflag:$0x1] =	stream.indirect.gather [hbm4b:s1+s6], $0x80, s3, s6, $0xb8;
	[tilespmem:$0x4140] =	vst v63  }
0xd: {  	s8 =	simm.s32 $0x2140;
	s9 =	simm.s32 $0x1  }
0xe: {  	[tilespmem:s8], [sflag:$0x1] =	stream.indirect.gather [hbm4b:s1+s6], $0x80, s6, s6, $0xb8;
	[tilespmem:$0x4140] =	vst v63  }
0xf: {  	s11 =	smul.u32 $0x1400, s12;
	_ =	swait.ge [sflag:s9], $0x2000  }
0x10: {  	s13 =	sadd.s32 $0x1000, s10;
	[sflag:s9] =	ssyncset.done $0x0  }
0x11: {  	s10 =	simm.s32 $0x2;
	s11 =	sadd.s32 s13, s11;
	[sflag:s9] =	ssyncadd.s32 $0xFFFFE000  }
0x12: {  	[hbm4b:s11+s3] =	stream.linear.scatter [tilespmem:s7], [sflag:$0x2], $0x2000, $0x38;
	[tilespmem:$0x4140] =	vst v63  }
0x13: {  	_ =	swait.ge [sflag:s10], $0x2000  }
0x14: {  	[sflag:s10] =	ssyncset.done $0x0  }
0x15: {  	s14 =	smul.u32 $0xA000, s12;
	s12 =	simm.s32 $0x80;
	[sflag:s10] =	ssyncadd.s32 $0xFFFFE000  }
0x16: {  	[tilespmem:s7], [sflag:$0x1] =	stream.indirect.gather [hbm4b:s1+s6], $0x80, s12, s6, $0xb8;
	[tilespmem:$0x4140] =	vst v63  }
0x17: {  	s14 =	sshrl.u32 s14, $0x3;
	_ =	swait.ge [sflag:s9], $0x2000  }
0x18: {  	s19 =	sadd.s32 s13, s14;
	[sflag:s9] =	ssyncset.done $0x0  }
0x19: {  	s13 =	sadd.s32 $0x400, s19;
	[sflag:s9] =	ssyncadd.s32 $0xFFFFE000  }
0x1a: {  	[hbm4b:s13+s3] =	stream.linear.scatter [tilespmem:s8], [sflag:$0x2], $0x2000, $0x38;
	[tilespmem:$0x4140] =	vst v63  }
0x1b: {  	_ =	swait.ge [sflag:s10], $0x2000  }
0x1c: {  	[sflag:s10] =	ssyncset.done $0x0  }
0x1d: {  	s14 =	simm.s32 $0xC0;
	[sflag:s10] =	ssyncadd.s32 $0xFFFFE000  }
0x1e: {  	[tilespmem:s8], [sflag:$0x1] =	stream.indirect.gather [hbm4b:s1+s6], $0x80, s14, s6, $0xb8;
	[tilespmem:$0x4140] =	vst v63  }
0x1f: {  	_ =	swait.ge [sflag:s9], $0x2000  }
0x20: {  	[sflag:s9] =	ssyncset.done $0x0  }
0x21: {  	s15 =	sadd.s32 $0x800, s19;
	[sflag:s9] =	ssyncadd.s32 $0xFFFFE000  }
0x22: {  	[hbm4b:s15+s3] =	stream.linear.scatter [tilespmem:s7], [sflag:$0x2], $0x2000, $0x38;
	[tilespmem:$0x4140] =	vst v63  }
0x23: {  	_ =	swait.ge [sflag:s10], $0x2000  }
0x24: {  	[sflag:s10] =	ssyncset.done $0x0  }
0x25: {  	s16 =	simm.s32 $0x100;
	[sflag:s10] =	ssyncadd.s32 $0xFFFFE000  }
0x26: {  	[tilespmem:s7], [sflag:$0x1] =	stream.indirect.gather [hbm4b:s1+s6], $0x80, s16, s6, $0xb8;
	[tilespmem:$0x4140] =	vst v63  }
0x27: {  	_ =	swait.ge [sflag:s9], $0x2000  }
0x28: {  	[sflag:s9] =	ssyncset.done $0x0  }
0x29: {  	s18 =	ssub.s32 $0x2, s18;
	s17 =	sadd.s32 $0xC00, s19;
	[sflag:s9] =	ssyncadd.s32 $0xFFFFE000  }
0x2a: {  	[hbm4b:s17+s3] =	stream.linear.scatter [tilespmem:s8], [sflag:$0x2], $0x2000, $0x38;
	[tilespmem:$0x4140] =	vst v63  }
0x2b: {  	s20 =	sshrl.u32 s18, $0x1;
	_ =	swait.ge [sflag:s10], $0x2000  }
0x2c: {  	s20 =	ssub.s32 s18, s20;
	[sflag:s10] =	ssyncset.done $0x0  }
0x2d: {  	s31 =	smax.u32 s20, $0x1;
	[sflag:s10] =	ssyncadd.s32 $0xFFFFE000  }
0x2e: {  	p0 =	sne.s32 s31, $0x1;
	_ =	swait.ge [sflag:s9], $0x2000  }
.Ltmp0:
0x2f: {  	[sflag:s9] =	ssyncset.done $0x0;
	(pc) =	sbr.rel @!p0 .LBB2_2-.Ltmp0, $4  }
0x30: {  	s18 =	sadd.s32 $0x1000, s19;
	[sflag:s9] =	ssyncadd.s32 $0xFFFFE000  }
0x31: {  	[hbm4b:s18+s3] =	stream.linear.scatter [tilespmem:s7], [sflag:$0x2], $0x2000, $0x38;
	[tilespmem:$0x4140] =	vst v63  }
0x32: {  	_ =	swait.ge [sflag:s10], $0x2000  }
0x33: {  	s19 =	sadd.s32 $0xFFFFFFFF, s31;
	[sflag:s10] =	ssyncset.done $0x0  }
.LBB2_1:
0x34: {  	p0 =	sne.s32 s19, $0x1;
	s19 =	sadd.s32 $0xFFFFFFFF, s19;
	[sflag:s10] =	ssyncadd.s32 $0xFFFFE000  }
0x35: {  	[tilespmem:s3], [sflag:$0x3] =	stream.linear.gather [hbm4b:s4+s3], $0x140, $0x38;
	[tilespmem:$0x4140] =	vst v63  }
0x36: {  	_ =	swait.ge [sflag:s5], $0x140  }
0x37: {  	[sflag:s5] =	ssyncset.done $0x0  }
0x38: {  	[sflag:s5] =	ssyncadd.s32 $0xFFFFFEC0  }
0x39: {  	[tilespmem:s7], [sflag:$0x1] =	stream.indirect.gather [hbm4b:s1+s6], $0x80, s3, s6, $0xb8;
	[tilespmem:$0x4140] =	vst v63  }
0x3a: {  	_ = 	snop  }
0x3b: {  	[tilespmem:s8], [sflag:$0x1] =	stream.indirect.gather [hbm4b:s1+s6], $0x80, s6, s6, $0xb8;
	[tilespmem:$0x4140] =	vst v63  }
0x3c: {  	_ =	swait.ge [sflag:s9], $0x2000  }
0x3d: {  	[sflag:s9] =	ssyncset.done $0x0  }
0x3e: {  	[sflag:s9] =	ssyncadd.s32 $0xFFFFE000  }
0x3f: {  	[hbm4b:s11+s3] =	stream.linear.scatter [tilespmem:s7], [sflag:$0x2], $0x2000, $0x38;
	[tilespmem:$0x4140] =	vst v63  }
0x40: {  	_ =	swait.ge [sflag:s10], $0x2000  }
0x41: {  	[sflag:s10] =	ssyncset.done $0x0  }
0x42: {  	[sflag:s10] =	ssyncadd.s32 $0xFFFFE000  }
0x43: {  	[tilespmem:s7], [sflag:$0x1] =	stream.indirect.gather [hbm4b:s1+s6], $0x80, s12, s6, $0xb8;
	[tilespmem:$0x4140] =	vst v63  }
0x44: {  	_ =	swait.ge [sflag:s9], $0x2000  }
0x45: {  	[sflag:s9] =	ssyncset.done $0x0  }
0x46: {  	[sflag:s9] =	ssyncadd.s32 $0xFFFFE000  }
0x47: {  	[hbm4b:s13+s3] =	stream.linear.scatter [tilespmem:s8], [sflag:$0x2], $0x2000, $0x38;
	[tilespmem:$0x4140] =	vst v63  }
0x48: {  	_ =	swait.ge [sflag:s10], $0x2000  }
0x49: {  	[sflag:s10] =	ssyncset.done $0x0  }
0x4a: {  	[sflag:s10] =	ssyncadd.s32 $0xFFFFE000  }
0x4b: {  	[tilespmem:s8], [sflag:$0x1] =	stream.indirect.gather [hbm4b:s1+s6], $0x80, s14, s6, $0xb8;
	[tilespmem:$0x4140] =	vst v63  }
0x4c: {  	_ =	swait.ge [sflag:s9], $0x2000  }
0x4d: {  	[sflag:s9] =	ssyncset.done $0x0  }
0x4e: {  	[sflag:s9] =	ssyncadd.s32 $0xFFFFE000  }
0x4f: {  	[hbm4b:s15+s3] =	stream.linear.scatter [tilespmem:s7], [sflag:$0x2], $0x2000, $0x38;
	[tilespmem:$0x4140] =	vst v63  }
0x50: {  	_ =	swait.ge [sflag:s10], $0x2000  }
0x51: {  	[sflag:s10] =	ssyncset.done $0x0  }
0x52: {  	[sflag:s10] =	ssyncadd.s32 $0xFFFFE000  }
0x53: {  	[tilespmem:s7], [sflag:$0x1] =	stream.indirect.gather [hbm4b:s1+s6], $0x80, s16, s6, $0xb8;
	[tilespmem:$0x4140] =	vst v63  }
0x54: {  	_ =	swait.ge [sflag:s9], $0x2000  }
0x55: {  	[sflag:s9] =	ssyncset.done $0x0  }
0x56: {  	[sflag:s9] =	ssyncadd.s32 $0xFFFFE000  }
0x57: {  	[hbm4b:s17+s3] =	stream.linear.scatter [tilespmem:s8], [sflag:$0x2], $0x2000, $0x38;
	[tilespmem:$0x4140] =	vst v63  }
0x58: {  	_ =	swait.ge [sflag:s10], $0x2000  }
0x59: {  	[sflag:s10] =	ssyncset.done $0x0  }
0x5a: {  	[sflag:s10] =	ssyncadd.s32 $0xFFFFE000  }
0x5b: {  	_ =	swait.ge [sflag:s9], $0x2000  }
.Ltmp1:
0x5c: {  	[sflag:s9] =	ssyncset.done $0x0;
	(pc) =	sbr.rel @p0 .LBB2_1-.Ltmp1, $4  }
0x5d: {  	[sflag:s9] =	ssyncadd.s32 $0xFFFFE000  }
0x5e: {  	[hbm4b:s18+s3] =	stream.linear.scatter [tilespmem:s7], [sflag:$0x2], $0x2000, $0x38;
	[tilespmem:$0x4140] =	vst v63  }
0x5f: {  	_ =	swait.ge [sflag:s10], $0x2000  }
0x60: {  	[sflag:s10] =	ssyncset.done $0x0  }
.LBB2_2:
0x61: {  	[sflag:s10] =	ssyncadd.s32 $0xFFFFE000  }
0x62: {  	_ =	sfence.sel $0x180000  }
0x63: {  	[bflag:$0x0] =	sbarrier.arrive $0xFFFF  }
0x64: {  	p0 =	sne.s32 s0, $0x0;
	_ =	strace $0x90000047  }
0x65: {  	s0 =	sadd.s32 @!p0 $0x100000, s2;
	[bflag:$0x2] =	sbarrier.arrive $0xFFFF  }
0x66: {  	[sflag:s0] =	ssyncadd.tile.s32 @!p0 $0x1;
	_ =	shalt  }
.Lfunc_end2:
_tile_overlayer_lowered:
.L_overlay_start_2:
0x67: {  	(tag) =	ssettag $0x2  }
0x68: {  	s0 =	rddreg [dreg:$0x0];
	s2 =	stileid.u32  }
0x69: {  	s1 =	rddreg [dreg:$0x1];
	p0 =	sne.s32 s2, $0x0  }
0x6a: {  	s3 =	rddreg [dreg:$0x2];
	[bflag:$0x3] =	sbarrier.arrive $0xFFFF;
	s2 =	simm.s32 @!p0 $0x1C03  }
0x6b: {  	[timem:s3], [sflag:s2] =	dma.local @!p0 [hbm:s0], s1  }
0x6c: {  	s0 =	simm.s32 @!p0 $0x3  }
0x6d: {  	_ =	swait.ge @!p0 [sflag:s0], s1  }
0x6e: {  	s1 =	ssub.s32 @!p0 $0x0, s1;
	[sflag:s0] =	ssyncset.done @!p0 $0x0  }
0x6f: {  	[sflag:s0] =	ssyncadd.s32 @!p0 s1  }
0x70: {  	[bflag:$0x3] =	sbarrier.arrive $0xFFFF  }
0x71: {  	_ =	shalt  }

// kernel: kernel.8.cloned.1.call-start
scs
__scs_entry_jumppad:
0x0: {  	(pc) =	sbr.rel $0x88, $3  }
0x1: {  	(tag) =	ssettag $0x0;
	lr =	simm.s32 $0x1  }
0x2: {  	[smem:$0x3F9B] =	sst lr;
	_ =	strace $0xD0000000  }
0x3: {  	_ = 	snop  }
0x4: {  	_ = 	snop  }
0x5: {  	_ = 	snop  }
0x6: {  	_ = 	snop  }
0x7: {  	_ = 	snop  }
__scs_overlays_trampoline_lowered:
0x8: {  	[smem:$0x3FAA] =	sst s0  }
0x9: {  	[smem:$0x3FAB] =	sst s1  }
0xa: {  	[smem:$0x3FAC] =	sst s2  }
0xb: {  	[smem:$0x3FAD] =	sst s3  }
0xc: {  	[smem:$0x3FAE] =	sst s4  }
0xd: {  	[smem:$0x3FAF] =	sst s5  }
0xe: {  	[smem:$0x3FB0] =	sst s6  }
0xf: {  	[smem:$0x3FB1] =	sst s7  }
0x10: {  	[smem:$0x3FB2] =	sst s8  }
0x11: {  	[smem:$0x3FB3] =	sst s9;
	s0 =	simm.s32 @!p0 $0x0  }
0x12: {  	s1 =	sld [smem:$0x3F99];
	s0 =	simm.s32 @p0 $0x1  }
0x13: {  	[smem:$0x3FB4] =	sst s0;
	s0 =	simm.s32 @!p1 $0x0  }
0x14: {  	s2 =	sld [smem:$0x3F98];
	s0 =	simm.s32 @p1 $0x1  }
0x15: {  	[smem:$0x3FB5] =	sst s0;
	s0 =	simm.s32 @!p2 $0x0  }
0x16: {  	s3 =	sld [smem:$0x3FDB];
	s0 =	simm.s32 @p2 $0x1  }
0x17: {  	s4 =	simm.s32 $0x1BF5;
	[smem:$0x3FB7] =	sst s0  }
0x18: {  	s0 =	sld [smem:$0x3F9A];
	_ =	swait.ge [sflag:s4], $0x0  }
0x19: {  	s7 =	sld [smem:$0x3F9B]  }
0x1a: {  	s8 =	sadd.s32 $0xFFFFE003, lr  }
0x1b: {  	s9 =	sadd.s32 $0xFFFFFEF7, lr;
	s5 =	simm.s32 $0xFFFFFFFF;
	p2 =	slt.u32 s8, $0xFFFFF086  }
0x1c: {  	p1 =	slt.u32 s9, $0xF7A;
	s5 =	simm.s32 @!p2 $0x0  }
0x1d: {  	s5 =	simm.s32 @p1 $0x1;
	p0 =	seq.s32 s7, s2  }
0x1e: {  	s7 =	smul.u32 @!p0 $0xF7A, s2;
	p2 =	seq.s32 @!p0 s5, $0x0  }
0x1f: {  	s9 =	smul.u32 $0xF7A, s1;
	s8 =	simm.s32 @!p0 $0x1BF5;
	p2 =	por !p2, p0  }
0x20: {  	[sflag:s8] =	ssyncset.s32 @!p0 $0xFFFFF086;
	s6 =	sadd.s32 @!p0 s3, s7;
	s7 =	simm.s32 @!p0 $0x108  }
0x21: {  	s3 =	sadd.s32 s3, s9;
	s6 =	sadd.s32 @!p0 $0x88, s6;
	s7 =	simm.s32 @p2 $0x1082  }
0x22: {  	[simem:s7], [sflag:s8] =	dma.local @!p0 [hbm:s6], $0xF7A  }
0x23: {  	s9 =	sor.u32 $0xD0000000, s2;
	s6 =	simm.s32 $0x108;
	_ =	swait.ge @!p0 [sflag:s8], $0x0  }
0x24: {  	s3 =	sadd.s32 $0x88, s3;
	s6 =	simm.s32 @!p1 $0x1082;
	[sflag:s4] =	ssyncset.s32 $0xFFFFF086  }
0x25: {  	[simem:s6], [sflag:s4] =	dma.local [hbm:s3], $0xF7A  }
0x26: {  	[smem:$0x3F9B] =	sst s1;
	(tag) =	ssettag s2;
	_ =	strace s9  }
0x27: {  	s1 =	sld [smem:$0x3FAB]  }
0x28: {  	s2 =	sld [smem:$0x3FAC]  }
0x29: {  	s4 =	sld [smem:$0x3FAE]  }
0x2a: {  	p0 =	seq.s32 s5, $0x0;
	s5 =	sld [smem:$0x3FAF]  }
0x2b: {  	s6 =	sld [smem:$0x3FB0]  }
0x2c: {  	s7 =	sld [smem:$0x3FB1]  }
0x2d: {  	s3 =	simm.s32 $0x108;
	s8 =	sld [smem:$0x3FB2]  }
0x2e: {  	s3 =	simm.s32 @!p0 $0x1082;
	s9 =	sld [smem:$0x3FB3]  }
0x2f: {  	lr =	sadd.s32 s0, s3;
	s0 =	sld [smem:$0x3FAA]  }
0x30: {  	s3 =	sld [smem:$0x3FAD]  }
0x31: {  	[smem:$0x3FB6] =	sst s10  }
0x32: {  	s10 =	sld [smem:$0x3FB4];
	_ =	sdelay $0x3  }
0x33: {  	p0 =	seq.s32 s10, $0x1;
	s10 =	sld [smem:$0x3FB6];
	_ =	sdelay $0x3  }
0x34: {  	[smem:$0x3FB6] =	sst s10  }
0x35: {  	s10 =	sld [smem:$0x3FB5];
	_ =	sdelay $0x3  }
0x36: {  	p1 =	seq.s32 s10, $0x1;
	s10 =	sld [smem:$0x3FB6];
	_ =	sdelay $0x3  }
0x37: {  	[smem:$0x3FB6] =	sst s10  }
0x38: {  	s10 =	sld [smem:$0x3FB7]  }
0x39: {  	_ = 	snop;
	(pc) =	sbr.ind lr, $3  }
0x3a: {  	_ = 	snop  }
0x3b: {  	_ = 	snop  }
0x3c: {  	p2 =	seq.s32 s10, $0x1;
	s10 =	sld [smem:$0x3FB6]  }
0x3d: {  	_ =	shalt  }
0x3e: {  	_ =	shalt  }
0x3f: {  	_ =	shalt  }
0x40: {  	_ =	shalt  }
0x41: {  	_ =	shalt  }
0x42: {  	_ =	shalt  }
0x43: {  	_ =	shalt  }
0x44: {  	_ =	shalt  }
0x45: {  	_ =	shalt  }
0x46: {  	_ =	shalt  }
0x47: {  	_ =	shalt  }
0x48: {  	_ =	shalt  }
0x49: {  	_ =	shalt  }
0x4a: {  	_ =	shalt  }
0x4b: {  	_ =	shalt  }
0x4c: {  	_ =	shalt  }
0x4d: {  	_ =	shalt  }
0x4e: {  	_ =	shalt  }
0x4f: {  	_ =	shalt  }
0x50: {  	_ =	shalt  }
0x51: {  	_ =	shalt  }
0x52: {  	_ =	shalt  }
0x53: {  	_ =	shalt  }
0x54: {  	_ =	shalt  }
0x55: {  	_ =	shalt  }
0x56: {  	_ =	shalt  }
0x57: {  	_ =	shalt  }
0x58: {  	_ =	shalt  }
0x59: {  	_ =	shalt  }
0x5a: {  	_ =	shalt  }
0x5b: {  	_ =	shalt  }
0x5c: {  	_ =	shalt  }
0x5d: {  	_ =	shalt  }
0x5e: {  	_ =	shalt  }
0x5f: {  	_ =	shalt  }
0x60: {  	_ =	shalt  }
0x61: {  	_ =	shalt  }
0x62: {  	_ =	shalt  }
0x63: {  	_ =	shalt  }
0x64: {  	_ =	shalt  }
0x65: {  	_ =	shalt  }
0x66: {  	_ =	shalt  }
0x67: {  	_ =	shalt  }
0x68: {  	_ =	shalt  }
0x69: {  	_ =	shalt  }
0x6a: {  	_ =	shalt  }
0x6b: {  	_ =	shalt  }
0x6c: {  	_ =	shalt  }
0x6d: {  	_ =	shalt  }
0x6e: {  	_ =	shalt  }
0x6f: {  	_ =	shalt  }
0x70: {  	_ =	shalt  }
0x71: {  	_ =	shalt  }
0x72: {  	_ =	shalt  }
0x73: {  	_ =	shalt  }
0x74: {  	_ =	shalt  }
0x75: {  	_ =	shalt  }
0x76: {  	_ =	shalt  }
0x77: {  	_ =	shalt  }
0x78: {  	_ =	shalt  }
0x79: {  	_ =	shalt  }
0x7a: {  	_ =	shalt  }
0x7b: {  	_ =	shalt  }
0x7c: {  	_ =	shalt  }
0x7d: {  	_ =	shalt  }
0x7e: {  	_ =	shalt  }
0x7f: {  	_ =	shalt  }
0x80: {  	_ =	shalt  }
0x81: {  	_ =	shalt  }
0x82: {  	_ =	shalt  }
0x83: {  	_ =	shalt  }
0x84: {  	_ =	shalt  }
0x85: {  	_ =	shalt  }
0x86: {  	_ =	shalt  }
0x87: {  	_ =	shalt  }
.Lfunc_end0:
.L_simem_size_0:
called_computation.1_lowered:
.L_overlay_start_0:
0x88: {  	s2 =	sld [smem:$0x3FD9]  }
0x89: {  	s3 =	sld [smem:$0x3FFE];
	_ =	sdelay $0x1  }
0x8a: {  	s1 =	srdreg.scid  }
0x8b: {  	s0 =	sand.u32 $0x1, s1  }
0x8c: {  	s17 =	sshll.u32 s0, $0xA;
	s2 =	sadd.s32 s3, s2  }
0x8d: {  	s2 =	sadd.s32 s2, s17  }
0x8e: {  	[smem:$0x3FC2] =	sst s2  }
0x8f: {  	_ = 	snop  }
0x90: {  	s2 =	sld [smem:$0x3FD0];
	(tm) =	ssettm $0x1  }
0x91: {  	s18 =	sld [smem:$0x3FFB];
	_ =	sdelay $0x3  }
0x92: {  	_ =	strace s18  }
0x93: {  	s3 =	sld [smem:$0x3FFC];
	_ =	sdelay $0x3  }
0x94: {  	_ =	strace s3  }
0x95: {  	s3 =	sld [smem:$0x3FFD];
	_ =	sdelay $0x3  }
0x96: {  	_ =	strace s3  }
0x97: {  	_ =	strace $0x8FFFFFFF  }
0x98: {  	s19 =	sld [smem:$0x3FDB];
	_ =	sdelay $0x1  }
0x99: {  	s4 =	simm.s32 $_scs_section_size  }
0x9a: {  	s5 =	simm.s32 $_size__tile_overlayer_lowered;
	s6 =	simm.s32 $_tile_overlayer_lowered  }
0x9b: {  	s22 =	simm.s32 $0x1BFF;
	s21 =	sshll.u32 s6, $0x1;
	s3 =	sadd.s32 s4, s19  }
0x9c: {  	s7 =	simm.s32 $0x0;
	s20 =	sshll.u32 s5, $0x1;
	s5 =	sadd.s32 s21, s3  }
0x9d: {  	[timem:s7], [sflag:s22] =	dma.local [hbm:s5], s20  }
0x9e: {  	_ =	swait.ge [sflag:s22], s20  }
0x9f: {  	s4 =	ssub.s32 $0x0, s20;
	[sflag:s22] =	ssyncset.done $0x0  }
0xa0: {  	[sflag:s22] =	ssyncadd.s32 s4;
	_ =	sdelay $0x1  }
0xa1: {  	s23 =	simm.s32 $0x1B8B  }
0xa2: {  	_ =	swait.ge [sflag:s23], $0x1  }
0xa3: {  	[sflag:s23] =	ssyncset.done $0x0  }
0xa4: {  	s25 =	simm.s32 $0x1B8E;
	s24 =	sld [smem:$0x3FFE];
	[sflag:s23] =	ssyncadd.s32 $0xFFFFFFFF  }
0xa5: {  	s26 =	simm.s32 $execute0_lowered;
	[smem:$0x3FD2] =	sst s25  }
0xa6: {  	s5 =	sshll.u32 s26, $0x1;
	_ =	strace $0x80000049;
	[dreg:$0x1] =	wrdreg $0xFFFFFFFF  }
0xa7: {  	s28 =	simm.s32 $_size_execute0_lowered;
	s3 =	sadd.s32 s3, s5;
	[dreg:$0x0] =	wrdreg $0x0  }
0xa8: {  	s5 =	sshll.u32 s28, $0x1;
	[dreg:$0x2] =	wrdreg s3  }
0xa9: {  	[dreg:$0x3] =	wrdreg s5  }
0xaa: {  	[dreg:$0x4] =	wrdreg $0xC0  }
0xab: {  	_ =	task [dreg:s7], $0x5FFFF  }
0xac: {  	[dreg:$0x1] =	wrdreg $0xFFFFFFFF  }
0xad: {  	[dreg:$0x0] =	wrdreg $0x60  }
0xae: {  	[dreg:$0x2] =	wrdreg s2  }
0xaf: {  	[dreg:$0x3] =	wrdreg s24  }
0xb0: {  	[dreg:$0x4] =	wrdreg $0x108000  }
0xb1: {  	[dreg:$0x5] =	wrdreg $0x9  }
0xb2: {  	_ =	task.clear_ibuf [dreg:s7], $0x6FFFF;
	_ =	strace $0x90000049  }
0xb3: {  	s29 =	simm.s32 $0x9;
	_ =	strace $0x8000004B  }
0xb4: {  	_ =	swait.ge [sflag:s29], $0x1  }
0xb5: {  	[sflag:s29] =	ssyncadd.s32 $0xFFFFFFFF  }
0xb6: {  	_ =	strace $0x9000004B  }
0xb7: {  	_ =	sfence  }
0xb8: {  	s30 =	sld [smem:$0x0];
	_ =	sdelay $0x2  }
0xb9: {  	s31 =	sshll.u32 s1, $0xD;
	s1 =	sshrl.u32 s1, $0x2  }
0xba: {  	s3 =	sand.u32 $0x4000, s31;
	s1 =	sadd.s32 s1, s30  }
0xbb: {  	s0 =	sor.u32 s3, s0;
	s1 =	sshll.u32 s1, $0x11  }
0xbc: {  	s0 =	sor.u32 s1, s0  }
0xbd: {  	s0 =	sadd.s32 $0x8F2B, s0  }
0xbe: {  	[sflag:s0] =	ssyncadd.remote.s32 $0x1  }
0xbf: {  	_ =	sfence.sel $0xFFFF  }
0xc0: {  	[dreg:$0x0] =	wrdreg $0xFFFFFFFF;
	(pc) =	sbr.abs _section_cstart, $3  }
0xc1: {  	[dreg:$0x1] =	wrdreg $0xFFFFFFFF  }
0xc2: {  	_ =	task.clear_ibuf [dreg:s7], $0x2FFFF;
	_ =	strace $0x9FFFFFFF  }
0xc3: {  	(tm) =	ssettm $0x7FFFFFFF  }
tec
execute0_lowered:
.L_overlay_start_1:
0x0: {  	(tag) =	ssettag $0x1  }
0x1: {  	s1 =	rddreg [dreg:$0x0]  }
0x2: {  	s0 =	rddreg [dreg:$0x1]  }
0x3: {  	s2 =	rddreg [dreg:$0x2];
	s24 =	simm.s32 $0x0  }
0x4: {  	s3 =	srdreg.scid;
	s4 =	stileid.u32;
	s28 =	simm.s32 $0xD  }
0x5: {  	s29 =	simm.s32 $0x80;
	s30 =	simm.s32 $0x4000;
	s31 =	simm.s32 $0x6000  }
0x6: {  	[smem:$0x7FF] =	sst s24;
	s3 =	sand.u32 $0x1, s3;
	s5 =	sadd.s32 $0x33400, s0  }
0x7: {  	s8 =	smul.u32 $0x2800, s4;
	s6 =	sadd.s32 $0x29400, s0;
	s9 =	sadd.s32 $0x29000, s0  }
0x8: {  	s20 =	sadd.s32 $0x3D400, s0;
	s11 =	smul.u32 $0x14000, s4;
	s22 =	sshll.u32 s4, $0x1  }
0x9: {  	s7 =	smul.u32 $0x28000, s3;
	_ =	strace $0x8000004A;
	[dreg:$0x5] =	wrdreg s9  }
0xa: {  	[dreg:$0x6] =	wrdreg s20;
	s9 =	sadd.s32 $0x3DA00, s0;
	s21 =	ssub.s32 $0x2, s3  }
0xb: {  	s17 =	smul.u32 $0x140000, s3;
	[dreg:$0x15] =	wrdreg s5;
	s10 =	sshrl.u32 s21, $0x1  }
0xc: {  	s23 =	sadd.s32 $0x4000, s11;
	s12 =	sadd.s32 $0x8000, s11;
	s13 =	sshrl.u32 s11, $0x1  }
0xd: {  	s25 =	sadd.s32 $0xC000, s11;
	s7 =	sadd.s32 s8, s7;
	s8 =	sor.u32 s3, s22  }
0xe: {  	s14 =	sshrl.u32 s23, $0x1;
	s15 =	sshrl.u32 s12, $0x1;
	s18 =	sadd.s32 s13, s2  }
0xf: {  	s26 =	sshrl.u32 s25, $0x1;
	s22 =	sadd.s32 s11, s17;
	s25 =	sadd.s32 s17, s25  }
0x10: {  	s3 =	smul.u32 $0x2800, s3;
	s7 =	sshrl.u32 s7, $0x3;
	s19 =	sadd.s32 s14, s2  }
0x11: {  	s20 =	sadd.s32 s15, s2;
	s15 =	sadd.s32 $0x10000, s11;
	s8 =	smul.u32 $0x2800, s8  }
0x12: {  	s13 =	sadd.s32 s26, s2;
	s14 =	simm.s32 $0x2;
	s0 =	sadd.s32 s7, s0  }
0x13: {  	s7 =	ssub.s32 s21, s10;
	s16 =	sshrl.u32 s15, $0x1;
	s10 =	sadd.s32 s17, s23  }
0x14: {  	s23 =	sadd.s32 s17, s12;
	s26 =	sadd.s32 s17, s15;
	s12 =	smov.u32 s20  }
0x15: {  	s15 =	simm.s32 $0x8;
	s20 =	simm.s32 $0x5;
	[dreg:$0xa] =	wrdreg s13  }
0x16: {  	s16 =	sadd.s32 s16, s2;
	s8 =	sshrl.u32 s8, $0x3;
	s10 =	sshrl.u32 s10, $0x4  }
0x17: {  	s11 =	sshrl.u32 s23, $0x4;
	s23 =	sshrl.u32 s26, $0x4;
	[dreg:$0x9] =	wrdreg s12  }
0x18: {  	s0 =	sadd.s32 $0x65A00, s0;
	[dreg:$0xb] =	wrdreg s16;
	s21 =	sadd.s32 s5, s8  }
0x19: {  	s8 =	sadd.s32 s6, s8;
	s5 =	smul.u32 $0x5000, s4;
	s17 =	sadd.s32 s9, s10  }
0x1a: {  	s26 =	sadd.s32 s9, s23;
	s10 =	smov.u32 s18;
	[dreg:$0x13] =	wrdreg s0  }
0x1b: {  	s4 =	smax.u32 s7, $0x1;
	s23 =	simm.s32 $0x2000;
	[dreg:$0xc] =	wrdreg s21  }
0x1c: {  	s0 =	simm.s32 $0x8000;
	s7 =	simm.s32 $0x1;
	[dreg:$0xd] =	wrdreg s8  }
0x1d: {  	s18 =	simm.s32 $0x4;
	s8 =	sshrl.u32 s22, $0x4;
	[dreg:$0xf] =	wrdreg s17  }
0x1e: {  	s21 =	sadd.s32 s9, s11;
	s11 =	smov.u32 s19;
	[dreg:$0x12] =	wrdreg s26  }
0x1f: {  	s22 =	sshrl.u32 s25, $0x4;
	[dreg:$0x14] =	wrdreg s4;
	s26 =	simm.s32 $0xC000  }
0x20: {  	s17 =	simm.s32 $0x9;
	s19 =	simm.s32 $0xA;
	[dreg:$0x7] =	wrdreg s10  }
0x21: {  	s16 =	sadd.s32 s9, s8;
	[dreg:$0x10] =	wrdreg s21;
	s3 =	sadd.s32 s3, s5  }
0x22: {  	s25 =	sadd.s32 s9, s22;
	s8 =	simm.s32 $0x7;
	[dreg:$0x8] =	wrdreg s11  }
0x23: {  	s21 =	simm.s32 $0xB;
	s22 =	simm.s32 $0x6;
	[dreg:$0xe] =	wrdreg s16  }
0x24: {  	s9 =	simm.s32 $0xC;
	s5 =	simm.s32 $0x0;
	[dreg:$0x11] =	wrdreg s25  }
0x25: {  	s3 =	sadd.s32 $0x800, s3;
	s25 =	simm.s32 $0xE000;
	[dreg:$0x16] =	wrdreg s5  }
0x26: {  	v0 =	vimm.f32 $1.000000000e+00;
	s16 =	simm.s32 $0x3;
	[dreg:$0x4] =	wrdreg s3;
	s3 =	simm.s32 $0xA000  }
.LBB2_1:
0x27: {  	s5 =	simm.s32 $0xE;
	s4 =	rddreg [dreg:$0x5]  }
0x28: {  	[tilespmem:s23], [sflag:$0xE] =	stream.linear.gather [hbm4b:s4+s24], $0x2000, $0x38;
	[tilespmem:$0x1A800] =	vst v63  }
0x29: {  	_ =	swait.ge [sflag:s5], $0x2000  }
0x2a: {  	[sflag:s5] =	ssyncset.done $0x0  }
0x2b: {  	s4 =	rddreg [dreg:$0x6];
	[sflag:s5] =	ssyncadd.s32 $0xFFFFE000  }
0x2c: {  	[tilespmem:s25], [sflag:$0xE] =	stream.linear.gather [hbm4b:s4+s24], $0x2800, $0x38;
	[tilespmem:$0x1A800] =	vst v63  }
0x2d: {  	_ =	swait.ge [sflag:s5], $0x2800  }
0x2e: {  	[sflag:s5] =	ssyncset.done $0x0  }
0x2f: {  	[sflag:s5] =	ssyncadd.s32 $0xFFFFD800  }
0x30: {  	[spmem:s10] =	stream.linear.scatter [tilespmem:s23], [sflag:$0xE], $0x2000, $0x38;
	[tilespmem:$0x1A800] =	vst v63  }
0x31: {  	_ =	swait.ge [sflag:s5], $0x2000  }
0x32: {  	[sflag:s5] =	ssyncset.done $0x0  }
0x33: {  	[sflag:s5] =	ssyncadd.s32 $0xFFFFE000  }
0x34: {  	[spmem:s11] =	stream.linear.scatter [tilespmem:s23], [sflag:$0xE], $0x2000, $0x38;
	[tilespmem:$0x1A800] =	vst v63  }
0x35: {  	_ =	swait.ge [sflag:s5], $0x2000  }
0x36: {  	[sflag:s5] =	ssyncset.done $0x0  }
0x37: {  	[sflag:s5] =	ssyncadd.s32 $0xFFFFE000  }
0x38: {  	[spmem:s12] =	stream.linear.scatter [tilespmem:s23], [sflag:$0xE], $0x2000, $0x38;
	[tilespmem:$0x1A800] =	vst v63  }
0x39: {  	_ =	swait.ge [sflag:s5], $0x2000  }
0x3a: {  	[sflag:s5] =	ssyncset.done $0x0  }
0x3b: {  	[sflag:s5] =	ssyncadd.s32 $0xFFFFE000  }
0x3c: {  	[spmem:s13] =	stream.linear.scatter [tilespmem:s23], [sflag:$0xE], $0x2000, $0x38;
	[tilespmem:$0x1A800] =	vst v63  }
0x3d: {  	_ =	swait.ge [sflag:s5], $0x2000  }
0x3e: {  	[sflag:s5] =	ssyncset.done $0x0  }
0x3f: {  	s10 =	rddreg [dreg:$0xb];
	[sflag:s5] =	ssyncadd.s32 $0xFFFFE000  }
0x40: {  	[spmem:s10] =	stream.linear.scatter [tilespmem:s23], [sflag:$0xE], $0x2000, $0x38;
	[tilespmem:$0x1A800] =	vst v63  }
0x41: {  	_ =	swait.ge [sflag:s5], $0x2000  }
0x42: {  	[sflag:s5] =	ssyncset.done $0x0  }
0x43: {  	[sflag:s5] =	ssyncadd.s32 $0xFFFFE000  }
0x44: {  	[bflag:$0x0] =	sbarrier.arrive $0xFFFF  }
0x45: {  	s11 =	rddreg [dreg:$0xc]  }
0x46: {  	s12 =	rddreg [dreg:$0xd]  }
0x47: {  	[tilespmem:s24], [sflag:$0xD] =	stream.linear.gather [hbm4b:s11+s24], $0x800, $0x38;
	[tilespmem:$0x1A800] =	vst v63  }
0x48: {  	s13 =	simm.s32 $0x1000;
	s5 =	rddreg [dreg:$0x15];
	s11 =	simm.s32 $0x0  }
0x49: {  	[tilespmem:s13], [sflag:$0xD] =	stream.linear.gather [hbm4b:s12+s24], $0x800, $0x38;
	[tilespmem:$0x1A800] =	vst v63  }
.LBB2_2:
0x4a: {  	_ =	swait.ge [sflag:s28], $0x800  }
0x4b: {  	[sflag:s28] =	ssyncset.done $0x0  }
0x4c: {  	[sflag:s28] =	ssyncadd.s32 $0xFFFFF800  }
0x4d: {  	_ =	swait.ge [sflag:s28], $0x800  }
0x4e: {  	p0 =	seq.s32 s11, $0x2000;
	s12 =	rddreg [dreg:$0x4]  }
0x4f: {  	s24 =	simm.s32 @!p0 $0x0;
	s13 =	sadd.s32 @!p0 s11, s12  }
0x50: {  	[sflag:s28] =	ssyncset.done $0x0;
	s12 =	sand.u32 @!p0 $0x800, s11;
	s13 =	sshrl.u32 @!p0 s13, $0x3  }
0x51: {  	[sflag:s28] =	ssyncadd.s32 $0xFFFFF800;
	s4 =	sxor.u32 @!p0 $0x800, s12;
	s10 =	sadd.s32 @!p0 s5, s13  }
0x52: {  	[tilespmem:s4], [sflag:$0xD] =	stream.linear.gather @!p0 [hbm4b:s10+s24], $0x800, $0x38;
	[tilespmem:$0x1A800] =	vst v63  }
0x53: {  	s4 =	sor.u32 @!p0 $0x1000, s4;
	s10 =	sadd.s32 @!p0 s6, s13  }
0x54: {  	[tilespmem:s4], [sflag:$0xD] =	stream.linear.gather @!p0 [hbm4b:s10+s24], $0x800, $0x38;
	[tilespmem:$0x1A800] =	vst v63  }
0x55: {  	s12 =	simm.s32 @p0 $0x0  }
0x56: {  	[tilespmem:s23], [sflag:$0x1] =	stream.indirect.gather [hbm4b:s1+s29], $0x40, s12, s29, $0xb8;
	[tilespmem:$0x1A800] =	vst v63  }
0x57: {  	s24 =	sor.u32 $0x80, s12  }
0x58: {  	[tilespmem:s30], [sflag:$0x2] =	stream.indirect.gather [hbm4b:s1+s29], $0x40, s24, s29, $0xb8;
	[tilespmem:$0x1A800] =	vst v63  }
0x59: {  	s10 =	sor.u32 $0x100, s12  }
0x5a: {  	[tilespmem:s31], [sflag:$0x3] =	stream.indirect.gather [hbm4b:s1+s29], $0x40, s10, s29, $0xb8;
	[tilespmem:$0x1A800] =	vst v63  }
0x5b: {  	s13 =	sor.u32 $0x180, s12  }
0x5c: {  	[tilespmem:s0], [sflag:$0x4] =	stream.indirect.gather [hbm4b:s1+s29], $0x40, s13, s29, $0xb8;
	[tilespmem:$0x1A800] =	vst v63  }
0x5d: {  	s24 =	sor.u32 $0x200, s12  }
0x5e: {  	[tilespmem:s3], [sflag:$0x5] =	stream.indirect.gather [hbm4b:s1+s29], $0x40, s24, s29, $0xb8;
	[tilespmem:$0x1A800] =	vst v63  }
0x5f: {  	s10 =	sor.u32 $0x280, s12  }
0x60: {  	[tilespmem:s26], [sflag:$0x6] =	stream.indirect.gather [hbm4b:s1+s29], $0x40, s10, s29, $0xb8;
	[tilespmem:$0x1A800] =	vst v63  }
0x61: {  	_ =	swait.ge [sflag:s7], $0x2000  }
0x62: {  	[sflag:s7] =	ssyncset.done $0x0  }
0x63: {  	s13 =	sor.u32 $0x1000, s12;
	[sflag:s7] =	ssyncadd.s32 $0xFFFFE000  }
0x64: {  	[spmem:s2] =	stream.indirect.scatter.add.bf16 [tilespmem:s23], [sflag:$0x7], $0x40, s13, s29, $0xb8;
	[tilespmem:$0x1A800] =	vst v63  }
0x65: {  	v1 =	vld [tilespmem:s12+$0x1000];
	_ =	sdelay $0x7  }
0x66: {  	[tilespmem:v1+s25+$0x0] =	vst.idx.add.f32.msk $0xffff, v0  }
0x67: {  	v1 =	vld [tilespmem:s12+$0x1010];
	_ =	sdelay $0x7  }
0x68: {  	[tilespmem:v1+s25+$0x0] =	vst.idx.add.f32.msk $0xffff, v0  }
0x69: {  	v1 =	vld [tilespmem:s12+$0x1020];
	_ =	sdelay $0x7  }
0x6a: {  	[tilespmem:v1+s25+$0x0] =	vst.idx.add.f32.msk $0xffff, v0  }
0x6b: {  	v1 =	vld [tilespmem:s12+$0x1030];
	_ =	sdelay $0x7  }
0x6c: {  	[tilespmem:v1+s25+$0x0] =	vst.idx.add.f32.msk $0xffff, v0  }
0x6d: {  	v1 =	vld [tilespmem:s12+$0x1040];
	_ =	sdelay $0x7  }
0x6e: {  	[tilespmem:v1+s25+$0x0] =	vst.idx.add.f32.msk $0xffff, v0  }
0x6f: {  	v1 =	vld [tilespmem:s12+$0x1050];
	_ =	sdelay $0x7  }
0x70: {  	[tilespmem:v1+s25+$0x0] =	vst.idx.add.f32.msk $0xffff, v0  }
0x71: {  	v1 =	vld [tilespmem:s12+$0x1060];
	_ =	sdelay $0x7  }
0x72: {  	[tilespmem:v1+s25+$0x0] =	vst.idx.add.f32.msk $0xffff, v0  }
0x73: {  	v1 =	vld [tilespmem:s12+$0x1070];
	_ =	sdelay $0x7  }
0x74: {  	[tilespmem:v1+s25+$0x0] =	vst.idx.add.f32.msk $0xffff, v0  }
0x75: {  	_ =	swait.ge [sflag:s8], $0x2000  }
0x76: {  	[sflag:s8] =	ssyncset.done $0x0  }
0x77: {  	s24 =	sor.u32 $0x300, s12;
	[sflag:s8] =	ssyncadd.s32 $0xFFFFE000  }
0x78: {  	[tilespmem:s23], [sflag:$0x1] =	stream.indirect.gather [hbm4b:s1+s29], $0x40, s24, s29, $0xb8;
	[tilespmem:$0x1A800] =	vst v63  }
0x79: {  	_ =	swait.ge [sflag:s14], $0x2000  }
0x7a: {  	[sflag:s14] =	ssyncset.done $0x0  }
0x7b: {  	s10 =	sor.u32 $0x1080, s12;
	[sflag:s14] =	ssyncadd.s32 $0xFFFFE000  }
0x7c: {  	[spmem:s2] =	stream.indirect.scatter.add.bf16 [tilespmem:s30], [sflag:$0x8], $0x40, s10, s29, $0xb8;
	[tilespmem:$0x1A800] =	vst v63  }
0x7d: {  	v1 =	vld [tilespmem:s10+$0x0];
	_ =	sdelay $0x7  }
0x7e: {  	[tilespmem:v1+s25+$0x0] =	vst.idx.add.f32.msk $0xffff, v0  }
0x7f: {  	v1 =	vld [tilespmem:s12+$0x1090];
	_ =	sdelay $0x7  }
0x80: {  	[tilespmem:v1+s25+$0x0] =	vst.idx.add.f32.msk $0xffff, v0  }
0x81: {  	v1 =	vld [tilespmem:s12+$0x10A0];
	_ =	sdelay $0x7  }
0x82: {  	[tilespmem:v1+s25+$0x0] =	vst.idx.add.f32.msk $0xffff, v0  }
0x83: {  	v1 =	vld [tilespmem:s12+$0x10B0];
	_ =	sdelay $0x7  }
0x84: {  	[tilespmem:v1+s25+$0x0] =	vst.idx.add.f32.msk $0xffff, v0  }
0x85: {  	v1 =	vld [tilespmem:s12+$0x10C0];
	_ =	sdelay $0x7  }
0x86: {  	[tilespmem:v1+s25+$0x0] =	vst.idx.add.f32.msk $0xffff, v0  }
0x87: {  	v1 =	vld [tilespmem:s12+$0x10D0];
	_ =	sdelay $0x7  }
0x88: {  	[tilespmem:v1+s25+$0x0] =	vst.idx.add.f32.msk $0xffff, v0  }
0x89: {  	v1 =	vld [tilespmem:s12+$0x10E0];
	_ =	sdelay $0x7  }
0x8a: {  	[tilespmem:v1+s25+$0x0] =	vst.idx.add.f32.msk $0xffff, v0  }
0x8b: {  	v1 =	vld [tilespmem:s12+$0x10F0];
	_ =	sdelay $0x7  }
0x8c: {  	[tilespmem:v1+s25+$0x0] =	vst.idx.add.f32.msk $0xffff, v0  }
0x8d: {  	_ =	swait.ge [sflag:s15], $0x2000  }
0x8e: {  	[sflag:s15] =	ssyncset.done $0x0  }
0x8f: {  	s13 =	sor.u32 $0x380, s12;
	[sflag:s15] =	ssyncadd.s32 $0xFFFFE000  }
0x90: {  	[tilespmem:s30], [sflag:$0x2] =	stream.indirect.gather [hbm4b:s1+s29], $0x40, s13, s29, $0xb8;
	[tilespmem:$0x1A800] =	vst v63  }
0x91: {  	_ =	swait.ge [sflag:s16], $0x2000  }
0x92: {  	[sflag:s16] =	ssyncset.done $0x0  }
0x93: {  	s24 =	sor.u32 $0x1100, s12;
	[sflag:s16] =	ssyncadd.s32 $0xFFFFE000  }
0x94: {  	[spmem:s2] =	stream.indirect.scatter.add.bf16 [tilespmem:s31], [sflag:$0x9], $0x40, s24, s29, $0xb8;
	[tilespmem:$0x1A800] =	vst v63  }
0x95: {  	v1 =	vld [tilespmem:s24+$0x0];
	_ =	sdelay $0x7  }
0x96: {  	[tilespmem:v1+s25+$0x0] =	vst.idx.add.f32.msk $0xffff, v0  }
0x97: {  	v1 =	vld [tilespmem:s12+$0x1110];
	_ =	sdelay $0x7  }
0x98: {  	[tilespmem:v1+s25+$0x0] =	vst.idx.add.f32.msk $0xffff, v0  }
0x99: {  	v1 =	vld [tilespmem:s12+$0x1120];
	_ =	sdelay $0x7  }
0x9a: {  	[tilespmem:v1+s25+$0x0] =	vst.idx.add.f32.msk $0xffff, v0  }
0x9b: {  	v1 =	vld [tilespmem:s12+$0x1130];
	_ =	sdelay $0x7  }
0x9c: {  	[tilespmem:v1+s25+$0x0] =	vst.idx.add.f32.msk $0xffff, v0  }
0x9d: {  	v1 =	vld [tilespmem:s12+$0x1140];
	_ =	sdelay $0x7  }
0x9e: {  	[tilespmem:v1+s25+$0x0] =	vst.idx.add.f32.msk $0xffff, v0  }
0x9f: {  	v1 =	vld [tilespmem:s12+$0x1150];
	_ =	sdelay $0x7  }
0xa0: {  	[tilespmem:v1+s25+$0x0] =	vst.idx.add.f32.msk $0xffff, v0  }
0xa1: {  	v1 =	vld [tilespmem:s12+$0x1160];
	_ =	sdelay $0x7  }
0xa2: {  	[tilespmem:v1+s25+$0x0] =	vst.idx.add.f32.msk $0xffff, v0  }
0xa3: {  	v1 =	vld [tilespmem:s12+$0x1170];
	_ =	sdelay $0x7  }
0xa4: {  	[tilespmem:v1+s25+$0x0] =	vst.idx.add.f32.msk $0xffff, v0  }
0xa5: {  	_ =	swait.ge [sflag:s17], $0x2000  }
0xa6: {  	[sflag:s17] =	ssyncset.done $0x0  }
0xa7: {  	s10 =	sor.u32 $0x400, s12;
	[sflag:s17] =	ssyncadd.s32 $0xFFFFE000  }
0xa8: {  	[tilespmem:s31], [sflag:$0x3] =	stream.indirect.gather [hbm4b:s1+s29], $0x40, s10, s29, $0xb8;
	[tilespmem:$0x1A800] =	vst v63  }
0xa9: {  	_ =	swait.ge [sflag:s18], $0x2000  }
0xaa: {  	[sflag:s18] =	ssyncset.done $0x0  }
0xab: {  	s13 =	sor.u32 $0x1180, s12;
	[sflag:s18] =	ssyncadd.s32 $0xFFFFE000  }
0xac: {  	[spmem:s2] =	stream.indirect.scatter.add.bf16 [tilespmem:s0], [sflag:$0xA], $0x40, s13, s29, $0xb8;
	[tilespmem:$0x1A800] =	vst v63  }
0xad: {  	v1 =	vld [tilespmem:s13+$0x0];
	_ =	sdelay $0x7  }
0xae: {  	[tilespmem:v1+s25+$0x0] =	vst.idx.add.f32.msk $0xffff, v0  }
0xaf: {  	v1 =	vld [tilespmem:s12+$0x1190];
	_ =	sdelay $0x7  }
0xb0: {  	[tilespmem:v1+s25+$0x0] =	vst.idx.add.f32.msk $0xffff, v0  }
0xb1: {  	v1 =	vld [tilespmem:s12+$0x11A0];
	_ =	sdelay $0x7  }
0xb2: {  	[tilespmem:v1+s25+$0x0] =	vst.idx.add.f32.msk $0xffff, v0  }
0xb3: {  	v1 =	vld [tilespmem:s12+$0x11B0];
	_ =	sdelay $0x7  }
0xb4: {  	[tilespmem:v1+s25+$0x0] =	vst.idx.add.f32.msk $0xffff, v0  }
0xb5: {  	v1 =	vld [tilespmem:s12+$0x11C0];
	_ =	sdelay $0x7  }
0xb6: {  	[tilespmem:v1+s25+$0x0] =	vst.idx.add.f32.msk $0xffff, v0  }
0xb7: {  	v1 =	vld [tilespmem:s12+$0x11D0];
	_ =	sdelay $0x7  }
0xb8: {  	[tilespmem:v1+s25+$0x0] =	vst.idx.add.f32.msk $0xffff, v0  }
0xb9: {  	v1 =	vld [tilespmem:s12+$0x11E0];
	_ =	sdelay $0x7  }
0xba: {  	[tilespmem:v1+s25+$0x0] =	vst.idx.add.f32.msk $0xffff, v0  }
0xbb: {  	v1 =	vld [tilespmem:s12+$0x11F0];
	_ =	sdelay $0x7  }
0xbc: {  	[tilespmem:v1+s25+$0x0] =	vst.idx.add.f32.msk $0xffff, v0  }
0xbd: {  	_ =	swait.ge [sflag:s19], $0x2000  }
0xbe: {  	[sflag:s19] =	ssyncset.done $0x0  }
0xbf: {  	s24 =	sor.u32 $0x480, s12;
	[sflag:s19] =	ssyncadd.s32 $0xFFFFE000  }
0xc0: {  	[tilespmem:s0], [sflag:$0x4] =	stream.indirect.gather [hbm4b:s1+s29], $0x40, s24, s29, $0xb8;
	[tilespmem:$0x1A800] =	vst v63  }
0xc1: {  	_ =	swait.ge [sflag:s20], $0x2000  }
0xc2: {  	[sflag:s20] =	ssyncset.done $0x0  }
0xc3: {  	s10 =	sor.u32 $0x1200, s12;
	[sflag:s20] =	ssyncadd.s32 $0xFFFFE000  }
0xc4: {  	[spmem:s2] =	stream.indirect.scatter.add.bf16 [tilespmem:s3], [sflag:$0xB], $0x40, s10, s29, $0xb8;
	[tilespmem:$0x1A800] =	vst v63  }
0xc5: {  	v1 =	vld [tilespmem:s10+$0x0];
	_ =	sdelay $0x7  }
0xc6: {  	[tilespmem:v1+s25+$0x0] =	vst.idx.add.f32.msk $0xffff, v0  }
0xc7: {  	v1 =	vld [tilespmem:s12+$0x1210];
	_ =	sdelay $0x7  }
0xc8: {  	[tilespmem:v1+s25+$0x0] =	vst.idx.add.f32.msk $0xffff, v0  }
0xc9: {  	v1 =	vld [tilespmem:s12+$0x1220];
	_ =	sdelay $0x7  }
0xca: {  	[tilespmem:v1+s25+$0x0] =	vst.idx.add.f32.msk $0xffff, v0  }
0xcb: {  	v1 =	vld [tilespmem:s12+$0x1230];
	_ =	sdelay $0x7  }
0xcc: {  	[tilespmem:v1+s25+$0x0] =	vst.idx.add.f32.msk $0xffff, v0  }
0xcd: {  	v1 =	vld [tilespmem:s12+$0x1240];
	_ =	sdelay $0x7  }
0xce: {  	[tilespmem:v1+s25+$0x0] =	vst.idx.add.f32.msk $0xffff, v0  }
0xcf: {  	v1 =	vld [tilespmem:s12+$0x1250];
	_ =	sdelay $0x7  }
0xd0: {  	[tilespmem:v1+s25+$0x0] =	vst.idx.add.f32.msk $0xffff, v0  }
0xd1: {  	v1 =	vld [tilespmem:s12+$0x1260];
	_ =	sdelay $0x7  }
0xd2: {  	[tilespmem:v1+s25+$0x0] =	vst.idx.add.f32.msk $0xffff, v0  }
0xd3: {  	v1 =	vld [tilespmem:s12+$0x1270];
	_ =	sdelay $0x7  }
0xd4: {  	[tilespmem:v1+s25+$0x0] =	vst.idx.add.f32.msk $0xffff, v0  }
0xd5: {  	_ =	swait.ge [sflag:s21], $0x2000  }
0xd6: {  	[sflag:s21] =	ssyncset.done $0x0  }
0xd7: {  	s13 =	sor.u32 $0x500, s12;
	[sflag:s21] =	ssyncadd.s32 $0xFFFFE000  }
0xd8: {  	[tilespmem:s3], [sflag:$0x5] =	stream.indirect.gather [hbm4b:s1+s29], $0x40, s13, s29, $0xb8;
	[tilespmem:$0x1A800] =	vst v63  }
0xd9: {  	_ =	swait.ge [sflag:s22], $0x2000  }
0xda: {  	[sflag:s22] =	ssyncset.done $0x0  }
0xdb: {  	s24 =	sor.u32 $0x1280, s12;
	[sflag:s22] =	ssyncadd.s32 $0xFFFFE000  }
0xdc: {  	[spmem:s2] =	stream.indirect.scatter.add.bf16 [tilespmem:s26], [sflag:$0xC], $0x40, s24, s29, $0xb8;
	[tilespmem:$0x1A800] =	vst v63  }
0xdd: {  	v1 =	vld [tilespmem:s24+$0x0];
	_ =	sdelay $0x7  }
0xde: {  	[tilespmem:v1+s25+$0x0] =	vst.idx.add.f32.msk $0xffff, v0  }
0xdf: {  	v1 =	vld [tilespmem:s12+$0x1290];
	_ =	sdelay $0x7  }
0xe0: {  	[tilespmem:v1+s25+$0x0] =	vst.idx.add.f32.msk $0xffff, v0  }
0xe1: {  	v1 =	vld [tilespmem:s12+$0x12A0];
	_ =	sdelay $0x7  }
0xe2: {  	[tilespmem:v1+s25+$0x0] =	vst.idx.add.f32.msk $0xffff, v0  }
0xe3: {  	v1 =	vld [tilespmem:s12+$0x12B0];
	_ =	sdelay $0x7  }
0xe4: {  	[tilespmem:v1+s25+$0x0] =	vst.idx.add.f32.msk $0xffff, v0  }
0xe5: {  	v1 =	vld [tilespmem:s12+$0x12C0];
	_ =	sdelay $0x7  }
0xe6: {  	[tilespmem:v1+s25+$0x0] =	vst.idx.add.f32.msk $0xffff, v0  }
0xe7: {  	v1 =	vld [tilespmem:s12+$0x12D0];
	_ =	sdelay $0x7  }
0xe8: {  	[tilespmem:v1+s25+$0x0] =	vst.idx.add.f32.msk $0xffff, v0  }
0xe9: {  	v1 =	vld [tilespmem:s12+$0x12E0];
	_ =	sdelay $0x7  }
0xea: {  	[tilespmem:v1+s25+$0x0] =	vst.idx.add.f32.msk $0xffff, v0  }
0xeb: {  	v1 =	vld [tilespmem:s12+$0x12F0];
	_ =	sdelay $0x7  }
0xec: {  	[tilespmem:v1+s25+$0x0] =	vst.idx.add.f32.msk $0xffff, v0  }
0xed: {  	_ =	swait.ge [sflag:s9], $0x2000  }
0xee: {  	[sflag:s9] =	ssyncset.done $0x0  }
0xef: {  	s10 =	sor.u32 $0x580, s12;
	[sflag:s9] =	ssyncadd.s32 $0xFFFFE000  }
0xf0: {  	[tilespmem:s26], [sflag:$0x6] =	stream.indirect.gather [hbm4b:s1+s29], $0x40, s10, s29, $0xb8;
	[tilespmem:$0x1A800] =	vst v63  }
0xf1: {  	_ =	swait.ge [sflag:s7], $0x2000  }
0xf2: {  	[sflag:s7] =	ssyncset.done $0x0  }
0xf3: {  	s13 =	sor.u32 $0x1300, s12;
	[sflag:s7] =	ssyncadd.s32 $0xFFFFE000  }
0xf4: {  	[spmem:s2] =	stream.indirect.scatter.add.bf16 [tilespmem:s23], [sflag:$0x7], $0x40, s13, s29, $0xb8;
	[tilespmem:$0x1A800] =	vst v63  }
0xf5: {  	v1 =	vld [tilespmem:s13+$0x0];
	_ =	sdelay $0x7  }
0xf6: {  	[tilespmem:v1+s25+$0x0] =	vst.idx.add.f32.msk $0xffff, v0  }
0xf7: {  	v1 =	vld [tilespmem:s12+$0x1310];
	_ =	sdelay $0x7  }
0xf8: {  	[tilespmem:v1+s25+$0x0] =	vst.idx.add.f32.msk $0xffff, v0  }
0xf9: {  	v1 =	vld [tilespmem:s12+$0x1320];
	_ =	sdelay $0x7  }
0xfa: {  	[tilespmem:v1+s25+$0x0] =	vst.idx.add.f32.msk $0xffff, v0  }
0xfb: {  	v1 =	vld [tilespmem:s12+$0x1330];
	_ =	sdelay $0x7  }
0xfc: {  	[tilespmem:v1+s25+$0x0] =	vst.idx.add.f32.msk $0xffff, v0  }
0xfd: {  	v1 =	vld [tilespmem:s12+$0x1340];
	_ =	sdelay $0x7  }
0xfe: {  	[tilespmem:v1+s25+$0x0] =	vst.idx.add.f32.msk $0xffff, v0  }
0xff: {  	v1 =	vld [tilespmem:s12+$0x1350];
	_ =	sdelay $0x7  }
0x100: {  	[tilespmem:v1+s25+$0x0] =	vst.idx.add.f32.msk $0xffff, v0  }
0x101: {  	v1 =	vld [tilespmem:s12+$0x1360];
	_ =	sdelay $0x7  }
0x102: {  	[tilespmem:v1+s25+$0x0] =	vst.idx.add.f32.msk $0xffff, v0  }
0x103: {  	v1 =	vld [tilespmem:s12+$0x1370];
	_ =	sdelay $0x7  }
0x104: {  	[tilespmem:v1+s25+$0x0] =	vst.idx.add.f32.msk $0xffff, v0  }
0x105: {  	_ =	swait.ge [sflag:s8], $0x2000  }
0x106: {  	[sflag:s8] =	ssyncset.done $0x0  }
0x107: {  	s24 =	sor.u32 $0x600, s12;
	[sflag:s8] =	ssyncadd.s32 $0xFFFFE000  }
0x108: {  	[tilespmem:s23], [sflag:$0x1] =	stream.indirect.gather [hbm4b:s1+s29], $0x40, s24, s29, $0xb8;
	[tilespmem:$0x1A800] =	vst v63  }
0x109: {  	_ =	swait.ge [sflag:s14], $0x2000  }
0x10a: {  	[sflag:s14] =	ssyncset.done $0x0  }
0x10b: {  	s10 =	sor.u32 $0x1380, s12;
	[sflag:s14] =	ssyncadd.s32 $0xFFFFE000  }
0x10c: {  	[spmem:s2] =	stream.indirect.scatter.add.bf16 [tilespmem:s30], [sflag:$0x8], $0x40, s10, s29, $0xb8;
	[tilespmem:$0x1A800] =	vst v63  }
0x10d: {  	v1 =	vld [tilespmem:s10+$0x0];
	_ =	sdelay $0x7  }
0x10e: {  	[tilespmem:v1+s25+$0x0] =	vst.idx.add.f32.msk $0xffff, v0  }
0x10f: {  	v1 =	vld [tilespmem:s12+$0x1390];
	_ =	sdelay $0x7  }
0x110: {  	[tilespmem:v1+s25+$0x0] =	vst.idx.add.f32.msk $0xffff, v0  }
0x111: {  	v1 =	vld [tilespmem:s12+$0x13A0];
	_ =	sdelay $0x7  }
0x112: {  	[tilespmem:v1+s25+$0x0] =	vst.idx.add.f32.msk $0xffff, v0  }
0x113: {  	v1 =	vld [tilespmem:s12+$0x13B0];
	_ =	sdelay $0x7  }
0x114: {  	[tilespmem:v1+s25+$0x0] =	vst.idx.add.f32.msk $0xffff, v0  }
0x115: {  	v1 =	vld [tilespmem:s12+$0x13C0];
	_ =	sdelay $0x7  }
0x116: {  	[tilespmem:v1+s25+$0x0] =	vst.idx.add.f32.msk $0xffff, v0  }
0x117: {  	v1 =	vld [tilespmem:s12+$0x13D0];
	_ =	sdelay $0x7  }
0x118: {  	[tilespmem:v1+s25+$0x0] =	vst.idx.add.f32.msk $0xffff, v0  }
0x119: {  	v1 =	vld [tilespmem:s12+$0x13E0];
	_ =	sdelay $0x7  }
0x11a: {  	[tilespmem:v1+s25+$0x0] =	vst.idx.add.f32.msk $0xffff, v0  }
0x11b: {  	v1 =	vld [tilespmem:s12+$0x13F0];
	_ =	sdelay $0x7  }
0x11c: {  	[tilespmem:v1+s25+$0x0] =	vst.idx.add.f32.msk $0xffff, v0  }
0x11d: {  	_ =	swait.ge [sflag:s15], $0x2000  }
0x11e: {  	[sflag:s15] =	ssyncset.done $0x0  }
0x11f: {  	s13 =	sor.u32 $0x680, s12;
	[sflag:s15] =	ssyncadd.s32 $0xFFFFE000  }
0x120: {  	[tilespmem:s30], [sflag:$0x2] =	stream.indirect.gather [hbm4b:s1+s29], $0x40, s13, s29, $0xb8;
	[tilespmem:$0x1A800] =	vst v63  }
0x121: {  	_ =	swait.ge [sflag:s16], $0x2000  }
0x122: {  	[sflag:s16] =	ssyncset.done $0x0  }
0x123: {  	s24 =	sor.u32 $0x1400, s12;
	[sflag:s16] =	ssyncadd.s32 $0xFFFFE000  }
0x124: {  	[spmem:s2] =	stream.indirect.scatter.add.bf16 [tilespmem:s31], [sflag:$0x9], $0x40, s24, s29, $0xb8;
	[tilespmem:$0x1A800] =	vst v63  }
0x125: {  	v1 =	vld [tilespmem:s24+$0x0];
	_ =	sdelay $0x7  }
0x126: {  	[tilespmem:v1+s25+$0x0] =	vst.idx.add.f32.msk $0xffff, v0  }
0x127: {  	v1 =	vld [tilespmem:s12+$0x1410];
	_ =	sdelay $0x7  }
0x128: {  	[tilespmem:v1+s25+$0x0] =	vst.idx.add.f32.msk $0xffff, v0  }
0x129: {  	v1 =	vld [tilespmem:s12+$0x1420];
	_ =	sdelay $0x7  }
0x12a: {  	[tilespmem:v1+s25+$0x0] =	vst.idx.add.f32.msk $0xffff, v0  }
0x12b: {  	v1 =	vld [tilespmem:s12+$0x1430];
	_ =	sdelay $0x7  }
0x12c: {  	[tilespmem:v1+s25+$0x0] =	vst.idx.add.f32.msk $0xffff, v0  }
0x12d: {  	v1 =	vld [tilespmem:s12+$0x1440];
	_ =	sdelay $0x7  }
0x12e: {  	[tilespmem:v1+s25+$0x0] =	vst.idx.add.f32.msk $0xffff, v0  }
0x12f: {  	v1 =	vld [tilespmem:s12+$0x1450];
	_ =	sdelay $0x7  }
0x130: {  	[tilespmem:v1+s25+$0x0] =	vst.idx.add.f32.msk $0xffff, v0  }
0x131: {  	v1 =	vld [tilespmem:s12+$0x1460];
	_ =	sdelay $0x7  }
0x132: {  	[tilespmem:v1+s25+$0x0] =	vst.idx.add.f32.msk $0xffff, v0  }
0x133: {  	v1 =	vld [tilespmem:s12+$0x1470];
	_ =	sdelay $0x7  }
0x134: {  	[tilespmem:v1+s25+$0x0] =	vst.idx.add.f32.msk $0xffff, v0  }
0x135: {  	_ =	swait.ge [sflag:s17], $0x2000  }
0x136: {  	[sflag:s17] =	ssyncset.done $0x0  }
0x137: {  	s10 =	sor.u32 $0x700, s12;
	[sflag:s17] =	ssyncadd.s32 $0xFFFFE000  }
0x138: {  	[tilespmem:s31], [sflag:$0x3] =	stream.indirect.gather [hbm4b:s1+s29], $0x40, s10, s29, $0xb8;
	[tilespmem:$0x1A800] =	vst v63  }
0x139: {  	_ =	swait.ge [sflag:s18], $0x2000  }
0x13a: {  	[sflag:s18] =	ssyncset.done $0x0  }
0x13b: {  	s13 =	sor.u32 $0x1480, s12;
	[sflag:s18] =	ssyncadd.s32 $0xFFFFE000  }
0x13c: {  	[spmem:s2] =	stream.indirect.scatter.add.bf16 [tilespmem:s0], [sflag:$0xA], $0x40, s13, s29, $0xb8;
	[tilespmem:$0x1A800] =	vst v63  }
0x13d: {  	v1 =	vld [tilespmem:s13+$0x0];
	_ =	sdelay $0x7  }
0x13e: {  	[tilespmem:v1+s25+$0x0] =	vst.idx.add.f32.msk $0xffff, v0  }
0x13f: {  	v1 =	vld [tilespmem:s12+$0x1490];
	_ =	sdelay $0x7  }
0x140: {  	[tilespmem:v1+s25+$0x0] =	vst.idx.add.f32.msk $0xffff, v0  }
0x141: {  	v1 =	vld [tilespmem:s12+$0x14A0];
	_ =	sdelay $0x7  }
0x142: {  	[tilespmem:v1+s25+$0x0] =	vst.idx.add.f32.msk $0xffff, v0  }
0x143: {  	v1 =	vld [tilespmem:s12+$0x14B0];
	_ =	sdelay $0x7  }
0x144: {  	[tilespmem:v1+s25+$0x0] =	vst.idx.add.f32.msk $0xffff, v0  }
0x145: {  	v1 =	vld [tilespmem:s12+$0x14C0];
	_ =	sdelay $0x7  }
0x146: {  	[tilespmem:v1+s25+$0x0] =	vst.idx.add.f32.msk $0xffff, v0  }
0x147: {  	v1 =	vld [tilespmem:s12+$0x14D0];
	_ =	sdelay $0x7  }
0x148: {  	[tilespmem:v1+s25+$0x0] =	vst.idx.add.f32.msk $0xffff, v0  }
0x149: {  	v1 =	vld [tilespmem:s12+$0x14E0];
	_ =	sdelay $0x7  }
0x14a: {  	[tilespmem:v1+s25+$0x0] =	vst.idx.add.f32.msk $0xffff, v0  }
0x14b: {  	v1 =	vld [tilespmem:s12+$0x14F0];
	_ =	sdelay $0x7  }
0x14c: {  	[tilespmem:v1+s25+$0x0] =	vst.idx.add.f32.msk $0xffff, v0  }
0x14d: {  	_ =	swait.ge [sflag:s19], $0x2000  }
0x14e: {  	[sflag:s19] =	ssyncset.done $0x0  }
0x14f: {  	s24 =	sor.u32 $0x780, s12;
	[sflag:s19] =	ssyncadd.s32 $0xFFFFE000  }
0x150: {  	[tilespmem:s0], [sflag:$0x4] =	stream.indirect.gather [hbm4b:s1+s29], $0x40, s24, s29, $0xb8;
	[tilespmem:$0x1A800] =	vst v63  }
0x151: {  	_ =	swait.ge [sflag:s20], $0x2000  }
0x152: {  	[sflag:s20] =	ssyncset.done $0x0  }
0x153: {  	s10 =	sor.u32 $0x1500, s12;
	[sflag:s20] =	ssyncadd.s32 $0xFFFFE000  }
0x154: {  	[spmem:s2] =	stream.indirect.scatter.add.bf16 [tilespmem:s3], [sflag:$0xB], $0x40, s10, s29, $0xb8;
	[tilespmem:$0x1A800] =	vst v63  }
0x155: {  	v1 =	vld [tilespmem:s10+$0x0];
	_ =	sdelay $0x7  }
0x156: {  	[tilespmem:v1+s25+$0x0] =	vst.idx.add.f32.msk $0xffff, v0  }
0x157: {  	v1 =	vld [tilespmem:s12+$0x1510];
	_ =	sdelay $0x7  }
0x158: {  	[tilespmem:v1+s25+$0x0] =	vst.idx.add.f32.msk $0xffff, v0  }
0x159: {  	v1 =	vld [tilespmem:s12+$0x1520];
	_ =	sdelay $0x7  }
0x15a: {  	[tilespmem:v1+s25+$0x0] =	vst.idx.add.f32.msk $0xffff, v0  }
0x15b: {  	v1 =	vld [tilespmem:s12+$0x1530];
	_ =	sdelay $0x7  }
0x15c: {  	[tilespmem:v1+s25+$0x0] =	vst.idx.add.f32.msk $0xffff, v0  }
0x15d: {  	v1 =	vld [tilespmem:s12+$0x1540];
	_ =	sdelay $0x7  }
0x15e: {  	[tilespmem:v1+s25+$0x0] =	vst.idx.add.f32.msk $0xffff, v0  }
0x15f: {  	v1 =	vld [tilespmem:s12+$0x1550];
	_ =	sdelay $0x7  }
0x160: {  	[tilespmem:v1+s25+$0x0] =	vst.idx.add.f32.msk $0xffff, v0  }
0x161: {  	v1 =	vld [tilespmem:s12+$0x1560];
	_ =	sdelay $0x7  }
0x162: {  	[tilespmem:v1+s25+$0x0] =	vst.idx.add.f32.msk $0xffff, v0  }
0x163: {  	v1 =	vld [tilespmem:s12+$0x1570];
	_ =	sdelay $0x7  }
0x164: {  	[tilespmem:v1+s25+$0x0] =	vst.idx.add.f32.msk $0xffff, v0  }
0x165: {  	_ =	swait.ge [sflag:s22], $0x2000  }
0x166: {  	[sflag:s22] =	ssyncset.done $0x0  }
0x167: {  	s13 =	sor.u32 $0x1580, s12;
	[sflag:s22] =	ssyncadd.s32 $0xFFFFE000  }
0x168: {  	[spmem:s2] =	stream.indirect.scatter.add.bf16 [tilespmem:s26], [sflag:$0xC], $0x40, s13, s29, $0xb8;
	[tilespmem:$0x1A800] =	vst v63  }
0x169: {  	v1 =	vld [tilespmem:s13+$0x0];
	_ =	sdelay $0x7  }
0x16a: {  	[tilespmem:v1+s25+$0x0] =	vst.idx.add.f32.msk $0xffff, v0  }
0x16b: {  	v1 =	vld [tilespmem:s12+$0x1590];
	_ =	sdelay $0x7  }
0x16c: {  	[tilespmem:v1+s25+$0x0] =	vst.idx.add.f32.msk $0xffff, v0  }
0x16d: {  	v1 =	vld [tilespmem:s12+$0x15A0];
	_ =	sdelay $0x7  }
0x16e: {  	[tilespmem:v1+s25+$0x0] =	vst.idx.add.f32.msk $0xffff, v0  }
0x16f: {  	v1 =	vld [tilespmem:s12+$0x15B0];
	_ =	sdelay $0x7  }
0x170: {  	[tilespmem:v1+s25+$0x0] =	vst.idx.add.f32.msk $0xffff, v0  }
0x171: {  	v1 =	vld [tilespmem:s12+$0x15C0];
	_ =	sdelay $0x7  }
0x172: {  	[tilespmem:v1+s25+$0x0] =	vst.idx.add.f32.msk $0xffff, v0  }
0x173: {  	v1 =	vld [tilespmem:s12+$0x15D0];
	_ =	sdelay $0x7  }
0x174: {  	[tilespmem:v1+s25+$0x0] =	vst.idx.add.f32.msk $0xffff, v0  }
0x175: {  	v1 =	vld [tilespmem:s12+$0x15E0];
	_ =	sdelay $0x7  }
0x176: {  	[tilespmem:v1+s25+$0x0] =	vst.idx.add.f32.msk $0xffff, v0  }
0x177: {  	v1 =	vld [tilespmem:s12+$0x15F0];
	_ =	sdelay $0x7  }
0x178: {  	[tilespmem:v1+s25+$0x0] =	vst.idx.add.f32.msk $0xffff, v0  }
0x179: {  	_ =	swait.ge [sflag:s7], $0x2000  }
0x17a: {  	[sflag:s7] =	ssyncset.done $0x0  }
0x17b: {  	s24 =	sor.u32 $0x1600, s12;
	[sflag:s7] =	ssyncadd.s32 $0xFFFFE000  }
0x17c: {  	[spmem:s2] =	stream.indirect.scatter.add.bf16 [tilespmem:s23], [sflag:$0x7], $0x40, s24, s29, $0xb8;
	[tilespmem:$0x1A800] =	vst v63  }
0x17d: {  	v1 =	vld [tilespmem:s24+$0x0];
	_ =	sdelay $0x7  }
0x17e: {  	[tilespmem:v1+s25+$0x0] =	vst.idx.add.f32.msk $0xffff, v0  }
0x17f: {  	v1 =	vld [tilespmem:s12+$0x1610];
	_ =	sdelay $0x7  }
0x180: {  	[tilespmem:v1+s25+$0x0] =	vst.idx.add.f32.msk $0xffff, v0  }
0x181: {  	v1 =	vld [tilespmem:s12+$0x1620];
	_ =	sdelay $0x7  }
0x182: {  	[tilespmem:v1+s25+$0x0] =	vst.idx.add.f32.msk $0xffff, v0  }
0x183: {  	v1 =	vld [tilespmem:s12+$0x1630];
	_ =	sdelay $0x7  }
0x184: {  	[tilespmem:v1+s25+$0x0] =	vst.idx.add.f32.msk $0xffff, v0  }
0x185: {  	v1 =	vld [tilespmem:s12+$0x1640];
	_ =	sdelay $0x7  }
0x186: {  	[tilespmem:v1+s25+$0x0] =	vst.idx.add.f32.msk $0xffff, v0  }
0x187: {  	v1 =	vld [tilespmem:s12+$0x1650];
	_ =	sdelay $0x7  }
0x188: {  	[tilespmem:v1+s25+$0x0] =	vst.idx.add.f32.msk $0xffff, v0  }
0x189: {  	v1 =	vld [tilespmem:s12+$0x1660];
	_ =	sdelay $0x7  }
0x18a: {  	[tilespmem:v1+s25+$0x0] =	vst.idx.add.f32.msk $0xffff, v0  }
0x18b: {  	v1 =	vld [tilespmem:s12+$0x1670];
	_ =	sdelay $0x7  }
0x18c: {  	[tilespmem:v1+s25+$0x0] =	vst.idx.add.f32.msk $0xffff, v0  }
0x18d: {  	_ =	swait.ge [sflag:s14], $0x2000  }
0x18e: {  	[sflag:s14] =	ssyncset.done $0x0  }
0x18f: {  	s10 =	sor.u32 $0x1680, s12;
	[sflag:s14] =	ssyncadd.s32 $0xFFFFE000  }
0x190: {  	[spmem:s2] =	stream.indirect.scatter.add.bf16 [tilespmem:s30], [sflag:$0x8], $0x40, s10, s29, $0xb8;
	[tilespmem:$0x1A800] =	vst v63  }
0x191: {  	v1 =	vld [tilespmem:s10+$0x0];
	_ =	sdelay $0x7  }
0x192: {  	[tilespmem:v1+s25+$0x0] =	vst.idx.add.f32.msk $0xffff, v0  }
0x193: {  	v1 =	vld [tilespmem:s12+$0x1690];
	_ =	sdelay $0x7  }
0x194: {  	[tilespmem:v1+s25+$0x0] =	vst.idx.add.f32.msk $0xffff, v0  }
0x195: {  	v1 =	vld [tilespmem:s12+$0x16A0];
	_ =	sdelay $0x7  }
0x196: {  	[tilespmem:v1+s25+$0x0] =	vst.idx.add.f32.msk $0xffff, v0  }
0x197: {  	v1 =	vld [tilespmem:s12+$0x16B0];
	_ =	sdelay $0x7  }
0x198: {  	[tilespmem:v1+s25+$0x0] =	vst.idx.add.f32.msk $0xffff, v0  }
0x199: {  	v1 =	vld [tilespmem:s12+$0x16C0];
	_ =	sdelay $0x7  }
0x19a: {  	[tilespmem:v1+s25+$0x0] =	vst.idx.add.f32.msk $0xffff, v0  }
0x19b: {  	v1 =	vld [tilespmem:s12+$0x16D0];
	_ =	sdelay $0x7  }
0x19c: {  	[tilespmem:v1+s25+$0x0] =	vst.idx.add.f32.msk $0xffff, v0  }
0x19d: {  	v1 =	vld [tilespmem:s12+$0x16E0];
	_ =	sdelay $0x7  }
0x19e: {  	[tilespmem:v1+s25+$0x0] =	vst.idx.add.f32.msk $0xffff, v0  }
0x19f: {  	v1 =	vld [tilespmem:s12+$0x16F0];
	_ =	sdelay $0x7  }
0x1a0: {  	[tilespmem:v1+s25+$0x0] =	vst.idx.add.f32.msk $0xffff, v0  }
0x1a1: {  	_ =	swait.ge [sflag:s16], $0x2000  }
0x1a2: {  	[sflag:s16] =	ssyncset.done $0x0  }
0x1a3: {  	s13 =	sor.u32 $0x1700, s12;
	[sflag:s16] =	ssyncadd.s32 $0xFFFFE000  }
0x1a4: {  	[spmem:s2] =	stream.indirect.scatter.add.bf16 [tilespmem:s31], [sflag:$0x9], $0x40, s13, s29, $0xb8;
	[tilespmem:$0x1A800] =	vst v63  }
0x1a5: {  	v1 =	vld [tilespmem:s13+$0x0];
	_ =	sdelay $0x7  }
0x1a6: {  	[tilespmem:v1+s25+$0x0] =	vst.idx.add.f32.msk $0xffff, v0  }
0x1a7: {  	v1 =	vld [tilespmem:s12+$0x1710];
	_ =	sdelay $0x7  }
0x1a8: {  	[tilespmem:v1+s25+$0x0] =	vst.idx.add.f32.msk $0xffff, v0  }
0x1a9: {  	v1 =	vld [tilespmem:s12+$0x1720];
	_ =	sdelay $0x7  }
0x1aa: {  	[tilespmem:v1+s25+$0x0] =	vst.idx.add.f32.msk $0xffff, v0  }
0x1ab: {  	v1 =	vld [tilespmem:s12+$0x1730];
	_ =	sdelay $0x7  }
0x1ac: {  	[tilespmem:v1+s25+$0x0] =	vst.idx.add.f32.msk $0xffff, v0  }
0x1ad: {  	v1 =	vld [tilespmem:s12+$0x1740];
	_ =	sdelay $0x7  }
0x1ae: {  	[tilespmem:v1+s25+$0x0] =	vst.idx.add.f32.msk $0xffff, v0  }
0x1af: {  	v1 =	vld [tilespmem:s12+$0x1750];
	_ =	sdelay $0x7  }
0x1b0: {  	[tilespmem:v1+s25+$0x0] =	vst.idx.add.f32.msk $0xffff, v0  }
0x1b1: {  	v1 =	vld [tilespmem:s12+$0x1760];
	_ =	sdelay $0x7  }
0x1b2: {  	[tilespmem:v1+s25+$0x0] =	vst.idx.add.f32.msk $0xffff, v0  }
0x1b3: {  	v1 =	vld [tilespmem:s12+$0x1770];
	_ =	sdelay $0x7  }
0x1b4: {  	[tilespmem:v1+s25+$0x0] =	vst.idx.add.f32.msk $0xffff, v0  }
0x1b5: {  	_ =	swait.ge [sflag:s18], $0x2000  }
0x1b6: {  	[sflag:s18] =	ssyncset.done $0x0  }
0x1b7: {  	s24 =	sor.u32 $0x1780, s12;
	[sflag:s18] =	ssyncadd.s32 $0xFFFFE000  }
0x1b8: {  	[spmem:s2] =	stream.indirect.scatter.add.bf16 [tilespmem:s0], [sflag:$0xA], $0x40, s24, s29, $0xb8;
	[tilespmem:$0x1A800] =	vst v63  }
0x1b9: {  	v1 =	vld [tilespmem:s24+$0x0];
	_ =	sdelay $0x7  }
0x1ba: {  	[tilespmem:v1+s25+$0x0] =	vst.idx.add.f32.msk $0xffff, v0  }
0x1bb: {  	v1 =	vld [tilespmem:s12+$0x1790];
	_ =	sdelay $0x7  }
0x1bc: {  	[tilespmem:v1+s25+$0x0] =	vst.idx.add.f32.msk $0xffff, v0  }
0x1bd: {  	v1 =	vld [tilespmem:s12+$0x17A0];
	_ =	sdelay $0x7  }
0x1be: {  	[tilespmem:v1+s25+$0x0] =	vst.idx.add.f32.msk $0xffff, v0  }
0x1bf: {  	v1 =	vld [tilespmem:s12+$0x17B0];
	_ =	sdelay $0x7  }
0x1c0: {  	[tilespmem:v1+s25+$0x0] =	vst.idx.add.f32.msk $0xffff, v0  }
0x1c1: {  	v1 =	vld [tilespmem:s12+$0x17C0];
	_ =	sdelay $0x7  }
0x1c2: {  	[tilespmem:v1+s25+$0x0] =	vst.idx.add.f32.msk $0xffff, v0  }
0x1c3: {  	v1 =	vld [tilespmem:s12+$0x17D0];
	_ =	sdelay $0x7  }
0x1c4: {  	[tilespmem:v1+s25+$0x0] =	vst.idx.add.f32.msk $0xffff, v0  }
0x1c5: {  	v1 =	vld [tilespmem:s12+$0x17E0];
	_ =	sdelay $0x7  }
0x1c6: {  	[tilespmem:v1+s25+$0x0] =	vst.idx.add.f32.msk $0xffff, v0  }
0x1c7: {  	v1 =	vld [tilespmem:s12+$0x17F0];
	_ =	sdelay $0x7  }
0x1c8: {  	[tilespmem:v1+s25+$0x0] =	vst.idx.add.f32.msk $0xffff, v0  }
0x1c9: {  	_ =	swait.ge [sflag:s21], $0x2000  }
0x1ca: {  	[sflag:s21] =	ssyncset.done $0x0  }
0x1cb: {  	[sflag:s21] =	ssyncadd.s32 $0xFFFFE000  }
0x1cc: {  	_ =	swait.ge [sflag:s9], $0x2000  }
0x1cd: {  	[sflag:s9] =	ssyncset.done $0x0  }
0x1ce: {  	[sflag:s9] =	ssyncadd.s32 $0xFFFFE000  }
0x1cf: {  	_ =	swait.ge [sflag:s8], $0x2000  }
0x1d0: {  	[sflag:s8] =	ssyncset.done $0x0  }
0x1d1: {  	[sflag:s8] =	ssyncadd.s32 $0xFFFFE000  }
0x1d2: {  	_ =	swait.ge [sflag:s15], $0x2000  }
0x1d3: {  	[sflag:s15] =	ssyncset.done $0x0  }
0x1d4: {  	s11 =	sadd.s32 $0x800, s11;
	[sflag:s15] =	ssyncadd.s32 $0xFFFFE000  }
0x1d5: {  	p0 =	sne.s32 s11, $0x2800;
	_ =	swait.ge [sflag:s17], $0x2000  }
.Ltmp0:
0x1d6: {  	[sflag:s17] =	ssyncset.done $0x0;
	(pc) =	sbr.rel @p0 .LBB2_2-.Ltmp0, $4  }
0x1d7: {  	[sflag:s17] =	ssyncadd.s32 $0xFFFFE000  }
0x1d8: {  	_ =	swait.ge [sflag:s19], $0x2000  }
0x1d9: {  	[sflag:s19] =	ssyncset.done $0x0  }
0x1da: {  	[sflag:s19] =	ssyncadd.s32 $0xFFFFE000  }
0x1db: {  	[bflag:$0x0] =	sbarrier.arrive $0xFFFF  }
0x1dc: {  	s5 =	simm.s32 $0xE;
	s10 =	rddreg [dreg:$0x7]  }
0x1dd: {  	[tilespmem:s23], [sflag:$0xE] =	stream.linear.gather [spmem:s10], $0x2000, $0x38;
	[tilespmem:$0x1A800] =	vst v63  }
0x1de: {  	_ =	swait.ge [sflag:s5], $0x2000  }
0x1df: {  	[sflag:s5] =	ssyncset.done $0x0  }
0x1e0: {  	s24 =	simm.s32 $0x0;
	s4 =	rddreg [dreg:$0xe];
	[sflag:s5] =	ssyncadd.s32 $0xFFFFE000  }
0x1e1: {  	[hbm4b:s4+s24] =	stream.linear.scatter [tilespmem:s23], [sflag:$0xE], $0x2000, $0x38;
	[tilespmem:$0x1A800] =	vst v63  }
0x1e2: {  	_ =	swait.ge [sflag:s5], $0x2000  }
0x1e3: {  	[sflag:s5] =	ssyncset.done $0x0  }
0x1e4: {  	s12 =	rddreg [dreg:$0x8];
	[sflag:s5] =	ssyncadd.s32 $0xFFFFE000  }
0x1e5: {  	[tilespmem:s23], [sflag:$0xE] =	stream.linear.gather [spmem:s12], $0x2000, $0x38;
	[tilespmem:$0x1A800] =	vst v63  }
0x1e6: {  	_ =	swait.ge [sflag:s5], $0x2000  }
0x1e7: {  	[sflag:s5] =	ssyncset.done $0x0  }
0x1e8: {  	s13 =	rddreg [dreg:$0xf];
	[sflag:s5] =	ssyncadd.s32 $0xFFFFE000  }
0x1e9: {  	[hbm4b:s13+s24] =	stream.linear.scatter [tilespmem:s23], [sflag:$0xE], $0x2000, $0x38;
	[tilespmem:$0x1A800] =	vst v63  }
0x1ea: {  	_ =	swait.ge [sflag:s5], $0x2000  }
0x1eb: {  	[sflag:s5] =	ssyncset.done $0x0  }
0x1ec: {  	s12 =	rddreg [dreg:$0x9];
	[sflag:s5] =	ssyncadd.s32 $0xFFFFE000  }
0x1ed: {  	[tilespmem:s23], [sflag:$0xE] =	stream.linear.gather [spmem:s12], $0x2000, $0x38;
	[tilespmem:$0x1A800] =	vst v63  }
0x1ee: {  	_ =	swait.ge [sflag:s5], $0x2000  }
0x1ef: {  	[sflag:s5] =	ssyncset.done $0x0  }
0x1f0: {  	s11 =	rddreg [dreg:$0x10];
	[sflag:s5] =	ssyncadd.s32 $0xFFFFE000  }
0x1f1: {  	[hbm4b:s11+s24] =	stream.linear.scatter [tilespmem:s23], [sflag:$0xE], $0x2000, $0x38;
	[tilespmem:$0x1A800] =	vst v63  }
0x1f2: {  	_ =	swait.ge [sflag:s5], $0x2000  }
0x1f3: {  	[sflag:s5] =	ssyncset.done $0x0  }
0x1f4: {  	s11 =	rddreg [dreg:$0xa];
	[sflag:s5] =	ssyncadd.s32 $0xFFFFE000  }
0x1f5: {  	[tilespmem:s23], [sflag:$0xE] =	stream.linear.gather [spmem:s11], $0x2000, $0x38;
	[tilespmem:$0x1A800] =	vst v63  }
0x1f6: {  	_ =	swait.ge [sflag:s5], $0x2000  }
0x1f7: {  	[sflag:s5] =	ssyncset.done $0x0  }
0x1f8: {  	s13 =	rddreg [dreg:$0x11];
	[sflag:s5] =	ssyncadd.s32 $0xFFFFE000  }
0x1f9: {  	[hbm4b:s13+s24] =	stream.linear.scatter [tilespmem:s23], [sflag:$0xE], $0x2000, $0x38;
	[tilespmem:$0x1A800] =	vst v63  }
0x1fa: {  	_ =	swait.ge [sflag:s5], $0x2000  }
0x1fb: {  	[sflag:s5] =	ssyncset.done $0x0  }
0x1fc: {  	s13 =	rddreg [dreg:$0xb];
	[sflag:s5] =	ssyncadd.s32 $0xFFFFE000  }
0x1fd: {  	[tilespmem:s23], [sflag:$0xE] =	stream.linear.gather [spmem:s13], $0x2000, $0x38;
	[tilespmem:$0x1A800] =	vst v63  }
0x1fe: {  	_ =	swait.ge [sflag:s5], $0x2000  }
0x1ff: {  	[sflag:s5] =	ssyncset.done $0x0  }
0x200: {  	s13 =	rddreg [dreg:$0x12];
	[sflag:s5] =	ssyncadd.s32 $0xFFFFE000  }
0x201: {  	[hbm4b:s13+s24] =	stream.linear.scatter [tilespmem:s23], [sflag:$0xE], $0x2000, $0x38;
	[tilespmem:$0x1A800] =	vst v63  }
0x202: {  	_ =	swait.ge [sflag:s5], $0x2000  }
0x203: {  	[sflag:s5] =	ssyncset.done $0x0  }
0x204: {  	s13 =	rddreg [dreg:$0x13];
	[sflag:s5] =	ssyncadd.s32 $0xFFFFE000  }
0x205: {  	[hbm4b:s13+s24] =	stream.linear.scatter [tilespmem:s25], [sflag:$0xE], $0x2800, $0x38;
	[tilespmem:$0x1A800] =	vst v63  }
0x206: {  	_ =	swait.ge [sflag:s5], $0x2800  }
0x207: {  	s13 =	smov.u32 s6;
	s4 =	rddreg [dreg:$0x16]  }
0x208: {  	[sflag:s5] =	ssyncset.done $0x0;
	s5 =	rddreg [dreg:$0x14];
	s6 =	sadd.s32 $0x1, s4  }
0x209: {  	p0 =	sne.s32 s6, s5  }
.Ltmp1:
0x20a: {  	_ = 	snop;
	(pc) =	sbr.rel @p0 .LBB2_1-.Ltmp1, $3  }
0x20b: {  	_ =	sdelay $0x1  }
0x20c: {  	[dreg:$0x16] =	wrdreg s6;
	s6 =	smov.u32 s13;
	s5 =	simm.s32 $0xE  }
0x20d: {  	s13 =	smov.u32 s11;
	s11 =	rddreg [dreg:$0x8];
	[sflag:s5] =	ssyncadd.s32 $0xFFFFD800  }
0x20e: {  	_ =	sfence.sel $0x180000  }
0x20f: {  	[bflag:$0x0] =	sbarrier.arrive $0xFFFF  }
0x210: {  	_ =	strace $0x9000004A  }
0x211: {  	s0 =	stileid.u32;
	[bflag:$0x2] =	sbarrier.arrive $0xFFFF  }
0x212: {  	p0 =	sne.s32 s0, $0x0;
	s0 =	rddreg [dreg:$0x3]  }
0x213: {  	s0 =	sadd.s32 @!p0 $0x100000, s0  }
0x214: {  	[sflag:s0] =	ssyncadd.tile.s32 @!p0 $0x1;
	_ =	shalt  }
.Lfunc_end2:
_tile_overlayer_lowered:
.L_overlay_start_2:
0x215: {  	(tag) =	ssettag $0x2  }
0x216: {  	s0 =	rddreg [dreg:$0x0];
	s2 =	stileid.u32  }
0x217: {  	s1 =	rddreg [dreg:$0x1];
	p0 =	sne.s32 s2, $0x0  }
0x218: {  	s3 =	rddreg [dreg:$0x2];
	[bflag:$0x3] =	sbarrier.arrive $0xFFFF;
	s2 =	simm.s32 @!p0 $0x1C0E  }
0x219: {  	[timem:s3], [sflag:s2] =	dma.local @!p0 [hbm:s0], s1  }
0x21a: {  	s0 =	simm.s32 @!p0 $0xE  }
0x21b: {  	_ =	swait.ge @!p0 [sflag:s0], s1  }
0x21c: {  	s1 =	ssub.s32 @!p0 $0x0, s1;
	[sflag:s0] =	ssyncset.done @!p0 $0x0  }
0x21d: {  	[sflag:s0] =	ssyncadd.s32 @!p0 s1  }
0x21e: {  	[bflag:$0x3] =	sbarrier.arrive $0xFFFF  }
0x21f: {  	_ =	shalt  }

</sc_bundles>
